<compile_context>
chip_gen: v7x
topology: tpu7x:2x2x1
jax: 0.10.2.dev20260603
libtpu: 0.0.44.dev20260713+nightly
codegen_flags: <defaults>
</compile_context>

<pallas_src>
import functools

import jax
import jax.numpy as jnp
from jax import lax
from jax.experimental import pallas as pl
from jax.experimental.pallas import tpu as pltpu
from jax.experimental.pallas import tpu_sc as plsc

_N = 10000
_E = 320000
_D = 128
_CH = 128
_NSUB = 16
_NCORE = 2
_NPAD = 10240
_ECH = 2560
_ECHR = _E // _CH
_JMAX = (_ECHR + _NSUB - 1) // _NSUB

_f32 = jnp.float32


def _sc_mesh():
    return plsc.VectorSubcoreMesh(core_axis_name="c", subcore_axis_name="s")


def _deg_kernel(dst_hbm, out_a, out_b, acc_sh, dbuf, ones_v, zero_v):
    c = lax.axis_index("c")
    s = lax.axis_index("s")

    ones = jnp.full((16,), 1.0, dtype=_f32)
    for i in range(8):
        ones_v[pl.ds(i * 16, 16)] = ones
    zeros = jnp.zeros((16,), dtype=_f32)
    for i in range(40):
        zero_v[pl.ds(i * 16, 16)] = zeros
    pltpu.sync_copy(zero_v, acc_sh.at[pl.ds(s * 640, 640)])

    half = _ECH // _NCORE
    rows = half // _NSUB
    base = c * half + s * rows
    pltpu.sync_copy(dst_hbm.at[pl.ds(base, rows)], dbuf)
    plsc.subcore_barrier()

    def body(j, carry):
        pltpu.sync_copy(ones_v, acc_sh.at[dbuf.at[j]], add=True)
        return carry

    lax.fori_loop(0, rows, body, 0)
    plsc.subcore_barrier()

    @pl.when(c == 0)
    def _():
        pltpu.sync_copy(acc_sh.at[pl.ds(s * 640, 640)], out_a.at[pl.ds(s * 640, 640)])

    @pl.when(c == 1)
    def _():
        pltpu.sync_copy(acc_sh.at[pl.ds(s * 640, 640)], out_b.at[pl.ds(s * 640, 640)])


def _sc_deg(dst2d):
    kern = pl.kernel(
        _deg_kernel,
        mesh=_sc_mesh(),
        out_type=(
            jax.ShapeDtypeStruct((_NPAD,), _f32),
            jax.ShapeDtypeStruct((_NPAD,), _f32),
        ),
        scratch_types=[
            pltpu.VMEM_SHARED((_NPAD,), _f32),
            pltpu.VMEM((_ECH // _NCORE // _NSUB, _CH), jnp.int32),
            pltpu.VMEM((_CH,), _f32),
            pltpu.VMEM((640,), _f32),
        ],
    )
    return kern(dst2d)


def _perm_kernel(h1_hbm, perm_hbm, out_hbm, idx_v, rows_v, idx_t, rows_t, sem):
    c = lax.axis_index("c")
    s = lax.axis_index("s")
    w = s * _NCORE + c

    nfull = _N // _CH
    nw = _NCORE * _NSUB

    def body(j, carry):
        cid = j * nw + w

        @pl.when(cid < nfull)
        def _():
            pltpu.sync_copy(perm_hbm.at[pl.ds(cid * _CH, _CH)], idx_v)
            pltpu.async_copy(h1_hbm.at[idx_v], rows_v, sem).wait()
            pltpu.sync_copy(rows_v, out_hbm.at[pl.ds(cid * _CH, _CH)])

        return carry

    lax.fori_loop(0, (nfull + nw - 1) // nw, body, 0)

    tail = _N - nfull * _CH

    @pl.when(w == 0)
    def _():
        pltpu.sync_copy(perm_hbm.at[pl.ds(nfull * _CH, tail)], idx_t)
        pltpu.async_copy(h1_hbm.at[idx_t], rows_t, sem).wait()
        pltpu.sync_copy(rows_t, out_hbm.at[pl.ds(nfull * _CH, tail)])


def _sc_perm(h1, perm):
    kern = pl.kernel(
        _perm_kernel,
        mesh=_sc_mesh(),
        out_type=jax.ShapeDtypeStruct((_N, _D), _f32),
        scratch_types=[
            pltpu.VMEM((_CH,), jnp.int32),
            pltpu.VMEM((_CH, _D), _f32),
            pltpu.VMEM((16,), jnp.int32),
            pltpu.VMEM((16, _D), _f32),
            pltpu.SemaphoreType.DMA,
        ],
    )
    return kern(h1, perm)


_RCH = 80
_NRCH = _N // _RCH


def _agg_half(tbl, out, src_hbm, dst_hbm, acc_sh, isrc, idst, bufs, sgs, sis, s):
    def init_body(j, carry):
        cid = j * _NSUB + s

        @pl.when(cid < _NRCH)
        def _():
            pltpu.sync_copy(tbl.at[pl.ds(cid * _RCH, _RCH)],
                            acc_sh.at[pl.ds(cid * _RCH, _RCH)])

        return carry

    lax.fori_loop(0, (_NRCH + _NSUB - 1) // _NSUB, init_body, 0)
    plsc.subcore_barrier()

    def load_idx(j, k):
        cid = j * _NSUB + s

        @pl.when(cid < _ECHR)
        def _():
            pltpu.async_copy(src_hbm.at[pl.ds(cid * _CH, _CH)], isrc[k], sis[k])
            pltpu.async_copy(dst_hbm.at[pl.ds(cid * _CH, _CH)], idst[k], sis[k])

    def wait_idx(j, k):
        cid = j * _NSUB + s

        @pl.when(cid < _ECHR)
        def _():
            pltpu.make_async_copy(src_hbm.at[pl.ds(0, _CH)], isrc[k], sis[k]).wait()
            pltpu.make_async_copy(src_hbm.at[pl.ds(0, _CH)], idst[k], sis[k]).wait()

    def fire_gather(j, k, b):
        cid = j * _NSUB + s

        @pl.when(cid < _ECHR)
        def _():
            pltpu.async_copy(tbl.at[isrc[k]], bufs[b], sgs[b])

    def drain_scatter(j, k, b):
        cid = j * _NSUB + s

        @pl.when(cid < _ECHR)
        def _():
            pltpu.make_async_copy(tbl.at[pl.ds(0, _CH)], bufs[b], sgs[b]).wait()
            pltpu.sync_copy(bufs[b], acc_sh.at[idst[k]], add=True)

    load_idx(0, 0)
    load_idx(1, 1)
    wait_idx(0, 0)
    fire_gather(0, 0, 0)

    def body(u, carry):
        j = u * 4
        for k in range(4):
            jj = j + k
            b = k % 2
            load_idx(jj + 2, (k + 2) % 4)
            wait_idx(jj + 1, (k + 1) % 4)
            fire_gather(jj + 1, (k + 1) % 4, 1 - b)
            drain_scatter(jj, k, b)
        return carry

    lax.fori_loop(0, (_JMAX + 3) // 4, body, 0)
    plsc.subcore_barrier()

    def wb_body(j, carry):
        cid = j * _NSUB + s

        @pl.when(cid < _NRCH)
        def _():
            pltpu.sync_copy(acc_sh.at[pl.ds(cid * _RCH, _RCH)],
                            out.at[pl.ds(cid * _RCH, _RCH)])

        return carry

    lax.fori_loop(0, (_NRCH + _NSUB - 1) // _NSUB, wb_body, 0)


def _agg_kernel(tbl_a, tbl_b, src_hbm, dst_hbm, out_a, out_b, acc_sh,
                is0, is1, is2, is3, id0, id1, id2, id3, buf_a, buf_b,
                sg_a, sg_b, si0, si1, si2, si3):
    c = lax.axis_index("c")
    s = lax.axis_index("s")
    isrc = [is0, is1, is2, is3]
    idst = [id0, id1, id2, id3]
    bufs = [buf_a, buf_b]
    sgs = [sg_a, sg_b]
    sis = [si0, si1, si2, si3]

    @pl.when(c == 0)
    def _():
        _agg_half(tbl_a, out_a, src_hbm, dst_hbm, acc_sh,
                  isrc, idst, bufs, sgs, sis, s)

    @pl.when(c == 1)
    def _():
        _agg_half(tbl_b, out_b, src_hbm, dst_hbm, acc_sh,
                  isrc, idst, bufs, sgs, sis, s)


def _sc_agg(tbl_a, tbl_b, src, dst):
    kern = pl.kernel(
        _agg_kernel,
        mesh=_sc_mesh(),
        out_type=(
            jax.ShapeDtypeStruct((_N, _D), _f32),
            jax.ShapeDtypeStruct((_N, _D), _f32),
        ),
        scratch_types=(
            [pltpu.VMEM_SHARED((_N, _D), _f32)]
            + [pltpu.VMEM((_CH,), jnp.int32) for _ in range(8)]
            + [pltpu.VMEM((_CH, _D), _f32) for _ in range(2)]
            + [pltpu.SemaphoreType.DMA for _ in range(6)]
        ),
    )
    return kern(tbl_a, tbl_b, src, dst)


_BR = 1000


def _dinv(pa, pb):
    return lax.rsqrt(pa + pb + 1.0)


def _mm_body(x_ref, w_ref, o_ref):
    o_ref[...] = jnp.dot(x_ref[...], w_ref[...], preferred_element_type=_f32)


def _tc_matmul(x, W):
    return pl.pallas_call(
        _mm_body,
        grid=(_N // _BR,),
        in_specs=[
            pl.BlockSpec((_BR, _D), lambda i: (i, 0)),
            pl.BlockSpec((_D, _D), lambda i: (0, 0)),
        ],
        out_specs=pl.BlockSpec((_BR, _D), lambda i: (i, 0)),
        out_shape=jax.ShapeDtypeStruct((_N, _D), _f32),
    )(x, W)


def _scale2_body(h_ref, hp_ref, pa_ref, pb_ref, oa_ref, ob_ref):
    d = _dinv(pa_ref[...], pb_ref[...])
    oa_ref[...] = h_ref[...] * d
    ob_ref[...] = hp_ref[...] * d


def _tc_scale2(h1, h1p, pa, pb):
    return pl.pallas_call(
        _scale2_body,
        grid=(_N // _BR,),
        in_specs=[
            pl.BlockSpec((_BR, _D), lambda i: (i, 0)),
            pl.BlockSpec((_BR, _D), lambda i: (i, 0)),
            pl.BlockSpec((_BR, 1), lambda i: (i, 0)),
            pl.BlockSpec((_BR, 1), lambda i: (i, 0)),
        ],
        out_specs=[
            pl.BlockSpec((_BR, _D), lambda i: (i, 0)),
            pl.BlockSpec((_BR, _D), lambda i: (i, 0)),
        ],
        out_shape=[
            jax.ShapeDtypeStruct((_N, _D), _f32),
            jax.ShapeDtypeStruct((_N, _D), _f32),
        ],
    )(h1, h1p, pa, pb)


def _layer2_body(sa_ref, sb_ref, pa_ref, pb_ref, b1_ref, w2_ref, oa_ref, ob_ref):
    d = _dinv(pa_ref[...], pb_ref[...])
    za = jnp.maximum(sa_ref[...] * d + b1_ref[...], 0.0)
    zb = jnp.maximum(sb_ref[...] * d + b1_ref[...], 0.0)
    oa_ref[...] = jnp.dot(za, w2_ref[...], preferred_element_type=_f32) * d
    ob_ref[...] = jnp.dot(zb, w2_ref[...], preferred_element_type=_f32) * d


def _tc_layer2(sa, sb, pa, pb, b1, W2):
    return pl.pallas_call(
        _layer2_body,
        grid=(_N // _BR,),
        in_specs=[
            pl.BlockSpec((_BR, _D), lambda i: (i, 0)),
            pl.BlockSpec((_BR, _D), lambda i: (i, 0)),
            pl.BlockSpec((_BR, 1), lambda i: (i, 0)),
            pl.BlockSpec((_BR, 1), lambda i: (i, 0)),
            pl.BlockSpec((1, _D), lambda i: (0, 0)),
            pl.BlockSpec((_D, _D), lambda i: (0, 0)),
        ],
        out_specs=[
            pl.BlockSpec((_BR, _D), lambda i: (i, 0)),
            pl.BlockSpec((_BR, _D), lambda i: (i, 0)),
        ],
        out_shape=[
            jax.ShapeDtypeStruct((_N, _D), _f32),
            jax.ShapeDtypeStruct((_N, _D), _f32),
        ],
    )(sa, sb, pa, pb, b1, W2)


def _readout_body(sa_ref, sb_ref, pa_ref, pb_ref, b2_ref, wb_ref, bb_ref,
                  pos_ref, neg_ref, colsum, vrow, c0):
    p = pl.program_id(0)
    j = pl.program_id(1)
    d = _dinv(pa_ref[...], pb_ref[...])

    @pl.when(p == 0)
    def _():
        @pl.when(j == 0)
        def _():
            colsum[...] = jnp.zeros_like(colsum)

        ha = sa_ref[...] * d
        colsum[...] += jnp.sum(ha, axis=0, keepdims=True)

    @pl.when(p == 1)
    def _():
        @pl.when(j == 0)
        def _():
            mean = colsum[...] * (1.0 / _N) + b2_ref[...]
            srow = 1.0 / (1.0 + jnp.exp(-mean))
            v = lax.dot_general(srow, wb_ref[...], (((1,), (1,)), ((), ())),
                                preferred_element_type=_f32)
            vrow[...] = v
            c0[...] = jnp.sum(b2_ref[...] * v, axis=1, keepdims=True) + bb_ref[...]

        ha = sa_ref[...] * d
        hb = sb_ref[...] * d
        v = vrow[...]
        pos_ref[...] = jnp.sum(ha * v, axis=1, keepdims=True) + c0[...]
        neg_ref[...] = jnp.sum(hb * v, axis=1, keepdims=True) + c0[...]


def _tc_readout(sa, sb, pa, pb, b2, wb, bb):
    return pl.pallas_call(
        _readout_body,
        grid=(2, _N // _BR),
        in_specs=[
            pl.BlockSpec((_BR, _D), lambda p, j: (j, 0)),
            pl.BlockSpec((_BR, _D), lambda p, j: (j, 0)),
            pl.BlockSpec((_BR, 1), lambda p, j: (j, 0)),
            pl.BlockSpec((_BR, 1), lambda p, j: (j, 0)),
            pl.BlockSpec((1, _D), lambda p, j: (0, 0)),
            pl.BlockSpec((_D, _D), lambda p, j: (0, 0)),
            pl.BlockSpec((1, 1), lambda p, j: (0, 0)),
        ],
        out_specs=[
            pl.BlockSpec((_BR, 1), lambda p, j: (j, 0)),
            pl.BlockSpec((_BR, 1), lambda p, j: (j, 0)),
        ],
        out_shape=[
            jax.ShapeDtypeStruct((_N, 1), _f32),
            jax.ShapeDtypeStruct((_N, 1), _f32),
        ],
        scratch_shapes=[
            pltpu.VMEM((1, _D), _f32),
            pltpu.VMEM((1, _D), _f32),
            pltpu.VMEM((1, 1), _f32),
        ],
    )(sa, sb, pa, pb, b2, wb, bb)


def kernel(x, edge_index, W1, b1, W2, b2, Wb, bb, perm):
    src = edge_index[0]
    dst = edge_index[1]
    perm = perm.astype(jnp.int32)

    npad_e = _ECH * _CH - _E
    dst2d = jnp.concatenate([dst, jnp.full((npad_e,), _N, jnp.int32)]).reshape(_ECH, _CH)

    dega, degb = _sc_deg(dst2d)
    pa = dega[:_N].reshape(_N, 1)
    pb = degb[:_N].reshape(_N, 1)

    h1 = _tc_matmul(x, W1)
    h1p = _sc_perm(h1, perm)
    p1a, p1b = _tc_scale2(h1, h1p, pa, pb)
    s1a, s1b = _sc_agg(p1a, p1b, src, dst)

    p2a, p2b = _tc_layer2(s1a, s1b, pa, pb, b1.reshape(1, _D), W2)
    s2a, s2b = _sc_agg(p2a, p2b, src, dst)

    pos, neg = _tc_readout(s2a, s2b, pa, pb, b2.reshape(1, _D),
                           Wb.reshape(_D, _D), bb.reshape(1, 1))
    return (pos, neg)

# --- scband reference (transcript-rebuilt; emitter-appended) ---
"""Pipeline reference for scband-dgi-13297218748904 (READ-ONLY COPY).

The authoritative reference and input builder live on the scoring server;
editing this copy changes nothing except your own understanding.
"""

import jax, jax.numpy as jnp
import numpy as np

N = 10000
E = 320000
D_IN = 128
D_HID = 128
D_OUT = 128


def setup_inputs(seed: int = 0) -> dict:
    key = jax.random.key(seed)
    ks = jax.random.split(key, 9)
    x = jax.random.normal(ks[0], (N, D_IN), dtype=jnp.float32)
    edge_index = jax.random.randint(ks[1], (2, E), 0, N, dtype=jnp.int32)
    W1 = jax.random.normal(ks[2], (D_IN, D_HID), dtype=jnp.float32) * (1.0 / np.sqrt(D_IN))
    b1 = jnp.zeros((D_HID,), dtype=jnp.float32)
    W2 = jax.random.normal(ks[3], (D_HID, D_OUT), dtype=jnp.float32) * (1.0 / np.sqrt(D_HID))
    b2 = jnp.zeros((D_OUT,), dtype=jnp.float32)
    Wb = jax.random.normal(ks[4], (1, D_OUT, D_OUT), dtype=jnp.float32) * (1.0 / np.sqrt(D_OUT))
    bb = jnp.zeros((1,), dtype=jnp.float32)
    perm = jax.random.permutation(ks[5], N)
    return {"x": x, "edge_index": edge_index, "W1": W1, "b1": b1, "W2": W2, "b2": b2, "Wb": Wb, "bb": bb, "perm": perm}


def _gcn_conv(x, edge_index, W, b):
    n = x.shape[0]
    loop = jnp.arange(n, dtype=edge_index.dtype)
    src = jnp.concatenate([edge_index[0], loop])
    dst = jnp.concatenate([edge_index[1], loop])
    ones = jnp.ones(src.shape[0], dtype=x.dtype)
    deg = jax.ops.segment_sum(ones, dst, num_segments=n)
    dinv = jnp.where(deg > 0, 1.0 / jnp.sqrt(deg), 0.0)
    norm = dinv[src] * dinv[dst]
    h = x @ W
    msgs = h[src] * norm[:, None]
    out = jax.ops.segment_sum(msgs, dst, num_segments=n)
    return out + b


def _encoder(x, edge_index, W1, b1, W2, b2):
    h = jax.nn.relu(_gcn_conv(x, edge_index, W1, b1))
    return _gcn_conv(h, edge_index, W2, b2)


def reference(x, edge_index, W1, b1, W2, b2, Wb, bb, perm):
    H = _encoder(x, edge_index, W1, b1, W2, b2)
    s = jax.nn.sigmoid(jnp.mean(H, axis=0))
    # nn.Bilinear(d, d, 1): out[n, o] = sum_{d,e} H[n,d] * Wb[o,d,e] * s[e] + bb[o]
    pos_scores = jnp.einsum('nd,ode,e->no', H, Wb, s) + bb
    H_corrupt = _encoder(x[perm], edge_index, W1, b1, W2, b2)
    neg_scores = jnp.einsum('nd,ode,e->no', H_corrupt, Wb, s) + bb
    return (pos_scores, neg_scores)

if __name__ == "__main__":
    import jax
    _d = setup_inputs()
    print(jax.jit(kernel)(*tuple(_d.values())))

</pallas_src>

<mosaic_0001>
#map = affine_map<(d0, d1) -> (0, 0)>
#map1 = affine_map<(d0, d1) -> (0)>
module attributes {stable_mosaic.version = 14 : i64} {
  func.func @_agg_kernel(%arg0: i32, %arg1: i32, %arg2: memref<10000x128xf32, #tpu.memory_space<hbm>>, %arg3: memref<10000x128xf32, #tpu.memory_space<hbm>>, %arg4: memref<320000xi32, #tpu.memory_space<hbm>>, %arg5: memref<320000xi32, #tpu.memory_space<hbm>>, %arg6: memref<10000x128xf32, #tpu.memory_space<hbm>>, %arg7: memref<10000x128xf32, #tpu.memory_space<hbm>>, %arg8: memref<10000x128xf32, #tpu.memory_space<vmem_shared>>, %arg9: memref<128xi32, #tpu.memory_space<vmem>>, %arg10: memref<128xi32, #tpu.memory_space<vmem>>, %arg11: memref<128xi32, #tpu.memory_space<vmem>>, %arg12: memref<128xi32, #tpu.memory_space<vmem>>, %arg13: memref<128xi32, #tpu.memory_space<vmem>>, %arg14: memref<128xi32, #tpu.memory_space<vmem>>, %arg15: memref<128xi32, #tpu.memory_space<vmem>>, %arg16: memref<128xi32, #tpu.memory_space<vmem>>, %arg17: memref<128x128xf32, #tpu.memory_space<vmem>>, %arg18: memref<128x128xf32, #tpu.memory_space<vmem>>, %arg19: memref<!tpu.dma_semaphore, #tpu.memory_space<semaphore_mem>>, %arg20: memref<!tpu.dma_semaphore, #tpu.memory_space<semaphore_mem>>, %arg21: memref<!tpu.dma_semaphore, #tpu.memory_space<semaphore_mem>>, %arg22: memref<!tpu.dma_semaphore, #tpu.memory_space<semaphore_mem>>, %arg23: memref<!tpu.dma_semaphore, #tpu.memory_space<semaphore_mem>>, %arg24: memref<!tpu.dma_semaphore, #tpu.memory_space<semaphore_mem>>) attributes {dimension_semantics = [#tpu.dimension_semantics<core_parallel>, #tpu.dimension_semantics<subcore_parallel>], iteration_bounds = array<i64: 2, 16>, scalar_prefetch = 0 : i64, scratch_operands = 17 : i64, tpu.core_type = #tpu.core_type<sc_vector_subcore>, window_params = [{transform_indices = #map}, {transform_indices = #map}, {transform_indices = #map1}, {transform_indices = #map1}, {transform_indices = #map}, {transform_indices = #map}]} {
    %eq3A = arith.constant 0 : i32
    %eq3A_0 = arith.cmpi eq, %arg0, %eq3A : i32
    %convert_element_type3A = arith.extui %eq3A_0 : i1 to i32
    %cond3A = arith.constant 0 : i32
    %cond3A_1 = arith.cmpi ne, %convert_element_type3A, %cond3A : i32
    scf.if %cond3A_1 {
      %scan3A = arith.constant 0 : i32
      %scan3A_7 = arith.constant 0 : i32
      %scan3A_8 = arith.constant 8 : i32
      %scan3A_9 = arith.addi %scan3A_7, %scan3A_8 : i32
      %scan3A_10 = arith.constant 1 : i32
      scf.for %scan3A_51 = %scan3A_7 to %scan3A_9 step %scan3A_10  : i32 {
        %mul3A = arith.constant 16 : i32
        %mul3A_52 = arith.muli %scan3A_51, %mul3A : i32
        %add3A_53 = arith.addi %mul3A_52, %arg1 : i32
        %lt3A_54 = arith.constant 125 : i32
        %lt3A_55 = arith.cmpi slt, %add3A_53, %lt3A_54 : i32
        %convert_element_type3A_56 = arith.extui %lt3A_55 : i1 to i32
        %cond3A_57 = arith.constant 0 : i32
        %cond3A_58 = arith.cmpi ne, %convert_element_type3A_56, %cond3A_57 : i32
        scf.if %cond3A_58 {
          %mul3A_59 = arith.constant 80 : i32
          %mul3A_60 = arith.muli %add3A_53, %mul3A_59 : i32
          %mul3A_61 = arith.constant 80 : i32
          %mul3A_62 = arith.muli %add3A_53, %mul3A_61 : i32
          "tpu.region"() ({
            %run_scoped3A = tpu.sem_alloc : memref<!tpu.dma_semaphore, #tpu.memory_space<semaphore_mem>>
            %dma_start3A = arith.constant 0 : i32
            %dma_start3A_63 = tpu.memref_slice %arg8[%mul3A_62, %dma_start3A] : memref<10000x128xf32, #tpu.memory_space<vmem_shared>> -> memref<80x128xf32, #tpu.memory_space<vmem_shared>>
            %dma_start3A_64 = arith.constant 0 : i32
            %dma_start3A_65 = tpu.memref_slice %arg2[%mul3A_60, %dma_start3A_64] : memref<10000x128xf32, #tpu.memory_space<hbm>> -> memref<80x128xf32, #tpu.memory_space<hbm>>
            tpu.enqueue_dma source(%dma_start3A_65 : memref<80x128xf32, #tpu.memory_space<hbm>>) target(%dma_start3A_63 : memref<80x128xf32, #tpu.memory_space<vmem_shared>>) target_semaphore(%run_scoped3A : memref<!tpu.dma_semaphore, #tpu.memory_space<semaphore_mem>>)
            %dma_wait3A = arith.constant 0 : i32
            %dma_wait3A_66 = tpu.memref_slice %arg8[%mul3A_62, %dma_wait3A] : memref<10000x128xf32, #tpu.memory_space<vmem_shared>> -> memref<80x128xf32, #tpu.memory_space<vmem_shared>>
            %dma_wait3A_67 = arith.constant 0 : i32
            %dma_wait3A_68 = tpu.memref_slice %arg2[%mul3A_60, %dma_wait3A_67] : memref<10000x128xf32, #tpu.memory_space<hbm>> -> memref<80x128xf32, #tpu.memory_space<hbm>>
            tpu.wait_dma2 semaphore(%run_scoped3A : memref<!tpu.dma_semaphore, #tpu.memory_space<semaphore_mem>>) src(%dma_wait3A_68 : memref<80x128xf32, #tpu.memory_space<hbm>>) dst(%dma_wait3A_66 : memref<80x128xf32, #tpu.memory_space<vmem_shared>>)
            tpu.yield
          }) : () -> ()
        } else {
        }
      }
      %scan3A_11 = arith.constant 8 : i32
      %barrier3A = arith.constant 0 : index
      tpu.barrier barrier_id(%barrier3A)
      %add3A = arith.constant 0 : i32
      %add3A_12 = arith.addi %add3A, %arg1 : i32
      %lt3A = arith.constant 2500 : i32
      %lt3A_13 = arith.cmpi slt, %add3A_12, %lt3A : i32
      %convert_element_type3A_14 = arith.extui %lt3A_13 : i1 to i32
      %cond3A_15 = arith.constant 0 : i32
      %cond3A_16 = arith.cmpi ne, %convert_element_type3A_14, %cond3A_15 : i32
      scf.if %cond3A_16 {
        %mul3A = arith.constant 128 : i32
        %mul3A_51 = arith.muli %add3A_12, %mul3A : i32
        %dma_start3A = tpu.memref_slice %arg4[%mul3A_51] : memref<320000xi32, #tpu.memory_space<hbm>> -> memref<128xi32, #tpu.memory_space<hbm>>
        %dma_start3A_52 = tpu.memref_slice %arg4[%mul3A_51] : memref<320000xi32, #tpu.memory_space<hbm>> -> memref<128xi32, #tpu.memory_space<hbm>>
        tpu.enqueue_dma source(%dma_start3A_52 : memref<128xi32, #tpu.memory_space<hbm>>) target(%arg9 : memref<128xi32, #tpu.memory_space<vmem>>) target_semaphore(%arg21 : memref<!tpu.dma_semaphore, #tpu.memory_space<semaphore_mem>>)
        %mul3A_53 = arith.constant 128 : i32
        %mul3A_54 = arith.muli %add3A_12, %mul3A_53 : i32
        %dma_start3A_55 = tpu.memref_slice %arg5[%mul3A_54] : memref<320000xi32, #tpu.memory_space<hbm>> -> memref<128xi32, #tpu.memory_space<hbm>>
        %dma_start3A_56 = tpu.memref_slice %arg5[%mul3A_54] : memref<320000xi32, #tpu.memory_space<hbm>> -> memref<128xi32, #tpu.memory_space<hbm>>
        tpu.enqueue_dma source(%dma_start3A_56 : memref<128xi32, #tpu.memory_space<hbm>>) target(%arg13 : memref<128xi32, #tpu.memory_space<vmem>>) target_semaphore(%arg21 : memref<!tpu.dma_semaphore, #tpu.memory_space<semaphore_mem>>)
      } else {
      }
      %add3A_17 = arith.constant 16 : i32
      %add3A_18 = arith.addi %add3A_17, %arg1 : i32
      %lt3A_19 = arith.constant 2500 : i32
      %lt3A_20 = arith.cmpi slt, %add3A_18, %lt3A_19 : i32
      %convert_element_type3A_21 = arith.extui %lt3A_20 : i1 to i32
      %cond3A_22 = arith.constant 0 : i32
      %cond3A_23 = arith.cmpi ne, %convert_element_type3A_21, %cond3A_22 : i32
      scf.if %cond3A_23 {
        %mul3A = arith.constant 128 : i32
        %mul3A_51 = arith.muli %add3A_18, %mul3A : i32
        %dma_start3A = tpu.memref_slice %arg4[%mul3A_51] : memref<320000xi32, #tpu.memory_space<hbm>> -> memref<128xi32, #tpu.memory_space<hbm>>
        %dma_start3A_52 = tpu.memref_slice %arg4[%mul3A_51] : memref<320000xi32, #tpu.memory_space<hbm>> -> memref<128xi32, #tpu.memory_space<hbm>>
        tpu.enqueue_dma source(%dma_start3A_52 : memref<128xi32, #tpu.memory_space<hbm>>) target(%arg10 : memref<128xi32, #tpu.memory_space<vmem>>) target_semaphore(%arg22 : memref<!tpu.dma_semaphore, #tpu.memory_space<semaphore_mem>>)
        %mul3A_53 = arith.constant 128 : i32
        %mul3A_54 = arith.muli %add3A_18, %mul3A_53 : i32
        %dma_start3A_55 = tpu.memref_slice %arg5[%mul3A_54] : memref<320000xi32, #tpu.memory_space<hbm>> -> memref<128xi32, #tpu.memory_space<hbm>>
        %dma_start3A_56 = tpu.memref_slice %arg5[%mul3A_54] : memref<320000xi32, #tpu.memory_space<hbm>> -> memref<128xi32, #tpu.memory_space<hbm>>
        tpu.enqueue_dma source(%dma_start3A_56 : memref<128xi32, #tpu.memory_space<hbm>>) target(%arg14 : memref<128xi32, #tpu.memory_space<vmem>>) target_semaphore(%arg22 : memref<!tpu.dma_semaphore, #tpu.memory_space<semaphore_mem>>)
      } else {
      }
      %add3A_24 = arith.constant 0 : i32
      %add3A_25 = arith.addi %add3A_24, %arg1 : i32
      %lt3A_26 = arith.constant 2500 : i32
      %lt3A_27 = arith.cmpi slt, %add3A_25, %lt3A_26 : i32
      %convert_element_type3A_28 = arith.extui %lt3A_27 : i1 to i32
      %cond3A_29 = arith.constant 0 : i32
      %cond3A_30 = arith.cmpi ne, %convert_element_type3A_28, %cond3A_29 : i32
      scf.if %cond3A_30 {
        %dma_wait3A = arith.constant 0 : i32
        %dma_wait3A_51 = tpu.memref_slice %arg4[%dma_wait3A] : memref<320000xi32, #tpu.memory_space<hbm>> -> memref<128xi32, #tpu.memory_space<hbm>>
        %dma_wait3A_52 = arith.constant 0 : i32
        %dma_wait3A_53 = tpu.memref_slice %arg4[%dma_wait3A_52] : memref<320000xi32, #tpu.memory_space<hbm>> -> memref<128xi32, #tpu.memory_space<hbm>>
        tpu.wait_dma2 semaphore(%arg21 : memref<!tpu.dma_semaphore, #tpu.memory_space<semaphore_mem>>) src(%dma_wait3A_53 : memref<128xi32, #tpu.memory_space<hbm>>) dst(%arg9 : memref<128xi32, #tpu.memory_space<vmem>>)
        %dma_wait3A_54 = arith.constant 0 : i32
        %dma_wait3A_55 = tpu.memref_slice %arg4[%dma_wait3A_54] : memref<320000xi32, #tpu.memory_space<hbm>> -> memref<128xi32, #tpu.memory_space<hbm>>
        %dma_wait3A_56 = arith.constant 0 : i32
        %dma_wait3A_57 = tpu.memref_slice %arg4[%dma_wait3A_56] : memref<320000xi32, #tpu.memory_space<hbm>> -> memref<128xi32, #tpu.memory_space<hbm>>
        tpu.wait_dma2 semaphore(%arg21 : memref<!tpu.dma_semaphore, #tpu.memory_space<semaphore_mem>>) src(%dma_wait3A_57 : memref<128xi32, #tpu.memory_space<hbm>>) dst(%arg13 : memref<128xi32, #tpu.memory_space<vmem>>)
      } else {
      }
      %add3A_31 = arith.constant 0 : i32
      %add3A_32 = arith.addi %add3A_31, %arg1 : i32
      %lt3A_33 = arith.constant 2500 : i32
      %lt3A_34 = arith.cmpi slt, %add3A_32, %lt3A_33 : i32
      %convert_element_type3A_35 = arith.extui %lt3A_34 : i1 to i32
      %cond3A_36 = arith.constant 0 : i32
      %cond3A_37 = arith.cmpi ne, %convert_element_type3A_35, %cond3A_36 : i32
      scf.if %cond3A_37 {
        %dma_start3A = arith.constant 0 : i32
        %dma_start3A_51 = arith.constant 0 : i32
        %dma_start3A_52 = tpu.memref_slice %arg2[%dma_start3A, %dma_start3A_51] : memref<10000x128xf32, #tpu.memory_space<hbm>> -> memref<10000x128xf32, #tpu.memory_space<hbm>>
        tpu.enqueue_indirect_dma source(%dma_start3A_52 : memref<10000x128xf32, #tpu.memory_space<hbm>>) target(%arg17 : memref<128x128xf32, #tpu.memory_space<vmem>>) offsets(%arg9 : memref<128xi32, #tpu.memory_space<vmem>>) semaphore(%arg19 : memref<!tpu.dma_semaphore, #tpu.memory_space<semaphore_mem>>)
      } else {
      }
      %scan3A_38 = arith.constant 0 : i32
      %scan3A_39 = arith.constant 0 : i32
      %scan3A_40 = arith.constant 40 : i32
      %scan3A_41 = arith.addi %scan3A_39, %scan3A_40 : i32
      %scan3A_42 = arith.constant 1 : i32
      scf.for %scan3A_51 = %scan3A_39 to %scan3A_41 step %scan3A_42  : i32 {
        %mul3A = arith.constant 4 : i32
        %mul3A_52 = arith.muli %scan3A_51, %mul3A : i32
        %add3A_53 = arith.constant 0 : i32
        %add3A_54 = arith.addi %mul3A_52, %add3A_53 : i32
        %add3A_55 = arith.constant 2 : i32
        %add3A_56 = arith.addi %add3A_54, %add3A_55 : i32
        %mul3A_57 = arith.constant 16 : i32
        %mul3A_58 = arith.muli %add3A_56, %mul3A_57 : i32
        %add3A_59 = arith.addi %mul3A_58, %arg1 : i32
        %lt3A_60 = arith.constant 2500 : i32
        %lt3A_61 = arith.cmpi slt, %add3A_59, %lt3A_60 : i32
        %convert_element_type3A_62 = arith.extui %lt3A_61 : i1 to i32
        %cond3A_63 = arith.constant 0 : i32
        %cond3A_64 = arith.cmpi ne, %convert_element_type3A_62, %cond3A_63 : i32
        scf.if %cond3A_64 {
          %mul3A_213 = arith.constant 128 : i32
          %mul3A_214 = arith.muli %add3A_59, %mul3A_213 : i32
          %dma_start3A = tpu.memref_slice %arg4[%mul3A_214] : memref<320000xi32, #tpu.memory_space<hbm>> -> memref<128xi32, #tpu.memory_space<hbm>>
          %dma_start3A_215 = tpu.memref_slice %arg4[%mul3A_214] : memref<320000xi32, #tpu.memory_space<hbm>> -> memref<128xi32, #tpu.memory_space<hbm>>
          tpu.enqueue_dma source(%dma_start3A_215 : memref<128xi32, #tpu.memory_space<hbm>>) target(%arg11 : memref<128xi32, #tpu.memory_space<vmem>>) target_semaphore(%arg23 : memref<!tpu.dma_semaphore, #tpu.memory_space<semaphore_mem>>)
          %mul3A_216 = arith.constant 128 : i32
          %mul3A_217 = arith.muli %add3A_59, %mul3A_216 : i32
          %dma_start3A_218 = tpu.memref_slice %arg5[%mul3A_217] : memref<320000xi32, #tpu.memory_space<hbm>> -> memref<128xi32, #tpu.memory_space<hbm>>
          %dma_start3A_219 = tpu.memref_slice %arg5[%mul3A_217] : memref<320000xi32, #tpu.memory_space<hbm>> -> memref<128xi32, #tpu.memory_space<hbm>>
          tpu.enqueue_dma source(%dma_start3A_219 : memref<128xi32, #tpu.memory_space<hbm>>) target(%arg15 : memref<128xi32, #tpu.memory_space<vmem>>) target_semaphore(%arg23 : memref<!tpu.dma_semaphore, #tpu.memory_space<semaphore_mem>>)
        } else {
        }
        %add3A_65 = arith.constant 1 : i32
        %add3A_66 = arith.addi %add3A_54, %add3A_65 : i32
        %mul3A_67 = arith.constant 16 : i32
        %mul3A_68 = arith.muli %add3A_66, %mul3A_67 : i32
        %add3A_69 = arith.addi %mul3A_68, %arg1 : i32
        %lt3A_70 = arith.constant 2500 : i32
        %lt3A_71 = arith.cmpi slt, %add3A_69, %lt3A_70 : i32
        %convert_element_type3A_72 = arith.extui %lt3A_71 : i1 to i32
        %cond3A_73 = arith.constant 0 : i32
        %cond3A_74 = arith.cmpi ne, %convert_element_type3A_72, %cond3A_73 : i32
        scf.if %cond3A_74 {
          %dma_wait3A = arith.constant 0 : i32
          %dma_wait3A_213 = tpu.memref_slice %arg4[%dma_wait3A] : memref<320000xi32, #tpu.memory_space<hbm>> -> memref<128xi32, #tpu.memory_space<hbm>>
          %dma_wait3A_214 = arith.constant 0 : i32
          %dma_wait3A_215 = tpu.memref_slice %arg4[%dma_wait3A_214] : memref<320000xi32, #tpu.memory_space<hbm>> -> memref<128xi32, #tpu.memory_space<hbm>>
          tpu.wait_dma2 semaphore(%arg22 : memref<!tpu.dma_semaphore, #tpu.memory_space<semaphore_mem>>) src(%dma_wait3A_215 : memref<128xi32, #tpu.memory_space<hbm>>) dst(%arg10 : memref<128xi32, #tpu.memory_space<vmem>>)
          %dma_wait3A_216 = arith.constant 0 : i32
          %dma_wait3A_217 = tpu.memref_slice %arg4[%dma_wait3A_216] : memref<320000xi32, #tpu.memory_space<hbm>> -> memref<128xi32, #tpu.memory_space<hbm>>
          %dma_wait3A_218 = arith.constant 0 : i32
          %dma_wait3A_219 = tpu.memref_slice %arg4[%dma_wait3A_218] : memref<320000xi32, #tpu.memory_space<hbm>> -> memref<128xi32, #tpu.memory_space<hbm>>
          tpu.wait_dma2 semaphore(%arg22 : memref<!tpu.dma_semaphore, #tpu.memory_space<semaphore_mem>>) src(%dma_wait3A_219 : memref<128xi32, #tpu.memory_space<hbm>>) dst(%arg14 : memref<128xi32, #tpu.memory_space<vmem>>)
        } else {
        }
        %add3A_75 = arith.constant 1 : i32
        %add3A_76 = arith.addi %add3A_54, %add3A_75 : i32
        %mul3A_77 = arith.constant 16 : i32
        %mul3A_78 = arith.muli %add3A_76, %mul3A_77 : i32
        %add3A_79 = arith.addi %mul3A_78, %arg1 : i32
        %lt3A_80 = arith.constant 2500 : i32
        %lt3A_81 = arith.cmpi slt, %add3A_79, %lt3A_80 : i32
        %convert_element_type3A_82 = arith.extui %lt3A_81 : i1 to i32
        %cond3A_83 = arith.constant 0 : i32
        %cond3A_84 = arith.cmpi ne, %convert_element_type3A_82, %cond3A_83 : i32
        scf.if %cond3A_84 {
          %dma_start3A = arith.constant 0 : i32
          %dma_start3A_213 = arith.constant 0 : i32
          %dma_start3A_214 = tpu.memref_slice %arg2[%dma_start3A, %dma_start3A_213] : memref<10000x128xf32, #tpu.memory_space<hbm>> -> memref<10000x128xf32, #tpu.memory_space<hbm>>
          tpu.enqueue_indirect_dma source(%dma_start3A_214 : memref<10000x128xf32, #tpu.memory_space<hbm>>) target(%arg18 : memref<128x128xf32, #tpu.memory_space<vmem>>) offsets(%arg10 : memref<128xi32, #tpu.memory_space<vmem>>) semaphore(%arg20 : memref<!tpu.dma_semaphore, #tpu.memory_space<semaphore_mem>>)
        } else {
        }
        %mul3A_85 = arith.constant 16 : i32
        %mul3A_86 = arith.muli %add3A_54, %mul3A_85 : i32
        %add3A_87 = arith.addi %mul3A_86, %arg1 : i32
        %lt3A_88 = arith.constant 2500 : i32
        %lt3A_89 = arith.cmpi slt, %add3A_87, %lt3A_88 : i32
        %convert_element_type3A_90 = arith.extui %lt3A_89 : i1 to i32
        %cond3A_91 = arith.constant 0 : i32
        %cond3A_92 = arith.cmpi ne, %convert_element_type3A_90, %cond3A_91 : i32
        scf.if %cond3A_92 {
          %dma_wait3A = arith.constant 0 : i32
          %dma_wait3A_213 = arith.constant 0 : i32
          %dma_wait3A_214 = tpu.memref_slice %arg2[%dma_wait3A, %dma_wait3A_213] : memref<10000x128xf32, #tpu.memory_space<hbm>> -> memref<128x128xf32, #tpu.memory_space<hbm>>
          %dma_wait3A_215 = arith.constant 0 : i32
          %dma_wait3A_216 = arith.constant 0 : i32
          %dma_wait3A_217 = tpu.memref_slice %arg2[%dma_wait3A_215, %dma_wait3A_216] : memref<10000x128xf32, #tpu.memory_space<hbm>> -> memref<128x128xf32, #tpu.memory_space<hbm>>
          tpu.wait_dma2 semaphore(%arg19 : memref<!tpu.dma_semaphore, #tpu.memory_space<semaphore_mem>>) src(%dma_wait3A_217 : memref<128x128xf32, #tpu.memory_space<hbm>>) dst(%arg17 : memref<128x128xf32, #tpu.memory_space<vmem>>)
          "tpu.region"() ({
            %run_scoped3A = tpu.sem_alloc : memref<!tpu.dma_semaphore, #tpu.memory_space<semaphore_mem>>
            %dma_start3A = arith.constant 0 : i32
            %dma_start3A_218 = arith.constant 0 : i32
            %dma_start3A_219 = tpu.memref_slice %arg8[%dma_start3A, %dma_start3A_218] : memref<10000x128xf32, #tpu.memory_space<vmem_shared>> -> memref<10000x128xf32, #tpu.memory_space<vmem_shared>>
            tpu.enqueue_indirect_dma source(%arg17 : memref<128x128xf32, #tpu.memory_space<vmem>>) target(%dma_start3A_219 : memref<10000x128xf32, #tpu.memory_space<vmem_shared>>) offsets(%arg13 : memref<128xi32, #tpu.memory_space<vmem>>) semaphore(%run_scoped3A : memref<!tpu.dma_semaphore, #tpu.memory_space<semaphore_mem>>) {add = true}
            %dma_wait3A_220 = arith.constant 0 : i32
            %dma_wait3A_221 = arith.constant 0 : i32
            %dma_wait3A_222 = tpu.memref_slice %arg8[%dma_wait3A_220, %dma_wait3A_221] : memref<10000x128xf32, #tpu.memory_space<vmem_shared>> -> memref<10000x128xf32, #tpu.memory_space<vmem_shared>>
            tpu.wait_indirect_dma semaphore(%run_scoped3A : memref<!tpu.dma_semaphore, #tpu.memory_space<semaphore_mem>>) src(%arg17 : memref<128x128xf32, #tpu.memory_space<vmem>>) dst(%dma_wait3A_222 : memref<10000x128xf32, #tpu.memory_space<vmem_shared>>)
            tpu.yield
          }) : () -> ()
        } else {
        }
        %add3A_93 = arith.constant 1 : i32
        %add3A_94 = arith.addi %mul3A_52, %add3A_93 : i32
        %add3A_95 = arith.constant 2 : i32
        %add3A_96 = arith.addi %add3A_94, %add3A_95 : i32
        %mul3A_97 = arith.constant 16 : i32
        %mul3A_98 = arith.muli %add3A_96, %mul3A_97 : i32
        %add3A_99 = arith.addi %mul3A_98, %arg1 : i32
        %lt3A_100 = arith.constant 2500 : i32
        %lt3A_101 = arith.cmpi slt, %add3A_99, %lt3A_100 : i32
        %convert_element_type3A_102 = arith.extui %lt3A_101 : i1 to i32
        %cond3A_103 = arith.constant 0 : i32
        %cond3A_104 = arith.cmpi ne, %convert_element_type3A_102, %cond3A_103 : i32
        scf.if %cond3A_104 {
          %mul3A_213 = arith.constant 128 : i32
          %mul3A_214 = arith.muli %add3A_99, %mul3A_213 : i32
          %dma_start3A = tpu.memref_slice %arg4[%mul3A_214] : memref<320000xi32, #tpu.memory_space<hbm>> -> memref<128xi32, #tpu.memory_space<hbm>>
          %dma_start3A_215 = tpu.memref_slice %arg4[%mul3A_214] : memref<320000xi32, #tpu.memory_space<hbm>> -> memref<128xi32, #tpu.memory_space<hbm>>
          tpu.enqueue_dma source(%dma_start3A_215 : memref<128xi32, #tpu.memory_space<hbm>>) target(%arg12 : memref<128xi32, #tpu.memory_space<vmem>>) target_semaphore(%arg24 : memref<!tpu.dma_semaphore, #tpu.memory_space<semaphore_mem>>)
          %mul3A_216 = arith.constant 128 : i32
          %mul3A_217 = arith.muli %add3A_99, %mul3A_216 : i32
          %dma_start3A_218 = tpu.memref_slice %arg5[%mul3A_217] : memref<320000xi32, #tpu.memory_space<hbm>> -> memref<128xi32, #tpu.memory_space<hbm>>
          %dma_start3A_219 = tpu.memref_slice %arg5[%mul3A_217] : memref<320000xi32, #tpu.memory_space<hbm>> -> memref<128xi32, #tpu.memory_space<hbm>>
          tpu.enqueue_dma source(%dma_start3A_219 : memref<128xi32, #tpu.memory_space<hbm>>) target(%arg16 : memref<128xi32, #tpu.memory_space<vmem>>) target_semaphore(%arg24 : memref<!tpu.dma_semaphore, #tpu.memory_space<semaphore_mem>>)
        } else {
        }
        %add3A_105 = arith.constant 1 : i32
        %add3A_106 = arith.addi %add3A_94, %add3A_105 : i32
        %mul3A_107 = arith.constant 16 : i32
        %mul3A_108 = arith.muli %add3A_106, %mul3A_107 : i32
        %add3A_109 = arith.addi %mul3A_108, %arg1 : i32
        %lt3A_110 = arith.constant 2500 : i32
        %lt3A_111 = arith.cmpi slt, %add3A_109, %lt3A_110 : i32
        %convert_element_type3A_112 = arith.extui %lt3A_111 : i1 to i32
        %cond3A_113 = arith.constant 0 : i32
        %cond3A_114 = arith.cmpi ne, %convert_element_type3A_112, %cond3A_113 : i32
        scf.if %cond3A_114 {
          %dma_wait3A = arith.constant 0 : i32
          %dma_wait3A_213 = tpu.memref_slice %arg4[%dma_wait3A] : memref<320000xi32, #tpu.memory_space<hbm>> -> memref<128xi32, #tpu.memory_space<hbm>>
          %dma_wait3A_214 = arith.constant 0 : i32
          %dma_wait3A_215 = tpu.memref_slice %arg4[%dma_wait3A_214] : memref<320000xi32, #tpu.memory_space<hbm>> -> memref<128xi32, #tpu.memory_space<hbm>>
          tpu.wait_dma2 semaphore(%arg23 : memref<!tpu.dma_semaphore, #tpu.memory_space<semaphore_mem>>) src(%dma_wait3A_215 : memref<128xi32, #tpu.memory_space<hbm>>) dst(%arg11 : memref<128xi32, #tpu.memory_space<vmem>>)
          %dma_wait3A_216 = arith.constant 0 : i32
          %dma_wait3A_217 = tpu.memref_slice %arg4[%dma_wait3A_216] : memref<320000xi32, #tpu.memory_space<hbm>> -> memref<128xi32, #tpu.memory_space<hbm>>
          %dma_wait3A_218 = arith.constant 0 : i32
          %dma_wait3A_219 = tpu.memref_slice %arg4[%dma_wait3A_218] : memref<320000xi32, #tpu.memory_space<hbm>> -> memref<128xi32, #tpu.memory_space<hbm>>
          tpu.wait_dma2 semaphore(%arg23 : memref<!tpu.dma_semaphore, #tpu.memory_space<semaphore_mem>>) src(%dma_wait3A_219 : memref<128xi32, #tpu.memory_space<hbm>>) dst(%arg15 : memref<128xi32, #tpu.memory_space<vmem>>)
        } else {
        }
        %add3A_115 = arith.constant 1 : i32
        %add3A_116 = arith.addi %add3A_94, %add3A_115 : i32
        %mul3A_117 = arith.constant 16 : i32
        %mul3A_118 = arith.muli %add3A_116, %mul3A_117 : i32
        %add3A_119 = arith.addi %mul3A_118, %arg1 : i32
        %lt3A_120 = arith.constant 2500 : i32
        %lt3A_121 = arith.cmpi slt, %add3A_119, %lt3A_120 : i32
        %convert_element_type3A_122 = arith.extui %lt3A_121 : i1 to i32
        %cond3A_123 = arith.constant 0 : i32
        %cond3A_124 = arith.cmpi ne, %convert_element_type3A_122, %cond3A_123 : i32
        scf.if %cond3A_124 {
          %dma_start3A = arith.constant 0 : i32
          %dma_start3A_213 = arith.constant 0 : i32
          %dma_start3A_214 = tpu.memref_slice %arg2[%dma_start3A, %dma_start3A_213] : memref<10000x128xf32, #tpu.memory_space<hbm>> -> memref<10000x128xf32, #tpu.memory_space<hbm>>
          tpu.enqueue_indirect_dma source(%dma_start3A_214 : memref<10000x128xf32, #tpu.memory_space<hbm>>) target(%arg17 : memref<128x128xf32, #tpu.memory_space<vmem>>) offsets(%arg11 : memref<128xi32, #tpu.memory_space<vmem>>) semaphore(%arg19 : memref<!tpu.dma_semaphore, #tpu.memory_space<semaphore_mem>>)
        } else {
        }
        %mul3A_125 = arith.constant 16 : i32
        %mul3A_126 = arith.muli %add3A_94, %mul3A_125 : i32
        %add3A_127 = arith.addi %mul3A_126, %arg1 : i32
        %lt3A_128 = arith.constant 2500 : i32
        %lt3A_129 = arith.cmpi slt, %add3A_127, %lt3A_128 : i32
        %convert_element_type3A_130 = arith.extui %lt3A_129 : i1 to i32
        %cond3A_131 = arith.constant 0 : i32
        %cond3A_132 = arith.cmpi ne, %convert_element_type3A_130, %cond3A_131 : i32
        scf.if %cond3A_132 {
          %dma_wait3A = arith.constant 0 : i32
          %dma_wait3A_213 = arith.constant 0 : i32
          %dma_wait3A_214 = tpu.memref_slice %arg2[%dma_wait3A, %dma_wait3A_213] : memref<10000x128xf32, #tpu.memory_space<hbm>> -> memref<128x128xf32, #tpu.memory_space<hbm>>
          %dma_wait3A_215 = arith.constant 0 : i32
          %dma_wait3A_216 = arith.constant 0 : i32
          %dma_wait3A_217 = tpu.memref_slice %arg2[%dma_wait3A_215, %dma_wait3A_216] : memref<10000x128xf32, #tpu.memory_space<hbm>> -> memref<128x128xf32, #tpu.memory_space<hbm>>
          tpu.wait_dma2 semaphore(%arg20 : memref<!tpu.dma_semaphore, #tpu.memory_space<semaphore_mem>>) src(%dma_wait3A_217 : memref<128x128xf32, #tpu.memory_space<hbm>>) dst(%arg18 : memref<128x128xf32, #tpu.memory_space<vmem>>)
          "tpu.region"() ({
            %run_scoped3A = tpu.sem_alloc : memref<!tpu.dma_semaphore, #tpu.memory_space<semaphore_mem>>
            %dma_start3A = arith.constant 0 : i32
            %dma_start3A_218 = arith.constant 0 : i32
            %dma_start3A_219 = tpu.memref_slice %arg8[%dma_start3A, %dma_start3A_218] : memref<10000x128xf32, #tpu.memory_space<vmem_shared>> -> memref<10000x128xf32, #tpu.memory_space<vmem_shared>>
            tpu.enqueue_indirect_dma source(%arg18 : memref<128x128xf32, #tpu.memory_space<vmem>>) target(%dma_start3A_219 : memref<10000x128xf32, #tpu.memory_space<vmem_shared>>) offsets(%arg14 : memref<128xi32, #tpu.memory_space<vmem>>) semaphore(%run_scoped3A : memref<!tpu.dma_semaphore, #tpu.memory_space<semaphore_mem>>) {add = true}
            %dma_wait3A_220 = arith.constant 0 : i32
            %dma_wait3A_221 = arith.constant 0 : i32
            %dma_wait3A_222 = tpu.memref_slice %arg8[%dma_wait3A_220, %dma_wait3A_221] : memref<10000x128xf32, #tpu.memory_space<vmem_shared>> -> memref<10000x128xf32, #tpu.memory_space<vmem_shared>>
            tpu.wait_indirect_dma semaphore(%run_scoped3A : memref<!tpu.dma_semaphore, #tpu.memory_space<semaphore_mem>>) src(%arg18 : memref<128x128xf32, #tpu.memory_space<vmem>>) dst(%dma_wait3A_222 : memref<10000x128xf32, #tpu.memory_space<vmem_shared>>)
            tpu.yield
          }) : () -> ()
        } else {
        }
        %add3A_133 = arith.constant 2 : i32
        %add3A_134 = arith.addi %mul3A_52, %add3A_133 : i32
        %add3A_135 = arith.constant 2 : i32
        %add3A_136 = arith.addi %add3A_134, %add3A_135 : i32
        %mul3A_137 = arith.constant 16 : i32
        %mul3A_138 = arith.muli %add3A_136, %mul3A_137 : i32
        %add3A_139 = arith.addi %mul3A_138, %arg1 : i32
        %lt3A_140 = arith.constant 2500 : i32
        %lt3A_141 = arith.cmpi slt, %add3A_139, %lt3A_140 : i32
        %convert_element_type3A_142 = arith.extui %lt3A_141 : i1 to i32
        %cond3A_143 = arith.constant 0 : i32
        %cond3A_144 = arith.cmpi ne, %convert_element_type3A_142, %cond3A_143 : i32
        scf.if %cond3A_144 {
          %mul3A_213 = arith.constant 128 : i32
          %mul3A_214 = arith.muli %add3A_139, %mul3A_213 : i32
          %dma_start3A = tpu.memref_slice %arg4[%mul3A_214] : memref<320000xi32, #tpu.memory_space<hbm>> -> memref<128xi32, #tpu.memory_space<hbm>>
          %dma_start3A_215 = tpu.memref_slice %arg4[%mul3A_214] : memref<320000xi32, #tpu.memory_space<hbm>> -> memref<128xi32, #tpu.memory_space<hbm>>
          tpu.enqueue_dma source(%dma_start3A_215 : memref<128xi32, #tpu.memory_space<hbm>>) target(%arg9 : memref<128xi32, #tpu.memory_space<vmem>>) target_semaphore(%arg21 : memref<!tpu.dma_semaphore, #tpu.memory_space<semaphore_mem>>)
          %mul3A_216 = arith.constant 128 : i32
          %mul3A_217 = arith.muli %add3A_139, %mul3A_216 : i32
          %dma_start3A_218 = tpu.memref_slice %arg5[%mul3A_217] : memref<320000xi32, #tpu.memory_space<hbm>> -> memref<128xi32, #tpu.memory_space<hbm>>
          %dma_start3A_219 = tpu.memref_slice %arg5[%mul3A_217] : memref<320000xi32, #tpu.memory_space<hbm>> -> memref<128xi32, #tpu.memory_space<hbm>>
          tpu.enqueue_dma source(%dma_start3A_219 : memref<128xi32, #tpu.memory_space<hbm>>) target(%arg13 : memref<128xi32, #tpu.memory_space<vmem>>) target_semaphore(%arg21 : memref<!tpu.dma_semaphore, #tpu.memory_space<semaphore_mem>>)
        } else {
        }
        %add3A_145 = arith.constant 1 : i32
        %add3A_146 = arith.addi %add3A_134, %add3A_145 : i32
        %mul3A_147 = arith.constant 16 : i32
        %mul3A_148 = arith.muli %add3A_146, %mul3A_147 : i32
        %add3A_149 = arith.addi %mul3A_148, %arg1 : i32
        %lt3A_150 = arith.constant 2500 : i32
        %lt3A_151 = arith.cmpi slt, %add3A_149, %lt3A_150 : i32
        %convert_element_type3A_152 = arith.extui %lt3A_151 : i1 to i32
        %cond3A_153 = arith.constant 0 : i32
        %cond3A_154 = arith.cmpi ne, %convert_element_type3A_152, %cond3A_153 : i32
        scf.if %cond3A_154 {
          %dma_wait3A = arith.constant 0 : i32
          %dma_wait3A_213 = tpu.memref_slice %arg4[%dma_wait3A] : memref<320000xi32, #tpu.memory_space<hbm>> -> memref<128xi32, #tpu.memory_space<hbm>>
          %dma_wait3A_214 = arith.constant 0 : i32
          %dma_wait3A_215 = tpu.memref_slice %arg4[%dma_wait3A_214] : memref<320000xi32, #tpu.memory_space<hbm>> -> memref<128xi32, #tpu.memory_space<hbm>>
          tpu.wait_dma2 semaphore(%arg24 : memref<!tpu.dma_semaphore, #tpu.memory_space<semaphore_mem>>) src(%dma_wait3A_215 : memref<128xi32, #tpu.memory_space<hbm>>) dst(%arg12 : memref<128xi32, #tpu.memory_space<vmem>>)
          %dma_wait3A_216 = arith.constant 0 : i32
          %dma_wait3A_217 = tpu.memref_slice %arg4[%dma_wait3A_216] : memref<320000xi32, #tpu.memory_space<hbm>> -> memref<128xi32, #tpu.memory_space<hbm>>
          %dma_wait3A_218 = arith.constant 0 : i32
          %dma_wait3A_219 = tpu.memref_slice %arg4[%dma_wait3A_218] : memref<320000xi32, #tpu.memory_space<hbm>> -> memref<128xi32, #tpu.memory_space<hbm>>
          tpu.wait_dma2 semaphore(%arg24 : memref<!tpu.dma_semaphore, #tpu.memory_space<semaphore_mem>>) src(%dma_wait3A_219 : memref<128xi32, #tpu.memory_space<hbm>>) dst(%arg16 : memref<128xi32, #tpu.memory_space<vmem>>)
        } else {
        }
        %add3A_155 = arith.constant 1 : i32
        %add3A_156 = arith.addi %add3A_134, %add3A_155 : i32
        %mul3A_157 = arith.constant 16 : i32
        %mul3A_158 = arith.muli %add3A_156, %mul3A_157 : i32
        %add3A_159 = arith.addi %mul3A_158, %arg1 : i32
        %lt3A_160 = arith.constant 2500 : i32
        %lt3A_161 = arith.cmpi slt, %add3A_159, %lt3A_160 : i32
        %convert_element_type3A_162 = arith.extui %lt3A_161 : i1 to i32
        %cond3A_163 = arith.constant 0 : i32
        %cond3A_164 = arith.cmpi ne, %convert_element_type3A_162, %cond3A_163 : i32
        scf.if %cond3A_164 {
          %dma_start3A = arith.constant 0 : i32
          %dma_start3A_213 = arith.constant 0 : i32
          %dma_start3A_214 = tpu.memref_slice %arg2[%dma_start3A, %dma_start3A_213] : memref<10000x128xf32, #tpu.memory_space<hbm>> -> memref<10000x128xf32, #tpu.memory_space<hbm>>
          tpu.enqueue_indirect_dma source(%dma_start3A_214 : memref<10000x128xf32, #tpu.memory_space<hbm>>) target(%arg18 : memref<128x128xf32, #tpu.memory_space<vmem>>) offsets(%arg12 : memref<128xi32, #tpu.memory_space<vmem>>) semaphore(%arg20 : memref<!tpu.dma_semaphore, #tpu.memory_space<semaphore_mem>>)
        } else {
        }
        %mul3A_165 = arith.constant 16 : i32
        %mul3A_166 = arith.muli %add3A_134, %mul3A_165 : i32
        %add3A_167 = arith.addi %mul3A_166, %arg1 : i32
        %lt3A_168 = arith.constant 2500 : i32
        %lt3A_169 = arith.cmpi slt, %add3A_167, %lt3A_168 : i32
        %convert_element_type3A_170 = arith.extui %lt3A_169 : i1 to i32
        %cond3A_171 = arith.constant 0 : i32
        %cond3A_172 = arith.cmpi ne, %convert_element_type3A_170, %cond3A_171 : i32
        scf.if %cond3A_172 {
          %dma_wait3A = arith.constant 0 : i32
          %dma_wait3A_213 = arith.constant 0 : i32
          %dma_wait3A_214 = tpu.memref_slice %arg2[%dma_wait3A, %dma_wait3A_213] : memref<10000x128xf32, #tpu.memory_space<hbm>> -> memref<128x128xf32, #tpu.memory_space<hbm>>
          %dma_wait3A_215 = arith.constant 0 : i32
          %dma_wait3A_216 = arith.constant 0 : i32
          %dma_wait3A_217 = tpu.memref_slice %arg2[%dma_wait3A_215, %dma_wait3A_216] : memref<10000x128xf32, #tpu.memory_space<hbm>> -> memref<128x128xf32, #tpu.memory_space<hbm>>
          tpu.wait_dma2 semaphore(%arg19 : memref<!tpu.dma_semaphore, #tpu.memory_space<semaphore_mem>>) src(%dma_wait3A_217 : memref<128x128xf32, #tpu.memory_space<hbm>>) dst(%arg17 : memref<128x128xf32, #tpu.memory_space<vmem>>)
          "tpu.region"() ({
            %run_scoped3A = tpu.sem_alloc : memref<!tpu.dma_semaphore, #tpu.memory_space<semaphore_mem>>
            %dma_start3A = arith.constant 0 : i32
            %dma_start3A_218 = arith.constant 0 : i32
            %dma_start3A_219 = tpu.memref_slice %arg8[%dma_start3A, %dma_start3A_218] : memref<10000x128xf32, #tpu.memory_space<vmem_shared>> -> memref<10000x128xf32, #tpu.memory_space<vmem_shared>>
            tpu.enqueue_indirect_dma source(%arg17 : memref<128x128xf32, #tpu.memory_space<vmem>>) target(%dma_start3A_219 : memref<10000x128xf32, #tpu.memory_space<vmem_shared>>) offsets(%arg15 : memref<128xi32, #tpu.memory_space<vmem>>) semaphore(%run_scoped3A : memref<!tpu.dma_semaphore, #tpu.memory_space<semaphore_mem>>) {add = true}
            %dma_wait3A_220 = arith.constant 0 : i32
            %dma_wait3A_221 = arith.constant 0 : i32
            %dma_wait3A_222 = tpu.memref_slice %arg8[%dma_wait3A_220, %dma_wait3A_221] : memref<10000x128xf32, #tpu.memory_space<vmem_shared>> -> memref<10000x128xf32, #tpu.memory_space<vmem_shared>>
            tpu.wait_indirect_dma semaphore(%run_scoped3A : memref<!tpu.dma_semaphore, #tpu.memory_space<semaphore_mem>>) src(%arg17 : memref<128x128xf32, #tpu.memory_space<vmem>>) dst(%dma_wait3A_222 : memref<10000x128xf32, #tpu.memory_space<vmem_shared>>)
            tpu.yield
          }) : () -> ()
        } else {
        }
        %add3A_173 = arith.constant 3 : i32
        %add3A_174 = arith.addi %mul3A_52, %add3A_173 : i32
        %add3A_175 = arith.constant 2 : i32
        %add3A_176 = arith.addi %add3A_174, %add3A_175 : i32
        %mul3A_177 = arith.constant 16 : i32
        %mul3A_178 = arith.muli %add3A_176, %mul3A_177 : i32
        %add3A_179 = arith.addi %mul3A_178, %arg1 : i32
        %lt3A_180 = arith.constant 2500 : i32
        %lt3A_181 = arith.cmpi slt, %add3A_179, %lt3A_180 : i32
        %convert_element_type3A_182 = arith.extui %lt3A_181 : i1 to i32
        %cond3A_183 = arith.constant 0 : i32
        %cond3A_184 = arith.cmpi ne, %convert_element_type3A_182, %cond3A_183 : i32
        scf.if %cond3A_184 {
          %mul3A_213 = arith.constant 128 : i32
          %mul3A_214 = arith.muli %add3A_179, %mul3A_213 : i32
          %dma_start3A = tpu.memref_slice %arg4[%mul3A_214] : memref<320000xi32, #tpu.memory_space<hbm>> -> memref<128xi32, #tpu.memory_space<hbm>>
          %dma_start3A_215 = tpu.memref_slice %arg4[%mul3A_214] : memref<320000xi32, #tpu.memory_space<hbm>> -> memref<128xi32, #tpu.memory_space<hbm>>
          tpu.enqueue_dma source(%dma_start3A_215 : memref<128xi32, #tpu.memory_space<hbm>>) target(%arg10 : memref<128xi32, #tpu.memory_space<vmem>>) target_semaphore(%arg22 : memref<!tpu.dma_semaphore, #tpu.memory_space<semaphore_mem>>)
          %mul3A_216 = arith.constant 128 : i32
          %mul3A_217 = arith.muli %add3A_179, %mul3A_216 : i32
          %dma_start3A_218 = tpu.memref_slice %arg5[%mul3A_217] : memref<320000xi32, #tpu.memory_space<hbm>> -> memref<128xi32, #tpu.memory_space<hbm>>
          %dma_start3A_219 = tpu.memref_slice %arg5[%mul3A_217] : memref<320000xi32, #tpu.memory_space<hbm>> -> memref<128xi32, #tpu.memory_space<hbm>>
          tpu.enqueue_dma source(%dma_start3A_219 : memref<128xi32, #tpu.memory_space<hbm>>) target(%arg14 : memref<128xi32, #tpu.memory_space<vmem>>) target_semaphore(%arg22 : memref<!tpu.dma_semaphore, #tpu.memory_space<semaphore_mem>>)
        } else {
        }
        %add3A_185 = arith.constant 1 : i32
        %add3A_186 = arith.addi %add3A_174, %add3A_185 : i32
        %mul3A_187 = arith.constant 16 : i32
        %mul3A_188 = arith.muli %add3A_186, %mul3A_187 : i32
        %add3A_189 = arith.addi %mul3A_188, %arg1 : i32
        %lt3A_190 = arith.constant 2500 : i32
        %lt3A_191 = arith.cmpi slt, %add3A_189, %lt3A_190 : i32
        %convert_element_type3A_192 = arith.extui %lt3A_191 : i1 to i32
        %cond3A_193 = arith.constant 0 : i32
        %cond3A_194 = arith.cmpi ne, %convert_element_type3A_192, %cond3A_193 : i32
        scf.if %cond3A_194 {
          %dma_wait3A = arith.constant 0 : i32
          %dma_wait3A_213 = tpu.memref_slice %arg4[%dma_wait3A] : memref<320000xi32, #tpu.memory_space<hbm>> -> memref<128xi32, #tpu.memory_space<hbm>>
          %dma_wait3A_214 = arith.constant 0 : i32
          %dma_wait3A_215 = tpu.memref_slice %arg4[%dma_wait3A_214] : memref<320000xi32, #tpu.memory_space<hbm>> -> memref<128xi32, #tpu.memory_space<hbm>>
          tpu.wait_dma2 semaphore(%arg21 : memref<!tpu.dma_semaphore, #tpu.memory_space<semaphore_mem>>) src(%dma_wait3A_215 : memref<128xi32, #tpu.memory_space<hbm>>) dst(%arg9 : memref<128xi32, #tpu.memory_space<vmem>>)
          %dma_wait3A_216 = arith.constant 0 : i32
          %dma_wait3A_217 = tpu.memref_slice %arg4[%dma_wait3A_216] : memref<320000xi32, #tpu.memory_space<hbm>> -> memref<128xi32, #tpu.memory_space<hbm>>
          %dma_wait3A_218 = arith.constant 0 : i32
          %dma_wait3A_219 = tpu.memref_slice %arg4[%dma_wait3A_218] : memref<320000xi32, #tpu.memory_space<hbm>> -> memref<128xi32, #tpu.memory_space<hbm>>
          tpu.wait_dma2 semaphore(%arg21 : memref<!tpu.dma_semaphore, #tpu.memory_space<semaphore_mem>>) src(%dma_wait3A_219 : memref<128xi32, #tpu.memory_space<hbm>>) dst(%arg13 : memref<128xi32, #tpu.memory_space<vmem>>)
        } else {
        }
        %add3A_195 = arith.constant 1 : i32
        %add3A_196 = arith.addi %add3A_174, %add3A_195 : i32
        %mul3A_197 = arith.constant 16 : i32
        %mul3A_198 = arith.muli %add3A_196, %mul3A_197 : i32
        %add3A_199 = arith.addi %mul3A_198, %arg1 : i32
        %lt3A_200 = arith.constant 2500 : i32
        %lt3A_201 = arith.cmpi slt, %add3A_199, %lt3A_200 : i32
        %convert_element_type3A_202 = arith.extui %lt3A_201 : i1 to i32
        %cond3A_203 = arith.constant 0 : i32
        %cond3A_204 = arith.cmpi ne, %convert_element_type3A_202, %cond3A_203 : i32
        scf.if %cond3A_204 {
          %dma_start3A = arith.constant 0 : i32
          %dma_start3A_213 = arith.constant 0 : i32
          %dma_start3A_214 = tpu.memref_slice %arg2[%dma_start3A, %dma_start3A_213] : memref<10000x128xf32, #tpu.memory_space<hbm>> -> memref<10000x128xf32, #tpu.memory_space<hbm>>
          tpu.enqueue_indirect_dma source(%dma_start3A_214 : memref<10000x128xf32, #tpu.memory_space<hbm>>) target(%arg17 : memref<128x128xf32, #tpu.memory_space<vmem>>) offsets(%arg9 : memref<128xi32, #tpu.memory_space<vmem>>) semaphore(%arg19 : memref<!tpu.dma_semaphore, #tpu.memory_space<semaphore_mem>>)
        } else {
        }
        %mul3A_205 = arith.constant 16 : i32
        %mul3A_206 = arith.muli %add3A_174, %mul3A_205 : i32
        %add3A_207 = arith.addi %mul3A_206, %arg1 : i32
        %lt3A_208 = arith.constant 2500 : i32
        %lt3A_209 = arith.cmpi slt, %add3A_207, %lt3A_208 : i32
        %convert_element_type3A_210 = arith.extui %lt3A_209 : i1 to i32
        %cond3A_211 = arith.constant 0 : i32
        %cond3A_212 = arith.cmpi ne, %convert_element_type3A_210, %cond3A_211 : i32
        scf.if %cond3A_212 {
          %dma_wait3A = arith.constant 0 : i32
          %dma_wait3A_213 = arith.constant 0 : i32
          %dma_wait3A_214 = tpu.memref_slice %arg2[%dma_wait3A, %dma_wait3A_213] : memref<10000x128xf32, #tpu.memory_space<hbm>> -> memref<128x128xf32, #tpu.memory_space<hbm>>
          %dma_wait3A_215 = arith.constant 0 : i32
          %dma_wait3A_216 = arith.constant 0 : i32
          %dma_wait3A_217 = tpu.memref_slice %arg2[%dma_wait3A_215, %dma_wait3A_216] : memref<10000x128xf32, #tpu.memory_space<hbm>> -> memref<128x128xf32, #tpu.memory_space<hbm>>
          tpu.wait_dma2 semaphore(%arg20 : memref<!tpu.dma_semaphore, #tpu.memory_space<semaphore_mem>>) src(%dma_wait3A_217 : memref<128x128xf32, #tpu.memory_space<hbm>>) dst(%arg18 : memref<128x128xf32, #tpu.memory_space<vmem>>)
          "tpu.region"() ({
            %run_scoped3A = tpu.sem_alloc : memref<!tpu.dma_semaphore, #tpu.memory_space<semaphore_mem>>
            %dma_start3A = arith.constant 0 : i32
            %dma_start3A_218 = arith.constant 0 : i32
            %dma_start3A_219 = tpu.memref_slice %arg8[%dma_start3A, %dma_start3A_218] : memref<10000x128xf32, #tpu.memory_space<vmem_shared>> -> memref<10000x128xf32, #tpu.memory_space<vmem_shared>>
            tpu.enqueue_indirect_dma source(%arg18 : memref<128x128xf32, #tpu.memory_space<vmem>>) target(%dma_start3A_219 : memref<10000x128xf32, #tpu.memory_space<vmem_shared>>) offsets(%arg16 : memref<128xi32, #tpu.memory_space<vmem>>) semaphore(%run_scoped3A : memref<!tpu.dma_semaphore, #tpu.memory_space<semaphore_mem>>) {add = true}
            %dma_wait3A_220 = arith.constant 0 : i32
            %dma_wait3A_221 = arith.constant 0 : i32
            %dma_wait3A_222 = tpu.memref_slice %arg8[%dma_wait3A_220, %dma_wait3A_221] : memref<10000x128xf32, #tpu.memory_space<vmem_shared>> -> memref<10000x128xf32, #tpu.memory_space<vmem_shared>>
            tpu.wait_indirect_dma semaphore(%run_scoped3A : memref<!tpu.dma_semaphore, #tpu.memory_space<semaphore_mem>>) src(%arg18 : memref<128x128xf32, #tpu.memory_space<vmem>>) dst(%dma_wait3A_222 : memref<10000x128xf32, #tpu.memory_space<vmem_shared>>)
            tpu.yield
          }) : () -> ()
        } else {
        }
      }
      %scan3A_43 = arith.constant 40 : i32
      %barrier3A_44 = arith.constant 0 : index
      tpu.barrier barrier_id(%barrier3A_44)
      %scan3A_45 = arith.constant 0 : i32
      %scan3A_46 = arith.constant 0 : i32
      %scan3A_47 = arith.constant 8 : i32
      %scan3A_48 = arith.addi %scan3A_46, %scan3A_47 : i32
      %scan3A_49 = arith.constant 1 : i32
      scf.for %scan3A_51 = %scan3A_46 to %scan3A_48 step %scan3A_49  : i32 {
        %mul3A = arith.constant 16 : i32
        %mul3A_52 = arith.muli %scan3A_51, %mul3A : i32
        %add3A_53 = arith.addi %mul3A_52, %arg1 : i32
        %lt3A_54 = arith.constant 125 : i32
        %lt3A_55 = arith.cmpi slt, %add3A_53, %lt3A_54 : i32
        %convert_element_type3A_56 = arith.extui %lt3A_55 : i1 to i32
        %cond3A_57 = arith.constant 0 : i32
        %cond3A_58 = arith.cmpi ne, %convert_element_type3A_56, %cond3A_57 : i32
        scf.if %cond3A_58 {
          %mul3A_59 = arith.constant 80 : i32
          %mul3A_60 = arith.muli %add3A_53, %mul3A_59 : i32
          %mul3A_61 = arith.constant 80 : i32
          %mul3A_62 = arith.muli %add3A_53, %mul3A_61 : i32
          "tpu.region"() ({
            %run_scoped3A = tpu.sem_alloc : memref<!tpu.dma_semaphore, #tpu.memory_space<semaphore_mem>>
            %dma_start3A = arith.constant 0 : i32
            %dma_start3A_63 = tpu.memref_slice %arg6[%mul3A_62, %dma_start3A] : memref<10000x128xf32, #tpu.memory_space<hbm>> -> memref<80x128xf32, #tpu.memory_space<hbm>>
            %dma_start3A_64 = arith.constant 0 : i32
            %dma_start3A_65 = tpu.memref_slice %arg8[%mul3A_60, %dma_start3A_64] : memref<10000x128xf32, #tpu.memory_space<vmem_shared>> -> memref<80x128xf32, #tpu.memory_space<vmem_shared>>
            tpu.enqueue_dma source(%dma_start3A_65 : memref<80x128xf32, #tpu.memory_space<vmem_shared>>) target(%dma_start3A_63 : memref<80x128xf32, #tpu.memory_space<hbm>>) target_semaphore(%run_scoped3A : memref<!tpu.dma_semaphore, #tpu.memory_space<semaphore_mem>>)
            %dma_wait3A = arith.constant 0 : i32
            %dma_wait3A_66 = tpu.memref_slice %arg6[%mul3A_62, %dma_wait3A] : memref<10000x128xf32, #tpu.memory_space<hbm>> -> memref<80x128xf32, #tpu.memory_space<hbm>>
            %dma_wait3A_67 = arith.constant 0 : i32
            %dma_wait3A_68 = tpu.memref_slice %arg8[%mul3A_60, %dma_wait3A_67] : memref<10000x128xf32, #tpu.memory_space<vmem_shared>> -> memref<80x128xf32, #tpu.memory_space<vmem_shared>>
            tpu.wait_dma2 semaphore(%run_scoped3A : memref<!tpu.dma_semaphore, #tpu.memory_space<semaphore_mem>>) src(%dma_wait3A_68 : memref<80x128xf32, #tpu.memory_space<vmem_shared>>) dst(%dma_wait3A_66 : memref<80x128xf32, #tpu.memory_space<hbm>>)
            tpu.yield
          }) : () -> ()
        } else {
        }
      }
      %scan3A_50 = arith.constant 8 : i32
    } else {
    }
    %eq3A_2 = arith.constant 1 : i32
    %eq3A_3 = arith.cmpi eq, %arg0, %eq3A_2 : i32
    %convert_element_type3A_4 = arith.extui %eq3A_3 : i1 to i32
    %cond3A_5 = arith.constant 0 : i32
    %cond3A_6 = arith.cmpi ne, %convert_element_type3A_4, %cond3A_5 : i32
    scf.if %cond3A_6 {
      %scan3A = arith.constant 0 : i32
      %scan3A_7 = arith.constant 0 : i32
      %scan3A_8 = arith.constant 8 : i32
      %scan3A_9 = arith.addi %scan3A_7, %scan3A_8 : i32
      %scan3A_10 = arith.constant 1 : i32
      scf.for %scan3A_51 = %scan3A_7 to %scan3A_9 step %scan3A_10  : i32 {
        %mul3A = arith.constant 16 : i32
        %mul3A_52 = arith.muli %scan3A_51, %mul3A : i32
        %add3A_53 = arith.addi %mul3A_52, %arg1 : i32
        %lt3A_54 = arith.constant 125 : i32
        %lt3A_55 = arith.cmpi slt, %add3A_53, %lt3A_54 : i32
        %convert_element_type3A_56 = arith.extui %lt3A_55 : i1 to i32
        %cond3A_57 = arith.constant 0 : i32
        %cond3A_58 = arith.cmpi ne, %convert_element_type3A_56, %cond3A_57 : i32
        scf.if %cond3A_58 {
          %mul3A_59 = arith.constant 80 : i32
          %mul3A_60 = arith.muli %add3A_53, %mul3A_59 : i32
          %mul3A_61 = arith.constant 80 : i32
          %mul3A_62 = arith.muli %add3A_53, %mul3A_61 : i32
          "tpu.region"() ({
            %run_scoped3A = tpu.sem_alloc : memref<!tpu.dma_semaphore, #tpu.memory_space<semaphore_mem>>
            %dma_start3A = arith.constant 0 : i32
            %dma_start3A_63 = tpu.memref_slice %arg8[%mul3A_62, %dma_start3A] : memref<10000x128xf32, #tpu.memory_space<vmem_shared>> -> memref<80x128xf32, #tpu.memory_space<vmem_shared>>
            %dma_start3A_64 = arith.constant 0 : i32
            %dma_start3A_65 = tpu.memref_slice %arg3[%mul3A_60, %dma_start3A_64] : memref<10000x128xf32, #tpu.memory_space<hbm>> -> memref<80x128xf32, #tpu.memory_space<hbm>>
            tpu.enqueue_dma source(%dma_start3A_65 : memref<80x128xf32, #tpu.memory_space<hbm>>) target(%dma_start3A_63 : memref<80x128xf32, #tpu.memory_space<vmem_shared>>) target_semaphore(%run_scoped3A : memref<!tpu.dma_semaphore, #tpu.memory_space<semaphore_mem>>)
            %dma_wait3A = arith.constant 0 : i32
            %dma_wait3A_66 = tpu.memref_slice %arg8[%mul3A_62, %dma_wait3A] : memref<10000x128xf32, #tpu.memory_space<vmem_shared>> -> memref<80x128xf32, #tpu.memory_space<vmem_shared>>
            %dma_wait3A_67 = arith.constant 0 : i32
            %dma_wait3A_68 = tpu.memref_slice %arg3[%mul3A_60, %dma_wait3A_67] : memref<10000x128xf32, #tpu.memory_space<hbm>> -> memref<80x128xf32, #tpu.memory_space<hbm>>
            tpu.wait_dma2 semaphore(%run_scoped3A : memref<!tpu.dma_semaphore, #tpu.memory_space<semaphore_mem>>) src(%dma_wait3A_68 : memref<80x128xf32, #tpu.memory_space<hbm>>) dst(%dma_wait3A_66 : memref<80x128xf32, #tpu.memory_space<vmem_shared>>)
            tpu.yield
          }) : () -> ()
        } else {
        }
      }
      %scan3A_11 = arith.constant 8 : i32
      %barrier3A = arith.constant 0 : index
      tpu.barrier barrier_id(%barrier3A)
      %add3A = arith.constant 0 : i32
      %add3A_12 = arith.addi %add3A, %arg1 : i32
      %lt3A = arith.constant 2500 : i32
      %lt3A_13 = arith.cmpi slt, %add3A_12, %lt3A : i32
      %convert_element_type3A_14 = arith.extui %lt3A_13 : i1 to i32
      %cond3A_15 = arith.constant 0 : i32
      %cond3A_16 = arith.cmpi ne, %convert_element_type3A_14, %cond3A_15 : i32
      scf.if %cond3A_16 {
        %mul3A = arith.constant 128 : i32
        %mul3A_51 = arith.muli %add3A_12, %mul3A : i32
        %dma_start3A = tpu.memref_slice %arg4[%mul3A_51] : memref<320000xi32, #tpu.memory_space<hbm>> -> memref<128xi32, #tpu.memory_space<hbm>>
        %dma_start3A_52 = tpu.memref_slice %arg4[%mul3A_51] : memref<320000xi32, #tpu.memory_space<hbm>> -> memref<128xi32, #tpu.memory_space<hbm>>
        tpu.enqueue_dma source(%dma_start3A_52 : memref<128xi32, #tpu.memory_space<hbm>>) target(%arg9 : memref<128xi32, #tpu.memory_space<vmem>>) target_semaphore(%arg21 : memref<!tpu.dma_semaphore, #tpu.memory_space<semaphore_mem>>)
        %mul3A_53 = arith.constant 128 : i32
        %mul3A_54 = arith.muli %add3A_12, %mul3A_53 : i32
        %dma_start3A_55 = tpu.memref_slice %arg5[%mul3A_54] : memref<320000xi32, #tpu.memory_space<hbm>> -> memref<128xi32, #tpu.memory_space<hbm>>
        %dma_start3A_56 = tpu.memref_slice %arg5[%mul3A_54] : memref<320000xi32, #tpu.memory_space<hbm>> -> memref<128xi32, #tpu.memory_space<hbm>>
        tpu.enqueue_dma source(%dma_start3A_56 : memref<128xi32, #tpu.memory_space<hbm>>) target(%arg13 : memref<128xi32, #tpu.memory_space<vmem>>) target_semaphore(%arg21 : memref<!tpu.dma_semaphore, #tpu.memory_space<semaphore_mem>>)
      } else {
      }
      %add3A_17 = arith.constant 16 : i32
      %add3A_18 = arith.addi %add3A_17, %arg1 : i32
      %lt3A_19 = arith.constant 2500 : i32
      %lt3A_20 = arith.cmpi slt, %add3A_18, %lt3A_19 : i32
      %convert_element_type3A_21 = arith.extui %lt3A_20 : i1 to i32
      %cond3A_22 = arith.constant 0 : i32
      %cond3A_23 = arith.cmpi ne, %convert_element_type3A_21, %cond3A_22 : i32
      scf.if %cond3A_23 {
        %mul3A = arith.constant 128 : i32
        %mul3A_51 = arith.muli %add3A_18, %mul3A : i32
        %dma_start3A = tpu.memref_slice %arg4[%mul3A_51] : memref<320000xi32, #tpu.memory_space<hbm>> -> memref<128xi32, #tpu.memory_space<hbm>>
        %dma_start3A_52 = tpu.memref_slice %arg4[%mul3A_51] : memref<320000xi32, #tpu.memory_space<hbm>> -> memref<128xi32, #tpu.memory_space<hbm>>
        tpu.enqueue_dma source(%dma_start3A_52 : memref<128xi32, #tpu.memory_space<hbm>>) target(%arg10 : memref<128xi32, #tpu.memory_space<vmem>>) target_semaphore(%arg22 : memref<!tpu.dma_semaphore, #tpu.memory_space<semaphore_mem>>)
        %mul3A_53 = arith.constant 128 : i32
        %mul3A_54 = arith.muli %add3A_18, %mul3A_53 : i32
        %dma_start3A_55 = tpu.memref_slice %arg5[%mul3A_54] : memref<320000xi32, #tpu.memory_space<hbm>> -> memref<128xi32, #tpu.memory_space<hbm>>
        %dma_start3A_56 = tpu.memref_slice %arg5[%mul3A_54] : memref<320000xi32, #tpu.memory_space<hbm>> -> memref<128xi32, #tpu.memory_space<hbm>>
        tpu.enqueue_dma source(%dma_start3A_56 : memref<128xi32, #tpu.memory_space<hbm>>) target(%arg14 : memref<128xi32, #tpu.memory_space<vmem>>) target_semaphore(%arg22 : memref<!tpu.dma_semaphore, #tpu.memory_space<semaphore_mem>>)
      } else {
      }
      %add3A_24 = arith.constant 0 : i32
      %add3A_25 = arith.addi %add3A_24, %arg1 : i32
      %lt3A_26 = arith.constant 2500 : i32
      %lt3A_27 = arith.cmpi slt, %add3A_25, %lt3A_26 : i32
      %convert_element_type3A_28 = arith.extui %lt3A_27 : i1 to i32
      %cond3A_29 = arith.constant 0 : i32
      %cond3A_30 = arith.cmpi ne, %convert_element_type3A_28, %cond3A_29 : i32
      scf.if %cond3A_30 {
        %dma_wait3A = arith.constant 0 : i32
        %dma_wait3A_51 = tpu.memref_slice %arg4[%dma_wait3A] : memref<320000xi32, #tpu.memory_space<hbm>> -> memref<128xi32, #tpu.memory_space<hbm>>
        %dma_wait3A_52 = arith.constant 0 : i32
        %dma_wait3A_53 = tpu.memref_slice %arg4[%dma_wait3A_52] : memref<320000xi32, #tpu.memory_space<hbm>> -> memref<128xi32, #tpu.memory_space<hbm>>
        tpu.wait_dma2 semaphore(%arg21 : memref<!tpu.dma_semaphore, #tpu.memory_space<semaphore_mem>>) src(%dma_wait3A_53 : memref<128xi32, #tpu.memory_space<hbm>>) dst(%arg9 : memref<128xi32, #tpu.memory_space<vmem>>)
        %dma_wait3A_54 = arith.constant 0 : i32
        %dma_wait3A_55 = tpu.memref_slice %arg4[%dma_wait3A_54] : memref<320000xi32, #tpu.memory_space<hbm>> -> memref<128xi32, #tpu.memory_space<hbm>>
        %dma_wait3A_56 = arith.constant 0 : i32
        %dma_wait3A_57 = tpu.memref_slice %arg4[%dma_wait3A_56] : memref<320000xi32, #tpu.memory_space<hbm>> -> memref<128xi32, #tpu.memory_space<hbm>>
        tpu.wait_dma2 semaphore(%arg21 : memref<!tpu.dma_semaphore, #tpu.memory_space<semaphore_mem>>) src(%dma_wait3A_57 : memref<128xi32, #tpu.memory_space<hbm>>) dst(%arg13 : memref<128xi32, #tpu.memory_space<vmem>>)
      } else {
      }
      %add3A_31 = arith.constant 0 : i32
      %add3A_32 = arith.addi %add3A_31, %arg1 : i32
      %lt3A_33 = arith.constant 2500 : i32
      %lt3A_34 = arith.cmpi slt, %add3A_32, %lt3A_33 : i32
      %convert_element_type3A_35 = arith.extui %lt3A_34 : i1 to i32
      %cond3A_36 = arith.constant 0 : i32
      %cond3A_37 = arith.cmpi ne, %convert_element_type3A_35, %cond3A_36 : i32
      scf.if %cond3A_37 {
        %dma_start3A = arith.constant 0 : i32
        %dma_start3A_51 = arith.constant 0 : i32
        %dma_start3A_52 = tpu.memref_slice %arg3[%dma_start3A, %dma_start3A_51] : memref<10000x128xf32, #tpu.memory_space<hbm>> -> memref<10000x128xf32, #tpu.memory_space<hbm>>
        tpu.enqueue_indirect_dma source(%dma_start3A_52 : memref<10000x128xf32, #tpu.memory_space<hbm>>) target(%arg17 : memref<128x128xf32, #tpu.memory_space<vmem>>) offsets(%arg9 : memref<128xi32, #tpu.memory_space<vmem>>) semaphore(%arg19 : memref<!tpu.dma_semaphore, #tpu.memory_space<semaphore_mem>>)
      } else {
      }
      %scan3A_38 = arith.constant 0 : i32
      %scan3A_39 = arith.constant 0 : i32
      %scan3A_40 = arith.constant 40 : i32
      %scan3A_41 = arith.addi %scan3A_39, %scan3A_40 : i32
      %scan3A_42 = arith.constant 1 : i32
      scf.for %scan3A_51 = %scan3A_39 to %scan3A_41 step %scan3A_42  : i32 {
        %mul3A = arith.constant 4 : i32
        %mul3A_52 = arith.muli %scan3A_51, %mul3A : i32
        %add3A_53 = arith.constant 0 : i32
        %add3A_54 = arith.addi %mul3A_52, %add3A_53 : i32
        %add3A_55 = arith.constant 2 : i32
        %add3A_56 = arith.addi %add3A_54, %add3A_55 : i32
        %mul3A_57 = arith.constant 16 : i32
        %mul3A_58 = arith.muli %add3A_56, %mul3A_57 : i32
        %add3A_59 = arith.addi %mul3A_58, %arg1 : i32
        %lt3A_60 = arith.constant 2500 : i32
        %lt3A_61 = arith.cmpi slt, %add3A_59, %lt3A_60 : i32
        %convert_element_type3A_62 = arith.extui %lt3A_61 : i1 to i32
        %cond3A_63 = arith.constant 0 : i32
        %cond3A_64 = arith.cmpi ne, %convert_element_type3A_62, %cond3A_63 : i32
        scf.if %cond3A_64 {
          %mul3A_213 = arith.constant 128 : i32
          %mul3A_214 = arith.muli %add3A_59, %mul3A_213 : i32
          %dma_start3A = tpu.memref_slice %arg4[%mul3A_214] : memref<320000xi32, #tpu.memory_space<hbm>> -> memref<128xi32, #tpu.memory_space<hbm>>
          %dma_start3A_215 = tpu.memref_slice %arg4[%mul3A_214] : memref<320000xi32, #tpu.memory_space<hbm>> -> memref<128xi32, #tpu.memory_space<hbm>>
          tpu.enqueue_dma source(%dma_start3A_215 : memref<128xi32, #tpu.memory_space<hbm>>) target(%arg11 : memref<128xi32, #tpu.memory_space<vmem>>) target_semaphore(%arg23 : memref<!tpu.dma_semaphore, #tpu.memory_space<semaphore_mem>>)
          %mul3A_216 = arith.constant 128 : i32
          %mul3A_217 = arith.muli %add3A_59, %mul3A_216 : i32
          %dma_start3A_218 = tpu.memref_slice %arg5[%mul3A_217] : memref<320000xi32, #tpu.memory_space<hbm>> -> memref<128xi32, #tpu.memory_space<hbm>>
          %dma_start3A_219 = tpu.memref_slice %arg5[%mul3A_217] : memref<320000xi32, #tpu.memory_space<hbm>> -> memref<128xi32, #tpu.memory_space<hbm>>
          tpu.enqueue_dma source(%dma_start3A_219 : memref<128xi32, #tpu.memory_space<hbm>>) target(%arg15 : memref<128xi32, #tpu.memory_space<vmem>>) target_semaphore(%arg23 : memref<!tpu.dma_semaphore, #tpu.memory_space<semaphore_mem>>)
        } else {
        }
        %add3A_65 = arith.constant 1 : i32
        %add3A_66 = arith.addi %add3A_54, %add3A_65 : i32
        %mul3A_67 = arith.constant 16 : i32
        %mul3A_68 = arith.muli %add3A_66, %mul3A_67 : i32
        %add3A_69 = arith.addi %mul3A_68, %arg1 : i32
        %lt3A_70 = arith.constant 2500 : i32
        %lt3A_71 = arith.cmpi slt, %add3A_69, %lt3A_70 : i32
        %convert_element_type3A_72 = arith.extui %lt3A_71 : i1 to i32
        %cond3A_73 = arith.constant 0 : i32
        %cond3A_74 = arith.cmpi ne, %convert_element_type3A_72, %cond3A_73 : i32
        scf.if %cond3A_74 {
          %dma_wait3A = arith.constant 0 : i32
          %dma_wait3A_213 = tpu.memref_slice %arg4[%dma_wait3A] : memref<320000xi32, #tpu.memory_space<hbm>> -> memref<128xi32, #tpu.memory_space<hbm>>
          %dma_wait3A_214 = arith.constant 0 : i32
          %dma_wait3A_215 = tpu.memref_slice %arg4[%dma_wait3A_214] : memref<320000xi32, #tpu.memory_space<hbm>> -> memref<128xi32, #tpu.memory_space<hbm>>
          tpu.wait_dma2 semaphore(%arg22 : memref<!tpu.dma_semaphore, #tpu.memory_space<semaphore_mem>>) src(%dma_wait3A_215 : memref<128xi32, #tpu.memory_space<hbm>>) dst(%arg10 : memref<128xi32, #tpu.memory_space<vmem>>)
          %dma_wait3A_216 = arith.constant 0 : i32
          %dma_wait3A_217 = tpu.memref_slice %arg4[%dma_wait3A_216] : memref<320000xi32, #tpu.memory_space<hbm>> -> memref<128xi32, #tpu.memory_space<hbm>>
          %dma_wait3A_218 = arith.constant 0 : i32
          %dma_wait3A_219 = tpu.memref_slice %arg4[%dma_wait3A_218] : memref<320000xi32, #tpu.memory_space<hbm>> -> memref<128xi32, #tpu.memory_space<hbm>>
          tpu.wait_dma2 semaphore(%arg22 : memref<!tpu.dma_semaphore, #tpu.memory_space<semaphore_mem>>) src(%dma_wait3A_219 : memref<128xi32, #tpu.memory_space<hbm>>) dst(%arg14 : memref<128xi32, #tpu.memory_space<vmem>>)
        } else {
        }
        %add3A_75 = arith.constant 1 : i32
        %add3A_76 = arith.addi %add3A_54, %add3A_75 : i32
        %mul3A_77 = arith.constant 16 : i32
        %mul3A_78 = arith.muli %add3A_76, %mul3A_77 : i32
        %add3A_79 = arith.addi %mul3A_78, %arg1 : i32
        %lt3A_80 = arith.constant 2500 : i32
        %lt3A_81 = arith.cmpi slt, %add3A_79, %lt3A_80 : i32
        %convert_element_type3A_82 = arith.extui %lt3A_81 : i1 to i32
        %cond3A_83 = arith.constant 0 : i32
        %cond3A_84 = arith.cmpi ne, %convert_element_type3A_82, %cond3A_83 : i32
        scf.if %cond3A_84 {
          %dma_start3A = arith.constant 0 : i32
          %dma_start3A_213 = arith.constant 0 : i32
          %dma_start3A_214 = tpu.memref_slice %arg3[%dma_start3A, %dma_start3A_213] : memref<10000x128xf32, #tpu.memory_space<hbm>> -> memref<10000x128xf32, #tpu.memory_space<hbm>>
          tpu.enqueue_indirect_dma source(%dma_start3A_214 : memref<10000x128xf32, #tpu.memory_space<hbm>>) target(%arg18 : memref<128x128xf32, #tpu.memory_space<vmem>>) offsets(%arg10 : memref<128xi32, #tpu.memory_space<vmem>>) semaphore(%arg20 : memref<!tpu.dma_semaphore, #tpu.memory_space<semaphore_mem>>)
        } else {
        }
        %mul3A_85 = arith.constant 16 : i32
        %mul3A_86 = arith.muli %add3A_54, %mul3A_85 : i32
        %add3A_87 = arith.addi %mul3A_86, %arg1 : i32
        %lt3A_88 = arith.constant 2500 : i32
        %lt3A_89 = arith.cmpi slt, %add3A_87, %lt3A_88 : i32
        %convert_element_type3A_90 = arith.extui %lt3A_89 : i1 to i32
        %cond3A_91 = arith.constant 0 : i32
        %cond3A_92 = arith.cmpi ne, %convert_element_type3A_90, %cond3A_91 : i32
        scf.if %cond3A_92 {
          %dma_wait3A = arith.constant 0 : i32
          %dma_wait3A_213 = arith.constant 0 : i32
          %dma_wait3A_214 = tpu.memref_slice %arg3[%dma_wait3A, %dma_wait3A_213] : memref<10000x128xf32, #tpu.memory_space<hbm>> -> memref<128x128xf32, #tpu.memory_space<hbm>>
          %dma_wait3A_215 = arith.constant 0 : i32
          %dma_wait3A_216 = arith.constant 0 : i32
          %dma_wait3A_217 = tpu.memref_slice %arg3[%dma_wait3A_215, %dma_wait3A_216] : memref<10000x128xf32, #tpu.memory_space<hbm>> -> memref<128x128xf32, #tpu.memory_space<hbm>>
          tpu.wait_dma2 semaphore(%arg19 : memref<!tpu.dma_semaphore, #tpu.memory_space<semaphore_mem>>) src(%dma_wait3A_217 : memref<128x128xf32, #tpu.memory_space<hbm>>) dst(%arg17 : memref<128x128xf32, #tpu.memory_space<vmem>>)
          "tpu.region"() ({
            %run_scoped3A = tpu.sem_alloc : memref<!tpu.dma_semaphore, #tpu.memory_space<semaphore_mem>>
            %dma_start3A = arith.constant 0 : i32
            %dma_start3A_218 = arith.constant 0 : i32
            %dma_start3A_219 = tpu.memref_slice %arg8[%dma_start3A, %dma_start3A_218] : memref<10000x128xf32, #tpu.memory_space<vmem_shared>> -> memref<10000x128xf32, #tpu.memory_space<vmem_shared>>
            tpu.enqueue_indirect_dma source(%arg17 : memref<128x128xf32, #tpu.memory_space<vmem>>) target(%dma_start3A_219 : memref<10000x128xf32, #tpu.memory_space<vmem_shared>>) offsets(%arg13 : memref<128xi32, #tpu.memory_space<vmem>>) semaphore(%run_scoped3A : memref<!tpu.dma_semaphore, #tpu.memory_space<semaphore_mem>>) {add = true}
            %dma_wait3A_220 = arith.constant 0 : i32
            %dma_wait3A_221 = arith.constant 0 : i32
            %dma_wait3A_222 = tpu.memref_slice %arg8[%dma_wait3A_220, %dma_wait3A_221] : memref<10000x128xf32, #tpu.memory_space<vmem_shared>> -> memref<10000x128xf32, #tpu.memory_space<vmem_shared>>
            tpu.wait_indirect_dma semaphore(%run_scoped3A : memref<!tpu.dma_semaphore, #tpu.memory_space<semaphore_mem>>) src(%arg17 : memref<128x128xf32, #tpu.memory_space<vmem>>) dst(%dma_wait3A_222 : memref<10000x128xf32, #tpu.memory_space<vmem_shared>>)
            tpu.yield
          }) : () -> ()
        } else {
        }
        %add3A_93 = arith.constant 1 : i32
        %add3A_94 = arith.addi %mul3A_52, %add3A_93 : i32
        %add3A_95 = arith.constant 2 : i32
        %add3A_96 = arith.addi %add3A_94, %add3A_95 : i32
        %mul3A_97 = arith.constant 16 : i32
        %mul3A_98 = arith.muli %add3A_96, %mul3A_97 : i32
        %add3A_99 = arith.addi %mul3A_98, %arg1 : i32
        %lt3A_100 = arith.constant 2500 : i32
        %lt3A_101 = arith.cmpi slt, %add3A_99, %lt3A_100 : i32
        %convert_element_type3A_102 = arith.extui %lt3A_101 : i1 to i32
        %cond3A_103 = arith.constant 0 : i32
        %cond3A_104 = arith.cmpi ne, %convert_element_type3A_102, %cond3A_103 : i32
        scf.if %cond3A_104 {
          %mul3A_213 = arith.constant 128 : i32
          %mul3A_214 = arith.muli %add3A_99, %mul3A_213 : i32
          %dma_start3A = tpu.memref_slice %arg4[%mul3A_214] : memref<320000xi32, #tpu.memory_space<hbm>> -> memref<128xi32, #tpu.memory_space<hbm>>
          %dma_start3A_215 = tpu.memref_slice %arg4[%mul3A_214] : memref<320000xi32, #tpu.memory_space<hbm>> -> memref<128xi32, #tpu.memory_space<hbm>>
          tpu.enqueue_dma source(%dma_start3A_215 : memref<128xi32, #tpu.memory_space<hbm>>) target(%arg12 : memref<128xi32, #tpu.memory_space<vmem>>) target_semaphore(%arg24 : memref<!tpu.dma_semaphore, #tpu.memory_space<semaphore_mem>>)
          %mul3A_216 = arith.constant 128 : i32
          %mul3A_217 = arith.muli %add3A_99, %mul3A_216 : i32
          %dma_start3A_218 = tpu.memref_slice %arg5[%mul3A_217] : memref<320000xi32, #tpu.memory_space<hbm>> -> memref<128xi32, #tpu.memory_space<hbm>>
          %dma_start3A_219 = tpu.memref_slice %arg5[%mul3A_217] : memref<320000xi32, #tpu.memory_space<hbm>> -> memref<128xi32, #tpu.memory_space<hbm>>
          tpu.enqueue_dma source(%dma_start3A_219 : memref<128xi32, #tpu.memory_space<hbm>>) target(%arg16 : memref<128xi32, #tpu.memory_space<vmem>>) target_semaphore(%arg24 : memref<!tpu.dma_semaphore, #tpu.memory_space<semaphore_mem>>)
        } else {
        }
        %add3A_105 = arith.constant 1 : i32
        %add3A_106 = arith.addi %add3A_94, %add3A_105 : i32
        %mul3A_107 = arith.constant 16 : i32
        %mul3A_108 = arith.muli %add3A_106, %mul3A_107 : i32
        %add3A_109 = arith.addi %mul3A_108, %arg1 : i32
        %lt3A_110 = arith.constant 2500 : i32
        %lt3A_111 = arith.cmpi slt, %add3A_109, %lt3A_110 : i32
        %convert_element_type3A_112 = arith.extui %lt3A_111 : i1 to i32
        %cond3A_113 = arith.constant 0 : i32
        %cond3A_114 = arith.cmpi ne, %convert_element_type3A_112, %cond3A_113 : i32
        scf.if %cond3A_114 {
          %dma_wait3A = arith.constant 0 : i32
          %dma_wait3A_213 = tpu.memref_slice %arg4[%dma_wait3A] : memref<320000xi32, #tpu.memory_space<hbm>> -> memref<128xi32, #tpu.memory_space<hbm>>
          %dma_wait3A_214 = arith.constant 0 : i32
          %dma_wait3A_215 = tpu.memref_slice %arg4[%dma_wait3A_214] : memref<320000xi32, #tpu.memory_space<hbm>> -> memref<128xi32, #tpu.memory_space<hbm>>
          tpu.wait_dma2 semaphore(%arg23 : memref<!tpu.dma_semaphore, #tpu.memory_space<semaphore_mem>>) src(%dma_wait3A_215 : memref<128xi32, #tpu.memory_space<hbm>>) dst(%arg11 : memref<128xi32, #tpu.memory_space<vmem>>)
          %dma_wait3A_216 = arith.constant 0 : i32
          %dma_wait3A_217 = tpu.memref_slice %arg4[%dma_wait3A_216] : memref<320000xi32, #tpu.memory_space<hbm>> -> memref<128xi32, #tpu.memory_space<hbm>>
          %dma_wait3A_218 = arith.constant 0 : i32
          %dma_wait3A_219 = tpu.memref_slice %arg4[%dma_wait3A_218] : memref<320000xi32, #tpu.memory_space<hbm>> -> memref<128xi32, #tpu.memory_space<hbm>>
          tpu.wait_dma2 semaphore(%arg23 : memref<!tpu.dma_semaphore, #tpu.memory_space<semaphore_mem>>) src(%dma_wait3A_219 : memref<128xi32, #tpu.memory_space<hbm>>) dst(%arg15 : memref<128xi32, #tpu.memory_space<vmem>>)
        } else {
        }
        %add3A_115 = arith.constant 1 : i32
        %add3A_116 = arith.addi %add3A_94, %add3A_115 : i32
        %mul3A_117 = arith.constant 16 : i32
        %mul3A_118 = arith.muli %add3A_116, %mul3A_117 : i32
        %add3A_119 = arith.addi %mul3A_118, %arg1 : i32
        %lt3A_120 = arith.constant 2500 : i32
        %lt3A_121 = arith.cmpi slt, %add3A_119, %lt3A_120 : i32
        %convert_element_type3A_122 = arith.extui %lt3A_121 : i1 to i32
        %cond3A_123 = arith.constant 0 : i32
        %cond3A_124 = arith.cmpi ne, %convert_element_type3A_122, %cond3A_123 : i32
        scf.if %cond3A_124 {
          %dma_start3A = arith.constant 0 : i32
          %dma_start3A_213 = arith.constant 0 : i32
          %dma_start3A_214 = tpu.memref_slice %arg3[%dma_start3A, %dma_start3A_213] : memref<10000x128xf32, #tpu.memory_space<hbm>> -> memref<10000x128xf32, #tpu.memory_space<hbm>>
          tpu.enqueue_indirect_dma source(%dma_start3A_214 : memref<10000x128xf32, #tpu.memory_space<hbm>>) target(%arg17 : memref<128x128xf32, #tpu.memory_space<vmem>>) offsets(%arg11 : memref<128xi32, #tpu.memory_space<vmem>>) semaphore(%arg19 : memref<!tpu.dma_semaphore, #tpu.memory_space<semaphore_mem>>)
        } else {
        }
        %mul3A_125 = arith.constant 16 : i32
        %mul3A_126 = arith.muli %add3A_94, %mul3A_125 : i32
        %add3A_127 = arith.addi %mul3A_126, %arg1 : i32
        %lt3A_128 = arith.constant 2500 : i32
        %lt3A_129 = arith.cmpi slt, %add3A_127, %lt3A_128 : i32
        %convert_element_type3A_130 = arith.extui %lt3A_129 : i1 to i32
        %cond3A_131 = arith.constant 0 : i32
        %cond3A_132 = arith.cmpi ne, %convert_element_type3A_130, %cond3A_131 : i32
        scf.if %cond3A_132 {
          %dma_wait3A = arith.constant 0 : i32
          %dma_wait3A_213 = arith.constant 0 : i32
          %dma_wait3A_214 = tpu.memref_slice %arg3[%dma_wait3A, %dma_wait3A_213] : memref<10000x128xf32, #tpu.memory_space<hbm>> -> memref<128x128xf32, #tpu.memory_space<hbm>>
          %dma_wait3A_215 = arith.constant 0 : i32
          %dma_wait3A_216 = arith.constant 0 : i32
          %dma_wait3A_217 = tpu.memref_slice %arg3[%dma_wait3A_215, %dma_wait3A_216] : memref<10000x128xf32, #tpu.memory_space<hbm>> -> memref<128x128xf32, #tpu.memory_space<hbm>>
          tpu.wait_dma2 semaphore(%arg20 : memref<!tpu.dma_semaphore, #tpu.memory_space<semaphore_mem>>) src(%dma_wait3A_217 : memref<128x128xf32, #tpu.memory_space<hbm>>) dst(%arg18 : memref<128x128xf32, #tpu.memory_space<vmem>>)
          "tpu.region"() ({
            %run_scoped3A = tpu.sem_alloc : memref<!tpu.dma_semaphore, #tpu.memory_space<semaphore_mem>>
            %dma_start3A = arith.constant 0 : i32
            %dma_start3A_218 = arith.constant 0 : i32
            %dma_start3A_219 = tpu.memref_slice %arg8[%dma_start3A, %dma_start3A_218] : memref<10000x128xf32, #tpu.memory_space<vmem_shared>> -> memref<10000x128xf32, #tpu.memory_space<vmem_shared>>
            tpu.enqueue_indirect_dma source(%arg18 : memref<128x128xf32, #tpu.memory_space<vmem>>) target(%dma_start3A_219 : memref<10000x128xf32, #tpu.memory_space<vmem_shared>>) offsets(%arg14 : memref<128xi32, #tpu.memory_space<vmem>>) semaphore(%run_scoped3A : memref<!tpu.dma_semaphore, #tpu.memory_space<semaphore_mem>>) {add = true}
            %dma_wait3A_220 = arith.constant 0 : i32
            %dma_wait3A_221 = arith.constant 0 : i32
            %dma_wait3A_222 = tpu.memref_slice %arg8[%dma_wait3A_220, %dma_wait3A_221] : memref<10000x128xf32, #tpu.memory_space<vmem_shared>> -> memref<10000x128xf32, #tpu.memory_space<vmem_shared>>
            tpu.wait_indirect_dma semaphore(%run_scoped3A : memref<!tpu.dma_semaphore, #tpu.memory_space<semaphore_mem>>) src(%arg18 : memref<128x128xf32, #tpu.memory_space<vmem>>) dst(%dma_wait3A_222 : memref<10000x128xf32, #tpu.memory_space<vmem_shared>>)
            tpu.yield
          }) : () -> ()
        } else {
        }
        %add3A_133 = arith.constant 2 : i32
        %add3A_134 = arith.addi %mul3A_52, %add3A_133 : i32
        %add3A_135 = arith.constant 2 : i32
        %add3A_136 = arith.addi %add3A_134, %add3A_135 : i32
        %mul3A_137 = arith.constant 16 : i32
        %mul3A_138 = arith.muli %add3A_136, %mul3A_137 : i32
        %add3A_139 = arith.addi %mul3A_138, %arg1 : i32
        %lt3A_140 = arith.constant 2500 : i32
        %lt3A_141 = arith.cmpi slt, %add3A_139, %lt3A_140 : i32
        %convert_element_type3A_142 = arith.extui %lt3A_141 : i1 to i32
        %cond3A_143 = arith.constant 0 : i32
        %cond3A_144 = arith.cmpi ne, %convert_element_type3A_142, %cond3A_143 : i32
        scf.if %cond3A_144 {
          %mul3A_213 = arith.constant 128 : i32
          %mul3A_214 = arith.muli %add3A_139, %mul3A_213 : i32
          %dma_start3A = tpu.memref_slice %arg4[%mul3A_214] : memref<320000xi32, #tpu.memory_space<hbm>> -> memref<128xi32, #tpu.memory_space<hbm>>
          %dma_start3A_215 = tpu.memref_slice %arg4[%mul3A_214] : memref<320000xi32, #tpu.memory_space<hbm>> -> memref<128xi32, #tpu.memory_space<hbm>>
          tpu.enqueue_dma source(%dma_start3A_215 : memref<128xi32, #tpu.memory_space<hbm>>) target(%arg9 : memref<128xi32, #tpu.memory_space<vmem>>) target_semaphore(%arg21 : memref<!tpu.dma_semaphore, #tpu.memory_space<semaphore_mem>>)
          %mul3A_216 = arith.constant 128 : i32
          %mul3A_217 = arith.muli %add3A_139, %mul3A_216 : i32
          %dma_start3A_218 = tpu.memref_slice %arg5[%mul3A_217] : memref<320000xi32, #tpu.memory_space<hbm>> -> memref<128xi32, #tpu.memory_space<hbm>>
          %dma_start3A_219 = tpu.memref_slice %arg5[%mul3A_217] : memref<320000xi32, #tpu.memory_space<hbm>> -> memref<128xi32, #tpu.memory_space<hbm>>
          tpu.enqueue_dma source(%dma_start3A_219 : memref<128xi32, #tpu.memory_space<hbm>>) target(%arg13 : memref<128xi32, #tpu.memory_space<vmem>>) target_semaphore(%arg21 : memref<!tpu.dma_semaphore, #tpu.memory_space<semaphore_mem>>)
        } else {
        }
        %add3A_145 = arith.constant 1 : i32
        %add3A_146 = arith.addi %add3A_134, %add3A_145 : i32
        %mul3A_147 = arith.constant 16 : i32
        %mul3A_148 = arith.muli %add3A_146, %mul3A_147 : i32
        %add3A_149 = arith.addi %mul3A_148, %arg1 : i32
        %lt3A_150 = arith.constant 2500 : i32
        %lt3A_151 = arith.cmpi slt, %add3A_149, %lt3A_150 : i32
        %convert_element_type3A_152 = arith.extui %lt3A_151 : i1 to i32
        %cond3A_153 = arith.constant 0 : i32
        %cond3A_154 = arith.cmpi ne, %convert_element_type3A_152, %cond3A_153 : i32
        scf.if %cond3A_154 {
          %dma_wait3A = arith.constant 0 : i32
          %dma_wait3A_213 = tpu.memref_slice %arg4[%dma_wait3A] : memref<320000xi32, #tpu.memory_space<hbm>> -> memref<128xi32, #tpu.memory_space<hbm>>
          %dma_wait3A_214 = arith.constant 0 : i32
          %dma_wait3A_215 = tpu.memref_slice %arg4[%dma_wait3A_214] : memref<320000xi32, #tpu.memory_space<hbm>> -> memref<128xi32, #tpu.memory_space<hbm>>
          tpu.wait_dma2 semaphore(%arg24 : memref<!tpu.dma_semaphore, #tpu.memory_space<semaphore_mem>>) src(%dma_wait3A_215 : memref<128xi32, #tpu.memory_space<hbm>>) dst(%arg12 : memref<128xi32, #tpu.memory_space<vmem>>)
          %dma_wait3A_216 = arith.constant 0 : i32
          %dma_wait3A_217 = tpu.memref_slice %arg4[%dma_wait3A_216] : memref<320000xi32, #tpu.memory_space<hbm>> -> memref<128xi32, #tpu.memory_space<hbm>>
          %dma_wait3A_218 = arith.constant 0 : i32
          %dma_wait3A_219 = tpu.memref_slice %arg4[%dma_wait3A_218] : memref<320000xi32, #tpu.memory_space<hbm>> -> memref<128xi32, #tpu.memory_space<hbm>>
          tpu.wait_dma2 semaphore(%arg24 : memref<!tpu.dma_semaphore, #tpu.memory_space<semaphore_mem>>) src(%dma_wait3A_219 : memref<128xi32, #tpu.memory_space<hbm>>) dst(%arg16 : memref<128xi32, #tpu.memory_space<vmem>>)
        } else {
        }
        %add3A_155 = arith.constant 1 : i32
        %add3A_156 = arith.addi %add3A_134, %add3A_155 : i32
        %mul3A_157 = arith.constant 16 : i32
        %mul3A_158 = arith.muli %add3A_156, %mul3A_157 : i32
        %add3A_159 = arith.addi %mul3A_158, %arg1 : i32
        %lt3A_160 = arith.constant 2500 : i32
        %lt3A_161 = arith.cmpi slt, %add3A_159, %lt3A_160 : i32
        %convert_element_type3A_162 = arith.extui %lt3A_161 : i1 to i32
        %cond3A_163 = arith.constant 0 : i32
        %cond3A_164 = arith.cmpi ne, %convert_element_type3A_162, %cond3A_163 : i32
        scf.if %cond3A_164 {
          %dma_start3A = arith.constant 0 : i32
          %dma_start3A_213 = arith.constant 0 : i32
          %dma_start3A_214 = tpu.memref_slice %arg3[%dma_start3A, %dma_start3A_213] : memref<10000x128xf32, #tpu.memory_space<hbm>> -> memref<10000x128xf32, #tpu.memory_space<hbm>>
          tpu.enqueue_indirect_dma source(%dma_start3A_214 : memref<10000x128xf32, #tpu.memory_space<hbm>>) target(%arg18 : memref<128x128xf32, #tpu.memory_space<vmem>>) offsets(%arg12 : memref<128xi32, #tpu.memory_space<vmem>>) semaphore(%arg20 : memref<!tpu.dma_semaphore, #tpu.memory_space<semaphore_mem>>)
        } else {
        }
        %mul3A_165 = arith.constant 16 : i32
        %mul3A_166 = arith.muli %add3A_134, %mul3A_165 : i32
        %add3A_167 = arith.addi %mul3A_166, %arg1 : i32
        %lt3A_168 = arith.constant 2500 : i32
        %lt3A_169 = arith.cmpi slt, %add3A_167, %lt3A_168 : i32
        %convert_element_type3A_170 = arith.extui %lt3A_169 : i1 to i32
        %cond3A_171 = arith.constant 0 : i32
        %cond3A_172 = arith.cmpi ne, %convert_element_type3A_170, %cond3A_171 : i32
        scf.if %cond3A_172 {
          %dma_wait3A = arith.constant 0 : i32
          %dma_wait3A_213 = arith.constant 0 : i32
          %dma_wait3A_214 = tpu.memref_slice %arg3[%dma_wait3A, %dma_wait3A_213] : memref<10000x128xf32, #tpu.memory_space<hbm>> -> memref<128x128xf32, #tpu.memory_space<hbm>>
          %dma_wait3A_215 = arith.constant 0 : i32
          %dma_wait3A_216 = arith.constant 0 : i32
          %dma_wait3A_217 = tpu.memref_slice %arg3[%dma_wait3A_215, %dma_wait3A_216] : memref<10000x128xf32, #tpu.memory_space<hbm>> -> memref<128x128xf32, #tpu.memory_space<hbm>>
          tpu.wait_dma2 semaphore(%arg19 : memref<!tpu.dma_semaphore, #tpu.memory_space<semaphore_mem>>) src(%dma_wait3A_217 : memref<128x128xf32, #tpu.memory_space<hbm>>) dst(%arg17 : memref<128x128xf32, #tpu.memory_space<vmem>>)
          "tpu.region"() ({
            %run_scoped3A = tpu.sem_alloc : memref<!tpu.dma_semaphore, #tpu.memory_space<semaphore_mem>>
            %dma_start3A = arith.constant 0 : i32
            %dma_start3A_218 = arith.constant 0 : i32
            %dma_start3A_219 = tpu.memref_slice %arg8[%dma_start3A, %dma_start3A_218] : memref<10000x128xf32, #tpu.memory_space<vmem_shared>> -> memref<10000x128xf32, #tpu.memory_space<vmem_shared>>
            tpu.enqueue_indirect_dma source(%arg17 : memref<128x128xf32, #tpu.memory_space<vmem>>) target(%dma_start3A_219 : memref<10000x128xf32, #tpu.memory_space<vmem_shared>>) offsets(%arg15 : memref<128xi32, #tpu.memory_space<vmem>>) semaphore(%run_scoped3A : memref<!tpu.dma_semaphore, #tpu.memory_space<semaphore_mem>>) {add = true}
            %dma_wait3A_220 = arith.constant 0 : i32
            %dma_wait3A_221 = arith.constant 0 : i32
            %dma_wait3A_222 = tpu.memref_slice %arg8[%dma_wait3A_220, %dma_wait3A_221] : memref<10000x128xf32, #tpu.memory_space<vmem_shared>> -> memref<10000x128xf32, #tpu.memory_space<vmem_shared>>
            tpu.wait_indirect_dma semaphore(%run_scoped3A : memref<!tpu.dma_semaphore, #tpu.memory_space<semaphore_mem>>) src(%arg17 : memref<128x128xf32, #tpu.memory_space<vmem>>) dst(%dma_wait3A_222 : memref<10000x128xf32, #tpu.memory_space<vmem_shared>>)
            tpu.yield
          }) : () -> ()
        } else {
        }
        %add3A_173 = arith.constant 3 : i32
        %add3A_174 = arith.addi %mul3A_52, %add3A_173 : i32
        %add3A_175 = arith.constant 2 : i32
        %add3A_176 = arith.addi %add3A_174, %add3A_175 : i32
        %mul3A_177 = arith.constant 16 : i32
        %mul3A_178 = arith.muli %add3A_176, %mul3A_177 : i32
        %add3A_179 = arith.addi %mul3A_178, %arg1 : i32
        %lt3A_180 = arith.constant 2500 : i32
        %lt3A_181 = arith.cmpi slt, %add3A_179, %lt3A_180 : i32
        %convert_element_type3A_182 = arith.extui %lt3A_181 : i1 to i32
        %cond3A_183 = arith.constant 0 : i32
        %cond3A_184 = arith.cmpi ne, %convert_element_type3A_182, %cond3A_183 : i32
        scf.if %cond3A_184 {
          %mul3A_213 = arith.constant 128 : i32
          %mul3A_214 = arith.muli %add3A_179, %mul3A_213 : i32
          %dma_start3A = tpu.memref_slice %arg4[%mul3A_214] : memref<320000xi32, #tpu.memory_space<hbm>> -> memref<128xi32, #tpu.memory_space<hbm>>
          %dma_start3A_215 = tpu.memref_slice %arg4[%mul3A_214] : memref<320000xi32, #tpu.memory_space<hbm>> -> memref<128xi32, #tpu.memory_space<hbm>>
          tpu.enqueue_dma source(%dma_start3A_215 : memref<128xi32, #tpu.memory_space<hbm>>) target(%arg10 : memref<128xi32, #tpu.memory_space<vmem>>) target_semaphore(%arg22 : memref<!tpu.dma_semaphore, #tpu.memory_space<semaphore_mem>>)
          %mul3A_216 = arith.constant 128 : i32
          %mul3A_217 = arith.muli %add3A_179, %mul3A_216 : i32
          %dma_start3A_218 = tpu.memref_slice %arg5[%mul3A_217] : memref<320000xi32, #tpu.memory_space<hbm>> -> memref<128xi32, #tpu.memory_space<hbm>>
          %dma_start3A_219 = tpu.memref_slice %arg5[%mul3A_217] : memref<320000xi32, #tpu.memory_space<hbm>> -> memref<128xi32, #tpu.memory_space<hbm>>
          tpu.enqueue_dma source(%dma_start3A_219 : memref<128xi32, #tpu.memory_space<hbm>>) target(%arg14 : memref<128xi32, #tpu.memory_space<vmem>>) target_semaphore(%arg22 : memref<!tpu.dma_semaphore, #tpu.memory_space<semaphore_mem>>)
        } else {
        }
        %add3A_185 = arith.constant 1 : i32
        %add3A_186 = arith.addi %add3A_174, %add3A_185 : i32
        %mul3A_187 = arith.constant 16 : i32
        %mul3A_188 = arith.muli %add3A_186, %mul3A_187 : i32
        %add3A_189 = arith.addi %mul3A_188, %arg1 : i32
        %lt3A_190 = arith.constant 2500 : i32
        %lt3A_191 = arith.cmpi slt, %add3A_189, %lt3A_190 : i32
        %convert_element_type3A_192 = arith.extui %lt3A_191 : i1 to i32
        %cond3A_193 = arith.constant 0 : i32
        %cond3A_194 = arith.cmpi ne, %convert_element_type3A_192, %cond3A_193 : i32
        scf.if %cond3A_194 {
          %dma_wait3A = arith.constant 0 : i32
          %dma_wait3A_213 = tpu.memref_slice %arg4[%dma_wait3A] : memref<320000xi32, #tpu.memory_space<hbm>> -> memref<128xi32, #tpu.memory_space<hbm>>
          %dma_wait3A_214 = arith.constant 0 : i32
          %dma_wait3A_215 = tpu.memref_slice %arg4[%dma_wait3A_214] : memref<320000xi32, #tpu.memory_space<hbm>> -> memref<128xi32, #tpu.memory_space<hbm>>
          tpu.wait_dma2 semaphore(%arg21 : memref<!tpu.dma_semaphore, #tpu.memory_space<semaphore_mem>>) src(%dma_wait3A_215 : memref<128xi32, #tpu.memory_space<hbm>>) dst(%arg9 : memref<128xi32, #tpu.memory_space<vmem>>)
          %dma_wait3A_216 = arith.constant 0 : i32
          %dma_wait3A_217 = tpu.memref_slice %arg4[%dma_wait3A_216] : memref<320000xi32, #tpu.memory_space<hbm>> -> memref<128xi32, #tpu.memory_space<hbm>>
          %dma_wait3A_218 = arith.constant 0 : i32
          %dma_wait3A_219 = tpu.memref_slice %arg4[%dma_wait3A_218] : memref<320000xi32, #tpu.memory_space<hbm>> -> memref<128xi32, #tpu.memory_space<hbm>>
          tpu.wait_dma2 semaphore(%arg21 : memref<!tpu.dma_semaphore, #tpu.memory_space<semaphore_mem>>) src(%dma_wait3A_219 : memref<128xi32, #tpu.memory_space<hbm>>) dst(%arg13 : memref<128xi32, #tpu.memory_space<vmem>>)
        } else {
        }
        %add3A_195 = arith.constant 1 : i32
        %add3A_196 = arith.addi %add3A_174, %add3A_195 : i32
        %mul3A_197 = arith.constant 16 : i32
        %mul3A_198 = arith.muli %add3A_196, %mul3A_197 : i32
        %add3A_199 = arith.addi %mul3A_198, %arg1 : i32
        %lt3A_200 = arith.constant 2500 : i32
        %lt3A_201 = arith.cmpi slt, %add3A_199, %lt3A_200 : i32
        %convert_element_type3A_202 = arith.extui %lt3A_201 : i1 to i32
        %cond3A_203 = arith.constant 0 : i32
        %cond3A_204 = arith.cmpi ne, %convert_element_type3A_202, %cond3A_203 : i32
        scf.if %cond3A_204 {
          %dma_start3A = arith.constant 0 : i32
          %dma_start3A_213 = arith.constant 0 : i32
          %dma_start3A_214 = tpu.memref_slice %arg3[%dma_start3A, %dma_start3A_213] : memref<10000x128xf32, #tpu.memory_space<hbm>> -> memref<10000x128xf32, #tpu.memory_space<hbm>>
          tpu.enqueue_indirect_dma source(%dma_start3A_214 : memref<10000x128xf32, #tpu.memory_space<hbm>>) target(%arg17 : memref<128x128xf32, #tpu.memory_space<vmem>>) offsets(%arg9 : memref<128xi32, #tpu.memory_space<vmem>>) semaphore(%arg19 : memref<!tpu.dma_semaphore, #tpu.memory_space<semaphore_mem>>)
        } else {
        }
        %mul3A_205 = arith.constant 16 : i32
        %mul3A_206 = arith.muli %add3A_174, %mul3A_205 : i32
        %add3A_207 = arith.addi %mul3A_206, %arg1 : i32
        %lt3A_208 = arith.constant 2500 : i32
        %lt3A_209 = arith.cmpi slt, %add3A_207, %lt3A_208 : i32
        %convert_element_type3A_210 = arith.extui %lt3A_209 : i1 to i32
        %cond3A_211 = arith.constant 0 : i32
        %cond3A_212 = arith.cmpi ne, %convert_element_type3A_210, %cond3A_211 : i32
        scf.if %cond3A_212 {
          %dma_wait3A = arith.constant 0 : i32
          %dma_wait3A_213 = arith.constant 0 : i32
          %dma_wait3A_214 = tpu.memref_slice %arg3[%dma_wait3A, %dma_wait3A_213] : memref<10000x128xf32, #tpu.memory_space<hbm>> -> memref<128x128xf32, #tpu.memory_space<hbm>>
          %dma_wait3A_215 = arith.constant 0 : i32
          %dma_wait3A_216 = arith.constant 0 : i32
          %dma_wait3A_217 = tpu.memref_slice %arg3[%dma_wait3A_215, %dma_wait3A_216] : memref<10000x128xf32, #tpu.memory_space<hbm>> -> memref<128x128xf32, #tpu.memory_space<hbm>>
          tpu.wait_dma2 semaphore(%arg20 : memref<!tpu.dma_semaphore, #tpu.memory_space<semaphore_mem>>) src(%dma_wait3A_217 : memref<128x128xf32, #tpu.memory_space<hbm>>) dst(%arg18 : memref<128x128xf32, #tpu.memory_space<vmem>>)
          "tpu.region"() ({
            %run_scoped3A = tpu.sem_alloc : memref<!tpu.dma_semaphore, #tpu.memory_space<semaphore_mem>>
            %dma_start3A = arith.constant 0 : i32
            %dma_start3A_218 = arith.constant 0 : i32
            %dma_start3A_219 = tpu.memref_slice %arg8[%dma_start3A, %dma_start3A_218] : memref<10000x128xf32, #tpu.memory_space<vmem_shared>> -> memref<10000x128xf32, #tpu.memory_space<vmem_shared>>
            tpu.enqueue_indirect_dma source(%arg18 : memref<128x128xf32, #tpu.memory_space<vmem>>) target(%dma_start3A_219 : memref<10000x128xf32, #tpu.memory_space<vmem_shared>>) offsets(%arg16 : memref<128xi32, #tpu.memory_space<vmem>>) semaphore(%run_scoped3A : memref<!tpu.dma_semaphore, #tpu.memory_space<semaphore_mem>>) {add = true}
            %dma_wait3A_220 = arith.constant 0 : i32
            %dma_wait3A_221 = arith.constant 0 : i32
            %dma_wait3A_222 = tpu.memref_slice %arg8[%dma_wait3A_220, %dma_wait3A_221] : memref<10000x128xf32, #tpu.memory_space<vmem_shared>> -> memref<10000x128xf32, #tpu.memory_space<vmem_shared>>
            tpu.wait_indirect_dma semaphore(%run_scoped3A : memref<!tpu.dma_semaphore, #tpu.memory_space<semaphore_mem>>) src(%arg18 : memref<128x128xf32, #tpu.memory_space<vmem>>) dst(%dma_wait3A_222 : memref<10000x128xf32, #tpu.memory_space<vmem_shared>>)
            tpu.yield
          }) : () -> ()
        } else {
        }
      }
      %scan3A_43 = arith.constant 40 : i32
      %barrier3A_44 = arith.constant 0 : index
      tpu.barrier barrier_id(%barrier3A_44)
      %scan3A_45 = arith.constant 0 : i32
      %scan3A_46 = arith.constant 0 : i32
      %scan3A_47 = arith.constant 8 : i32
      %scan3A_48 = arith.addi %scan3A_46, %scan3A_47 : i32
      %scan3A_49 = arith.constant 1 : i32
      scf.for %scan3A_51 = %scan3A_46 to %scan3A_48 step %scan3A_49  : i32 {
        %mul3A = arith.constant 16 : i32
        %mul3A_52 = arith.muli %scan3A_51, %mul3A : i32
        %add3A_53 = arith.addi %mul3A_52, %arg1 : i32
        %lt3A_54 = arith.constant 125 : i32
        %lt3A_55 = arith.cmpi slt, %add3A_53, %lt3A_54 : i32
        %convert_element_type3A_56 = arith.extui %lt3A_55 : i1 to i32
        %cond3A_57 = arith.constant 0 : i32
        %cond3A_58 = arith.cmpi ne, %convert_element_type3A_56, %cond3A_57 : i32
        scf.if %cond3A_58 {
          %mul3A_59 = arith.constant 80 : i32
          %mul3A_60 = arith.muli %add3A_53, %mul3A_59 : i32
          %mul3A_61 = arith.constant 80 : i32
          %mul3A_62 = arith.muli %add3A_53, %mul3A_61 : i32
          "tpu.region"() ({
            %run_scoped3A = tpu.sem_alloc : memref<!tpu.dma_semaphore, #tpu.memory_space<semaphore_mem>>
            %dma_start3A = arith.constant 0 : i32
            %dma_start3A_63 = tpu.memref_slice %arg7[%mul3A_62, %dma_start3A] : memref<10000x128xf32, #tpu.memory_space<hbm>> -> memref<80x128xf32, #tpu.memory_space<hbm>>
            %dma_start3A_64 = arith.constant 0 : i32
            %dma_start3A_65 = tpu.memref_slice %arg8[%mul3A_60, %dma_start3A_64] : memref<10000x128xf32, #tpu.memory_space<vmem_shared>> -> memref<80x128xf32, #tpu.memory_space<vmem_shared>>
            tpu.enqueue_dma source(%dma_start3A_65 : memref<80x128xf32, #tpu.memory_space<vmem_shared>>) target(%dma_start3A_63 : memref<80x128xf32, #tpu.memory_space<hbm>>) target_semaphore(%run_scoped3A : memref<!tpu.dma_semaphore, #tpu.memory_space<semaphore_mem>>)
            %dma_wait3A = arith.constant 0 : i32
            %dma_wait3A_66 = tpu.memref_slice %arg7[%mul3A_62, %dma_wait3A] : memref<10000x128xf32, #tpu.memory_space<hbm>> -> memref<80x128xf32, #tpu.memory_space<hbm>>
            %dma_wait3A_67 = arith.constant 0 : i32
            %dma_wait3A_68 = tpu.memref_slice %arg8[%mul3A_60, %dma_wait3A_67] : memref<10000x128xf32, #tpu.memory_space<vmem_shared>> -> memref<80x128xf32, #tpu.memory_space<vmem_shared>>
            tpu.wait_dma2 semaphore(%run_scoped3A : memref<!tpu.dma_semaphore, #tpu.memory_space<semaphore_mem>>) src(%dma_wait3A_68 : memref<80x128xf32, #tpu.memory_space<vmem_shared>>) dst(%dma_wait3A_66 : memref<80x128xf32, #tpu.memory_space<hbm>>)
            tpu.yield
          }) : () -> ()
        } else {
        }
      }
      %scan3A_50 = arith.constant 8 : i32
    } else {
    }
    return
  }
}

#map = affine_map<(d0, d1) -> (0, 0)>
#map1 = affine_map<(d0, d1) -> (0)>
module attributes {stable_mosaic.version = 14 : i64} {
  func.func @_deg_kernel(%arg0: i32, %arg1: i32, %arg2: memref<2560x128xi32, #tpu.memory_space<hbm>>, %arg3: memref<10240xf32, #tpu.memory_space<hbm>>, %arg4: memref<10240xf32, #tpu.memory_space<hbm>>, %arg5: memref<10240xf32, #tpu.memory_space<vmem_shared>>, %arg6: memref<80x128xi32, #tpu.memory_space<vmem>>, %arg7: memref<128xf32, #tpu.memory_space<vmem>>, %arg8: memref<640xf32, #tpu.memory_space<vmem>>) attributes {dimension_semantics = [#tpu.dimension_semantics<core_parallel>, #tpu.dimension_semantics<subcore_parallel>], iteration_bounds = array<i64: 2, 16>, scalar_prefetch = 0 : i64, scratch_operands = 4 : i64, tpu.core_type = #tpu.core_type<sc_vector_subcore>, window_params = [{transform_indices = #map}, {transform_indices = #map1}, {transform_indices = #map1}]} {
    %broadcast_in_dim3A = arith.constant 1.000000e+00 : f32
    %broadcast_in_dim3A_0 = vector.broadcast %broadcast_in_dim3A : f32 to vector<16xf32>
    %swap3A = arith.constant 0 : index
    %swap3A_1 = tpu.vector_load %arg7[%swap3A] {strides = array<i32>} : memref<128xf32, #tpu.memory_space<vmem>>, vector<16xf32>,
    %swap3A_2 = vector.shape_cast %swap3A_1 : vector<16xf32> to vector<16xf32>
    %swap3A_3 = vector.shape_cast %broadcast_in_dim3A_0 : vector<16xf32> to vector<16xf32>
    tpu.vector_store %arg7[%swap3A], %swap3A_3 {strides = array<i32>} : memref<128xf32, #tpu.memory_space<vmem>>, vector<16xf32>,
    %swap3A_4 = arith.constant 16 : index
    %swap3A_5 = tpu.vector_load %arg7[%swap3A_4] {strides = array<i32>} : memref<128xf32, #tpu.memory_space<vmem>>, vector<16xf32>,
    %swap3A_6 = vector.shape_cast %swap3A_5 : vector<16xf32> to vector<16xf32>
    %swap3A_7 = vector.shape_cast %broadcast_in_dim3A_0 : vector<16xf32> to vector<16xf32>
    tpu.vector_store %arg7[%swap3A_4], %swap3A_7 {strides = array<i32>} : memref<128xf32, #tpu.memory_space<vmem>>, vector<16xf32>,
    %swap3A_8 = arith.constant 32 : index
    %swap3A_9 = tpu.vector_load %arg7[%swap3A_8] {strides = array<i32>} : memref<128xf32, #tpu.memory_space<vmem>>, vector<16xf32>,
    %swap3A_10 = vector.shape_cast %swap3A_9 : vector<16xf32> to vector<16xf32>
    %swap3A_11 = vector.shape_cast %broadcast_in_dim3A_0 : vector<16xf32> to vector<16xf32>
    tpu.vector_store %arg7[%swap3A_8], %swap3A_11 {strides = array<i32>} : memref<128xf32, #tpu.memory_space<vmem>>, vector<16xf32>,
    %swap3A_12 = arith.constant 48 : index
    %swap3A_13 = tpu.vector_load %arg7[%swap3A_12] {strides = array<i32>} : memref<128xf32, #tpu.memory_space<vmem>>, vector<16xf32>,
    %swap3A_14 = vector.shape_cast %swap3A_13 : vector<16xf32> to vector<16xf32>
    %swap3A_15 = vector.shape_cast %broadcast_in_dim3A_0 : vector<16xf32> to vector<16xf32>
    tpu.vector_store %arg7[%swap3A_12], %swap3A_15 {strides = array<i32>} : memref<128xf32, #tpu.memory_space<vmem>>, vector<16xf32>,
    %swap3A_16 = arith.constant 64 : index
    %swap3A_17 = tpu.vector_load %arg7[%swap3A_16] {strides = array<i32>} : memref<128xf32, #tpu.memory_space<vmem>>, vector<16xf32>,
    %swap3A_18 = vector.shape_cast %swap3A_17 : vector<16xf32> to vector<16xf32>
    %swap3A_19 = vector.shape_cast %broadcast_in_dim3A_0 : vector<16xf32> to vector<16xf32>
    tpu.vector_store %arg7[%swap3A_16], %swap3A_19 {strides = array<i32>} : memref<128xf32, #tpu.memory_space<vmem>>, vector<16xf32>,
    %swap3A_20 = arith.constant 80 : index
    %swap3A_21 = tpu.vector_load %arg7[%swap3A_20] {strides = array<i32>} : memref<128xf32, #tpu.memory_space<vmem>>, vector<16xf32>,
    %swap3A_22 = vector.shape_cast %swap3A_21 : vector<16xf32> to vector<16xf32>
    %swap3A_23 = vector.shape_cast %broadcast_in_dim3A_0 : vector<16xf32> to vector<16xf32>
    tpu.vector_store %arg7[%swap3A_20], %swap3A_23 {strides = array<i32>} : memref<128xf32, #tpu.memory_space<vmem>>, vector<16xf32>,
    %swap3A_24 = arith.constant 96 : index
    %swap3A_25 = tpu.vector_load %arg7[%swap3A_24] {strides = array<i32>} : memref<128xf32, #tpu.memory_space<vmem>>, vector<16xf32>,
    %swap3A_26 = vector.shape_cast %swap3A_25 : vector<16xf32> to vector<16xf32>
    %swap3A_27 = vector.shape_cast %broadcast_in_dim3A_0 : vector<16xf32> to vector<16xf32>
    tpu.vector_store %arg7[%swap3A_24], %swap3A_27 {strides = array<i32>} : memref<128xf32, #tpu.memory_space<vmem>>, vector<16xf32>,
    %swap3A_28 = arith.constant 112 : index
    %swap3A_29 = tpu.vector_load %arg7[%swap3A_28] {strides = array<i32>} : memref<128xf32, #tpu.memory_space<vmem>>, vector<16xf32>,
    %swap3A_30 = vector.shape_cast %swap3A_29 : vector<16xf32> to vector<16xf32>
    %swap3A_31 = vector.shape_cast %broadcast_in_dim3A_0 : vector<16xf32> to vector<16xf32>
    tpu.vector_store %arg7[%swap3A_28], %swap3A_31 {strides = array<i32>} : memref<128xf32, #tpu.memory_space<vmem>>, vector<16xf32>,
    %broadcast_in_dim3A_32 = arith.constant 0.000000e+00 : f32
    %broadcast_in_dim3A_33 = vector.broadcast %broadcast_in_dim3A_32 : f32 to vector<16xf32>
    %swap3A_34 = arith.constant 0 : index
    %swap3A_35 = tpu.vector_load %arg8[%swap3A_34] {strides = array<i32>} : memref<640xf32, #tpu.memory_space<vmem>>, vector<16xf32>,
    %swap3A_36 = vector.shape_cast %swap3A_35 : vector<16xf32> to vector<16xf32>
    %swap3A_37 = vector.shape_cast %broadcast_in_dim3A_33 : vector<16xf32> to vector<16xf32>
    tpu.vector_store %arg8[%swap3A_34], %swap3A_37 {strides = array<i32>} : memref<640xf32, #tpu.memory_space<vmem>>, vector<16xf32>,
    %swap3A_38 = arith.constant 16 : index
    %swap3A_39 = tpu.vector_load %arg8[%swap3A_38] {strides = array<i32>} : memref<640xf32, #tpu.memory_space<vmem>>, vector<16xf32>,
    %swap3A_40 = vector.shape_cast %swap3A_39 : vector<16xf32> to vector<16xf32>
    %swap3A_41 = vector.shape_cast %broadcast_in_dim3A_33 : vector<16xf32> to vector<16xf32>
    tpu.vector_store %arg8[%swap3A_38], %swap3A_41 {strides = array<i32>} : memref<640xf32, #tpu.memory_space<vmem>>, vector<16xf32>,
    %swap3A_42 = arith.constant 32 : index
    %swap3A_43 = tpu.vector_load %arg8[%swap3A_42] {strides = array<i32>} : memref<640xf32, #tpu.memory_space<vmem>>, vector<16xf32>,
    %swap3A_44 = vector.shape_cast %swap3A_43 : vector<16xf32> to vector<16xf32>
    %swap3A_45 = vector.shape_cast %broadcast_in_dim3A_33 : vector<16xf32> to vector<16xf32>
    tpu.vector_store %arg8[%swap3A_42], %swap3A_45 {strides = array<i32>} : memref<640xf32, #tpu.memory_space<vmem>>, vector<16xf32>,
    %swap3A_46 = arith.constant 48 : index
    %swap3A_47 = tpu.vector_load %arg8[%swap3A_46] {strides = array<i32>} : memref<640xf32, #tpu.memory_space<vmem>>, vector<16xf32>,
    %swap3A_48 = vector.shape_cast %swap3A_47 : vector<16xf32> to vector<16xf32>
    %swap3A_49 = vector.shape_cast %broadcast_in_dim3A_33 : vector<16xf32> to vector<16xf32>
    tpu.vector_store %arg8[%swap3A_46], %swap3A_49 {strides = array<i32>} : memref<640xf32, #tpu.memory_space<vmem>>, vector<16xf32>,
    %swap3A_50 = arith.constant 64 : index
    %swap3A_51 = tpu.vector_load %arg8[%swap3A_50] {strides = array<i32>} : memref<640xf32, #tpu.memory_space<vmem>>, vector<16xf32>,
    %swap3A_52 = vector.shape_cast %swap3A_51 : vector<16xf32> to vector<16xf32>
    %swap3A_53 = vector.shape_cast %broadcast_in_dim3A_33 : vector<16xf32> to vector<16xf32>
    tpu.vector_store %arg8[%swap3A_50], %swap3A_53 {strides = array<i32>} : memref<640xf32, #tpu.memory_space<vmem>>, vector<16xf32>,
    %swap3A_54 = arith.constant 80 : index
    %swap3A_55 = tpu.vector_load %arg8[%swap3A_54] {strides = array<i32>} : memref<640xf32, #tpu.memory_space<vmem>>, vector<16xf32>,
    %swap3A_56 = vector.shape_cast %swap3A_55 : vector<16xf32> to vector<16xf32>
    %swap3A_57 = vector.shape_cast %broadcast_in_dim3A_33 : vector<16xf32> to vector<16xf32>
    tpu.vector_store %arg8[%swap3A_54], %swap3A_57 {strides = array<i32>} : memref<640xf32, #tpu.memory_space<vmem>>, vector<16xf32>,
    %swap3A_58 = arith.constant 96 : index
    %swap3A_59 = tpu.vector_load %arg8[%swap3A_58] {strides = array<i32>} : memref<640xf32, #tpu.memory_space<vmem>>, vector<16xf32>,
    %swap3A_60 = vector.shape_cast %swap3A_59 : vector<16xf32> to vector<16xf32>
    %swap3A_61 = vector.shape_cast %broadcast_in_dim3A_33 : vector<16xf32> to vector<16xf32>
    tpu.vector_store %arg8[%swap3A_58], %swap3A_61 {strides = array<i32>} : memref<640xf32, #tpu.memory_space<vmem>>, vector<16xf32>,
    %swap3A_62 = arith.constant 112 : index
    %swap3A_63 = tpu.vector_load %arg8[%swap3A_62] {strides = array<i32>} : memref<640xf32, #tpu.memory_space<vmem>>, vector<16xf32>,
    %swap3A_64 = vector.shape_cast %swap3A_63 : vector<16xf32> to vector<16xf32>
    %swap3A_65 = vector.shape_cast %broadcast_in_dim3A_33 : vector<16xf32> to vector<16xf32>
    tpu.vector_store %arg8[%swap3A_62], %swap3A_65 {strides = array<i32>} : memref<640xf32, #tpu.memory_space<vmem>>, vector<16xf32>,
    %swap3A_66 = arith.constant 128 : index
    %swap3A_67 = tpu.vector_load %arg8[%swap3A_66] {strides = array<i32>} : memref<640xf32, #tpu.memory_space<vmem>>, vector<16xf32>,
    %swap3A_68 = vector.shape_cast %swap3A_67 : vector<16xf32> to vector<16xf32>
    %swap3A_69 = vector.shape_cast %broadcast_in_dim3A_33 : vector<16xf32> to vector<16xf32>
    tpu.vector_store %arg8[%swap3A_66], %swap3A_69 {strides = array<i32>} : memref<640xf32, #tpu.memory_space<vmem>>, vector<16xf32>,
    %swap3A_70 = arith.constant 144 : index
    %swap3A_71 = tpu.vector_load %arg8[%swap3A_70] {strides = array<i32>} : memref<640xf32, #tpu.memory_space<vmem>>, vector<16xf32>,
    %swap3A_72 = vector.shape_cast %swap3A_71 : vector<16xf32> to vector<16xf32>
    %swap3A_73 = vector.shape_cast %broadcast_in_dim3A_33 : vector<16xf32> to vector<16xf32>
    tpu.vector_store %arg8[%swap3A_70], %swap3A_73 {strides = array<i32>} : memref<640xf32, #tpu.memory_space<vmem>>, vector<16xf32>,
    %swap3A_74 = arith.constant 160 : index
    %swap3A_75 = tpu.vector_load %arg8[%swap3A_74] {strides = array<i32>} : memref<640xf32, #tpu.memory_space<vmem>>, vector<16xf32>,
    %swap3A_76 = vector.shape_cast %swap3A_75 : vector<16xf32> to vector<16xf32>
    %swap3A_77 = vector.shape_cast %broadcast_in_dim3A_33 : vector<16xf32> to vector<16xf32>
    tpu.vector_store %arg8[%swap3A_74], %swap3A_77 {strides = array<i32>} : memref<640xf32, #tpu.memory_space<vmem>>, vector<16xf32>,
    %swap3A_78 = arith.constant 176 : index
    %swap3A_79 = tpu.vector_load %arg8[%swap3A_78] {strides = array<i32>} : memref<640xf32, #tpu.memory_space<vmem>>, vector<16xf32>,
    %swap3A_80 = vector.shape_cast %swap3A_79 : vector<16xf32> to vector<16xf32>
    %swap3A_81 = vector.shape_cast %broadcast_in_dim3A_33 : vector<16xf32> to vector<16xf32>
    tpu.vector_store %arg8[%swap3A_78], %swap3A_81 {strides = array<i32>} : memref<640xf32, #tpu.memory_space<vmem>>, vector<16xf32>,
    %swap3A_82 = arith.constant 192 : index
    %swap3A_83 = tpu.vector_load %arg8[%swap3A_82] {strides = array<i32>} : memref<640xf32, #tpu.memory_space<vmem>>, vector<16xf32>,
    %swap3A_84 = vector.shape_cast %swap3A_83 : vector<16xf32> to vector<16xf32>
    %swap3A_85 = vector.shape_cast %broadcast_in_dim3A_33 : vector<16xf32> to vector<16xf32>
    tpu.vector_store %arg8[%swap3A_82], %swap3A_85 {strides = array<i32>} : memref<640xf32, #tpu.memory_space<vmem>>, vector<16xf32>,
    %swap3A_86 = arith.constant 208 : index
    %swap3A_87 = tpu.vector_load %arg8[%swap3A_86] {strides = array<i32>} : memref<640xf32, #tpu.memory_space<vmem>>, vector<16xf32>,
    %swap3A_88 = vector.shape_cast %swap3A_87 : vector<16xf32> to vector<16xf32>
    %swap3A_89 = vector.shape_cast %broadcast_in_dim3A_33 : vector<16xf32> to vector<16xf32>
    tpu.vector_store %arg8[%swap3A_86], %swap3A_89 {strides = array<i32>} : memref<640xf32, #tpu.memory_space<vmem>>, vector<16xf32>,
    %swap3A_90 = arith.constant 224 : index
    %swap3A_91 = tpu.vector_load %arg8[%swap3A_90] {strides = array<i32>} : memref<640xf32, #tpu.memory_space<vmem>>, vector<16xf32>,
    %swap3A_92 = vector.shape_cast %swap3A_91 : vector<16xf32> to vector<16xf32>
    %swap3A_93 = vector.shape_cast %broadcast_in_dim3A_33 : vector<16xf32> to vector<16xf32>
    tpu.vector_store %arg8[%swap3A_90], %swap3A_93 {strides = array<i32>} : memref<640xf32, #tpu.memory_space<vmem>>, vector<16xf32>,
    %swap3A_94 = arith.constant 240 : index
    %swap3A_95 = tpu.vector_load %arg8[%swap3A_94] {strides = array<i32>} : memref<640xf32, #tpu.memory_space<vmem>>, vector<16xf32>,
    %swap3A_96 = vector.shape_cast %swap3A_95 : vector<16xf32> to vector<16xf32>
    %swap3A_97 = vector.shape_cast %broadcast_in_dim3A_33 : vector<16xf32> to vector<16xf32>
    tpu.vector_store %arg8[%swap3A_94], %swap3A_97 {strides = array<i32>} : memref<640xf32, #tpu.memory_space<vmem>>, vector<16xf32>,
    %swap3A_98 = arith.constant 256 : index
    %swap3A_99 = tpu.vector_load %arg8[%swap3A_98] {strides = array<i32>} : memref<640xf32, #tpu.memory_space<vmem>>, vector<16xf32>,
    %swap3A_100 = vector.shape_cast %swap3A_99 : vector<16xf32> to vector<16xf32>
    %swap3A_101 = vector.shape_cast %broadcast_in_dim3A_33 : vector<16xf32> to vector<16xf32>
    tpu.vector_store %arg8[%swap3A_98], %swap3A_101 {strides = array<i32>} : memref<640xf32, #tpu.memory_space<vmem>>, vector<16xf32>,
    %swap3A_102 = arith.constant 272 : index
    %swap3A_103 = tpu.vector_load %arg8[%swap3A_102] {strides = array<i32>} : memref<640xf32, #tpu.memory_space<vmem>>, vector<16xf32>,
    %swap3A_104 = vector.shape_cast %swap3A_103 : vector<16xf32> to vector<16xf32>
    %swap3A_105 = vector.shape_cast %broadcast_in_dim3A_33 : vector<16xf32> to vector<16xf32>
    tpu.vector_store %arg8[%swap3A_102], %swap3A_105 {strides = array<i32>} : memref<640xf32, #tpu.memory_space<vmem>>, vector<16xf32>,
    %swap3A_106 = arith.constant 288 : index
    %swap3A_107 = tpu.vector_load %arg8[%swap3A_106] {strides = array<i32>} : memref<640xf32, #tpu.memory_space<vmem>>, vector<16xf32>,
    %swap3A_108 = vector.shape_cast %swap3A_107 : vector<16xf32> to vector<16xf32>
    %swap3A_109 = vector.shape_cast %broadcast_in_dim3A_33 : vector<16xf32> to vector<16xf32>
    tpu.vector_store %arg8[%swap3A_106], %swap3A_109 {strides = array<i32>} : memref<640xf32, #tpu.memory_space<vmem>>, vector<16xf32>,
    %swap3A_110 = arith.constant 304 : index
    %swap3A_111 = tpu.vector_load %arg8[%swap3A_110] {strides = array<i32>} : memref<640xf32, #tpu.memory_space<vmem>>, vector<16xf32>,
    %swap3A_112 = vector.shape_cast %swap3A_111 : vector<16xf32> to vector<16xf32>
    %swap3A_113 = vector.shape_cast %broadcast_in_dim3A_33 : vector<16xf32> to vector<16xf32>
    tpu.vector_store %arg8[%swap3A_110], %swap3A_113 {strides = array<i32>} : memref<640xf32, #tpu.memory_space<vmem>>, vector<16xf32>,
    %swap3A_114 = arith.constant 320 : index
    %swap3A_115 = tpu.vector_load %arg8[%swap3A_114] {strides = array<i32>} : memref<640xf32, #tpu.memory_space<vmem>>, vector<16xf32>,
    %swap3A_116 = vector.shape_cast %swap3A_115 : vector<16xf32> to vector<16xf32>
    %swap3A_117 = vector.shape_cast %broadcast_in_dim3A_33 : vector<16xf32> to vector<16xf32>
    tpu.vector_store %arg8[%swap3A_114], %swap3A_117 {strides = array<i32>} : memref<640xf32, #tpu.memory_space<vmem>>, vector<16xf32>,
    %swap3A_118 = arith.constant 336 : index
    %swap3A_119 = tpu.vector_load %arg8[%swap3A_118] {strides = array<i32>} : memref<640xf32, #tpu.memory_space<vmem>>, vector<16xf32>,
    %swap3A_120 = vector.shape_cast %swap3A_119 : vector<16xf32> to vector<16xf32>
    %swap3A_121 = vector.shape_cast %broadcast_in_dim3A_33 : vector<16xf32> to vector<16xf32>
    tpu.vector_store %arg8[%swap3A_118], %swap3A_121 {strides = array<i32>} : memref<640xf32, #tpu.memory_space<vmem>>, vector<16xf32>,
    %swap3A_122 = arith.constant 352 : index
    %swap3A_123 = tpu.vector_load %arg8[%swap3A_122] {strides = array<i32>} : memref<640xf32, #tpu.memory_space<vmem>>, vector<16xf32>,
    %swap3A_124 = vector.shape_cast %swap3A_123 : vector<16xf32> to vector<16xf32>
    %swap3A_125 = vector.shape_cast %broadcast_in_dim3A_33 : vector<16xf32> to vector<16xf32>
    tpu.vector_store %arg8[%swap3A_122], %swap3A_125 {strides = array<i32>} : memref<640xf32, #tpu.memory_space<vmem>>, vector<16xf32>,
    %swap3A_126 = arith.constant 368 : index
    %swap3A_127 = tpu.vector_load %arg8[%swap3A_126] {strides = array<i32>} : memref<640xf32, #tpu.memory_space<vmem>>, vector<16xf32>,
    %swap3A_128 = vector.shape_cast %swap3A_127 : vector<16xf32> to vector<16xf32>
    %swap3A_129 = vector.shape_cast %broadcast_in_dim3A_33 : vector<16xf32> to vector<16xf32>
    tpu.vector_store %arg8[%swap3A_126], %swap3A_129 {strides = array<i32>} : memref<640xf32, #tpu.memory_space<vmem>>, vector<16xf32>,
    %swap3A_130 = arith.constant 384 : index
    %swap3A_131 = tpu.vector_load %arg8[%swap3A_130] {strides = array<i32>} : memref<640xf32, #tpu.memory_space<vmem>>, vector<16xf32>,
    %swap3A_132 = vector.shape_cast %swap3A_131 : vector<16xf32> to vector<16xf32>
    %swap3A_133 = vector.shape_cast %broadcast_in_dim3A_33 : vector<16xf32> to vector<16xf32>
    tpu.vector_store %arg8[%swap3A_130], %swap3A_133 {strides = array<i32>} : memref<640xf32, #tpu.memory_space<vmem>>, vector<16xf32>,
    %swap3A_134 = arith.constant 400 : index
    %swap3A_135 = tpu.vector_load %arg8[%swap3A_134] {strides = array<i32>} : memref<640xf32, #tpu.memory_space<vmem>>, vector<16xf32>,
    %swap3A_136 = vector.shape_cast %swap3A_135 : vector<16xf32> to vector<16xf32>
    %swap3A_137 = vector.shape_cast %broadcast_in_dim3A_33 : vector<16xf32> to vector<16xf32>
    tpu.vector_store %arg8[%swap3A_134], %swap3A_137 {strides = array<i32>} : memref<640xf32, #tpu.memory_space<vmem>>, vector<16xf32>,
    %swap3A_138 = arith.constant 416 : index
    %swap3A_139 = tpu.vector_load %arg8[%swap3A_138] {strides = array<i32>} : memref<640xf32, #tpu.memory_space<vmem>>, vector<16xf32>,
    %swap3A_140 = vector.shape_cast %swap3A_139 : vector<16xf32> to vector<16xf32>
    %swap3A_141 = vector.shape_cast %broadcast_in_dim3A_33 : vector<16xf32> to vector<16xf32>
    tpu.vector_store %arg8[%swap3A_138], %swap3A_141 {strides = array<i32>} : memref<640xf32, #tpu.memory_space<vmem>>, vector<16xf32>,
    %swap3A_142 = arith.constant 432 : index
    %swap3A_143 = tpu.vector_load %arg8[%swap3A_142] {strides = array<i32>} : memref<640xf32, #tpu.memory_space<vmem>>, vector<16xf32>,
    %swap3A_144 = vector.shape_cast %swap3A_143 : vector<16xf32> to vector<16xf32>
    %swap3A_145 = vector.shape_cast %broadcast_in_dim3A_33 : vector<16xf32> to vector<16xf32>
    tpu.vector_store %arg8[%swap3A_142], %swap3A_145 {strides = array<i32>} : memref<640xf32, #tpu.memory_space<vmem>>, vector<16xf32>,
    %swap3A_146 = arith.constant 448 : index
    %swap3A_147 = tpu.vector_load %arg8[%swap3A_146] {strides = array<i32>} : memref<640xf32, #tpu.memory_space<vmem>>, vector<16xf32>,
    %swap3A_148 = vector.shape_cast %swap3A_147 : vector<16xf32> to vector<16xf32>
    %swap3A_149 = vector.shape_cast %broadcast_in_dim3A_33 : vector<16xf32> to vector<16xf32>
    tpu.vector_store %arg8[%swap3A_146], %swap3A_149 {strides = array<i32>} : memref<640xf32, #tpu.memory_space<vmem>>, vector<16xf32>,
    %swap3A_150 = arith.constant 464 : index
    %swap3A_151 = tpu.vector_load %arg8[%swap3A_150] {strides = array<i32>} : memref<640xf32, #tpu.memory_space<vmem>>, vector<16xf32>,
    %swap3A_152 = vector.shape_cast %swap3A_151 : vector<16xf32> to vector<16xf32>
    %swap3A_153 = vector.shape_cast %broadcast_in_dim3A_33 : vector<16xf32> to vector<16xf32>
    tpu.vector_store %arg8[%swap3A_150], %swap3A_153 {strides = array<i32>} : memref<640xf32, #tpu.memory_space<vmem>>, vector<16xf32>,
    %swap3A_154 = arith.constant 480 : index
    %swap3A_155 = tpu.vector_load %arg8[%swap3A_154] {strides = array<i32>} : memref<640xf32, #tpu.memory_space<vmem>>, vector<16xf32>,
    %swap3A_156 = vector.shape_cast %swap3A_155 : vector<16xf32> to vector<16xf32>
    %swap3A_157 = vector.shape_cast %broadcast_in_dim3A_33 : vector<16xf32> to vector<16xf32>
    tpu.vector_store %arg8[%swap3A_154], %swap3A_157 {strides = array<i32>} : memref<640xf32, #tpu.memory_space<vmem>>, vector<16xf32>,
    %swap3A_158 = arith.constant 496 : index
    %swap3A_159 = tpu.vector_load %arg8[%swap3A_158] {strides = array<i32>} : memref<640xf32, #tpu.memory_space<vmem>>, vector<16xf32>,
    %swap3A_160 = vector.shape_cast %swap3A_159 : vector<16xf32> to vector<16xf32>
    %swap3A_161 = vector.shape_cast %broadcast_in_dim3A_33 : vector<16xf32> to vector<16xf32>
    tpu.vector_store %arg8[%swap3A_158], %swap3A_161 {strides = array<i32>} : memref<640xf32, #tpu.memory_space<vmem>>, vector<16xf32>,
    %swap3A_162 = arith.constant 512 : index
    %swap3A_163 = tpu.vector_load %arg8[%swap3A_162] {strides = array<i32>} : memref<640xf32, #tpu.memory_space<vmem>>, vector<16xf32>,
    %swap3A_164 = vector.shape_cast %swap3A_163 : vector<16xf32> to vector<16xf32>
    %swap3A_165 = vector.shape_cast %broadcast_in_dim3A_33 : vector<16xf32> to vector<16xf32>
    tpu.vector_store %arg8[%swap3A_162], %swap3A_165 {strides = array<i32>} : memref<640xf32, #tpu.memory_space<vmem>>, vector<16xf32>,
    %swap3A_166 = arith.constant 528 : index
    %swap3A_167 = tpu.vector_load %arg8[%swap3A_166] {strides = array<i32>} : memref<640xf32, #tpu.memory_space<vmem>>, vector<16xf32>,
    %swap3A_168 = vector.shape_cast %swap3A_167 : vector<16xf32> to vector<16xf32>
    %swap3A_169 = vector.shape_cast %broadcast_in_dim3A_33 : vector<16xf32> to vector<16xf32>
    tpu.vector_store %arg8[%swap3A_166], %swap3A_169 {strides = array<i32>} : memref<640xf32, #tpu.memory_space<vmem>>, vector<16xf32>,
    %swap3A_170 = arith.constant 544 : index
    %swap3A_171 = tpu.vector_load %arg8[%swap3A_170] {strides = array<i32>} : memref<640xf32, #tpu.memory_space<vmem>>, vector<16xf32>,
    %swap3A_172 = vector.shape_cast %swap3A_171 : vector<16xf32> to vector<16xf32>
    %swap3A_173 = vector.shape_cast %broadcast_in_dim3A_33 : vector<16xf32> to vector<16xf32>
    tpu.vector_store %arg8[%swap3A_170], %swap3A_173 {strides = array<i32>} : memref<640xf32, #tpu.memory_space<vmem>>, vector<16xf32>,
    %swap3A_174 = arith.constant 560 : index
    %swap3A_175 = tpu.vector_load %arg8[%swap3A_174] {strides = array<i32>} : memref<640xf32, #tpu.memory_space<vmem>>, vector<16xf32>,
    %swap3A_176 = vector.shape_cast %swap3A_175 : vector<16xf32> to vector<16xf32>
    %swap3A_177 = vector.shape_cast %broadcast_in_dim3A_33 : vector<16xf32> to vector<16xf32>
    tpu.vector_store %arg8[%swap3A_174], %swap3A_177 {strides = array<i32>} : memref<640xf32, #tpu.memory_space<vmem>>, vector<16xf32>,
    %swap3A_178 = arith.constant 576 : index
    %swap3A_179 = tpu.vector_load %arg8[%swap3A_178] {strides = array<i32>} : memref<640xf32, #tpu.memory_space<vmem>>, vector<16xf32>,
    %swap3A_180 = vector.shape_cast %swap3A_179 : vector<16xf32> to vector<16xf32>
    %swap3A_181 = vector.shape_cast %broadcast_in_dim3A_33 : vector<16xf32> to vector<16xf32>
    tpu.vector_store %arg8[%swap3A_178], %swap3A_181 {strides = array<i32>} : memref<640xf32, #tpu.memory_space<vmem>>, vector<16xf32>,
    %swap3A_182 = arith.constant 592 : index
    %swap3A_183 = tpu.vector_load %arg8[%swap3A_182] {strides = array<i32>} : memref<640xf32, #tpu.memory_space<vmem>>, vector<16xf32>,
    %swap3A_184 = vector.shape_cast %swap3A_183 : vector<16xf32> to vector<16xf32>
    %swap3A_185 = vector.shape_cast %broadcast_in_dim3A_33 : vector<16xf32> to vector<16xf32>
    tpu.vector_store %arg8[%swap3A_182], %swap3A_185 {strides = array<i32>} : memref<640xf32, #tpu.memory_space<vmem>>, vector<16xf32>,
    %swap3A_186 = arith.constant 608 : index
    %swap3A_187 = tpu.vector_load %arg8[%swap3A_186] {strides = array<i32>} : memref<640xf32, #tpu.memory_space<vmem>>, vector<16xf32>,
    %swap3A_188 = vector.shape_cast %swap3A_187 : vector<16xf32> to vector<16xf32>
    %swap3A_189 = vector.shape_cast %broadcast_in_dim3A_33 : vector<16xf32> to vector<16xf32>
    tpu.vector_store %arg8[%swap3A_186], %swap3A_189 {strides = array<i32>} : memref<640xf32, #tpu.memory_space<vmem>>, vector<16xf32>,
    %swap3A_190 = arith.constant 624 : index
    %swap3A_191 = tpu.vector_load %arg8[%swap3A_190] {strides = array<i32>} : memref<640xf32, #tpu.memory_space<vmem>>, vector<16xf32>,
    %swap3A_192 = vector.shape_cast %swap3A_191 : vector<16xf32> to vector<16xf32>
    %swap3A_193 = vector.shape_cast %broadcast_in_dim3A_33 : vector<16xf32> to vector<16xf32>
    tpu.vector_store %arg8[%swap3A_190], %swap3A_193 {strides = array<i32>} : memref<640xf32, #tpu.memory_space<vmem>>, vector<16xf32>,
    %mul3A = arith.constant 640 : i32
    %mul3A_194 = arith.muli %arg1, %mul3A : i32
    "tpu.region"() ({
      %run_scoped3A = tpu.sem_alloc : memref<!tpu.dma_semaphore, #tpu.memory_space<semaphore_mem>>
      %dma_start3A = tpu.memref_slice %arg5[%mul3A_194] : memref<10240xf32, #tpu.memory_space<vmem_shared>> -> memref<640xf32, #tpu.memory_space<vmem_shared>>
      %dma_start3A_212 = tpu.memref_slice %arg5[%mul3A_194] : memref<10240xf32, #tpu.memory_space<vmem_shared>> -> memref<640xf32, #tpu.memory_space<vmem_shared>>
      tpu.enqueue_dma source(%arg8 : memref<640xf32, #tpu.memory_space<vmem>>) target(%dma_start3A_212 : memref<640xf32, #tpu.memory_space<vmem_shared>>) target_semaphore(%run_scoped3A : memref<!tpu.dma_semaphore, #tpu.memory_space<semaphore_mem>>)
      %dma_wait3A = tpu.memref_slice %arg5[%mul3A_194] : memref<10240xf32, #tpu.memory_space<vmem_shared>> -> memref<640xf32, #tpu.memory_space<vmem_shared>>
      %dma_wait3A_213 = tpu.memref_slice %arg5[%mul3A_194] : memref<10240xf32, #tpu.memory_space<vmem_shared>> -> memref<640xf32, #tpu.memory_space<vmem_shared>>
      tpu.wait_dma2 semaphore(%run_scoped3A : memref<!tpu.dma_semaphore, #tpu.memory_space<semaphore_mem>>) src(%arg8 : memref<640xf32, #tpu.memory_space<vmem>>) dst(%dma_wait3A_213 : memref<640xf32, #tpu.memory_space<vmem_shared>>)
      tpu.yield
    }) : () -> ()
    %mul3A_195 = arith.constant 1280 : i32
    %mul3A_196 = arith.muli %arg0, %mul3A_195 : i32
    %mul3A_197 = arith.constant 80 : i32
    %mul3A_198 = arith.muli %arg1, %mul3A_197 : i32
    %add3A = arith.addi %mul3A_196, %mul3A_198 : i32
    "tpu.region"() ({
      %run_scoped3A = tpu.sem_alloc : memref<!tpu.dma_semaphore, #tpu.memory_space<semaphore_mem>>
      %dma_start3A = arith.constant 0 : i32
      %dma_start3A_212 = tpu.memref_slice %arg2[%add3A, %dma_start3A] : memref<2560x128xi32, #tpu.memory_space<hbm>> -> memref<80x128xi32, #tpu.memory_space<hbm>>
      %dma_start3A_213 = arith.constant 0 : i32
      %dma_start3A_214 = tpu.memref_slice %arg2[%add3A, %dma_start3A_213] : memref<2560x128xi32, #tpu.memory_space<hbm>> -> memref<80x128xi32, #tpu.memory_space<hbm>>
      tpu.enqueue_dma source(%dma_start3A_214 : memref<80x128xi32, #tpu.memory_space<hbm>>) target(%arg6 : memref<80x128xi32, #tpu.memory_space<vmem>>) target_semaphore(%run_scoped3A : memref<!tpu.dma_semaphore, #tpu.memory_space<semaphore_mem>>)
      %dma_wait3A = arith.constant 0 : i32
      %dma_wait3A_215 = tpu.memref_slice %arg2[%add3A, %dma_wait3A] : memref<2560x128xi32, #tpu.memory_space<hbm>> -> memref<80x128xi32, #tpu.memory_space<hbm>>
      %dma_wait3A_216 = arith.constant 0 : i32
      %dma_wait3A_217 = tpu.memref_slice %arg2[%add3A, %dma_wait3A_216] : memref<2560x128xi32, #tpu.memory_space<hbm>> -> memref<80x128xi32, #tpu.memory_space<hbm>>
      tpu.wait_dma2 semaphore(%run_scoped3A : memref<!tpu.dma_semaphore, #tpu.memory_space<semaphore_mem>>) src(%dma_wait3A_217 : memref<80x128xi32, #tpu.memory_space<hbm>>) dst(%arg6 : memref<80x128xi32, #tpu.memory_space<vmem>>)
      tpu.yield
    }) : () -> ()
    %barrier3A = arith.constant 0 : index
    tpu.barrier barrier_id(%barrier3A)
    %scan3A = arith.constant 0 : i32
    %scan3A_199 = arith.constant 0 : i32
    %scan3A_200 = arith.constant 80 : i32
    %scan3A_201 = arith.addi %scan3A_199, %scan3A_200 : i32
    %scan3A_202 = arith.constant 1 : i32
    scf.for %scan3A_212 = %scan3A_199 to %scan3A_201 step %scan3A_202  : i32 {
      "tpu.region"() ({
        %run_scoped3A = tpu.sem_alloc : memref<!tpu.dma_semaphore, #tpu.memory_space<semaphore_mem>>
        %dma_start3A = arith.constant 0 : i32
        %dma_start3A_213 = tpu.memref_slice %arg6[%scan3A_212, %dma_start3A] : memref<80x128xi32, #tpu.memory_space<vmem>> -> memref<1x128xi32, #tpu.memory_space<vmem>>
        %dma_start3A_214 = tpu.memref_squeeze %dma_start3A_213 : memref<1x128xi32, #tpu.memory_space<vmem>> -> memref<128xi32, #tpu.memory_space<vmem>>
        %dma_start3A_215 = arith.constant 0 : i32
        %dma_start3A_216 = tpu.memref_slice %arg5[%dma_start3A_215] : memref<10240xf32, #tpu.memory_space<vmem_shared>> -> memref<10240xf32, #tpu.memory_space<vmem_shared>>
        tpu.enqueue_indirect_dma source(%arg7 : memref<128xf32, #tpu.memory_space<vmem>>) target(%dma_start3A_216 : memref<10240xf32, #tpu.memory_space<vmem_shared>>) offsets(%dma_start3A_214 : memref<128xi32, #tpu.memory_space<vmem>>) semaphore(%run_scoped3A : memref<!tpu.dma_semaphore, #tpu.memory_space<semaphore_mem>>) {add = true}
        %dma_wait3A = arith.constant 0 : i32
        %dma_wait3A_217 = tpu.memref_slice %arg6[%scan3A_212, %dma_wait3A] : memref<80x128xi32, #tpu.memory_space<vmem>> -> memref<1x128xi32, #tpu.memory_space<vmem>>
        %dma_wait3A_218 = tpu.memref_squeeze %dma_wait3A_217 : memref<1x128xi32, #tpu.memory_space<vmem>> -> memref<128xi32, #tpu.memory_space<vmem>>
        %dma_wait3A_219 = arith.constant 0 : i32
        %dma_wait3A_220 = tpu.memref_slice %arg5[%dma_wait3A_219] : memref<10240xf32, #tpu.memory_space<vmem_shared>> -> memref<10240xf32, #tpu.memory_space<vmem_shared>>
        tpu.wait_indirect_dma semaphore(%run_scoped3A : memref<!tpu.dma_semaphore, #tpu.memory_space<semaphore_mem>>) src(%arg7 : memref<128xf32, #tpu.memory_space<vmem>>) dst(%dma_wait3A_220 : memref<10240xf32, #tpu.memory_space<vmem_shared>>)
        tpu.yield
      }) : () -> ()
    }
    %scan3A_203 = arith.constant 80 : i32
    %barrier3A_204 = arith.constant 0 : index
    tpu.barrier barrier_id(%barrier3A_204)
    %eq3A = arith.constant 0 : i32
    %eq3A_205 = arith.cmpi eq, %arg0, %eq3A : i32
    %convert_element_type3A = arith.extui %eq3A_205 : i1 to i32
    %cond3A = arith.constant 0 : i32
    %cond3A_206 = arith.cmpi ne, %convert_element_type3A, %cond3A : i32
    scf.if %cond3A_206 {
      %mul3A_212 = arith.constant 640 : i32
      %mul3A_213 = arith.muli %arg1, %mul3A_212 : i32
      %mul3A_214 = arith.constant 640 : i32
      %mul3A_215 = arith.muli %arg1, %mul3A_214 : i32
      "tpu.region"() ({
        %run_scoped3A = tpu.sem_alloc : memref<!tpu.dma_semaphore, #tpu.memory_space<semaphore_mem>>
        %dma_start3A = tpu.memref_slice %arg3[%mul3A_215] : memref<10240xf32, #tpu.memory_space<hbm>> -> memref<640xf32, #tpu.memory_space<hbm>>
        %dma_start3A_216 = tpu.memref_slice %arg5[%mul3A_213] : memref<10240xf32, #tpu.memory_space<vmem_shared>> -> memref<640xf32, #tpu.memory_space<vmem_shared>>
        tpu.enqueue_dma source(%dma_start3A_216 : memref<640xf32, #tpu.memory_space<vmem_shared>>) target(%dma_start3A : memref<640xf32, #tpu.memory_space<hbm>>) target_semaphore(%run_scoped3A : memref<!tpu.dma_semaphore, #tpu.memory_space<semaphore_mem>>)
        %dma_wait3A = tpu.memref_slice %arg3[%mul3A_215] : memref<10240xf32, #tpu.memory_space<hbm>> -> memref<640xf32, #tpu.memory_space<hbm>>
        %dma_wait3A_217 = tpu.memref_slice %arg5[%mul3A_213] : memref<10240xf32, #tpu.memory_space<vmem_shared>> -> memref<640xf32, #tpu.memory_space<vmem_shared>>
        tpu.wait_dma2 semaphore(%run_scoped3A : memref<!tpu.dma_semaphore, #tpu.memory_space<semaphore_mem>>) src(%dma_wait3A_217 : memref<640xf32, #tpu.memory_space<vmem_shared>>) dst(%dma_wait3A : memref<640xf32, #tpu.memory_space<hbm>>)
        tpu.yield
      }) : () -> ()
    } else {
    }
    %eq3A_207 = arith.constant 1 : i32
    %eq3A_208 = arith.cmpi eq, %arg0, %eq3A_207 : i32
    %convert_element_type3A_209 = arith.extui %eq3A_208 : i1 to i32
    %cond3A_210 = arith.constant 0 : i32
    %cond3A_211 = arith.cmpi ne, %convert_element_type3A_209, %cond3A_210 : i32
    scf.if %cond3A_211 {
      %mul3A_212 = arith.constant 640 : i32
      %mul3A_213 = arith.muli %arg1, %mul3A_212 : i32
      %mul3A_214 = arith.constant 640 : i32
      %mul3A_215 = arith.muli %arg1, %mul3A_214 : i32
      "tpu.region"() ({
        %run_scoped3A = tpu.sem_alloc : memref<!tpu.dma_semaphore, #tpu.memory_space<semaphore_mem>>
        %dma_start3A = tpu.memref_slice %arg4[%mul3A_215] : memref<10240xf32, #tpu.memory_space<hbm>> -> memref<640xf32, #tpu.memory_space<hbm>>
        %dma_start3A_216 = tpu.memref_slice %arg5[%mul3A_213] : memref<10240xf32, #tpu.memory_space<vmem_shared>> -> memref<640xf32, #tpu.memory_space<vmem_shared>>
        tpu.enqueue_dma source(%dma_start3A_216 : memref<640xf32, #tpu.memory_space<vmem_shared>>) target(%dma_start3A : memref<640xf32, #tpu.memory_space<hbm>>) target_semaphore(%run_scoped3A : memref<!tpu.dma_semaphore, #tpu.memory_space<semaphore_mem>>)
        %dma_wait3A = tpu.memref_slice %arg4[%mul3A_215] : memref<10240xf32, #tpu.memory_space<hbm>> -> memref<640xf32, #tpu.memory_space<hbm>>
        %dma_wait3A_217 = tpu.memref_slice %arg5[%mul3A_213] : memref<10240xf32, #tpu.memory_space<vmem_shared>> -> memref<640xf32, #tpu.memory_space<vmem_shared>>
        tpu.wait_dma2 semaphore(%run_scoped3A : memref<!tpu.dma_semaphore, #tpu.memory_space<semaphore_mem>>) src(%dma_wait3A_217 : memref<640xf32, #tpu.memory_space<vmem_shared>>) dst(%dma_wait3A : memref<640xf32, #tpu.memory_space<hbm>>)
        tpu.yield
      }) : () -> ()
    } else {
    }
    return
  }
}

#map = affine_map<(d0, d1) -> (0, 0)>
#map1 = affine_map<(d0, d1) -> (0)>
module attributes {stable_mosaic.version = 14 : i64} {
  func.func @_perm_kernel(%arg0: i32, %arg1: i32, %arg2: memref<10000x128xf32, #tpu.memory_space<hbm>>, %arg3: memref<10000xi32, #tpu.memory_space<hbm>>, %arg4: memref<10000x128xf32, #tpu.memory_space<hbm>>, %arg5: memref<128xi32, #tpu.memory_space<vmem>>, %arg6: memref<128x128xf32, #tpu.memory_space<vmem>>, %arg7: memref<16xi32, #tpu.memory_space<vmem>>, %arg8: memref<16x128xf32, #tpu.memory_space<vmem>>, %arg9: memref<!tpu.dma_semaphore, #tpu.memory_space<semaphore_mem>>) attributes {dimension_semantics = [#tpu.dimension_semantics<core_parallel>, #tpu.dimension_semantics<subcore_parallel>], iteration_bounds = array<i64: 2, 16>, scalar_prefetch = 0 : i64, scratch_operands = 5 : i64, tpu.core_type = #tpu.core_type<sc_vector_subcore>, window_params = [{transform_indices = #map}, {transform_indices = #map1}, {transform_indices = #map}]} {
    %mul3A = arith.constant 2 : i32
    %mul3A_0 = arith.muli %arg1, %mul3A : i32
    %add3A = arith.addi %mul3A_0, %arg0 : i32
    %scan3A = arith.constant 0 : i32
    %scan3A_1 = arith.constant 0 : i32
    %scan3A_2 = arith.constant 3 : i32
    %scan3A_3 = arith.addi %scan3A_1, %scan3A_2 : i32
    %scan3A_4 = arith.constant 1 : i32
    scf.for %scan3A_8 = %scan3A_1 to %scan3A_3 step %scan3A_4  : i32 {
      %mul3A_9 = arith.constant 32 : i32
      %mul3A_10 = arith.muli %scan3A_8, %mul3A_9 : i32
      %add3A_11 = arith.addi %mul3A_10, %add3A : i32
      %lt3A = arith.constant 78 : i32
      %lt3A_12 = arith.cmpi slt, %add3A_11, %lt3A : i32
      %convert_element_type3A_13 = arith.extui %lt3A_12 : i1 to i32
      %cond3A_14 = arith.constant 0 : i32
      %cond3A_15 = arith.cmpi ne, %convert_element_type3A_13, %cond3A_14 : i32
      scf.if %cond3A_15 {
        %mul3A_16 = arith.constant 128 : i32
        %mul3A_17 = arith.muli %add3A_11, %mul3A_16 : i32
        "tpu.region"() ({
          %run_scoped3A = tpu.sem_alloc : memref<!tpu.dma_semaphore, #tpu.memory_space<semaphore_mem>>
          %dma_start3A_24 = tpu.memref_slice %arg3[%mul3A_17] : memref<10000xi32, #tpu.memory_space<hbm>> -> memref<128xi32, #tpu.memory_space<hbm>>
          %dma_start3A_25 = tpu.memref_slice %arg3[%mul3A_17] : memref<10000xi32, #tpu.memory_space<hbm>> -> memref<128xi32, #tpu.memory_space<hbm>>
          tpu.enqueue_dma source(%dma_start3A_25 : memref<128xi32, #tpu.memory_space<hbm>>) target(%arg5 : memref<128xi32, #tpu.memory_space<vmem>>) target_semaphore(%run_scoped3A : memref<!tpu.dma_semaphore, #tpu.memory_space<semaphore_mem>>)
          %dma_wait3A_26 = tpu.memref_slice %arg3[%mul3A_17] : memref<10000xi32, #tpu.memory_space<hbm>> -> memref<128xi32, #tpu.memory_space<hbm>>
          %dma_wait3A_27 = tpu.memref_slice %arg3[%mul3A_17] : memref<10000xi32, #tpu.memory_space<hbm>> -> memref<128xi32, #tpu.memory_space<hbm>>
          tpu.wait_dma2 semaphore(%run_scoped3A : memref<!tpu.dma_semaphore, #tpu.memory_space<semaphore_mem>>) src(%dma_wait3A_27 : memref<128xi32, #tpu.memory_space<hbm>>) dst(%arg5 : memref<128xi32, #tpu.memory_space<vmem>>)
          tpu.yield
        }) : () -> ()
        %dma_start3A = arith.constant 0 : i32
        %dma_start3A_18 = arith.constant 0 : i32
        %dma_start3A_19 = tpu.memref_slice %arg2[%dma_start3A, %dma_start3A_18] : memref<10000x128xf32, #tpu.memory_space<hbm>> -> memref<10000x128xf32, #tpu.memory_space<hbm>>
        tpu.enqueue_indirect_dma source(%dma_start3A_19 : memref<10000x128xf32, #tpu.memory_space<hbm>>) target(%arg6 : memref<128x128xf32, #tpu.memory_space<vmem>>) offsets(%arg5 : memref<128xi32, #tpu.memory_space<vmem>>) semaphore(%arg9 : memref<!tpu.dma_semaphore, #tpu.memory_space<semaphore_mem>>)
        %dma_wait3A = arith.constant 0 : i32
        %dma_wait3A_20 = arith.constant 0 : i32
        %dma_wait3A_21 = tpu.memref_slice %arg2[%dma_wait3A, %dma_wait3A_20] : memref<10000x128xf32, #tpu.memory_space<hbm>> -> memref<10000x128xf32, #tpu.memory_space<hbm>>
        tpu.wait_indirect_dma semaphore(%arg9 : memref<!tpu.dma_semaphore, #tpu.memory_space<semaphore_mem>>) src(%dma_wait3A_21 : memref<10000x128xf32, #tpu.memory_space<hbm>>) dst(%arg6 : memref<128x128xf32, #tpu.memory_space<vmem>>)
        %mul3A_22 = arith.constant 128 : i32
        %mul3A_23 = arith.muli %add3A_11, %mul3A_22 : i32
        "tpu.region"() ({
          %run_scoped3A = tpu.sem_alloc : memref<!tpu.dma_semaphore, #tpu.memory_space<semaphore_mem>>
          %dma_start3A_24 = arith.constant 0 : i32
          %dma_start3A_25 = tpu.memref_slice %arg4[%mul3A_23, %dma_start3A_24] : memref<10000x128xf32, #tpu.memory_space<hbm>> -> memref<128x128xf32, #tpu.memory_space<hbm>>
          %dma_start3A_26 = arith.constant 0 : i32
          %dma_start3A_27 = tpu.memref_slice %arg4[%mul3A_23, %dma_start3A_26] : memref<10000x128xf32, #tpu.memory_space<hbm>> -> memref<128x128xf32, #tpu.memory_space<hbm>>
          tpu.enqueue_dma source(%arg6 : memref<128x128xf32, #tpu.memory_space<vmem>>) target(%dma_start3A_27 : memref<128x128xf32, #tpu.memory_space<hbm>>) target_semaphore(%run_scoped3A : memref<!tpu.dma_semaphore, #tpu.memory_space<semaphore_mem>>)
          %dma_wait3A_28 = arith.constant 0 : i32
          %dma_wait3A_29 = tpu.memref_slice %arg4[%mul3A_23, %dma_wait3A_28] : memref<10000x128xf32, #tpu.memory_space<hbm>> -> memref<128x128xf32, #tpu.memory_space<hbm>>
          %dma_wait3A_30 = arith.constant 0 : i32
          %dma_wait3A_31 = tpu.memref_slice %arg4[%mul3A_23, %dma_wait3A_30] : memref<10000x128xf32, #tpu.memory_space<hbm>> -> memref<128x128xf32, #tpu.memory_space<hbm>>
          tpu.wait_dma2 semaphore(%run_scoped3A : memref<!tpu.dma_semaphore, #tpu.memory_space<semaphore_mem>>) src(%arg6 : memref<128x128xf32, #tpu.memory_space<vmem>>) dst(%dma_wait3A_31 : memref<128x128xf32, #tpu.memory_space<hbm>>)
          tpu.yield
        }) : () -> ()
      } else {
      }
    }
    %scan3A_5 = arith.constant 3 : i32
    %eq3A = arith.constant 0 : i32
    %eq3A_6 = arith.cmpi eq, %add3A, %eq3A : i32
    %convert_element_type3A = arith.extui %eq3A_6 : i1 to i32
    %cond3A = arith.constant 0 : i32
    %cond3A_7 = arith.cmpi ne, %convert_element_type3A, %cond3A : i32
    scf.if %cond3A_7 {
      "tpu.region"() ({
        %run_scoped3A = tpu.sem_alloc : memref<!tpu.dma_semaphore, #tpu.memory_space<semaphore_mem>>
        %dma_start3A_12 = arith.constant 9984 : i32
        %dma_start3A_13 = tpu.memref_slice %arg3[%dma_start3A_12] : memref<10000xi32, #tpu.memory_space<hbm>> -> memref<16xi32, #tpu.memory_space<hbm>>
        %dma_start3A_14 = arith.constant 9984 : i32
        %dma_start3A_15 = tpu.memref_slice %arg3[%dma_start3A_14] : memref<10000xi32, #tpu.memory_space<hbm>> -> memref<16xi32, #tpu.memory_space<hbm>>
        tpu.enqueue_dma source(%dma_start3A_15 : memref<16xi32, #tpu.memory_space<hbm>>) target(%arg7 : memref<16xi32, #tpu.memory_space<vmem>>) target_semaphore(%run_scoped3A : memref<!tpu.dma_semaphore, #tpu.memory_space<semaphore_mem>>)
        %dma_wait3A_16 = arith.constant 9984 : i32
        %dma_wait3A_17 = tpu.memref_slice %arg3[%dma_wait3A_16] : memref<10000xi32, #tpu.memory_space<hbm>> -> memref<16xi32, #tpu.memory_space<hbm>>
        %dma_wait3A_18 = arith.constant 9984 : i32
        %dma_wait3A_19 = tpu.memref_slice %arg3[%dma_wait3A_18] : memref<10000xi32, #tpu.memory_space<hbm>> -> memref<16xi32, #tpu.memory_space<hbm>>
        tpu.wait_dma2 semaphore(%run_scoped3A : memref<!tpu.dma_semaphore, #tpu.memory_space<semaphore_mem>>) src(%dma_wait3A_19 : memref<16xi32, #tpu.memory_space<hbm>>) dst(%arg7 : memref<16xi32, #tpu.memory_space<vmem>>)
        tpu.yield
      }) : () -> ()
      %dma_start3A = arith.constant 0 : i32
      %dma_start3A_8 = arith.constant 0 : i32
      %dma_start3A_9 = tpu.memref_slice %arg2[%dma_start3A, %dma_start3A_8] : memref<10000x128xf32, #tpu.memory_space<hbm>> -> memref<10000x128xf32, #tpu.memory_space<hbm>>
      tpu.enqueue_indirect_dma source(%dma_start3A_9 : memref<10000x128xf32, #tpu.memory_space<hbm>>) target(%arg8 : memref<16x128xf32, #tpu.memory_space<vmem>>) offsets(%arg7 : memref<16xi32, #tpu.memory_space<vmem>>) semaphore(%arg9 : memref<!tpu.dma_semaphore, #tpu.memory_space<semaphore_mem>>)
      %dma_wait3A = arith.constant 0 : i32
      %dma_wait3A_10 = arith.constant 0 : i32
      %dma_wait3A_11 = tpu.memref_slice %arg2[%dma_wait3A, %dma_wait3A_10] : memref<10000x128xf32, #tpu.memory_space<hbm>> -> memref<10000x128xf32, #tpu.memory_space<hbm>>
      tpu.wait_indirect_dma semaphore(%arg9 : memref<!tpu.dma_semaphore, #tpu.memory_space<semaphore_mem>>) src(%dma_wait3A_11 : memref<10000x128xf32, #tpu.memory_space<hbm>>) dst(%arg8 : memref<16x128xf32, #tpu.memory_space<vmem>>)
      "tpu.region"() ({
        %run_scoped3A = tpu.sem_alloc : memref<!tpu.dma_semaphore, #tpu.memory_space<semaphore_mem>>
        %dma_start3A_12 = arith.constant 9984 : i32
        %dma_start3A_13 = arith.constant 0 : i32
        %dma_start3A_14 = tpu.memref_slice %arg4[%dma_start3A_12, %dma_start3A_13] : memref<10000x128xf32, #tpu.memory_space<hbm>> -> memref<16x128xf32, #tpu.memory_space<hbm>>
        %dma_start3A_15 = arith.constant 9984 : i32
        %dma_start3A_16 = arith.constant 0 : i32
        %dma_start3A_17 = tpu.memref_slice %arg4[%dma_start3A_15, %dma_start3A_16] : memref<10000x128xf32, #tpu.memory_space<hbm>> -> memref<16x128xf32, #tpu.memory_space<hbm>>
        tpu.enqueue_dma source(%arg8 : memref<16x128xf32, #tpu.memory_space<vmem>>) target(%dma_start3A_17 : memref<16x128xf32, #tpu.memory_space<hbm>>) target_semaphore(%run_scoped3A : memref<!tpu.dma_semaphore, #tpu.memory_space<semaphore_mem>>)
        %dma_wait3A_18 = arith.constant 9984 : i32
        %dma_wait3A_19 = arith.constant 0 : i32
        %dma_wait3A_20 = tpu.memref_slice %arg4[%dma_wait3A_18, %dma_wait3A_19] : memref<10000x128xf32, #tpu.memory_space<hbm>> -> memref<16x128xf32, #tpu.memory_space<hbm>>
        %dma_wait3A_21 = arith.constant 9984 : i32
        %dma_wait3A_22 = arith.constant 0 : i32
        %dma_wait3A_23 = tpu.memref_slice %arg4[%dma_wait3A_21, %dma_wait3A_22] : memref<10000x128xf32, #tpu.memory_space<hbm>> -> memref<16x128xf32, #tpu.memory_space<hbm>>
        tpu.wait_dma2 semaphore(%run_scoped3A : memref<!tpu.dma_semaphore, #tpu.memory_space<semaphore_mem>>) src(%arg8 : memref<16x128xf32, #tpu.memory_space<vmem>>) dst(%dma_wait3A_23 : memref<16x128xf32, #tpu.memory_space<hbm>>)
        tpu.yield
      }) : () -> ()
    } else {
    }
    return
  }
}

#map = affine_map<(d0, d1) -> (0, 0)>
#map1 = affine_map<(d0, d1) -> (0)>
module attributes {stable_mosaic.version = 14 : i64} {
  func.func @_agg_kernel(%arg0: i32, %arg1: i32, %arg2: memref<10000x128xf32, #tpu.memory_space<hbm>>, %arg3: memref<10000x128xf32, #tpu.memory_space<hbm>>, %arg4: memref<320000xi32, #tpu.memory_space<hbm>>, %arg5: memref<320000xi32, #tpu.memory_space<hbm>>, %arg6: memref<10000x128xf32, #tpu.memory_space<hbm>>, %arg7: memref<10000x128xf32, #tpu.memory_space<hbm>>, %arg8: memref<10000x128xf32, #tpu.memory_space<vmem_shared>>, %arg9: memref<128xi32, #tpu.memory_space<vmem>>, %arg10: memref<128xi32, #tpu.memory_space<vmem>>, %arg11: memref<128xi32, #tpu.memory_space<vmem>>, %arg12: memref<128xi32, #tpu.memory_space<vmem>>, %arg13: memref<128xi32, #tpu.memory_space<vmem>>, %arg14: memref<128xi32, #tpu.memory_space<vmem>>, %arg15: memref<128xi32, #tpu.memory_space<vmem>>, %arg16: memref<128xi32, #tpu.memory_space<vmem>>, %arg17: memref<128x128xf32, #tpu.memory_space<vmem>>, %arg18: memref<128x128xf32, #tpu.memory_space<vmem>>, %arg19: memref<!tpu.dma_semaphore, #tpu.memory_space<semaphore_mem>>, %arg20: memref<!tpu.dma_semaphore, #tpu.memory_space<semaphore_mem>>, %arg21: memref<!tpu.dma_semaphore, #tpu.memory_space<semaphore_mem>>, %arg22: memref<!tpu.dma_semaphore, #tpu.memory_space<semaphore_mem>>, %arg23: memref<!tpu.dma_semaphore, #tpu.memory_space<semaphore_mem>>, %arg24: memref<!tpu.dma_semaphore, #tpu.memory_space<semaphore_mem>>) attributes {dimension_semantics = [#tpu.dimension_semantics<core_parallel>, #tpu.dimension_semantics<subcore_parallel>], iteration_bounds = array<i64: 2, 16>, scalar_prefetch = 0 : i64, scratch_operands = 17 : i64, tpu.core_type = #tpu.core_type<sc_vector_subcore>, window_params = [{transform_indices = #map}, {transform_indices = #map}, {transform_indices = #map1}, {transform_indices = #map1}, {transform_indices = #map}, {transform_indices = #map}]} {
    %eq3A = arith.constant 0 : i32
    %eq3A_0 = arith.cmpi eq, %arg0, %eq3A : i32
    %convert_element_type3A = arith.extui %eq3A_0 : i1 to i32
    %cond3A = arith.constant 0 : i32
    %cond3A_1 = arith.cmpi ne, %convert_element_type3A, %cond3A : i32
    scf.if %cond3A_1 {
      %scan3A = arith.constant 0 : i32
      %scan3A_7 = arith.constant 0 : i32
      %scan3A_8 = arith.constant 8 : i32
      %scan3A_9 = arith.addi %scan3A_7, %scan3A_8 : i32
      %scan3A_10 = arith.constant 1 : i32
      scf.for %scan3A_51 = %scan3A_7 to %scan3A_9 step %scan3A_10  : i32 {
        %mul3A = arith.constant 16 : i32
        %mul3A_52 = arith.muli %scan3A_51, %mul3A : i32
        %add3A_53 = arith.addi %mul3A_52, %arg1 : i32
        %lt3A_54 = arith.constant 125 : i32
        %lt3A_55 = arith.cmpi slt, %add3A_53, %lt3A_54 : i32
        %convert_element_type3A_56 = arith.extui %lt3A_55 : i1 to i32
        %cond3A_57 = arith.constant 0 : i32
        %cond3A_58 = arith.cmpi ne, %convert_element_type3A_56, %cond3A_57 : i32
        scf.if %cond3A_58 {
          %mul3A_59 = arith.constant 80 : i32
          %mul3A_60 = arith.muli %add3A_53, %mul3A_59 : i32
          %mul3A_61 = arith.constant 80 : i32
          %mul3A_62 = arith.muli %add3A_53, %mul3A_61 : i32
          "tpu.region"() ({
            %run_scoped3A = tpu.sem_alloc : memref<!tpu.dma_semaphore, #tpu.memory_space<semaphore_mem>>
            %dma_start3A = arith.constant 0 : i32
            %dma_start3A_63 = tpu.memref_slice %arg8[%mul3A_62, %dma_start3A] : memref<10000x128xf32, #tpu.memory_space<vmem_shared>> -> memref<80x128xf32, #tpu.memory_space<vmem_shared>>
            %dma_start3A_64 = arith.constant 0 : i32
            %dma_start3A_65 = tpu.memref_slice %arg2[%mul3A_60, %dma_start3A_64] : memref<10000x128xf32, #tpu.memory_space<hbm>> -> memref<80x128xf32, #tpu.memory_space<hbm>>
            tpu.enqueue_dma source(%dma_start3A_65 : memref<80x128xf32, #tpu.memory_space<hbm>>) target(%dma_start3A_63 : memref<80x128xf32, #tpu.memory_space<vmem_shared>>) target_semaphore(%run_scoped3A : memref<!tpu.dma_semaphore, #tpu.memory_space<semaphore_mem>>)
            %dma_wait3A = arith.constant 0 : i32
            %dma_wait3A_66 = tpu.memref_slice %arg8[%mul3A_62, %dma_wait3A] : memref<10000x128xf32, #tpu.memory_space<vmem_shared>> -> memref<80x128xf32, #tpu.memory_space<vmem_shared>>
            %dma_wait3A_67 = arith.constant 0 : i32
            %dma_wait3A_68 = tpu.memref_slice %arg2[%mul3A_60, %dma_wait3A_67] : memref<10000x128xf32, #tpu.memory_space<hbm>> -> memref<80x128xf32, #tpu.memory_space<hbm>>
            tpu.wait_dma2 semaphore(%run_scoped3A : memref<!tpu.dma_semaphore, #tpu.memory_space<semaphore_mem>>) src(%dma_wait3A_68 : memref<80x128xf32, #tpu.memory_space<hbm>>) dst(%dma_wait3A_66 : memref<80x128xf32, #tpu.memory_space<vmem_shared>>)
            tpu.yield
          }) : () -> ()
        } else {
        }
      }
      %scan3A_11 = arith.constant 8 : i32
      %barrier3A = arith.constant 0 : index
      tpu.barrier barrier_id(%barrier3A)
      %add3A = arith.constant 0 : i32
      %add3A_12 = arith.addi %add3A, %arg1 : i32
      %lt3A = arith.constant 2500 : i32
      %lt3A_13 = arith.cmpi slt, %add3A_12, %lt3A : i32
      %convert_element_type3A_14 = arith.extui %lt3A_13 : i1 to i32
      %cond3A_15 = arith.constant 0 : i32
      %cond3A_16 = arith.cmpi ne, %convert_element_type3A_14, %cond3A_15 : i32
      scf.if %cond3A_16 {
        %mul3A = arith.constant 128 : i32
        %mul3A_51 = arith.muli %add3A_12, %mul3A : i32
        %dma_start3A = tpu.memref_slice %arg4[%mul3A_51] : memref<320000xi32, #tpu.memory_space<hbm>> -> memref<128xi32, #tpu.memory_space<hbm>>
        %dma_start3A_52 = tpu.memref_slice %arg4[%mul3A_51] : memref<320000xi32, #tpu.memory_space<hbm>> -> memref<128xi32, #tpu.memory_space<hbm>>
        tpu.enqueue_dma source(%dma_start3A_52 : memref<128xi32, #tpu.memory_space<hbm>>) target(%arg9 : memref<128xi32, #tpu.memory_space<vmem>>) target_semaphore(%arg21 : memref<!tpu.dma_semaphore, #tpu.memory_space<semaphore_mem>>)
        %mul3A_53 = arith.constant 128 : i32
        %mul3A_54 = arith.muli %add3A_12, %mul3A_53 : i32
        %dma_start3A_55 = tpu.memref_slice %arg5[%mul3A_54] : memref<320000xi32, #tpu.memory_space<hbm>> -> memref<128xi32, #tpu.memory_space<hbm>>
        %dma_start3A_56 = tpu.memref_slice %arg5[%mul3A_54] : memref<320000xi32, #tpu.memory_space<hbm>> -> memref<128xi32, #tpu.memory_space<hbm>>
        tpu.enqueue_dma source(%dma_start3A_56 : memref<128xi32, #tpu.memory_space<hbm>>) target(%arg13 : memref<128xi32, #tpu.memory_space<vmem>>) target_semaphore(%arg21 : memref<!tpu.dma_semaphore, #tpu.memory_space<semaphore_mem>>)
      } else {
      }
      %add3A_17 = arith.constant 16 : i32
      %add3A_18 = arith.addi %add3A_17, %arg1 : i32
      %lt3A_19 = arith.constant 2500 : i32
      %lt3A_20 = arith.cmpi slt, %add3A_18, %lt3A_19 : i32
      %convert_element_type3A_21 = arith.extui %lt3A_20 : i1 to i32
      %cond3A_22 = arith.constant 0 : i32
      %cond3A_23 = arith.cmpi ne, %convert_element_type3A_21, %cond3A_22 : i32
      scf.if %cond3A_23 {
        %mul3A = arith.constant 128 : i32
        %mul3A_51 = arith.muli %add3A_18, %mul3A : i32
        %dma_start3A = tpu.memref_slice %arg4[%mul3A_51] : memref<320000xi32, #tpu.memory_space<hbm>> -> memref<128xi32, #tpu.memory_space<hbm>>
        %dma_start3A_52 = tpu.memref_slice %arg4[%mul3A_51] : memref<320000xi32, #tpu.memory_space<hbm>> -> memref<128xi32, #tpu.memory_space<hbm>>
        tpu.enqueue_dma source(%dma_start3A_52 : memref<128xi32, #tpu.memory_space<hbm>>) target(%arg10 : memref<128xi32, #tpu.memory_space<vmem>>) target_semaphore(%arg22 : memref<!tpu.dma_semaphore, #tpu.memory_space<semaphore_mem>>)
        %mul3A_53 = arith.constant 128 : i32
        %mul3A_54 = arith.muli %add3A_18, %mul3A_53 : i32
        %dma_start3A_55 = tpu.memref_slice %arg5[%mul3A_54] : memref<320000xi32, #tpu.memory_space<hbm>> -> memref<128xi32, #tpu.memory_space<hbm>>
        %dma_start3A_56 = tpu.memref_slice %arg5[%mul3A_54] : memref<320000xi32, #tpu.memory_space<hbm>> -> memref<128xi32, #tpu.memory_space<hbm>>
        tpu.enqueue_dma source(%dma_start3A_56 : memref<128xi32, #tpu.memory_space<hbm>>) target(%arg14 : memref<128xi32, #tpu.memory_space<vmem>>) target_semaphore(%arg22 : memref<!tpu.dma_semaphore, #tpu.memory_space<semaphore_mem>>)
      } else {
      }
      %add3A_24 = arith.constant 0 : i32
      %add3A_25 = arith.addi %add3A_24, %arg1 : i32
      %lt3A_26 = arith.constant 2500 : i32
      %lt3A_27 = arith.cmpi slt, %add3A_25, %lt3A_26 : i32
      %convert_element_type3A_28 = arith.extui %lt3A_27 : i1 to i32
      %cond3A_29 = arith.constant 0 : i32
      %cond3A_30 = arith.cmpi ne, %convert_element_type3A_28, %cond3A_29 : i32
      scf.if %cond3A_30 {
        %dma_wait3A = arith.constant 0 : i32
        %dma_wait3A_51 = tpu.memref_slice %arg4[%dma_wait3A] : memref<320000xi32, #tpu.memory_space<hbm>> -> memref<128xi32, #tpu.memory_space<hbm>>
        %dma_wait3A_52 = arith.constant 0 : i32
        %dma_wait3A_53 = tpu.memref_slice %arg4[%dma_wait3A_52] : memref<320000xi32, #tpu.memory_space<hbm>> -> memref<128xi32, #tpu.memory_space<hbm>>
        tpu.wait_dma2 semaphore(%arg21 : memref<!tpu.dma_semaphore, #tpu.memory_space<semaphore_mem>>) src(%dma_wait3A_53 : memref<128xi32, #tpu.memory_space<hbm>>) dst(%arg9 : memref<128xi32, #tpu.memory_space<vmem>>)
        %dma_wait3A_54 = arith.constant 0 : i32
        %dma_wait3A_55 = tpu.memref_slice %arg4[%dma_wait3A_54] : memref<320000xi32, #tpu.memory_space<hbm>> -> memref<128xi32, #tpu.memory_space<hbm>>
        %dma_wait3A_56 = arith.constant 0 : i32
        %dma_wait3A_57 = tpu.memref_slice %arg4[%dma_wait3A_56] : memref<320000xi32, #tpu.memory_space<hbm>> -> memref<128xi32, #tpu.memory_space<hbm>>
        tpu.wait_dma2 semaphore(%arg21 : memref<!tpu.dma_semaphore, #tpu.memory_space<semaphore_mem>>) src(%dma_wait3A_57 : memref<128xi32, #tpu.memory_space<hbm>>) dst(%arg13 : memref<128xi32, #tpu.memory_space<vmem>>)
      } else {
      }
      %add3A_31 = arith.constant 0 : i32
      %add3A_32 = arith.addi %add3A_31, %arg1 : i32
      %lt3A_33 = arith.constant 2500 : i32
      %lt3A_34 = arith.cmpi slt, %add3A_32, %lt3A_33 : i32
      %convert_element_type3A_35 = arith.extui %lt3A_34 : i1 to i32
      %cond3A_36 = arith.constant 0 : i32
      %cond3A_37 = arith.cmpi ne, %convert_element_type3A_35, %cond3A_36 : i32
      scf.if %cond3A_37 {
        %dma_start3A = arith.constant 0 : i32
        %dma_start3A_51 = arith.constant 0 : i32
        %dma_start3A_52 = tpu.memref_slice %arg2[%dma_start3A, %dma_start3A_51] : memref<10000x128xf32, #tpu.memory_space<hbm>> -> memref<10000x128xf32, #tpu.memory_space<hbm>>
        tpu.enqueue_indirect_dma source(%dma_start3A_52 : memref<10000x128xf32, #tpu.memory_space<hbm>>) target(%arg17 : memref<128x128xf32, #tpu.memory_space<vmem>>) offsets(%arg9 : memref<128xi32, #tpu.memory_space<vmem>>) semaphore(%arg19 : memref<!tpu.dma_semaphore, #tpu.memory_space<semaphore_mem>>)
      } else {
      }
      %scan3A_38 = arith.constant 0 : i32
      %scan3A_39 = arith.constant 0 : i32
      %scan3A_40 = arith.constant 40 : i32
      %scan3A_41 = arith.addi %scan3A_39, %scan3A_40 : i32
      %scan3A_42 = arith.constant 1 : i32
      scf.for %scan3A_51 = %scan3A_39 to %scan3A_41 step %scan3A_42  : i32 {
        %mul3A = arith.constant 4 : i32
        %mul3A_52 = arith.muli %scan3A_51, %mul3A : i32
        %add3A_53 = arith.constant 0 : i32
        %add3A_54 = arith.addi %mul3A_52, %add3A_53 : i32
        %add3A_55 = arith.constant 2 : i32
        %add3A_56 = arith.addi %add3A_54, %add3A_55 : i32
        %mul3A_57 = arith.constant 16 : i32
        %mul3A_58 = arith.muli %add3A_56, %mul3A_57 : i32
        %add3A_59 = arith.addi %mul3A_58, %arg1 : i32
        %lt3A_60 = arith.constant 2500 : i32
        %lt3A_61 = arith.cmpi slt, %add3A_59, %lt3A_60 : i32
        %convert_element_type3A_62 = arith.extui %lt3A_61 : i1 to i32
        %cond3A_63 = arith.constant 0 : i32
        %cond3A_64 = arith.cmpi ne, %convert_element_type3A_62, %cond3A_63 : i32
        scf.if %cond3A_64 {
          %mul3A_213 = arith.constant 128 : i32
          %mul3A_214 = arith.muli %add3A_59, %mul3A_213 : i32
          %dma_start3A = tpu.memref_slice %arg4[%mul3A_214] : memref<320000xi32, #tpu.memory_space<hbm>> -> memref<128xi32, #tpu.memory_space<hbm>>
          %dma_start3A_215 = tpu.memref_slice %arg4[%mul3A_214] : memref<320000xi32, #tpu.memory_space<hbm>> -> memref<128xi32, #tpu.memory_space<hbm>>
          tpu.enqueue_dma source(%dma_start3A_215 : memref<128xi32, #tpu.memory_space<hbm>>) target(%arg11 : memref<128xi32, #tpu.memory_space<vmem>>) target_semaphore(%arg23 : memref<!tpu.dma_semaphore, #tpu.memory_space<semaphore_mem>>)
          %mul3A_216 = arith.constant 128 : i32
          %mul3A_217 = arith.muli %add3A_59, %mul3A_216 : i32
          %dma_start3A_218 = tpu.memref_slice %arg5[%mul3A_217] : memref<320000xi32, #tpu.memory_space<hbm>> -> memref<128xi32, #tpu.memory_space<hbm>>
          %dma_start3A_219 = tpu.memref_slice %arg5[%mul3A_217] : memref<320000xi32, #tpu.memory_space<hbm>> -> memref<128xi32, #tpu.memory_space<hbm>>
          tpu.enqueue_dma source(%dma_start3A_219 : memref<128xi32, #tpu.memory_space<hbm>>) target(%arg15 : memref<128xi32, #tpu.memory_space<vmem>>) target_semaphore(%arg23 : memref<!tpu.dma_semaphore, #tpu.memory_space<semaphore_mem>>)
        } else {
        }
        %add3A_65 = arith.constant 1 : i32
        %add3A_66 = arith.addi %add3A_54, %add3A_65 : i32
        %mul3A_67 = arith.constant 16 : i32
        %mul3A_68 = arith.muli %add3A_66, %mul3A_67 : i32
        %add3A_69 = arith.addi %mul3A_68, %arg1 : i32
        %lt3A_70 = arith.constant 2500 : i32
        %lt3A_71 = arith.cmpi slt, %add3A_69, %lt3A_70 : i32
        %convert_element_type3A_72 = arith.extui %lt3A_71 : i1 to i32
        %cond3A_73 = arith.constant 0 : i32
        %cond3A_74 = arith.cmpi ne, %convert_element_type3A_72, %cond3A_73 : i32
        scf.if %cond3A_74 {
          %dma_wait3A = arith.constant 0 : i32
          %dma_wait3A_213 = tpu.memref_slice %arg4[%dma_wait3A] : memref<320000xi32, #tpu.memory_space<hbm>> -> memref<128xi32, #tpu.memory_space<hbm>>
          %dma_wait3A_214 = arith.constant 0 : i32
          %dma_wait3A_215 = tpu.memref_slice %arg4[%dma_wait3A_214] : memref<320000xi32, #tpu.memory_space<hbm>> -> memref<128xi32, #tpu.memory_space<hbm>>
          tpu.wait_dma2 semaphore(%arg22 : memref<!tpu.dma_semaphore, #tpu.memory_space<semaphore_mem>>) src(%dma_wait3A_215 : memref<128xi32, #tpu.memory_space<hbm>>) dst(%arg10 : memref<128xi32, #tpu.memory_space<vmem>>)
          %dma_wait3A_216 = arith.constant 0 : i32
          %dma_wait3A_217 = tpu.memref_slice %arg4[%dma_wait3A_216] : memref<320000xi32, #tpu.memory_space<hbm>> -> memref<128xi32, #tpu.memory_space<hbm>>
          %dma_wait3A_218 = arith.constant 0 : i32
          %dma_wait3A_219 = tpu.memref_slice %arg4[%dma_wait3A_218] : memref<320000xi32, #tpu.memory_space<hbm>> -> memref<128xi32, #tpu.memory_space<hbm>>
          tpu.wait_dma2 semaphore(%arg22 : memref<!tpu.dma_semaphore, #tpu.memory_space<semaphore_mem>>) src(%dma_wait3A_219 : memref<128xi32, #tpu.memory_space<hbm>>) dst(%arg14 : memref<128xi32, #tpu.memory_space<vmem>>)
        } else {
        }
        %add3A_75 = arith.constant 1 : i32
        %add3A_76 = arith.addi %add3A_54, %add3A_75 : i32
        %mul3A_77 = arith.constant 16 : i32
        %mul3A_78 = arith.muli %add3A_76, %mul3A_77 : i32
        %add3A_79 = arith.addi %mul3A_78, %arg1 : i32
        %lt3A_80 = arith.constant 2500 : i32
        %lt3A_81 = arith.cmpi slt, %add3A_79, %lt3A_80 : i32
        %convert_element_type3A_82 = arith.extui %lt3A_81 : i1 to i32
        %cond3A_83 = arith.constant 0 : i32
        %cond3A_84 = arith.cmpi ne, %convert_element_type3A_82, %cond3A_83 : i32
        scf.if %cond3A_84 {
          %dma_start3A = arith.constant 0 : i32
          %dma_start3A_213 = arith.constant 0 : i32
          %dma_start3A_214 = tpu.memref_slice %arg2[%dma_start3A, %dma_start3A_213] : memref<10000x128xf32, #tpu.memory_space<hbm>> -> memref<10000x128xf32, #tpu.memory_space<hbm>>
          tpu.enqueue_indirect_dma source(%dma_start3A_214 : memref<10000x128xf32, #tpu.memory_space<hbm>>) target(%arg18 : memref<128x128xf32, #tpu.memory_space<vmem>>) offsets(%arg10 : memref<128xi32, #tpu.memory_space<vmem>>) semaphore(%arg20 : memref<!tpu.dma_semaphore, #tpu.memory_space<semaphore_mem>>)
        } else {
        }
        %mul3A_85 = arith.constant 16 : i32
        %mul3A_86 = arith.muli %add3A_54, %mul3A_85 : i32
        %add3A_87 = arith.addi %mul3A_86, %arg1 : i32
        %lt3A_88 = arith.constant 2500 : i32
        %lt3A_89 = arith.cmpi slt, %add3A_87, %lt3A_88 : i32
        %convert_element_type3A_90 = arith.extui %lt3A_89 : i1 to i32
        %cond3A_91 = arith.constant 0 : i32
        %cond3A_92 = arith.cmpi ne, %convert_element_type3A_90, %cond3A_91 : i32
        scf.if %cond3A_92 {
          %dma_wait3A = arith.constant 0 : i32
          %dma_wait3A_213 = arith.constant 0 : i32
          %dma_wait3A_214 = tpu.memref_slice %arg2[%dma_wait3A, %dma_wait3A_213] : memref<10000x128xf32, #tpu.memory_space<hbm>> -> memref<128x128xf32, #tpu.memory_space<hbm>>
          %dma_wait3A_215 = arith.constant 0 : i32
          %dma_wait3A_216 = arith.constant 0 : i32
          %dma_wait3A_217 = tpu.memref_slice %arg2[%dma_wait3A_215, %dma_wait3A_216] : memref<10000x128xf32, #tpu.memory_space<hbm>> -> memref<128x128xf32, #tpu.memory_space<hbm>>
          tpu.wait_dma2 semaphore(%arg19 : memref<!tpu.dma_semaphore, #tpu.memory_space<semaphore_mem>>) src(%dma_wait3A_217 : memref<128x128xf32, #tpu.memory_space<hbm>>) dst(%arg17 : memref<128x128xf32, #tpu.memory_space<vmem>>)
          "tpu.region"() ({
            %run_scoped3A = tpu.sem_alloc : memref<!tpu.dma_semaphore, #tpu.memory_space<semaphore_mem>>
            %dma_start3A = arith.constant 0 : i32
            %dma_start3A_218 = arith.constant 0 : i32
            %dma_start3A_219 = tpu.memref_slice %arg8[%dma_start3A, %dma_start3A_218] : memref<10000x128xf32, #tpu.memory_space<vmem_shared>> -> memref<10000x128xf32, #tpu.memory_space<vmem_shared>>
            tpu.enqueue_indirect_dma source(%arg17 : memref<128x128xf32, #tpu.memory_space<vmem>>) target(%dma_start3A_219 : memref<10000x128xf32, #tpu.memory_space<vmem_shared>>) offsets(%arg13 : memref<128xi32, #tpu.memory_space<vmem>>) semaphore(%run_scoped3A : memref<!tpu.dma_semaphore, #tpu.memory_space<semaphore_mem>>) {add = true}
            %dma_wait3A_220 = arith.constant 0 : i32
            %dma_wait3A_221 = arith.constant 0 : i32
            %dma_wait3A_222 = tpu.memref_slice %arg8[%dma_wait3A_220, %dma_wait3A_221] : memref<10000x128xf32, #tpu.memory_space<vmem_shared>> -> memref<10000x128xf32, #tpu.memory_space<vmem_shared>>
            tpu.wait_indirect_dma semaphore(%run_scoped3A : memref<!tpu.dma_semaphore, #tpu.memory_space<semaphore_mem>>) src(%arg17 : memref<128x128xf32, #tpu.memory_space<vmem>>) dst(%dma_wait3A_222 : memref<10000x128xf32, #tpu.memory_space<vmem_shared>>)
            tpu.yield
          }) : () -> ()
        } else {
        }
        %add3A_93 = arith.constant 1 : i32
        %add3A_94 = arith.addi %mul3A_52, %add3A_93 : i32
        %add3A_95 = arith.constant 2 : i32
        %add3A_96 = arith.addi %add3A_94, %add3A_95 : i32
        %mul3A_97 = arith.constant 16 : i32
        %mul3A_98 = arith.muli %add3A_96, %mul3A_97 : i32
        %add3A_99 = arith.addi %mul3A_98, %arg1 : i32
        %lt3A_100 = arith.constant 2500 : i32
        %lt3A_101 = arith.cmpi slt, %add3A_99, %lt3A_100 : i32
        %convert_element_type3A_102 = arith.extui %lt3A_101 : i1 to i32
        %cond3A_103 = arith.constant 0 : i32
        %cond3A_104 = arith.cmpi ne, %convert_element_type3A_102, %cond3A_103 : i32
        scf.if %cond3A_104 {
          %mul3A_213 = arith.constant 128 : i32
          %mul3A_214 = arith.muli %add3A_99, %mul3A_213 : i32
          %dma_start3A = tpu.memref_slice %arg4[%mul3A_214] : memref<320000xi32, #tpu.memory_space<hbm>> -> memref<128xi32, #tpu.memory_space<hbm>>
          %dma_start3A_215 = tpu.memref_slice %arg4[%mul3A_214] : memref<320000xi32, #tpu.memory_space<hbm>> -> memref<128xi32, #tpu.memory_space<hbm>>
          tpu.enqueue_dma source(%dma_start3A_215 : memref<128xi32, #tpu.memory_space<hbm>>) target(%arg12 : memref<128xi32, #tpu.memory_space<vmem>>) target_semaphore(%arg24 : memref<!tpu.dma_semaphore, #tpu.memory_space<semaphore_mem>>)
          %mul3A_216 = arith.constant 128 : i32
          %mul3A_217 = arith.muli %add3A_99, %mul3A_216 : i32
          %dma_start3A_218 = tpu.memref_slice %arg5[%mul3A_217] : memref<320000xi32, #tpu.memory_space<hbm>> -> memref<128xi32, #tpu.memory_space<hbm>>
          %dma_start3A_219 = tpu.memref_slice %arg5[%mul3A_217] : memref<320000xi32, #tpu.memory_space<hbm>> -> memref<128xi32, #tpu.memory_space<hbm>>
          tpu.enqueue_dma source(%dma_start3A_219 : memref<128xi32, #tpu.memory_space<hbm>>) target(%arg16 : memref<128xi32, #tpu.memory_space<vmem>>) target_semaphore(%arg24 : memref<!tpu.dma_semaphore, #tpu.memory_space<semaphore_mem>>)
        } else {
        }
        %add3A_105 = arith.constant 1 : i32
        %add3A_106 = arith.addi %add3A_94, %add3A_105 : i32
        %mul3A_107 = arith.constant 16 : i32
        %mul3A_108 = arith.muli %add3A_106, %mul3A_107 : i32
        %add3A_109 = arith.addi %mul3A_108, %arg1 : i32
        %lt3A_110 = arith.constant 2500 : i32
        %lt3A_111 = arith.cmpi slt, %add3A_109, %lt3A_110 : i32
        %convert_element_type3A_112 = arith.extui %lt3A_111 : i1 to i32
        %cond3A_113 = arith.constant 0 : i32
        %cond3A_114 = arith.cmpi ne, %convert_element_type3A_112, %cond3A_113 : i32
        scf.if %cond3A_114 {
          %dma_wait3A = arith.constant 0 : i32
          %dma_wait3A_213 = tpu.memref_slice %arg4[%dma_wait3A] : memref<320000xi32, #tpu.memory_space<hbm>> -> memref<128xi32, #tpu.memory_space<hbm>>
          %dma_wait3A_214 = arith.constant 0 : i32
          %dma_wait3A_215 = tpu.memref_slice %arg4[%dma_wait3A_214] : memref<320000xi32, #tpu.memory_space<hbm>> -> memref<128xi32, #tpu.memory_space<hbm>>
          tpu.wait_dma2 semaphore(%arg23 : memref<!tpu.dma_semaphore, #tpu.memory_space<semaphore_mem>>) src(%dma_wait3A_215 : memref<128xi32, #tpu.memory_space<hbm>>) dst(%arg11 : memref<128xi32, #tpu.memory_space<vmem>>)
          %dma_wait3A_216 = arith.constant 0 : i32
          %dma_wait3A_217 = tpu.memref_slice %arg4[%dma_wait3A_216] : memref<320000xi32, #tpu.memory_space<hbm>> -> memref<128xi32, #tpu.memory_space<hbm>>
          %dma_wait3A_218 = arith.constant 0 : i32
          %dma_wait3A_219 = tpu.memref_slice %arg4[%dma_wait3A_218] : memref<320000xi32, #tpu.memory_space<hbm>> -> memref<128xi32, #tpu.memory_space<hbm>>
          tpu.wait_dma2 semaphore(%arg23 : memref<!tpu.dma_semaphore, #tpu.memory_space<semaphore_mem>>) src(%dma_wait3A_219 : memref<128xi32, #tpu.memory_space<hbm>>) dst(%arg15 : memref<128xi32, #tpu.memory_space<vmem>>)
        } else {
        }
        %add3A_115 = arith.constant 1 : i32
        %add3A_116 = arith.addi %add3A_94, %add3A_115 : i32
        %mul3A_117 = arith.constant 16 : i32
        %mul3A_118 = arith.muli %add3A_116, %mul3A_117 : i32
        %add3A_119 = arith.addi %mul3A_118, %arg1 : i32
        %lt3A_120 = arith.constant 2500 : i32
        %lt3A_121 = arith.cmpi slt, %add3A_119, %lt3A_120 : i32
        %convert_element_type3A_122 = arith.extui %lt3A_121 : i1 to i32
        %cond3A_123 = arith.constant 0 : i32
        %cond3A_124 = arith.cmpi ne, %convert_element_type3A_122, %cond3A_123 : i32
        scf.if %cond3A_124 {
          %dma_start3A = arith.constant 0 : i32
          %dma_start3A_213 = arith.constant 0 : i32
          %dma_start3A_214 = tpu.memref_slice %arg2[%dma_start3A, %dma_start3A_213] : memref<10000x128xf32, #tpu.memory_space<hbm>> -> memref<10000x128xf32, #tpu.memory_space<hbm>>
          tpu.enqueue_indirect_dma source(%dma_start3A_214 : memref<10000x128xf32, #tpu.memory_space<hbm>>) target(%arg17 : memref<128x128xf32, #tpu.memory_space<vmem>>) offsets(%arg11 : memref<128xi32, #tpu.memory_space<vmem>>) semaphore(%arg19 : memref<!tpu.dma_semaphore, #tpu.memory_space<semaphore_mem>>)
        } else {
        }
        %mul3A_125 = arith.constant 16 : i32
        %mul3A_126 = arith.muli %add3A_94, %mul3A_125 : i32
        %add3A_127 = arith.addi %mul3A_126, %arg1 : i32
        %lt3A_128 = arith.constant 2500 : i32
        %lt3A_129 = arith.cmpi slt, %add3A_127, %lt3A_128 : i32
        %convert_element_type3A_130 = arith.extui %lt3A_129 : i1 to i32
        %cond3A_131 = arith.constant 0 : i32
        %cond3A_132 = arith.cmpi ne, %convert_element_type3A_130, %cond3A_131 : i32
        scf.if %cond3A_132 {
          %dma_wait3A = arith.constant 0 : i32
          %dma_wait3A_213 = arith.constant 0 : i32
          %dma_wait3A_214 = tpu.memref_slice %arg2[%dma_wait3A, %dma_wait3A_213] : memref<10000x128xf32, #tpu.memory_space<hbm>> -> memref<128x128xf32, #tpu.memory_space<hbm>>
          %dma_wait3A_215 = arith.constant 0 : i32
          %dma_wait3A_216 = arith.constant 0 : i32
          %dma_wait3A_217 = tpu.memref_slice %arg2[%dma_wait3A_215, %dma_wait3A_216] : memref<10000x128xf32, #tpu.memory_space<hbm>> -> memref<128x128xf32, #tpu.memory_space<hbm>>
          tpu.wait_dma2 semaphore(%arg20 : memref<!tpu.dma_semaphore, #tpu.memory_space<semaphore_mem>>) src(%dma_wait3A_217 : memref<128x128xf32, #tpu.memory_space<hbm>>) dst(%arg18 : memref<128x128xf32, #tpu.memory_space<vmem>>)
          "tpu.region"() ({
            %run_scoped3A = tpu.sem_alloc : memref<!tpu.dma_semaphore, #tpu.memory_space<semaphore_mem>>
            %dma_start3A = arith.constant 0 : i32
            %dma_start3A_218 = arith.constant 0 : i32
            %dma_start3A_219 = tpu.memref_slice %arg8[%dma_start3A, %dma_start3A_218] : memref<10000x128xf32, #tpu.memory_space<vmem_shared>> -> memref<10000x128xf32, #tpu.memory_space<vmem_shared>>
            tpu.enqueue_indirect_dma source(%arg18 : memref<128x128xf32, #tpu.memory_space<vmem>>) target(%dma_start3A_219 : memref<10000x128xf32, #tpu.memory_space<vmem_shared>>) offsets(%arg14 : memref<128xi32, #tpu.memory_space<vmem>>) semaphore(%run_scoped3A : memref<!tpu.dma_semaphore, #tpu.memory_space<semaphore_mem>>) {add = true}
            %dma_wait3A_220 = arith.constant 0 : i32
            %dma_wait3A_221 = arith.constant 0 : i32
            %dma_wait3A_222 = tpu.memref_slice %arg8[%dma_wait3A_220, %dma_wait3A_221] : memref<10000x128xf32, #tpu.memory_space<vmem_shared>> -> memref<10000x128xf32, #tpu.memory_space<vmem_shared>>
            tpu.wait_indirect_dma semaphore(%run_scoped3A : memref<!tpu.dma_semaphore, #tpu.memory_space<semaphore_mem>>) src(%arg18 : memref<128x128xf32, #tpu.memory_space<vmem>>) dst(%dma_wait3A_222 : memref<10000x128xf32, #tpu.memory_space<vmem_shared>>)
            tpu.yield
          }) : () -> ()
        } else {
        }
        %add3A_133 = arith.constant 2 : i32
        %add3A_134 = arith.addi %mul3A_52, %add3A_133 : i32
        %add3A_135 = arith.constant 2 : i32
        %add3A_136 = arith.addi %add3A_134, %add3A_135 : i32
        %mul3A_137 = arith.constant 16 : i32
        %mul3A_138 = arith.muli %add3A_136, %mul3A_137 : i32
        %add3A_139 = arith.addi %mul3A_138, %arg1 : i32
        %lt3A_140 = arith.constant 2500 : i32
        %lt3A_141 = arith.cmpi slt, %add3A_139, %lt3A_140 : i32
        %convert_element_type3A_142 = arith.extui %lt3A_141 : i1 to i32
        %cond3A_143 = arith.constant 0 : i32
        %cond3A_144 = arith.cmpi ne, %convert_element_type3A_142, %cond3A_143 : i32
        scf.if %cond3A_144 {
          %mul3A_213 = arith.constant 128 : i32
          %mul3A_214 = arith.muli %add3A_139, %mul3A_213 : i32
          %dma_start3A = tpu.memref_slice %arg4[%mul3A_214] : memref<320000xi32, #tpu.memory_space<hbm>> -> memref<128xi32, #tpu.memory_space<hbm>>
          %dma_start3A_215 = tpu.memref_slice %arg4[%mul3A_214] : memref<320000xi32, #tpu.memory_space<hbm>> -> memref<128xi32, #tpu.memory_space<hbm>>
          tpu.enqueue_dma source(%dma_start3A_215 : memref<128xi32, #tpu.memory_space<hbm>>) target(%arg9 : memref<128xi32, #tpu.memory_space<vmem>>) target_semaphore(%arg21 : memref<!tpu.dma_semaphore, #tpu.memory_space<semaphore_mem>>)
          %mul3A_216 = arith.constant 128 : i32
          %mul3A_217 = arith.muli %add3A_139, %mul3A_216 : i32
          %dma_start3A_218 = tpu.memref_slice %arg5[%mul3A_217] : memref<320000xi32, #tpu.memory_space<hbm>> -> memref<128xi32, #tpu.memory_space<hbm>>
          %dma_start3A_219 = tpu.memref_slice %arg5[%mul3A_217] : memref<320000xi32, #tpu.memory_space<hbm>> -> memref<128xi32, #tpu.memory_space<hbm>>
          tpu.enqueue_dma source(%dma_start3A_219 : memref<128xi32, #tpu.memory_space<hbm>>) target(%arg13 : memref<128xi32, #tpu.memory_space<vmem>>) target_semaphore(%arg21 : memref<!tpu.dma_semaphore, #tpu.memory_space<semaphore_mem>>)
        } else {
        }
        %add3A_145 = arith.constant 1 : i32
        %add3A_146 = arith.addi %add3A_134, %add3A_145 : i32
        %mul3A_147 = arith.constant 16 : i32
        %mul3A_148 = arith.muli %add3A_146, %mul3A_147 : i32
        %add3A_149 = arith.addi %mul3A_148, %arg1 : i32
        %lt3A_150 = arith.constant 2500 : i32
        %lt3A_151 = arith.cmpi slt, %add3A_149, %lt3A_150 : i32
        %convert_element_type3A_152 = arith.extui %lt3A_151 : i1 to i32
        %cond3A_153 = arith.constant 0 : i32
        %cond3A_154 = arith.cmpi ne, %convert_element_type3A_152, %cond3A_153 : i32
        scf.if %cond3A_154 {
          %dma_wait3A = arith.constant 0 : i32
          %dma_wait3A_213 = tpu.memref_slice %arg4[%dma_wait3A] : memref<320000xi32, #tpu.memory_space<hbm>> -> memref<128xi32, #tpu.memory_space<hbm>>
          %dma_wait3A_214 = arith.constant 0 : i32
          %dma_wait3A_215 = tpu.memref_slice %arg4[%dma_wait3A_214] : memref<320000xi32, #tpu.memory_space<hbm>> -> memref<128xi32, #tpu.memory_space<hbm>>
          tpu.wait_dma2 semaphore(%arg24 : memref<!tpu.dma_semaphore, #tpu.memory_space<semaphore_mem>>) src(%dma_wait3A_215 : memref<128xi32, #tpu.memory_space<hbm>>) dst(%arg12 : memref<128xi32, #tpu.memory_space<vmem>>)
          %dma_wait3A_216 = arith.constant 0 : i32
          %dma_wait3A_217 = tpu.memref_slice %arg4[%dma_wait3A_216] : memref<320000xi32, #tpu.memory_space<hbm>> -> memref<128xi32, #tpu.memory_space<hbm>>
          %dma_wait3A_218 = arith.constant 0 : i32
          %dma_wait3A_219 = tpu.memref_slice %arg4[%dma_wait3A_218] : memref<320000xi32, #tpu.memory_space<hbm>> -> memref<128xi32, #tpu.memory_space<hbm>>
          tpu.wait_dma2 semaphore(%arg24 : memref<!tpu.dma_semaphore, #tpu.memory_space<semaphore_mem>>) src(%dma_wait3A_219 : memref<128xi32, #tpu.memory_space<hbm>>) dst(%arg16 : memref<128xi32, #tpu.memory_space<vmem>>)
        } else {
        }
        %add3A_155 = arith.constant 1 : i32
        %add3A_156 = arith.addi %add3A_134, %add3A_155 : i32
        %mul3A_157 = arith.constant 16 : i32
        %mul3A_158 = arith.muli %add3A_156, %mul3A_157 : i32
        %add3A_159 = arith.addi %mul3A_158, %arg1 : i32
        %lt3A_160 = arith.constant 2500 : i32
        %lt3A_161 = arith.cmpi slt, %add3A_159, %lt3A_160 : i32
        %convert_element_type3A_162 = arith.extui %lt3A_161 : i1 to i32
        %cond3A_163 = arith.constant 0 : i32
        %cond3A_164 = arith.cmpi ne, %convert_element_type3A_162, %cond3A_163 : i32
        scf.if %cond3A_164 {
          %dma_start3A = arith.constant 0 : i32
          %dma_start3A_213 = arith.constant 0 : i32
          %dma_start3A_214 = tpu.memref_slice %arg2[%dma_start3A, %dma_start3A_213] : memref<10000x128xf32, #tpu.memory_space<hbm>> -> memref<10000x128xf32, #tpu.memory_space<hbm>>
          tpu.enqueue_indirect_dma source(%dma_start3A_214 : memref<10000x128xf32, #tpu.memory_space<hbm>>) target(%arg18 : memref<128x128xf32, #tpu.memory_space<vmem>>) offsets(%arg12 : memref<128xi32, #tpu.memory_space<vmem>>) semaphore(%arg20 : memref<!tpu.dma_semaphore, #tpu.memory_space<semaphore_mem>>)
        } else {
        }
        %mul3A_165 = arith.constant 16 : i32
        %mul3A_166 = arith.muli %add3A_134, %mul3A_165 : i32
        %add3A_167 = arith.addi %mul3A_166, %arg1 : i32
        %lt3A_168 = arith.constant 2500 : i32
        %lt3A_169 = arith.cmpi slt, %add3A_167, %lt3A_168 : i32
        %convert_element_type3A_170 = arith.extui %lt3A_169 : i1 to i32
        %cond3A_171 = arith.constant 0 : i32
        %cond3A_172 = arith.cmpi ne, %convert_element_type3A_170, %cond3A_171 : i32
        scf.if %cond3A_172 {
          %dma_wait3A = arith.constant 0 : i32
          %dma_wait3A_213 = arith.constant 0 : i32
          %dma_wait3A_214 = tpu.memref_slice %arg2[%dma_wait3A, %dma_wait3A_213] : memref<10000x128xf32, #tpu.memory_space<hbm>> -> memref<128x128xf32, #tpu.memory_space<hbm>>
          %dma_wait3A_215 = arith.constant 0 : i32
          %dma_wait3A_216 = arith.constant 0 : i32
          %dma_wait3A_217 = tpu.memref_slice %arg2[%dma_wait3A_215, %dma_wait3A_216] : memref<10000x128xf32, #tpu.memory_space<hbm>> -> memref<128x128xf32, #tpu.memory_space<hbm>>
          tpu.wait_dma2 semaphore(%arg19 : memref<!tpu.dma_semaphore, #tpu.memory_space<semaphore_mem>>) src(%dma_wait3A_217 : memref<128x128xf32, #tpu.memory_space<hbm>>) dst(%arg17 : memref<128x128xf32, #tpu.memory_space<vmem>>)
          "tpu.region"() ({
            %run_scoped3A = tpu.sem_alloc : memref<!tpu.dma_semaphore, #tpu.memory_space<semaphore_mem>>
            %dma_start3A = arith.constant 0 : i32
            %dma_start3A_218 = arith.constant 0 : i32
            %dma_start3A_219 = tpu.memref_slice %arg8[%dma_start3A, %dma_start3A_218] : memref<10000x128xf32, #tpu.memory_space<vmem_shared>> -> memref<10000x128xf32, #tpu.memory_space<vmem_shared>>
            tpu.enqueue_indirect_dma source(%arg17 : memref<128x128xf32, #tpu.memory_space<vmem>>) target(%dma_start3A_219 : memref<10000x128xf32, #tpu.memory_space<vmem_shared>>) offsets(%arg15 : memref<128xi32, #tpu.memory_space<vmem>>) semaphore(%run_scoped3A : memref<!tpu.dma_semaphore, #tpu.memory_space<semaphore_mem>>) {add = true}
            %dma_wait3A_220 = arith.constant 0 : i32
            %dma_wait3A_221 = arith.constant 0 : i32
            %dma_wait3A_222 = tpu.memref_slice %arg8[%dma_wait3A_220, %dma_wait3A_221] : memref<10000x128xf32, #tpu.memory_space<vmem_shared>> -> memref<10000x128xf32, #tpu.memory_space<vmem_shared>>
            tpu.wait_indirect_dma semaphore(%run_scoped3A : memref<!tpu.dma_semaphore, #tpu.memory_space<semaphore_mem>>) src(%arg17 : memref<128x128xf32, #tpu.memory_space<vmem>>) dst(%dma_wait3A_222 : memref<10000x128xf32, #tpu.memory_space<vmem_shared>>)
            tpu.yield
          }) : () -> ()
        } else {
        }
        %add3A_173 = arith.constant 3 : i32
        %add3A_174 = arith.addi %mul3A_52, %add3A_173 : i32
        %add3A_175 = arith.constant 2 : i32
        %add3A_176 = arith.addi %add3A_174, %add3A_175 : i32
        %mul3A_177 = arith.constant 16 : i32
        %mul3A_178 = arith.muli %add3A_176, %mul3A_177 : i32
        %add3A_179 = arith.addi %mul3A_178, %arg1 : i32
        %lt3A_180 = arith.constant 2500 : i32
        %lt3A_181 = arith.cmpi slt, %add3A_179, %lt3A_180 : i32
        %convert_element_type3A_182 = arith.extui %lt3A_181 : i1 to i32
        %cond3A_183 = arith.constant 0 : i32
        %cond3A_184 = arith.cmpi ne, %convert_element_type3A_182, %cond3A_183 : i32
        scf.if %cond3A_184 {
          %mul3A_213 = arith.constant 128 : i32
          %mul3A_214 = arith.muli %add3A_179, %mul3A_213 : i32
          %dma_start3A = tpu.memref_slice %arg4[%mul3A_214] : memref<320000xi32, #tpu.memory_space<hbm>> -> memref<128xi32, #tpu.memory_space<hbm>>
          %dma_start3A_215 = tpu.memref_slice %arg4[%mul3A_214] : memref<320000xi32, #tpu.memory_space<hbm>> -> memref<128xi32, #tpu.memory_space<hbm>>
          tpu.enqueue_dma source(%dma_start3A_215 : memref<128xi32, #tpu.memory_space<hbm>>) target(%arg10 : memref<128xi32, #tpu.memory_space<vmem>>) target_semaphore(%arg22 : memref<!tpu.dma_semaphore, #tpu.memory_space<semaphore_mem>>)
          %mul3A_216 = arith.constant 128 : i32
          %mul3A_217 = arith.muli %add3A_179, %mul3A_216 : i32
          %dma_start3A_218 = tpu.memref_slice %arg5[%mul3A_217] : memref<320000xi32, #tpu.memory_space<hbm>> -> memref<128xi32, #tpu.memory_space<hbm>>
          %dma_start3A_219 = tpu.memref_slice %arg5[%mul3A_217] : memref<320000xi32, #tpu.memory_space<hbm>> -> memref<128xi32, #tpu.memory_space<hbm>>
          tpu.enqueue_dma source(%dma_start3A_219 : memref<128xi32, #tpu.memory_space<hbm>>) target(%arg14 : memref<128xi32, #tpu.memory_space<vmem>>) target_semaphore(%arg22 : memref<!tpu.dma_semaphore, #tpu.memory_space<semaphore_mem>>)
        } else {
        }
        %add3A_185 = arith.constant 1 : i32
        %add3A_186 = arith.addi %add3A_174, %add3A_185 : i32
        %mul3A_187 = arith.constant 16 : i32
        %mul3A_188 = arith.muli %add3A_186, %mul3A_187 : i32
        %add3A_189 = arith.addi %mul3A_188, %arg1 : i32
        %lt3A_190 = arith.constant 2500 : i32
        %lt3A_191 = arith.cmpi slt, %add3A_189, %lt3A_190 : i32
        %convert_element_type3A_192 = arith.extui %lt3A_191 : i1 to i32
        %cond3A_193 = arith.constant 0 : i32
        %cond3A_194 = arith.cmpi ne, %convert_element_type3A_192, %cond3A_193 : i32
        scf.if %cond3A_194 {
          %dma_wait3A = arith.constant 0 : i32
          %dma_wait3A_213 = tpu.memref_slice %arg4[%dma_wait3A] : memref<320000xi32, #tpu.memory_space<hbm>> -> memref<128xi32, #tpu.memory_space<hbm>>
          %dma_wait3A_214 = arith.constant 0 : i32
          %dma_wait3A_215 = tpu.memref_slice %arg4[%dma_wait3A_214] : memref<320000xi32, #tpu.memory_space<hbm>> -> memref<128xi32, #tpu.memory_space<hbm>>
          tpu.wait_dma2 semaphore(%arg21 : memref<!tpu.dma_semaphore, #tpu.memory_space<semaphore_mem>>) src(%dma_wait3A_215 : memref<128xi32, #tpu.memory_space<hbm>>) dst(%arg9 : memref<128xi32, #tpu.memory_space<vmem>>)
          %dma_wait3A_216 = arith.constant 0 : i32
          %dma_wait3A_217 = tpu.memref_slice %arg4[%dma_wait3A_216] : memref<320000xi32, #tpu.memory_space<hbm>> -> memref<128xi32, #tpu.memory_space<hbm>>
          %dma_wait3A_218 = arith.constant 0 : i32
          %dma_wait3A_219 = tpu.memref_slice %arg4[%dma_wait3A_218] : memref<320000xi32, #tpu.memory_space<hbm>> -> memref<128xi32, #tpu.memory_space<hbm>>
          tpu.wait_dma2 semaphore(%arg21 : memref<!tpu.dma_semaphore, #tpu.memory_space<semaphore_mem>>) src(%dma_wait3A_219 : memref<128xi32, #tpu.memory_space<hbm>>) dst(%arg13 : memref<128xi32, #tpu.memory_space<vmem>>)
        } else {
        }
        %add3A_195 = arith.constant 1 : i32
        %add3A_196 = arith.addi %add3A_174, %add3A_195 : i32
        %mul3A_197 = arith.constant 16 : i32
        %mul3A_198 = arith.muli %add3A_196, %mul3A_197 : i32
        %add3A_199 = arith.addi %mul3A_198, %arg1 : i32
        %lt3A_200 = arith.constant 2500 : i32
        %lt3A_201 = arith.cmpi slt, %add3A_199, %lt3A_200 : i32
        %convert_element_type3A_202 = arith.extui %lt3A_201 : i1 to i32
        %cond3A_203 = arith.constant 0 : i32
        %cond3A_204 = arith.cmpi ne, %convert_element_type3A_202, %cond3A_203 : i32
        scf.if %cond3A_204 {
          %dma_start3A = arith.constant 0 : i32
          %dma_start3A_213 = arith.constant 0 : i32
          %dma_start3A_214 = tpu.memref_slice %arg2[%dma_start3A, %dma_start3A_213] : memref<10000x128xf32, #tpu.memory_space<hbm>> -> memref<10000x128xf32, #tpu.memory_space<hbm>>
          tpu.enqueue_indirect_dma source(%dma_start3A_214 : memref<10000x128xf32, #tpu.memory_space<hbm>>) target(%arg17 : memref<128x128xf32, #tpu.memory_space<vmem>>) offsets(%arg9 : memref<128xi32, #tpu.memory_space<vmem>>) semaphore(%arg19 : memref<!tpu.dma_semaphore, #tpu.memory_space<semaphore_mem>>)
        } else {
        }
        %mul3A_205 = arith.constant 16 : i32
        %mul3A_206 = arith.muli %add3A_174, %mul3A_205 : i32
        %add3A_207 = arith.addi %mul3A_206, %arg1 : i32
        %lt3A_208 = arith.constant 2500 : i32
        %lt3A_209 = arith.cmpi slt, %add3A_207, %lt3A_208 : i32
        %convert_element_type3A_210 = arith.extui %lt3A_209 : i1 to i32
        %cond3A_211 = arith.constant 0 : i32
        %cond3A_212 = arith.cmpi ne, %convert_element_type3A_210, %cond3A_211 : i32
        scf.if %cond3A_212 {
          %dma_wait3A = arith.constant 0 : i32
          %dma_wait3A_213 = arith.constant 0 : i32
          %dma_wait3A_214 = tpu.memref_slice %arg2[%dma_wait3A, %dma_wait3A_213] : memref<10000x128xf32, #tpu.memory_space<hbm>> -> memref<128x128xf32, #tpu.memory_space<hbm>>
          %dma_wait3A_215 = arith.constant 0 : i32
          %dma_wait3A_216 = arith.constant 0 : i32
          %dma_wait3A_217 = tpu.memref_slice %arg2[%dma_wait3A_215, %dma_wait3A_216] : memref<10000x128xf32, #tpu.memory_space<hbm>> -> memref<128x128xf32, #tpu.memory_space<hbm>>
          tpu.wait_dma2 semaphore(%arg20 : memref<!tpu.dma_semaphore, #tpu.memory_space<semaphore_mem>>) src(%dma_wait3A_217 : memref<128x128xf32, #tpu.memory_space<hbm>>) dst(%arg18 : memref<128x128xf32, #tpu.memory_space<vmem>>)
          "tpu.region"() ({
            %run_scoped3A = tpu.sem_alloc : memref<!tpu.dma_semaphore, #tpu.memory_space<semaphore_mem>>
            %dma_start3A = arith.constant 0 : i32
            %dma_start3A_218 = arith.constant 0 : i32
            %dma_start3A_219 = tpu.memref_slice %arg8[%dma_start3A, %dma_start3A_218] : memref<10000x128xf32, #tpu.memory_space<vmem_shared>> -> memref<10000x128xf32, #tpu.memory_space<vmem_shared>>
            tpu.enqueue_indirect_dma source(%arg18 : memref<128x128xf32, #tpu.memory_space<vmem>>) target(%dma_start3A_219 : memref<10000x128xf32, #tpu.memory_space<vmem_shared>>) offsets(%arg16 : memref<128xi32, #tpu.memory_space<vmem>>) semaphore(%run_scoped3A : memref<!tpu.dma_semaphore, #tpu.memory_space<semaphore_mem>>) {add = true}
            %dma_wait3A_220 = arith.constant 0 : i32
            %dma_wait3A_221 = arith.constant 0 : i32
            %dma_wait3A_222 = tpu.memref_slice %arg8[%dma_wait3A_220, %dma_wait3A_221] : memref<10000x128xf32, #tpu.memory_space<vmem_shared>> -> memref<10000x128xf32, #tpu.memory_space<vmem_shared>>
            tpu.wait_indirect_dma semaphore(%run_scoped3A : memref<!tpu.dma_semaphore, #tpu.memory_space<semaphore_mem>>) src(%arg18 : memref<128x128xf32, #tpu.memory_space<vmem>>) dst(%dma_wait3A_222 : memref<10000x128xf32, #tpu.memory_space<vmem_shared>>)
            tpu.yield
          }) : () -> ()
        } else {
        }
      }
      %scan3A_43 = arith.constant 40 : i32
      %barrier3A_44 = arith.constant 0 : index
      tpu.barrier barrier_id(%barrier3A_44)
      %scan3A_45 = arith.constant 0 : i32
      %scan3A_46 = arith.constant 0 : i32
      %scan3A_47 = arith.constant 8 : i32
      %scan3A_48 = arith.addi %scan3A_46, %scan3A_47 : i32
      %scan3A_49 = arith.constant 1 : i32
      scf.for %scan3A_51 = %scan3A_46 to %scan3A_48 step %scan3A_49  : i32 {
        %mul3A = arith.constant 16 : i32
        %mul3A_52 = arith.muli %scan3A_51, %mul3A : i32
        %add3A_53 = arith.addi %mul3A_52, %arg1 : i32
        %lt3A_54 = arith.constant 125 : i32
        %lt3A_55 = arith.cmpi slt, %add3A_53, %lt3A_54 : i32
        %convert_element_type3A_56 = arith.extui %lt3A_55 : i1 to i32
        %cond3A_57 = arith.constant 0 : i32
        %cond3A_58 = arith.cmpi ne, %convert_element_type3A_56, %cond3A_57 : i32
        scf.if %cond3A_58 {
          %mul3A_59 = arith.constant 80 : i32
          %mul3A_60 = arith.muli %add3A_53, %mul3A_59 : i32
          %mul3A_61 = arith.constant 80 : i32
          %mul3A_62 = arith.muli %add3A_53, %mul3A_61 : i32
          "tpu.region"() ({
            %run_scoped3A = tpu.sem_alloc : memref<!tpu.dma_semaphore, #tpu.memory_space<semaphore_mem>>
            %dma_start3A = arith.constant 0 : i32
            %dma_start3A_63 = tpu.memref_slice %arg6[%mul3A_62, %dma_start3A] : memref<10000x128xf32, #tpu.memory_space<hbm>> -> memref<80x128xf32, #tpu.memory_space<hbm>>
            %dma_start3A_64 = arith.constant 0 : i32
            %dma_start3A_65 = tpu.memref_slice %arg8[%mul3A_60, %dma_start3A_64] : memref<10000x128xf32, #tpu.memory_space<vmem_shared>> -> memref<80x128xf32, #tpu.memory_space<vmem_shared>>
            tpu.enqueue_dma source(%dma_start3A_65 : memref<80x128xf32, #tpu.memory_space<vmem_shared>>) target(%dma_start3A_63 : memref<80x128xf32, #tpu.memory_space<hbm>>) target_semaphore(%run_scoped3A : memref<!tpu.dma_semaphore, #tpu.memory_space<semaphore_mem>>)
            %dma_wait3A = arith.constant 0 : i32
            %dma_wait3A_66 = tpu.memref_slice %arg6[%mul3A_62, %dma_wait3A] : memref<10000x128xf32, #tpu.memory_space<hbm>> -> memref<80x128xf32, #tpu.memory_space<hbm>>
            %dma_wait3A_67 = arith.constant 0 : i32
            %dma_wait3A_68 = tpu.memref_slice %arg8[%mul3A_60, %dma_wait3A_67] : memref<10000x128xf32, #tpu.memory_space<vmem_shared>> -> memref<80x128xf32, #tpu.memory_space<vmem_shared>>
            tpu.wait_dma2 semaphore(%run_scoped3A : memref<!tpu.dma_semaphore, #tpu.memory_space<semaphore_mem>>) src(%dma_wait3A_68 : memref<80x128xf32, #tpu.memory_space<vmem_shared>>) dst(%dma_wait3A_66 : memref<80x128xf32, #tpu.memory_space<hbm>>)
            tpu.yield
          }) : () -> ()
        } else {
        }
      }
      %scan3A_50 = arith.constant 8 : i32
    } else {
    }
    %eq3A_2 = arith.constant 1 : i32
    %eq3A_3 = arith.cmpi eq, %arg0, %eq3A_2 : i32
    %convert_element_type3A_4 = arith.extui %eq3A_3 : i1 to i32
    %cond3A_5 = arith.constant 0 : i32
    %cond3A_6 = arith.cmpi ne, %convert_element_type3A_4, %cond3A_5 : i32
    scf.if %cond3A_6 {
      %scan3A = arith.constant 0 : i32
      %scan3A_7 = arith.constant 0 : i32
      %scan3A_8 = arith.constant 8 : i32
      %scan3A_9 = arith.addi %scan3A_7, %scan3A_8 : i32
      %scan3A_10 = arith.constant 1 : i32
      scf.for %scan3A_51 = %scan3A_7 to %scan3A_9 step %scan3A_10  : i32 {
        %mul3A = arith.constant 16 : i32
        %mul3A_52 = arith.muli %scan3A_51, %mul3A : i32
        %add3A_53 = arith.addi %mul3A_52, %arg1 : i32
        %lt3A_54 = arith.constant 125 : i32
        %lt3A_55 = arith.cmpi slt, %add3A_53, %lt3A_54 : i32
        %convert_element_type3A_56 = arith.extui %lt3A_55 : i1 to i32
        %cond3A_57 = arith.constant 0 : i32
        %cond3A_58 = arith.cmpi ne, %convert_element_type3A_56, %cond3A_57 : i32
        scf.if %cond3A_58 {
          %mul3A_59 = arith.constant 80 : i32
          %mul3A_60 = arith.muli %add3A_53, %mul3A_59 : i32
          %mul3A_61 = arith.constant 80 : i32
          %mul3A_62 = arith.muli %add3A_53, %mul3A_61 : i32
          "tpu.region"() ({
            %run_scoped3A = tpu.sem_alloc : memref<!tpu.dma_semaphore, #tpu.memory_space<semaphore_mem>>
            %dma_start3A = arith.constant 0 : i32
            %dma_start3A_63 = tpu.memref_slice %arg8[%mul3A_62, %dma_start3A] : memref<10000x128xf32, #tpu.memory_space<vmem_shared>> -> memref<80x128xf32, #tpu.memory_space<vmem_shared>>
            %dma_start3A_64 = arith.constant 0 : i32
            %dma_start3A_65 = tpu.memref_slice %arg3[%mul3A_60, %dma_start3A_64] : memref<10000x128xf32, #tpu.memory_space<hbm>> -> memref<80x128xf32, #tpu.memory_space<hbm>>
            tpu.enqueue_dma source(%dma_start3A_65 : memref<80x128xf32, #tpu.memory_space<hbm>>) target(%dma_start3A_63 : memref<80x128xf32, #tpu.memory_space<vmem_shared>>) target_semaphore(%run_scoped3A : memref<!tpu.dma_semaphore, #tpu.memory_space<semaphore_mem>>)
            %dma_wait3A = arith.constant 0 : i32
            %dma_wait3A_66 = tpu.memref_slice %arg8[%mul3A_62, %dma_wait3A] : memref<10000x128xf32, #tpu.memory_space<vmem_shared>> -> memref<80x128xf32, #tpu.memory_space<vmem_shared>>
            %dma_wait3A_67 = arith.constant 0 : i32
            %dma_wait3A_68 = tpu.memref_slice %arg3[%mul3A_60, %dma_wait3A_67] : memref<10000x128xf32, #tpu.memory_space<hbm>> -> memref<80x128xf32, #tpu.memory_space<hbm>>
            tpu.wait_dma2 semaphore(%run_scoped3A : memref<!tpu.dma_semaphore, #tpu.memory_space<semaphore_mem>>) src(%dma_wait3A_68 : memref<80x128xf32, #tpu.memory_space<hbm>>) dst(%dma_wait3A_66 : memref<80x128xf32, #tpu.memory_space<vmem_shared>>)
            tpu.yield
          }) : () -> ()
        } else {
        }
      }
      %scan3A_11 = arith.constant 8 : i32
      %barrier3A = arith.constant 0 : index
      tpu.barrier barrier_id(%barrier3A)
      %add3A = arith.constant 0 : i32
      %add3A_12 = arith.addi %add3A, %arg1 : i32
      %lt3A = arith.constant 2500 : i32
      %lt3A_13 = arith.cmpi slt, %add3A_12, %lt3A : i32
      %convert_element_type3A_14 = arith.extui %lt3A_13 : i1 to i32
      %cond3A_15 = arith.constant 0 : i32
      %cond3A_16 = arith.cmpi ne, %convert_element_type3A_14, %cond3A_15 : i32
      scf.if %cond3A_16 {
        %mul3A = arith.constant 128 : i32
        %mul3A_51 = arith.muli %add3A_12, %mul3A : i32
        %dma_start3A = tpu.memref_slice %arg4[%mul3A_51] : memref<320000xi32, #tpu.memory_space<hbm>> -> memref<128xi32, #tpu.memory_space<hbm>>
        %dma_start3A_52 = tpu.memref_slice %arg4[%mul3A_51] : memref<320000xi32, #tpu.memory_space<hbm>> -> memref<128xi32, #tpu.memory_space<hbm>>
        tpu.enqueue_dma source(%dma_start3A_52 : memref<128xi32, #tpu.memory_space<hbm>>) target(%arg9 : memref<128xi32, #tpu.memory_space<vmem>>) target_semaphore(%arg21 : memref<!tpu.dma_semaphore, #tpu.memory_space<semaphore_mem>>)
        %mul3A_53 = arith.constant 128 : i32
        %mul3A_54 = arith.muli %add3A_12, %mul3A_53 : i32
        %dma_start3A_55 = tpu.memref_slice %arg5[%mul3A_54] : memref<320000xi32, #tpu.memory_space<hbm>> -> memref<128xi32, #tpu.memory_space<hbm>>
        %dma_start3A_56 = tpu.memref_slice %arg5[%mul3A_54] : memref<320000xi32, #tpu.memory_space<hbm>> -> memref<128xi32, #tpu.memory_space<hbm>>
        tpu.enqueue_dma source(%dma_start3A_56 : memref<128xi32, #tpu.memory_space<hbm>>) target(%arg13 : memref<128xi32, #tpu.memory_space<vmem>>) target_semaphore(%arg21 : memref<!tpu.dma_semaphore, #tpu.memory_space<semaphore_mem>>)
      } else {
      }
      %add3A_17 = arith.constant 16 : i32
      %add3A_18 = arith.addi %add3A_17, %arg1 : i32
      %lt3A_19 = arith.constant 2500 : i32
      %lt3A_20 = arith.cmpi slt, %add3A_18, %lt3A_19 : i32
      %convert_element_type3A_21 = arith.extui %lt3A_20 : i1 to i32
      %cond3A_22 = arith.constant 0 : i32
      %cond3A_23 = arith.cmpi ne, %convert_element_type3A_21, %cond3A_22 : i32
      scf.if %cond3A_23 {
        %mul3A = arith.constant 128 : i32
        %mul3A_51 = arith.muli %add3A_18, %mul3A : i32
        %dma_start3A = tpu.memref_slice %arg4[%mul3A_51] : memref<320000xi32, #tpu.memory_space<hbm>> -> memref<128xi32, #tpu.memory_space<hbm>>
        %dma_start3A_52 = tpu.memref_slice %arg4[%mul3A_51] : memref<320000xi32, #tpu.memory_space<hbm>> -> memref<128xi32, #tpu.memory_space<hbm>>
        tpu.enqueue_dma source(%dma_start3A_52 : memref<128xi32, #tpu.memory_space<hbm>>) target(%arg10 : memref<128xi32, #tpu.memory_space<vmem>>) target_semaphore(%arg22 : memref<!tpu.dma_semaphore, #tpu.memory_space<semaphore_mem>>)
        %mul3A_53 = arith.constant 128 : i32
        %mul3A_54 = arith.muli %add3A_18, %mul3A_53 : i32
        %dma_start3A_55 = tpu.memref_slice %arg5[%mul3A_54] : memref<320000xi32, #tpu.memory_space<hbm>> -> memref<128xi32, #tpu.memory_space<hbm>>
        %dma_start3A_56 = tpu.memref_slice %arg5[%mul3A_54] : memref<320000xi32, #tpu.memory_space<hbm>> -> memref<128xi32, #tpu.memory_space<hbm>>
        tpu.enqueue_dma source(%dma_start3A_56 : memref<128xi32, #tpu.memory_space<hbm>>) target(%arg14 : memref<128xi32, #tpu.memory_space<vmem>>) target_semaphore(%arg22 : memref<!tpu.dma_semaphore, #tpu.memory_space<semaphore_mem>>)
      } else {
      }
      %add3A_24 = arith.constant 0 : i32
      %add3A_25 = arith.addi %add3A_24, %arg1 : i32
      %lt3A_26 = arith.constant 2500 : i32
      %lt3A_27 = arith.cmpi slt, %add3A_25, %lt3A_26 : i32
      %convert_element_type3A_28 = arith.extui %lt3A_27 : i1 to i32
      %cond3A_29 = arith.constant 0 : i32
      %cond3A_30 = arith.cmpi ne, %convert_element_type3A_28, %cond3A_29 : i32
      scf.if %cond3A_30 {
        %dma_wait3A = arith.constant 0 : i32
        %dma_wait3A_51 = tpu.memref_slice %arg4[%dma_wait3A] : memref<320000xi32, #tpu.memory_space<hbm>> -> memref<128xi32, #tpu.memory_space<hbm>>
        %dma_wait3A_52 = arith.constant 0 : i32
        %dma_wait3A_53 = tpu.memref_slice %arg4[%dma_wait3A_52] : memref<320000xi32, #tpu.memory_space<hbm>> -> memref<128xi32, #tpu.memory_space<hbm>>
        tpu.wait_dma2 semaphore(%arg21 : memref<!tpu.dma_semaphore, #tpu.memory_space<semaphore_mem>>) src(%dma_wait3A_53 : memref<128xi32, #tpu.memory_space<hbm>>) dst(%arg9 : memref<128xi32, #tpu.memory_space<vmem>>)
        %dma_wait3A_54 = arith.constant 0 : i32
        %dma_wait3A_55 = tpu.memref_slice %arg4[%dma_wait3A_54] : memref<320000xi32, #tpu.memory_space<hbm>> -> memref<128xi32, #tpu.memory_space<hbm>>
        %dma_wait3A_56 = arith.constant 0 : i32
        %dma_wait3A_57 = tpu.memref_slice %arg4[%dma_wait3A_56] : memref<320000xi32, #tpu.memory_space<hbm>> -> memref<128xi32, #tpu.memory_space<hbm>>
        tpu.wait_dma2 semaphore(%arg21 : memref<!tpu.dma_semaphore, #tpu.memory_space<semaphore_mem>>) src(%dma_wait3A_57 : memref<128xi32, #tpu.memory_space<hbm>>) dst(%arg13 : memref<128xi32, #tpu.memory_space<vmem>>)
      } else {
      }
      %add3A_31 = arith.constant 0 : i32
      %add3A_32 = arith.addi %add3A_31, %arg1 : i32
      %lt3A_33 = arith.constant 2500 : i32
      %lt3A_34 = arith.cmpi slt, %add3A_32, %lt3A_33 : i32
      %convert_element_type3A_35 = arith.extui %lt3A_34 : i1 to i32
      %cond3A_36 = arith.constant 0 : i32
      %cond3A_37 = arith.cmpi ne, %convert_element_type3A_35, %cond3A_36 : i32
      scf.if %cond3A_37 {
        %dma_start3A = arith.constant 0 : i32
        %dma_start3A_51 = arith.constant 0 : i32
        %dma_start3A_52 = tpu.memref_slice %arg3[%dma_start3A, %dma_start3A_51] : memref<10000x128xf32, #tpu.memory_space<hbm>> -> memref<10000x128xf32, #tpu.memory_space<hbm>>
        tpu.enqueue_indirect_dma source(%dma_start3A_52 : memref<10000x128xf32, #tpu.memory_space<hbm>>) target(%arg17 : memref<128x128xf32, #tpu.memory_space<vmem>>) offsets(%arg9 : memref<128xi32, #tpu.memory_space<vmem>>) semaphore(%arg19 : memref<!tpu.dma_semaphore, #tpu.memory_space<semaphore_mem>>)
      } else {
      }
      %scan3A_38 = arith.constant 0 : i32
      %scan3A_39 = arith.constant 0 : i32
      %scan3A_40 = arith.constant 40 : i32
      %scan3A_41 = arith.addi %scan3A_39, %scan3A_40 : i32
      %scan3A_42 = arith.constant 1 : i32
      scf.for %scan3A_51 = %scan3A_39 to %scan3A_41 step %scan3A_42  : i32 {
        %mul3A = arith.constant 4 : i32
        %mul3A_52 = arith.muli %scan3A_51, %mul3A : i32
        %add3A_53 = arith.constant 0 : i32
        %add3A_54 = arith.addi %mul3A_52, %add3A_53 : i32
        %add3A_55 = arith.constant 2 : i32
        %add3A_56 = arith.addi %add3A_54, %add3A_55 : i32
        %mul3A_57 = arith.constant 16 : i32
        %mul3A_58 = arith.muli %add3A_56, %mul3A_57 : i32
        %add3A_59 = arith.addi %mul3A_58, %arg1 : i32
        %lt3A_60 = arith.constant 2500 : i32
        %lt3A_61 = arith.cmpi slt, %add3A_59, %lt3A_60 : i32
        %convert_element_type3A_62 = arith.extui %lt3A_61 : i1 to i32
        %cond3A_63 = arith.constant 0 : i32
        %cond3A_64 = arith.cmpi ne, %convert_element_type3A_62, %cond3A_63 : i32
        scf.if %cond3A_64 {
          %mul3A_213 = arith.constant 128 : i32
          %mul3A_214 = arith.muli %add3A_59, %mul3A_213 : i32
          %dma_start3A = tpu.memref_slice %arg4[%mul3A_214] : memref<320000xi32, #tpu.memory_space<hbm>> -> memref<128xi32, #tpu.memory_space<hbm>>
          %dma_start3A_215 = tpu.memref_slice %arg4[%mul3A_214] : memref<320000xi32, #tpu.memory_space<hbm>> -> memref<128xi32, #tpu.memory_space<hbm>>
          tpu.enqueue_dma source(%dma_start3A_215 : memref<128xi32, #tpu.memory_space<hbm>>) target(%arg11 : memref<128xi32, #tpu.memory_space<vmem>>) target_semaphore(%arg23 : memref<!tpu.dma_semaphore, #tpu.memory_space<semaphore_mem>>)
          %mul3A_216 = arith.constant 128 : i32
          %mul3A_217 = arith.muli %add3A_59, %mul3A_216 : i32
          %dma_start3A_218 = tpu.memref_slice %arg5[%mul3A_217] : memref<320000xi32, #tpu.memory_space<hbm>> -> memref<128xi32, #tpu.memory_space<hbm>>
          %dma_start3A_219 = tpu.memref_slice %arg5[%mul3A_217] : memref<320000xi32, #tpu.memory_space<hbm>> -> memref<128xi32, #tpu.memory_space<hbm>>
          tpu.enqueue_dma source(%dma_start3A_219 : memref<128xi32, #tpu.memory_space<hbm>>) target(%arg15 : memref<128xi32, #tpu.memory_space<vmem>>) target_semaphore(%arg23 : memref<!tpu.dma_semaphore, #tpu.memory_space<semaphore_mem>>)
        } else {
        }
        %add3A_65 = arith.constant 1 : i32
        %add3A_66 = arith.addi %add3A_54, %add3A_65 : i32
        %mul3A_67 = arith.constant 16 : i32
        %mul3A_68 = arith.muli %add3A_66, %mul3A_67 : i32
        %add3A_69 = arith.addi %mul3A_68, %arg1 : i32
        %lt3A_70 = arith.constant 2500 : i32
        %lt3A_71 = arith.cmpi slt, %add3A_69, %lt3A_70 : i32
        %convert_element_type3A_72 = arith.extui %lt3A_71 : i1 to i32
        %cond3A_73 = arith.constant 0 : i32
        %cond3A_74 = arith.cmpi ne, %convert_element_type3A_72, %cond3A_73 : i32
        scf.if %cond3A_74 {
          %dma_wait3A = arith.constant 0 : i32
          %dma_wait3A_213 = tpu.memref_slice %arg4[%dma_wait3A] : memref<320000xi32, #tpu.memory_space<hbm>> -> memref<128xi32, #tpu.memory_space<hbm>>
          %dma_wait3A_214 = arith.constant 0 : i32
          %dma_wait3A_215 = tpu.memref_slice %arg4[%dma_wait3A_214] : memref<320000xi32, #tpu.memory_space<hbm>> -> memref<128xi32, #tpu.memory_space<hbm>>
          tpu.wait_dma2 semaphore(%arg22 : memref<!tpu.dma_semaphore, #tpu.memory_space<semaphore_mem>>) src(%dma_wait3A_215 : memref<128xi32, #tpu.memory_space<hbm>>) dst(%arg10 : memref<128xi32, #tpu.memory_space<vmem>>)
          %dma_wait3A_216 = arith.constant 0 : i32
          %dma_wait3A_217 = tpu.memref_slice %arg4[%dma_wait3A_216] : memref<320000xi32, #tpu.memory_space<hbm>> -> memref<128xi32, #tpu.memory_space<hbm>>
          %dma_wait3A_218 = arith.constant 0 : i32
          %dma_wait3A_219 = tpu.memref_slice %arg4[%dma_wait3A_218] : memref<320000xi32, #tpu.memory_space<hbm>> -> memref<128xi32, #tpu.memory_space<hbm>>
          tpu.wait_dma2 semaphore(%arg22 : memref<!tpu.dma_semaphore, #tpu.memory_space<semaphore_mem>>) src(%dma_wait3A_219 : memref<128xi32, #tpu.memory_space<hbm>>) dst(%arg14 : memref<128xi32, #tpu.memory_space<vmem>>)
        } else {
        }
        %add3A_75 = arith.constant 1 : i32
        %add3A_76 = arith.addi %add3A_54, %add3A_75 : i32
        %mul3A_77 = arith.constant 16 : i32
        %mul3A_78 = arith.muli %add3A_76, %mul3A_77 : i32
        %add3A_79 = arith.addi %mul3A_78, %arg1 : i32
        %lt3A_80 = arith.constant 2500 : i32
        %lt3A_81 = arith.cmpi slt, %add3A_79, %lt3A_80 : i32
        %convert_element_type3A_82 = arith.extui %lt3A_81 : i1 to i32
        %cond3A_83 = arith.constant 0 : i32
        %cond3A_84 = arith.cmpi ne, %convert_element_type3A_82, %cond3A_83 : i32
        scf.if %cond3A_84 {
          %dma_start3A = arith.constant 0 : i32
          %dma_start3A_213 = arith.constant 0 : i32
          %dma_start3A_214 = tpu.memref_slice %arg3[%dma_start3A, %dma_start3A_213] : memref<10000x128xf32, #tpu.memory_space<hbm>> -> memref<10000x128xf32, #tpu.memory_space<hbm>>
          tpu.enqueue_indirect_dma source(%dma_start3A_214 : memref<10000x128xf32, #tpu.memory_space<hbm>>) target(%arg18 : memref<128x128xf32, #tpu.memory_space<vmem>>) offsets(%arg10 : memref<128xi32, #tpu.memory_space<vmem>>) semaphore(%arg20 : memref<!tpu.dma_semaphore, #tpu.memory_space<semaphore_mem>>)
        } else {
        }
        %mul3A_85 = arith.constant 16 : i32
        %mul3A_86 = arith.muli %add3A_54, %mul3A_85 : i32
        %add3A_87 = arith.addi %mul3A_86, %arg1 : i32
        %lt3A_88 = arith.constant 2500 : i32
        %lt3A_89 = arith.cmpi slt, %add3A_87, %lt3A_88 : i32
        %convert_element_type3A_90 = arith.extui %lt3A_89 : i1 to i32
        %cond3A_91 = arith.constant 0 : i32
        %cond3A_92 = arith.cmpi ne, %convert_element_type3A_90, %cond3A_91 : i32
        scf.if %cond3A_92 {
          %dma_wait3A = arith.constant 0 : i32
          %dma_wait3A_213 = arith.constant 0 : i32
          %dma_wait3A_214 = tpu.memref_slice %arg3[%dma_wait3A, %dma_wait3A_213] : memref<10000x128xf32, #tpu.memory_space<hbm>> -> memref<128x128xf32, #tpu.memory_space<hbm>>
          %dma_wait3A_215 = arith.constant 0 : i32
          %dma_wait3A_216 = arith.constant 0 : i32
          %dma_wait3A_217 = tpu.memref_slice %arg3[%dma_wait3A_215, %dma_wait3A_216] : memref<10000x128xf32, #tpu.memory_space<hbm>> -> memref<128x128xf32, #tpu.memory_space<hbm>>
          tpu.wait_dma2 semaphore(%arg19 : memref<!tpu.dma_semaphore, #tpu.memory_space<semaphore_mem>>) src(%dma_wait3A_217 : memref<128x128xf32, #tpu.memory_space<hbm>>) dst(%arg17 : memref<128x128xf32, #tpu.memory_space<vmem>>)
          "tpu.region"() ({
            %run_scoped3A = tpu.sem_alloc : memref<!tpu.dma_semaphore, #tpu.memory_space<semaphore_mem>>
            %dma_start3A = arith.constant 0 : i32
            %dma_start3A_218 = arith.constant 0 : i32
            %dma_start3A_219 = tpu.memref_slice %arg8[%dma_start3A, %dma_start3A_218] : memref<10000x128xf32, #tpu.memory_space<vmem_shared>> -> memref<10000x128xf32, #tpu.memory_space<vmem_shared>>
            tpu.enqueue_indirect_dma source(%arg17 : memref<128x128xf32, #tpu.memory_space<vmem>>) target(%dma_start3A_219 : memref<10000x128xf32, #tpu.memory_space<vmem_shared>>) offsets(%arg13 : memref<128xi32, #tpu.memory_space<vmem>>) semaphore(%run_scoped3A : memref<!tpu.dma_semaphore, #tpu.memory_space<semaphore_mem>>) {add = true}
            %dma_wait3A_220 = arith.constant 0 : i32
            %dma_wait3A_221 = arith.constant 0 : i32
            %dma_wait3A_222 = tpu.memref_slice %arg8[%dma_wait3A_220, %dma_wait3A_221] : memref<10000x128xf32, #tpu.memory_space<vmem_shared>> -> memref<10000x128xf32, #tpu.memory_space<vmem_shared>>
            tpu.wait_indirect_dma semaphore(%run_scoped3A : memref<!tpu.dma_semaphore, #tpu.memory_space<semaphore_mem>>) src(%arg17 : memref<128x128xf32, #tpu.memory_space<vmem>>) dst(%dma_wait3A_222 : memref<10000x128xf32, #tpu.memory_space<vmem_shared>>)
            tpu.yield
          }) : () -> ()
        } else {
        }
        %add3A_93 = arith.constant 1 : i32
        %add3A_94 = arith.addi %mul3A_52, %add3A_93 : i32
        %add3A_95 = arith.constant 2 : i32
        %add3A_96 = arith.addi %add3A_94, %add3A_95 : i32
        %mul3A_97 = arith.constant 16 : i32
        %mul3A_98 = arith.muli %add3A_96, %mul3A_97 : i32
        %add3A_99 = arith.addi %mul3A_98, %arg1 : i32
        %lt3A_100 = arith.constant 2500 : i32
        %lt3A_101 = arith.cmpi slt, %add3A_99, %lt3A_100 : i32
        %convert_element_type3A_102 = arith.extui %lt3A_101 : i1 to i32
        %cond3A_103 = arith.constant 0 : i32
        %cond3A_104 = arith.cmpi ne, %convert_element_type3A_102, %cond3A_103 : i32
        scf.if %cond3A_104 {
          %mul3A_213 = arith.constant 128 : i32
          %mul3A_214 = arith.muli %add3A_99, %mul3A_213 : i32
          %dma_start3A = tpu.memref_slice %arg4[%mul3A_214] : memref<320000xi32, #tpu.memory_space<hbm>> -> memref<128xi32, #tpu.memory_space<hbm>>
          %dma_start3A_215 = tpu.memref_slice %arg4[%mul3A_214] : memref<320000xi32, #tpu.memory_space<hbm>> -> memref<128xi32, #tpu.memory_space<hbm>>
          tpu.enqueue_dma source(%dma_start3A_215 : memref<128xi32, #tpu.memory_space<hbm>>) target(%arg12 : memref<128xi32, #tpu.memory_space<vmem>>) target_semaphore(%arg24 : memref<!tpu.dma_semaphore, #tpu.memory_space<semaphore_mem>>)
          %mul3A_216 = arith.constant 128 : i32
          %mul3A_217 = arith.muli %add3A_99, %mul3A_216 : i32
          %dma_start3A_218 = tpu.memref_slice %arg5[%mul3A_217] : memref<320000xi32, #tpu.memory_space<hbm>> -> memref<128xi32, #tpu.memory_space<hbm>>
          %dma_start3A_219 = tpu.memref_slice %arg5[%mul3A_217] : memref<320000xi32, #tpu.memory_space<hbm>> -> memref<128xi32, #tpu.memory_space<hbm>>
          tpu.enqueue_dma source(%dma_start3A_219 : memref<128xi32, #tpu.memory_space<hbm>>) target(%arg16 : memref<128xi32, #tpu.memory_space<vmem>>) target_semaphore(%arg24 : memref<!tpu.dma_semaphore, #tpu.memory_space<semaphore_mem>>)
        } else {
        }
        %add3A_105 = arith.constant 1 : i32
        %add3A_106 = arith.addi %add3A_94, %add3A_105 : i32
        %mul3A_107 = arith.constant 16 : i32
        %mul3A_108 = arith.muli %add3A_106, %mul3A_107 : i32
        %add3A_109 = arith.addi %mul3A_108, %arg1 : i32
        %lt3A_110 = arith.constant 2500 : i32
        %lt3A_111 = arith.cmpi slt, %add3A_109, %lt3A_110 : i32
        %convert_element_type3A_112 = arith.extui %lt3A_111 : i1 to i32
        %cond3A_113 = arith.constant 0 : i32
        %cond3A_114 = arith.cmpi ne, %convert_element_type3A_112, %cond3A_113 : i32
        scf.if %cond3A_114 {
          %dma_wait3A = arith.constant 0 : i32
          %dma_wait3A_213 = tpu.memref_slice %arg4[%dma_wait3A] : memref<320000xi32, #tpu.memory_space<hbm>> -> memref<128xi32, #tpu.memory_space<hbm>>
          %dma_wait3A_214 = arith.constant 0 : i32
          %dma_wait3A_215 = tpu.memref_slice %arg4[%dma_wait3A_214] : memref<320000xi32, #tpu.memory_space<hbm>> -> memref<128xi32, #tpu.memory_space<hbm>>
          tpu.wait_dma2 semaphore(%arg23 : memref<!tpu.dma_semaphore, #tpu.memory_space<semaphore_mem>>) src(%dma_wait3A_215 : memref<128xi32, #tpu.memory_space<hbm>>) dst(%arg11 : memref<128xi32, #tpu.memory_space<vmem>>)
          %dma_wait3A_216 = arith.constant 0 : i32
          %dma_wait3A_217 = tpu.memref_slice %arg4[%dma_wait3A_216] : memref<320000xi32, #tpu.memory_space<hbm>> -> memref<128xi32, #tpu.memory_space<hbm>>
          %dma_wait3A_218 = arith.constant 0 : i32
          %dma_wait3A_219 = tpu.memref_slice %arg4[%dma_wait3A_218] : memref<320000xi32, #tpu.memory_space<hbm>> -> memref<128xi32, #tpu.memory_space<hbm>>
          tpu.wait_dma2 semaphore(%arg23 : memref<!tpu.dma_semaphore, #tpu.memory_space<semaphore_mem>>) src(%dma_wait3A_219 : memref<128xi32, #tpu.memory_space<hbm>>) dst(%arg15 : memref<128xi32, #tpu.memory_space<vmem>>)
        } else {
        }
        %add3A_115 = arith.constant 1 : i32
        %add3A_116 = arith.addi %add3A_94, %add3A_115 : i32
        %mul3A_117 = arith.constant 16 : i32
        %mul3A_118 = arith.muli %add3A_116, %mul3A_117 : i32
        %add3A_119 = arith.addi %mul3A_118, %arg1 : i32
        %lt3A_120 = arith.constant 2500 : i32
        %lt3A_121 = arith.cmpi slt, %add3A_119, %lt3A_120 : i32
        %convert_element_type3A_122 = arith.extui %lt3A_121 : i1 to i32
        %cond3A_123 = arith.constant 0 : i32
        %cond3A_124 = arith.cmpi ne, %convert_element_type3A_122, %cond3A_123 : i32
        scf.if %cond3A_124 {
          %dma_start3A = arith.constant 0 : i32
          %dma_start3A_213 = arith.constant 0 : i32
          %dma_start3A_214 = tpu.memref_slice %arg3[%dma_start3A, %dma_start3A_213] : memref<10000x128xf32, #tpu.memory_space<hbm>> -> memref<10000x128xf32, #tpu.memory_space<hbm>>
          tpu.enqueue_indirect_dma source(%dma_start3A_214 : memref<10000x128xf32, #tpu.memory_space<hbm>>) target(%arg17 : memref<128x128xf32, #tpu.memory_space<vmem>>) offsets(%arg11 : memref<128xi32, #tpu.memory_space<vmem>>) semaphore(%arg19 : memref<!tpu.dma_semaphore, #tpu.memory_space<semaphore_mem>>)
        } else {
        }
        %mul3A_125 = arith.constant 16 : i32
        %mul3A_126 = arith.muli %add3A_94, %mul3A_125 : i32
        %add3A_127 = arith.addi %mul3A_126, %arg1 : i32
        %lt3A_128 = arith.constant 2500 : i32
        %lt3A_129 = arith.cmpi slt, %add3A_127, %lt3A_128 : i32
        %convert_element_type3A_130 = arith.extui %lt3A_129 : i1 to i32
        %cond3A_131 = arith.constant 0 : i32
        %cond3A_132 = arith.cmpi ne, %convert_element_type3A_130, %cond3A_131 : i32
        scf.if %cond3A_132 {
          %dma_wait3A = arith.constant 0 : i32
          %dma_wait3A_213 = arith.constant 0 : i32
          %dma_wait3A_214 = tpu.memref_slice %arg3[%dma_wait3A, %dma_wait3A_213] : memref<10000x128xf32, #tpu.memory_space<hbm>> -> memref<128x128xf32, #tpu.memory_space<hbm>>
          %dma_wait3A_215 = arith.constant 0 : i32
          %dma_wait3A_216 = arith.constant 0 : i32
          %dma_wait3A_217 = tpu.memref_slice %arg3[%dma_wait3A_215, %dma_wait3A_216] : memref<10000x128xf32, #tpu.memory_space<hbm>> -> memref<128x128xf32, #tpu.memory_space<hbm>>
          tpu.wait_dma2 semaphore(%arg20 : memref<!tpu.dma_semaphore, #tpu.memory_space<semaphore_mem>>) src(%dma_wait3A_217 : memref<128x128xf32, #tpu.memory_space<hbm>>) dst(%arg18 : memref<128x128xf32, #tpu.memory_space<vmem>>)
          "tpu.region"() ({
            %run_scoped3A = tpu.sem_alloc : memref<!tpu.dma_semaphore, #tpu.memory_space<semaphore_mem>>
            %dma_start3A = arith.constant 0 : i32
            %dma_start3A_218 = arith.constant 0 : i32
            %dma_start3A_219 = tpu.memref_slice %arg8[%dma_start3A, %dma_start3A_218] : memref<10000x128xf32, #tpu.memory_space<vmem_shared>> -> memref<10000x128xf32, #tpu.memory_space<vmem_shared>>
            tpu.enqueue_indirect_dma source(%arg18 : memref<128x128xf32, #tpu.memory_space<vmem>>) target(%dma_start3A_219 : memref<10000x128xf32, #tpu.memory_space<vmem_shared>>) offsets(%arg14 : memref<128xi32, #tpu.memory_space<vmem>>) semaphore(%run_scoped3A : memref<!tpu.dma_semaphore, #tpu.memory_space<semaphore_mem>>) {add = true}
            %dma_wait3A_220 = arith.constant 0 : i32
            %dma_wait3A_221 = arith.constant 0 : i32
            %dma_wait3A_222 = tpu.memref_slice %arg8[%dma_wait3A_220, %dma_wait3A_221] : memref<10000x128xf32, #tpu.memory_space<vmem_shared>> -> memref<10000x128xf32, #tpu.memory_space<vmem_shared>>
            tpu.wait_indirect_dma semaphore(%run_scoped3A : memref<!tpu.dma_semaphore, #tpu.memory_space<semaphore_mem>>) src(%arg18 : memref<128x128xf32, #tpu.memory_space<vmem>>) dst(%dma_wait3A_222 : memref<10000x128xf32, #tpu.memory_space<vmem_shared>>)
            tpu.yield
          }) : () -> ()
        } else {
        }
        %add3A_133 = arith.constant 2 : i32
        %add3A_134 = arith.addi %mul3A_52, %add3A_133 : i32
        %add3A_135 = arith.constant 2 : i32
        %add3A_136 = arith.addi %add3A_134, %add3A_135 : i32
        %mul3A_137 = arith.constant 16 : i32
        %mul3A_138 = arith.muli %add3A_136, %mul3A_137 : i32
        %add3A_139 = arith.addi %mul3A_138, %arg1 : i32
        %lt3A_140 = arith.constant 2500 : i32
        %lt3A_141 = arith.cmpi slt, %add3A_139, %lt3A_140 : i32
        %convert_element_type3A_142 = arith.extui %lt3A_141 : i1 to i32
        %cond3A_143 = arith.constant 0 : i32
        %cond3A_144 = arith.cmpi ne, %convert_element_type3A_142, %cond3A_143 : i32
        scf.if %cond3A_144 {
          %mul3A_213 = arith.constant 128 : i32
          %mul3A_214 = arith.muli %add3A_139, %mul3A_213 : i32
          %dma_start3A = tpu.memref_slice %arg4[%mul3A_214] : memref<320000xi32, #tpu.memory_space<hbm>> -> memref<128xi32, #tpu.memory_space<hbm>>
          %dma_start3A_215 = tpu.memref_slice %arg4[%mul3A_214] : memref<320000xi32, #tpu.memory_space<hbm>> -> memref<128xi32, #tpu.memory_space<hbm>>
          tpu.enqueue_dma source(%dma_start3A_215 : memref<128xi32, #tpu.memory_space<hbm>>) target(%arg9 : memref<128xi32, #tpu.memory_space<vmem>>) target_semaphore(%arg21 : memref<!tpu.dma_semaphore, #tpu.memory_space<semaphore_mem>>)
          %mul3A_216 = arith.constant 128 : i32
          %mul3A_217 = arith.muli %add3A_139, %mul3A_216 : i32
          %dma_start3A_218 = tpu.memref_slice %arg5[%mul3A_217] : memref<320000xi32, #tpu.memory_space<hbm>> -> memref<128xi32, #tpu.memory_space<hbm>>
          %dma_start3A_219 = tpu.memref_slice %arg5[%mul3A_217] : memref<320000xi32, #tpu.memory_space<hbm>> -> memref<128xi32, #tpu.memory_space<hbm>>
          tpu.enqueue_dma source(%dma_start3A_219 : memref<128xi32, #tpu.memory_space<hbm>>) target(%arg13 : memref<128xi32, #tpu.memory_space<vmem>>) target_semaphore(%arg21 : memref<!tpu.dma_semaphore, #tpu.memory_space<semaphore_mem>>)
        } else {
        }
        %add3A_145 = arith.constant 1 : i32
        %add3A_146 = arith.addi %add3A_134, %add3A_145 : i32
        %mul3A_147 = arith.constant 16 : i32
        %mul3A_148 = arith.muli %add3A_146, %mul3A_147 : i32
        %add3A_149 = arith.addi %mul3A_148, %arg1 : i32
        %lt3A_150 = arith.constant 2500 : i32
        %lt3A_151 = arith.cmpi slt, %add3A_149, %lt3A_150 : i32
        %convert_element_type3A_152 = arith.extui %lt3A_151 : i1 to i32
        %cond3A_153 = arith.constant 0 : i32
        %cond3A_154 = arith.cmpi ne, %convert_element_type3A_152, %cond3A_153 : i32
        scf.if %cond3A_154 {
          %dma_wait3A = arith.constant 0 : i32
          %dma_wait3A_213 = tpu.memref_slice %arg4[%dma_wait3A] : memref<320000xi32, #tpu.memory_space<hbm>> -> memref<128xi32, #tpu.memory_space<hbm>>
          %dma_wait3A_214 = arith.constant 0 : i32
          %dma_wait3A_215 = tpu.memref_slice %arg4[%dma_wait3A_214] : memref<320000xi32, #tpu.memory_space<hbm>> -> memref<128xi32, #tpu.memory_space<hbm>>
          tpu.wait_dma2 semaphore(%arg24 : memref<!tpu.dma_semaphore, #tpu.memory_space<semaphore_mem>>) src(%dma_wait3A_215 : memref<128xi32, #tpu.memory_space<hbm>>) dst(%arg12 : memref<128xi32, #tpu.memory_space<vmem>>)
          %dma_wait3A_216 = arith.constant 0 : i32
          %dma_wait3A_217 = tpu.memref_slice %arg4[%dma_wait3A_216] : memref<320000xi32, #tpu.memory_space<hbm>> -> memref<128xi32, #tpu.memory_space<hbm>>
          %dma_wait3A_218 = arith.constant 0 : i32
          %dma_wait3A_219 = tpu.memref_slice %arg4[%dma_wait3A_218] : memref<320000xi32, #tpu.memory_space<hbm>> -> memref<128xi32, #tpu.memory_space<hbm>>
          tpu.wait_dma2 semaphore(%arg24 : memref<!tpu.dma_semaphore, #tpu.memory_space<semaphore_mem>>) src(%dma_wait3A_219 : memref<128xi32, #tpu.memory_space<hbm>>) dst(%arg16 : memref<128xi32, #tpu.memory_space<vmem>>)
        } else {
        }
        %add3A_155 = arith.constant 1 : i32
        %add3A_156 = arith.addi %add3A_134, %add3A_155 : i32
        %mul3A_157 = arith.constant 16 : i32
        %mul3A_158 = arith.muli %add3A_156, %mul3A_157 : i32
        %add3A_159 = arith.addi %mul3A_158, %arg1 : i32
        %lt3A_160 = arith.constant 2500 : i32
        %lt3A_161 = arith.cmpi slt, %add3A_159, %lt3A_160 : i32
        %convert_element_type3A_162 = arith.extui %lt3A_161 : i1 to i32
        %cond3A_163 = arith.constant 0 : i32
        %cond3A_164 = arith.cmpi ne, %convert_element_type3A_162, %cond3A_163 : i32
        scf.if %cond3A_164 {
          %dma_start3A = arith.constant 0 : i32
          %dma_start3A_213 = arith.constant 0 : i32
          %dma_start3A_214 = tpu.memref_slice %arg3[%dma_start3A, %dma_start3A_213] : memref<10000x128xf32, #tpu.memory_space<hbm>> -> memref<10000x128xf32, #tpu.memory_space<hbm>>
          tpu.enqueue_indirect_dma source(%dma_start3A_214 : memref<10000x128xf32, #tpu.memory_space<hbm>>) target(%arg18 : memref<128x128xf32, #tpu.memory_space<vmem>>) offsets(%arg12 : memref<128xi32, #tpu.memory_space<vmem>>) semaphore(%arg20 : memref<!tpu.dma_semaphore, #tpu.memory_space<semaphore_mem>>)
        } else {
        }
        %mul3A_165 = arith.constant 16 : i32
        %mul3A_166 = arith.muli %add3A_134, %mul3A_165 : i32
        %add3A_167 = arith.addi %mul3A_166, %arg1 : i32
        %lt3A_168 = arith.constant 2500 : i32
        %lt3A_169 = arith.cmpi slt, %add3A_167, %lt3A_168 : i32
        %convert_element_type3A_170 = arith.extui %lt3A_169 : i1 to i32
        %cond3A_171 = arith.constant 0 : i32
        %cond3A_172 = arith.cmpi ne, %convert_element_type3A_170, %cond3A_171 : i32
        scf.if %cond3A_172 {
          %dma_wait3A = arith.constant 0 : i32
          %dma_wait3A_213 = arith.constant 0 : i32
          %dma_wait3A_214 = tpu.memref_slice %arg3[%dma_wait3A, %dma_wait3A_213] : memref<10000x128xf32, #tpu.memory_space<hbm>> -> memref<128x128xf32, #tpu.memory_space<hbm>>
          %dma_wait3A_215 = arith.constant 0 : i32
          %dma_wait3A_216 = arith.constant 0 : i32
          %dma_wait3A_217 = tpu.memref_slice %arg3[%dma_wait3A_215, %dma_wait3A_216] : memref<10000x128xf32, #tpu.memory_space<hbm>> -> memref<128x128xf32, #tpu.memory_space<hbm>>
          tpu.wait_dma2 semaphore(%arg19 : memref<!tpu.dma_semaphore, #tpu.memory_space<semaphore_mem>>) src(%dma_wait3A_217 : memref<128x128xf32, #tpu.memory_space<hbm>>) dst(%arg17 : memref<128x128xf32, #tpu.memory_space<vmem>>)
          "tpu.region"() ({
            %run_scoped3A = tpu.sem_alloc : memref<!tpu.dma_semaphore, #tpu.memory_space<semaphore_mem>>
            %dma_start3A = arith.constant 0 : i32
            %dma_start3A_218 = arith.constant 0 : i32
            %dma_start3A_219 = tpu.memref_slice %arg8[%dma_start3A, %dma_start3A_218] : memref<10000x128xf32, #tpu.memory_space<vmem_shared>> -> memref<10000x128xf32, #tpu.memory_space<vmem_shared>>
            tpu.enqueue_indirect_dma source(%arg17 : memref<128x128xf32, #tpu.memory_space<vmem>>) target(%dma_start3A_219 : memref<10000x128xf32, #tpu.memory_space<vmem_shared>>) offsets(%arg15 : memref<128xi32, #tpu.memory_space<vmem>>) semaphore(%run_scoped3A : memref<!tpu.dma_semaphore, #tpu.memory_space<semaphore_mem>>) {add = true}
            %dma_wait3A_220 = arith.constant 0 : i32
            %dma_wait3A_221 = arith.constant 0 : i32
            %dma_wait3A_222 = tpu.memref_slice %arg8[%dma_wait3A_220, %dma_wait3A_221] : memref<10000x128xf32, #tpu.memory_space<vmem_shared>> -> memref<10000x128xf32, #tpu.memory_space<vmem_shared>>
            tpu.wait_indirect_dma semaphore(%run_scoped3A : memref<!tpu.dma_semaphore, #tpu.memory_space<semaphore_mem>>) src(%arg17 : memref<128x128xf32, #tpu.memory_space<vmem>>) dst(%dma_wait3A_222 : memref<10000x128xf32, #tpu.memory_space<vmem_shared>>)
            tpu.yield
          }) : () -> ()
        } else {
        }
        %add3A_173 = arith.constant 3 : i32
        %add3A_174 = arith.addi %mul3A_52, %add3A_173 : i32
        %add3A_175 = arith.constant 2 : i32
        %add3A_176 = arith.addi %add3A_174, %add3A_175 : i32
        %mul3A_177 = arith.constant 16 : i32
        %mul3A_178 = arith.muli %add3A_176, %mul3A_177 : i32
        %add3A_179 = arith.addi %mul3A_178, %arg1 : i32
        %lt3A_180 = arith.constant 2500 : i32
        %lt3A_181 = arith.cmpi slt, %add3A_179, %lt3A_180 : i32
        %convert_element_type3A_182 = arith.extui %lt3A_181 : i1 to i32
        %cond3A_183 = arith.constant 0 : i32
        %cond3A_184 = arith.cmpi ne, %convert_element_type3A_182, %cond3A_183 : i32
        scf.if %cond3A_184 {
          %mul3A_213 = arith.constant 128 : i32
          %mul3A_214 = arith.muli %add3A_179, %mul3A_213 : i32
          %dma_start3A = tpu.memref_slice %arg4[%mul3A_214] : memref<320000xi32, #tpu.memory_space<hbm>> -> memref<128xi32, #tpu.memory_space<hbm>>
          %dma_start3A_215 = tpu.memref_slice %arg4[%mul3A_214] : memref<320000xi32, #tpu.memory_space<hbm>> -> memref<128xi32, #tpu.memory_space<hbm>>
          tpu.enqueue_dma source(%dma_start3A_215 : memref<128xi32, #tpu.memory_space<hbm>>) target(%arg10 : memref<128xi32, #tpu.memory_space<vmem>>) target_semaphore(%arg22 : memref<!tpu.dma_semaphore, #tpu.memory_space<semaphore_mem>>)
          %mul3A_216 = arith.constant 128 : i32
          %mul3A_217 = arith.muli %add3A_179, %mul3A_216 : i32
          %dma_start3A_218 = tpu.memref_slice %arg5[%mul3A_217] : memref<320000xi32, #tpu.memory_space<hbm>> -> memref<128xi32, #tpu.memory_space<hbm>>
          %dma_start3A_219 = tpu.memref_slice %arg5[%mul3A_217] : memref<320000xi32, #tpu.memory_space<hbm>> -> memref<128xi32, #tpu.memory_space<hbm>>
          tpu.enqueue_dma source(%dma_start3A_219 : memref<128xi32, #tpu.memory_space<hbm>>) target(%arg14 : memref<128xi32, #tpu.memory_space<vmem>>) target_semaphore(%arg22 : memref<!tpu.dma_semaphore, #tpu.memory_space<semaphore_mem>>)
        } else {
        }
        %add3A_185 = arith.constant 1 : i32
        %add3A_186 = arith.addi %add3A_174, %add3A_185 : i32
        %mul3A_187 = arith.constant 16 : i32
        %mul3A_188 = arith.muli %add3A_186, %mul3A_187 : i32
        %add3A_189 = arith.addi %mul3A_188, %arg1 : i32
        %lt3A_190 = arith.constant 2500 : i32
        %lt3A_191 = arith.cmpi slt, %add3A_189, %lt3A_190 : i32
        %convert_element_type3A_192 = arith.extui %lt3A_191 : i1 to i32
        %cond3A_193 = arith.constant 0 : i32
        %cond3A_194 = arith.cmpi ne, %convert_element_type3A_192, %cond3A_193 : i32
        scf.if %cond3A_194 {
          %dma_wait3A = arith.constant 0 : i32
          %dma_wait3A_213 = tpu.memref_slice %arg4[%dma_wait3A] : memref<320000xi32, #tpu.memory_space<hbm>> -> memref<128xi32, #tpu.memory_space<hbm>>
          %dma_wait3A_214 = arith.constant 0 : i32
          %dma_wait3A_215 = tpu.memref_slice %arg4[%dma_wait3A_214] : memref<320000xi32, #tpu.memory_space<hbm>> -> memref<128xi32, #tpu.memory_space<hbm>>
          tpu.wait_dma2 semaphore(%arg21 : memref<!tpu.dma_semaphore, #tpu.memory_space<semaphore_mem>>) src(%dma_wait3A_215 : memref<128xi32, #tpu.memory_space<hbm>>) dst(%arg9 : memref<128xi32, #tpu.memory_space<vmem>>)
          %dma_wait3A_216 = arith.constant 0 : i32
          %dma_wait3A_217 = tpu.memref_slice %arg4[%dma_wait3A_216] : memref<320000xi32, #tpu.memory_space<hbm>> -> memref<128xi32, #tpu.memory_space<hbm>>
          %dma_wait3A_218 = arith.constant 0 : i32
          %dma_wait3A_219 = tpu.memref_slice %arg4[%dma_wait3A_218] : memref<320000xi32, #tpu.memory_space<hbm>> -> memref<128xi32, #tpu.memory_space<hbm>>
          tpu.wait_dma2 semaphore(%arg21 : memref<!tpu.dma_semaphore, #tpu.memory_space<semaphore_mem>>) src(%dma_wait3A_219 : memref<128xi32, #tpu.memory_space<hbm>>) dst(%arg13 : memref<128xi32, #tpu.memory_space<vmem>>)
        } else {
        }
        %add3A_195 = arith.constant 1 : i32
        %add3A_196 = arith.addi %add3A_174, %add3A_195 : i32
        %mul3A_197 = arith.constant 16 : i32
        %mul3A_198 = arith.muli %add3A_196, %mul3A_197 : i32
        %add3A_199 = arith.addi %mul3A_198, %arg1 : i32
        %lt3A_200 = arith.constant 2500 : i32
        %lt3A_201 = arith.cmpi slt, %add3A_199, %lt3A_200 : i32
        %convert_element_type3A_202 = arith.extui %lt3A_201 : i1 to i32
        %cond3A_203 = arith.constant 0 : i32
        %cond3A_204 = arith.cmpi ne, %convert_element_type3A_202, %cond3A_203 : i32
        scf.if %cond3A_204 {
          %dma_start3A = arith.constant 0 : i32
          %dma_start3A_213 = arith.constant 0 : i32
          %dma_start3A_214 = tpu.memref_slice %arg3[%dma_start3A, %dma_start3A_213] : memref<10000x128xf32, #tpu.memory_space<hbm>> -> memref<10000x128xf32, #tpu.memory_space<hbm>>
          tpu.enqueue_indirect_dma source(%dma_start3A_214 : memref<10000x128xf32, #tpu.memory_space<hbm>>) target(%arg17 : memref<128x128xf32, #tpu.memory_space<vmem>>) offsets(%arg9 : memref<128xi32, #tpu.memory_space<vmem>>) semaphore(%arg19 : memref<!tpu.dma_semaphore, #tpu.memory_space<semaphore_mem>>)
        } else {
        }
        %mul3A_205 = arith.constant 16 : i32
        %mul3A_206 = arith.muli %add3A_174, %mul3A_205 : i32
        %add3A_207 = arith.addi %mul3A_206, %arg1 : i32
        %lt3A_208 = arith.constant 2500 : i32
        %lt3A_209 = arith.cmpi slt, %add3A_207, %lt3A_208 : i32
        %convert_element_type3A_210 = arith.extui %lt3A_209 : i1 to i32
        %cond3A_211 = arith.constant 0 : i32
        %cond3A_212 = arith.cmpi ne, %convert_element_type3A_210, %cond3A_211 : i32
        scf.if %cond3A_212 {
          %dma_wait3A = arith.constant 0 : i32
          %dma_wait3A_213 = arith.constant 0 : i32
          %dma_wait3A_214 = tpu.memref_slice %arg3[%dma_wait3A, %dma_wait3A_213] : memref<10000x128xf32, #tpu.memory_space<hbm>> -> memref<128x128xf32, #tpu.memory_space<hbm>>
          %dma_wait3A_215 = arith.constant 0 : i32
          %dma_wait3A_216 = arith.constant 0 : i32
          %dma_wait3A_217 = tpu.memref_slice %arg3[%dma_wait3A_215, %dma_wait3A_216] : memref<10000x128xf32, #tpu.memory_space<hbm>> -> memref<128x128xf32, #tpu.memory_space<hbm>>
          tpu.wait_dma2 semaphore(%arg20 : memref<!tpu.dma_semaphore, #tpu.memory_space<semaphore_mem>>) src(%dma_wait3A_217 : memref<128x128xf32, #tpu.memory_space<hbm>>) dst(%arg18 : memref<128x128xf32, #tpu.memory_space<vmem>>)
          "tpu.region"() ({
            %run_scoped3A = tpu.sem_alloc : memref<!tpu.dma_semaphore, #tpu.memory_space<semaphore_mem>>
            %dma_start3A = arith.constant 0 : i32
            %dma_start3A_218 = arith.constant 0 : i32
            %dma_start3A_219 = tpu.memref_slice %arg8[%dma_start3A, %dma_start3A_218] : memref<10000x128xf32, #tpu.memory_space<vmem_shared>> -> memref<10000x128xf32, #tpu.memory_space<vmem_shared>>
            tpu.enqueue_indirect_dma source(%arg18 : memref<128x128xf32, #tpu.memory_space<vmem>>) target(%dma_start3A_219 : memref<10000x128xf32, #tpu.memory_space<vmem_shared>>) offsets(%arg16 : memref<128xi32, #tpu.memory_space<vmem>>) semaphore(%run_scoped3A : memref<!tpu.dma_semaphore, #tpu.memory_space<semaphore_mem>>) {add = true}
            %dma_wait3A_220 = arith.constant 0 : i32
            %dma_wait3A_221 = arith.constant 0 : i32
            %dma_wait3A_222 = tpu.memref_slice %arg8[%dma_wait3A_220, %dma_wait3A_221] : memref<10000x128xf32, #tpu.memory_space<vmem_shared>> -> memref<10000x128xf32, #tpu.memory_space<vmem_shared>>
            tpu.wait_indirect_dma semaphore(%run_scoped3A : memref<!tpu.dma_semaphore, #tpu.memory_space<semaphore_mem>>) src(%arg18 : memref<128x128xf32, #tpu.memory_space<vmem>>) dst(%dma_wait3A_222 : memref<10000x128xf32, #tpu.memory_space<vmem_shared>>)
            tpu.yield
          }) : () -> ()
        } else {
        }
      }
      %scan3A_43 = arith.constant 40 : i32
      %barrier3A_44 = arith.constant 0 : index
      tpu.barrier barrier_id(%barrier3A_44)
      %scan3A_45 = arith.constant 0 : i32
      %scan3A_46 = arith.constant 0 : i32
      %scan3A_47 = arith.constant 8 : i32
      %scan3A_48 = arith.addi %scan3A_46, %scan3A_47 : i32
      %scan3A_49 = arith.constant 1 : i32
      scf.for %scan3A_51 = %scan3A_46 to %scan3A_48 step %scan3A_49  : i32 {
        %mul3A = arith.constant 16 : i32
        %mul3A_52 = arith.muli %scan3A_51, %mul3A : i32
        %add3A_53 = arith.addi %mul3A_52, %arg1 : i32
        %lt3A_54 = arith.constant 125 : i32
        %lt3A_55 = arith.cmpi slt, %add3A_53, %lt3A_54 : i32
        %convert_element_type3A_56 = arith.extui %lt3A_55 : i1 to i32
        %cond3A_57 = arith.constant 0 : i32
        %cond3A_58 = arith.cmpi ne, %convert_element_type3A_56, %cond3A_57 : i32
        scf.if %cond3A_58 {
          %mul3A_59 = arith.constant 80 : i32
          %mul3A_60 = arith.muli %add3A_53, %mul3A_59 : i32
          %mul3A_61 = arith.constant 80 : i32
          %mul3A_62 = arith.muli %add3A_53, %mul3A_61 : i32
          "tpu.region"() ({
            %run_scoped3A = tpu.sem_alloc : memref<!tpu.dma_semaphore, #tpu.memory_space<semaphore_mem>>
            %dma_start3A = arith.constant 0 : i32
            %dma_start3A_63 = tpu.memref_slice %arg7[%mul3A_62, %dma_start3A] : memref<10000x128xf32, #tpu.memory_space<hbm>> -> memref<80x128xf32, #tpu.memory_space<hbm>>
            %dma_start3A_64 = arith.constant 0 : i32
            %dma_start3A_65 = tpu.memref_slice %arg8[%mul3A_60, %dma_start3A_64] : memref<10000x128xf32, #tpu.memory_space<vmem_shared>> -> memref<80x128xf32, #tpu.memory_space<vmem_shared>>
            tpu.enqueue_dma source(%dma_start3A_65 : memref<80x128xf32, #tpu.memory_space<vmem_shared>>) target(%dma_start3A_63 : memref<80x128xf32, #tpu.memory_space<hbm>>) target_semaphore(%run_scoped3A : memref<!tpu.dma_semaphore, #tpu.memory_space<semaphore_mem>>)
            %dma_wait3A = arith.constant 0 : i32
            %dma_wait3A_66 = tpu.memref_slice %arg7[%mul3A_62, %dma_wait3A] : memref<10000x128xf32, #tpu.memory_space<hbm>> -> memref<80x128xf32, #tpu.memory_space<hbm>>
            %dma_wait3A_67 = arith.constant 0 : i32
            %dma_wait3A_68 = tpu.memref_slice %arg8[%mul3A_60, %dma_wait3A_67] : memref<10000x128xf32, #tpu.memory_space<vmem_shared>> -> memref<80x128xf32, #tpu.memory_space<vmem_shared>>
            tpu.wait_dma2 semaphore(%run_scoped3A : memref<!tpu.dma_semaphore, #tpu.memory_space<semaphore_mem>>) src(%dma_wait3A_68 : memref<80x128xf32, #tpu.memory_space<vmem_shared>>) dst(%dma_wait3A_66 : memref<80x128xf32, #tpu.memory_space<hbm>>)
            tpu.yield
          }) : () -> ()
        } else {
        }
      }
      %scan3A_50 = arith.constant 8 : i32
    } else {
    }
    return
  }
}

module attributes {stable_mosaic.version = 14 : i64} {
  func.func @_mm_body(%arg0: i32, %arg1: memref<1000x128xf32, #tpu.memory_space<vmem>>, %arg2: memref<128x128xf32, #tpu.memory_space<vmem>>, %arg3: memref<1000x128xf32, #tpu.memory_space<vmem>>) attributes {dimension_semantics = [#tpu.dimension_semantics<arbitrary>], iteration_bounds = array<i64: 10>, scalar_prefetch = 0 : i64, scratch_operands = 0 : i64, tpu.core_type = #tpu.core_type<tc>, window_params = [{transform_indices = @transform_0, window_bounds = array<i64: 1000, 128>}, {pipeline_mode = #tpu.pipeline_mode<synchronous>, transform_indices = @transform_1, window_bounds = array<i64: 128, 128>}, {transform_indices = @transform_2, window_bounds = array<i64: 1000, 128>}]} {
    %get3A = arith.constant 0 : index
    %get3A_0 = arith.constant 0 : index
    %get3A_1 = vector.load %arg1[%get3A, %get3A_0] : memref<1000x128xf32, #tpu.memory_space<vmem>>, vector<1000x128xf32>
    %get3A_2 = arith.constant 0 : index
    %get3A_3 = arith.constant 0 : index
    %get3A_4 = vector.load %arg2[%get3A_2, %get3A_3] : memref<128x128xf32, #tpu.memory_space<vmem>>, vector<128x128xf32>
    %dot_general3A = arith.constant dense<0.000000e+00> : vector<1000x128xf32>
    %dot_general3A_5 = tpu.matmul %get3A_1, %get3A_4, %dot_general3A {dimension_numbers = #tpu.dot_dimension_numbers<[1], [0], [0], [1], [0, 0, 1, 1], [], []>, transpose_lhs_hint = false} : vector<1000x128xf32>, vector<128x128xf32>, vector<1000x128xf32> -> vector<1000x128xf32>
    %swap3A = arith.constant 0 : index
    %swap3A_6 = arith.constant 0 : index
    %swap3A_7 = vector.load %arg3[%swap3A, %swap3A_6] : memref<1000x128xf32, #tpu.memory_space<vmem>>, vector<1000x128xf32>
    tpu.vector_store %arg3[%swap3A, %swap3A_6], %dot_general3A_5 {strides = array<i32>} : memref<1000x128xf32, #tpu.memory_space<vmem>>, vector<1000x128xf32>,
    return
  }
  func.func @transform_0(%arg0: i32) -> (i32, i32) {
    %c0_i32 = arith.constant 0 : i32
    %c0_i32_0 = arith.constant 0 : i32
    return %arg0, %c0_i32 : i32, i32
  }
  func.func @transform_1(%arg0: i32) -> (i32, i32) {
    %c0_i32 = arith.constant 0 : i32
    %c0_i32_0 = arith.constant 0 : i32
    %c0_i32_1 = arith.constant 0 : i32
    return %c0_i32, %c0_i32_0 : i32, i32
  }
  func.func @transform_2(%arg0: i32) -> (i32, i32) {
    %c0_i32 = arith.constant 0 : i32
    %c0_i32_0 = arith.constant 0 : i32
    return %arg0, %c0_i32 : i32, i32
  }
}

module attributes {stable_mosaic.version = 14 : i64} {
  func.func @_scale2_body(%arg0: i32, %arg1: memref<1000x128xf32, #tpu.memory_space<vmem>>, %arg2: memref<1000x128xf32, #tpu.memory_space<vmem>>, %arg3: memref<1000x1xf32, #tpu.memory_space<vmem>>, %arg4: memref<1000x1xf32, #tpu.memory_space<vmem>>, %arg5: memref<1000x128xf32, #tpu.memory_space<vmem>>, %arg6: memref<1000x128xf32, #tpu.memory_space<vmem>>) attributes {dimension_semantics = [#tpu.dimension_semantics<arbitrary>], iteration_bounds = array<i64: 10>, scalar_prefetch = 0 : i64, scratch_operands = 0 : i64, tpu.core_type = #tpu.core_type<tc>, window_params = [{transform_indices = @transform_0, window_bounds = array<i64: 1000, 128>}, {transform_indices = @transform_1, window_bounds = array<i64: 1000, 128>}, {transform_indices = @transform_2, window_bounds = array<i64: 1000, 1>}, {transform_indices = @transform_3, window_bounds = array<i64: 1000, 1>}, {transform_indices = @transform_4, window_bounds = array<i64: 1000, 128>}, {transform_indices = @transform_5, window_bounds = array<i64: 1000, 128>}]} {
    %get3A = arith.constant 0 : index
    %get3A_0 = arith.constant 0 : index
    %get3A_1 = vector.load %arg3[%get3A, %get3A_0] : memref<1000x1xf32, #tpu.memory_space<vmem>>, vector<1000x1xf32>
    %get3A_2 = arith.constant 0 : index
    %get3A_3 = arith.constant 0 : index
    %get3A_4 = vector.load %arg4[%get3A_2, %get3A_3] : memref<1000x1xf32, #tpu.memory_space<vmem>>, vector<1000x1xf32>
    %add3A = arith.addf %get3A_1, %get3A_4 : vector<1000x1xf32>
    %add3A_5 = arith.constant 1.000000e+00 : f32
    %add3A_6 = vector.broadcast %add3A_5 : f32 to vector<1000x1xf32>
    %add3A_7 = arith.addf %add3A, %add3A_6 : vector<1000x1xf32>
    %rsqrt3A = math.rsqrt %add3A_7 : vector<1000x1xf32>
    %get3A_8 = arith.constant 0 : index
    %get3A_9 = arith.constant 0 : index
    %get3A_10 = vector.load %arg1[%get3A_8, %get3A_9] : memref<1000x128xf32, #tpu.memory_space<vmem>>, vector<1000x128xf32>
    %mul3A = vector.broadcast %rsqrt3A : vector<1000x1xf32> to vector<1000x128xf32>
    %mul3A_11 = arith.mulf %get3A_10, %mul3A : vector<1000x128xf32>
    %swap3A = arith.constant 0 : index
    %swap3A_12 = arith.constant 0 : index
    %swap3A_13 = vector.load %arg5[%swap3A, %swap3A_12] : memref<1000x128xf32, #tpu.memory_space<vmem>>, vector<1000x128xf32>
    tpu.vector_store %arg5[%swap3A, %swap3A_12], %mul3A_11 {strides = array<i32>} : memref<1000x128xf32, #tpu.memory_space<vmem>>, vector<1000x128xf32>,
    %get3A_14 = arith.constant 0 : index
    %get3A_15 = arith.constant 0 : index
    %get3A_16 = vector.load %arg2[%get3A_14, %get3A_15] : memref<1000x128xf32, #tpu.memory_space<vmem>>, vector<1000x128xf32>
    %mul3A_17 = vector.broadcast %rsqrt3A : vector<1000x1xf32> to vector<1000x128xf32>
    %mul3A_18 = arith.mulf %get3A_16, %mul3A_17 : vector<1000x128xf32>
    %swap3A_19 = arith.constant 0 : index
    %swap3A_20 = arith.constant 0 : index
    %swap3A_21 = vector.load %arg6[%swap3A_19, %swap3A_20] : memref<1000x128xf32, #tpu.memory_space<vmem>>, vector<1000x128xf32>
    tpu.vector_store %arg6[%swap3A_19, %swap3A_20], %mul3A_18 {strides = array<i32>} : memref<1000x128xf32, #tpu.memory_space<vmem>>, vector<1000x128xf32>,
    return
  }
  func.func @transform_0(%arg0: i32) -> (i32, i32) {
    %c0_i32 = arith.constant 0 : i32
    %c0_i32_0 = arith.constant 0 : i32
    return %arg0, %c0_i32 : i32, i32
  }
  func.func @transform_1(%arg0: i32) -> (i32, i32) {
    %c0_i32 = arith.constant 0 : i32
    %c0_i32_0 = arith.constant 0 : i32
    return %arg0, %c0_i32 : i32, i32
  }
  func.func @transform_2(%arg0: i32) -> (i32, i32) {
    %c0_i32 = arith.constant 0 : i32
    %c0_i32_0 = arith.constant 0 : i32
    return %arg0, %c0_i32 : i32, i32
  }
  func.func @transform_3(%arg0: i32) -> (i32, i32) {
    %c0_i32 = arith.constant 0 : i32
    %c0_i32_0 = arith.constant 0 : i32
    return %arg0, %c0_i32 : i32, i32
  }
  func.func @transform_4(%arg0: i32) -> (i32, i32) {
    %c0_i32 = arith.constant 0 : i32
    %c0_i32_0 = arith.constant 0 : i32
    return %arg0, %c0_i32 : i32, i32
  }
  func.func @transform_5(%arg0: i32) -> (i32, i32) {
    %c0_i32 = arith.constant 0 : i32
    %c0_i32_0 = arith.constant 0 : i32
    return %arg0, %c0_i32 : i32, i32
  }
}

module attributes {stable_mosaic.version = 14 : i64} {
  func.func @_layer2_body(%arg0: i32, %arg1: memref<1000x128xf32, #tpu.memory_space<vmem>>, %arg2: memref<1000x128xf32, #tpu.memory_space<vmem>>, %arg3: memref<1000x1xf32, #tpu.memory_space<vmem>>, %arg4: memref<1000x1xf32, #tpu.memory_space<vmem>>, %arg5: memref<1x128xf32, #tpu.memory_space<vmem>>, %arg6: memref<128x128xf32, #tpu.memory_space<vmem>>, %arg7: memref<1000x128xf32, #tpu.memory_space<vmem>>, %arg8: memref<1000x128xf32, #tpu.memory_space<vmem>>) attributes {dimension_semantics = [#tpu.dimension_semantics<arbitrary>], iteration_bounds = array<i64: 10>, scalar_prefetch = 0 : i64, scratch_operands = 0 : i64, tpu.core_type = #tpu.core_type<tc>, window_params = [{transform_indices = @transform_0, window_bounds = array<i64: 1000, 128>}, {transform_indices = @transform_1, window_bounds = array<i64: 1000, 128>}, {transform_indices = @transform_2, window_bounds = array<i64: 1000, 1>}, {transform_indices = @transform_3, window_bounds = array<i64: 1000, 1>}, {pipeline_mode = #tpu.pipeline_mode<synchronous>, transform_indices = @transform_4, window_bounds = array<i64: 1, 128>}, {pipeline_mode = #tpu.pipeline_mode<synchronous>, transform_indices = @transform_5, window_bounds = array<i64: 128, 128>}, {transform_indices = @transform_6, window_bounds = array<i64: 1000, 128>}, {transform_indices = @transform_7, window_bounds = array<i64: 1000, 128>}]} {
    %get3A = arith.constant 0 : index
    %get3A_0 = arith.constant 0 : index
    %get3A_1 = vector.load %arg3[%get3A, %get3A_0] : memref<1000x1xf32, #tpu.memory_space<vmem>>, vector<1000x1xf32>
    %get3A_2 = arith.constant 0 : index
    %get3A_3 = arith.constant 0 : index
    %get3A_4 = vector.load %arg4[%get3A_2, %get3A_3] : memref<1000x1xf32, #tpu.memory_space<vmem>>, vector<1000x1xf32>
    %add3A = arith.addf %get3A_1, %get3A_4 : vector<1000x1xf32>
    %add3A_5 = arith.constant 1.000000e+00 : f32
    %add3A_6 = vector.broadcast %add3A_5 : f32 to vector<1000x1xf32>
    %add3A_7 = arith.addf %add3A, %add3A_6 : vector<1000x1xf32>
    %rsqrt3A = math.rsqrt %add3A_7 : vector<1000x1xf32>
    %get3A_8 = arith.constant 0 : index
    %get3A_9 = arith.constant 0 : index
    %get3A_10 = vector.load %arg1[%get3A_8, %get3A_9] : memref<1000x128xf32, #tpu.memory_space<vmem>>, vector<1000x128xf32>
    %mul3A = vector.broadcast %rsqrt3A : vector<1000x1xf32> to vector<1000x128xf32>
    %mul3A_11 = arith.mulf %get3A_10, %mul3A : vector<1000x128xf32>
    %get3A_12 = arith.constant 0 : index
    %get3A_13 = arith.constant 0 : index
    %get3A_14 = vector.load %arg5[%get3A_12, %get3A_13] : memref<1x128xf32, #tpu.memory_space<vmem>>, vector<1x128xf32>
    %add3A_15 = vector.broadcast %get3A_14 : vector<1x128xf32> to vector<1000x128xf32>
    %add3A_16 = arith.addf %mul3A_11, %add3A_15 : vector<1000x128xf32>
    %max3A = arith.constant 0.000000e+00 : f32
    %max3A_17 = vector.broadcast %max3A : f32 to vector<1000x128xf32>
    %max3A_18 = arith.maximumf %add3A_16, %max3A_17 : vector<1000x128xf32>
    %get3A_19 = arith.constant 0 : index
    %get3A_20 = arith.constant 0 : index
    %get3A_21 = vector.load %arg2[%get3A_19, %get3A_20] : memref<1000x128xf32, #tpu.memory_space<vmem>>, vector<1000x128xf32>
    %mul3A_22 = vector.broadcast %rsqrt3A : vector<1000x1xf32> to vector<1000x128xf32>
    %mul3A_23 = arith.mulf %get3A_21, %mul3A_22 : vector<1000x128xf32>
    %get3A_24 = arith.constant 0 : index
    %get3A_25 = arith.constant 0 : index
    %get3A_26 = vector.load %arg5[%get3A_24, %get3A_25] : memref<1x128xf32, #tpu.memory_space<vmem>>, vector<1x128xf32>
    %add3A_27 = vector.broadcast %get3A_26 : vector<1x128xf32> to vector<1000x128xf32>
    %add3A_28 = arith.addf %mul3A_23, %add3A_27 : vector<1000x128xf32>
    %max3A_29 = arith.constant 0.000000e+00 : f32
    %max3A_30 = vector.broadcast %max3A_29 : f32 to vector<1000x128xf32>
    %max3A_31 = arith.maximumf %add3A_28, %max3A_30 : vector<1000x128xf32>
    %get3A_32 = arith.constant 0 : index
    %get3A_33 = arith.constant 0 : index
    %get3A_34 = vector.load %arg6[%get3A_32, %get3A_33] : memref<128x128xf32, #tpu.memory_space<vmem>>, vector<128x128xf32>
    %dot_general3A = arith.constant dense<0.000000e+00> : vector<1000x128xf32>
    %dot_general3A_35 = tpu.matmul %max3A_18, %get3A_34, %dot_general3A {dimension_numbers = #tpu.dot_dimension_numbers<[1], [0], [0], [1], [0, 0, 1, 1], [], []>, transpose_lhs_hint = false} : vector<1000x128xf32>, vector<128x128xf32>, vector<1000x128xf32> -> vector<1000x128xf32>
    %mul3A_36 = vector.broadcast %rsqrt3A : vector<1000x1xf32> to vector<1000x128xf32>
    %mul3A_37 = arith.mulf %dot_general3A_35, %mul3A_36 : vector<1000x128xf32>
    %swap3A = arith.constant 0 : index
    %swap3A_38 = arith.constant 0 : index
    %swap3A_39 = vector.load %arg7[%swap3A, %swap3A_38] : memref<1000x128xf32, #tpu.memory_space<vmem>>, vector<1000x128xf32>
    tpu.vector_store %arg7[%swap3A, %swap3A_38], %mul3A_37 {strides = array<i32>} : memref<1000x128xf32, #tpu.memory_space<vmem>>, vector<1000x128xf32>,
    %get3A_40 = arith.constant 0 : index
    %get3A_41 = arith.constant 0 : index
    %get3A_42 = vector.load %arg6[%get3A_40, %get3A_41] : memref<128x128xf32, #tpu.memory_space<vmem>>, vector<128x128xf32>
    %dot_general3A_43 = arith.constant dense<0.000000e+00> : vector<1000x128xf32>
    %dot_general3A_44 = tpu.matmul %max3A_31, %get3A_42, %dot_general3A_43 {dimension_numbers = #tpu.dot_dimension_numbers<[1], [0], [0], [1], [0, 0, 1, 1], [], []>, transpose_lhs_hint = false} : vector<1000x128xf32>, vector<128x128xf32>, vector<1000x128xf32> -> vector<1000x128xf32>
    %mul3A_45 = vector.broadcast %rsqrt3A : vector<1000x1xf32> to vector<1000x128xf32>
    %mul3A_46 = arith.mulf %dot_general3A_44, %mul3A_45 : vector<1000x128xf32>
    %swap3A_47 = arith.constant 0 : index
    %swap3A_48 = arith.constant 0 : index
    %swap3A_49 = vector.load %arg8[%swap3A_47, %swap3A_48] : memref<1000x128xf32, #tpu.memory_space<vmem>>, vector<1000x128xf32>
    tpu.vector_store %arg8[%swap3A_47, %swap3A_48], %mul3A_46 {strides = array<i32>} : memref<1000x128xf32, #tpu.memory_space<vmem>>, vector<1000x128xf32>,
    return
  }
  func.func @transform_0(%arg0: i32) -> (i32, i32) {
    %c0_i32 = arith.constant 0 : i32
    %c0_i32_0 = arith.constant 0 : i32
    return %arg0, %c0_i32 : i32, i32
  }
  func.func @transform_1(%arg0: i32) -> (i32, i32) {
    %c0_i32 = arith.constant 0 : i32
    %c0_i32_0 = arith.constant 0 : i32
    return %arg0, %c0_i32 : i32, i32
  }
  func.func @transform_2(%arg0: i32) -> (i32, i32) {
    %c0_i32 = arith.constant 0 : i32
    %c0_i32_0 = arith.constant 0 : i32
    return %arg0, %c0_i32 : i32, i32
  }
  func.func @transform_3(%arg0: i32) -> (i32, i32) {
    %c0_i32 = arith.constant 0 : i32
    %c0_i32_0 = arith.constant 0 : i32
    return %arg0, %c0_i32 : i32, i32
  }
  func.func @transform_4(%arg0: i32) -> (i32, i32) {
    %c0_i32 = arith.constant 0 : i32
    %c0_i32_0 = arith.constant 0 : i32
    %c0_i32_1 = arith.constant 0 : i32
    return %c0_i32, %c0_i32_0 : i32, i32
  }
  func.func @transform_5(%arg0: i32) -> (i32, i32) {
    %c0_i32 = arith.constant 0 : i32
    %c0_i32_0 = arith.constant 0 : i32
    %c0_i32_1 = arith.constant 0 : i32
    return %c0_i32, %c0_i32_0 : i32, i32
  }
  func.func @transform_6(%arg0: i32) -> (i32, i32) {
    %c0_i32 = arith.constant 0 : i32
    %c0_i32_0 = arith.constant 0 : i32
    return %arg0, %c0_i32 : i32, i32
  }
  func.func @transform_7(%arg0: i32) -> (i32, i32) {
    %c0_i32 = arith.constant 0 : i32
    %c0_i32_0 = arith.constant 0 : i32
    return %arg0, %c0_i32 : i32, i32
  }
}

module attributes {stable_mosaic.version = 14 : i64} {
  func.func @_readout_body(%arg0: i32, %arg1: i32, %arg2: memref<1000x128xf32, #tpu.memory_space<vmem>>, %arg3: memref<1000x128xf32, #tpu.memory_space<vmem>>, %arg4: memref<1000x1xf32, #tpu.memory_space<vmem>>, %arg5: memref<1000x1xf32, #tpu.memory_space<vmem>>, %arg6: memref<1x128xf32, #tpu.memory_space<vmem>>, %arg7: memref<128x128xf32, #tpu.memory_space<vmem>>, %arg8: memref<1x1xf32, #tpu.memory_space<vmem>>, %arg9: memref<1000x1xf32, #tpu.memory_space<vmem>>, %arg10: memref<1000x1xf32, #tpu.memory_space<vmem>>, %arg11: memref<1x128xf32, #tpu.memory_space<vmem>>, %arg12: memref<1x128xf32, #tpu.memory_space<vmem>>, %arg13: memref<1x1xf32, #tpu.memory_space<vmem>>) attributes {dimension_semantics = [#tpu.dimension_semantics<arbitrary>, #tpu.dimension_semantics<arbitrary>], iteration_bounds = array<i64: 2, 10>, scalar_prefetch = 0 : i64, scratch_operands = 3 : i64, tpu.core_type = #tpu.core_type<tc>, window_params = [{transform_indices = @transform_0, window_bounds = array<i64: 1000, 128>}, {transform_indices = @transform_1, window_bounds = array<i64: 1000, 128>}, {transform_indices = @transform_2, window_bounds = array<i64: 1000, 1>}, {transform_indices = @transform_3, window_bounds = array<i64: 1000, 1>}, {pipeline_mode = #tpu.pipeline_mode<synchronous>, transform_indices = @transform_4, window_bounds = array<i64: 1, 128>}, {pipeline_mode = #tpu.pipeline_mode<synchronous>, transform_indices = @transform_5, window_bounds = array<i64: 128, 128>}, {pipeline_mode = #tpu.pipeline_mode<synchronous>, transform_indices = @transform_6, window_bounds = array<i64: 1, 1>}, {transform_indices = @transform_7, window_bounds = array<i64: 1000, 1>}, {transform_indices = @transform_8, window_bounds = array<i64: 1000, 1>}]} {
    %get3A = arith.constant 0 : index
    %get3A_0 = arith.constant 0 : index
    %get3A_1 = vector.load %arg4[%get3A, %get3A_0] : memref<1000x1xf32, #tpu.memory_space<vmem>>, vector<1000x1xf32>
    %get3A_2 = arith.constant 0 : index
    %get3A_3 = arith.constant 0 : index
    %get3A_4 = vector.load %arg5[%get3A_2, %get3A_3] : memref<1000x1xf32, #tpu.memory_space<vmem>>, vector<1000x1xf32>
    %add3A = arith.addf %get3A_1, %get3A_4 : vector<1000x1xf32>
    %add3A_5 = arith.constant 1.000000e+00 : f32
    %add3A_6 = vector.broadcast %add3A_5 : f32 to vector<1000x1xf32>
    %add3A_7 = arith.addf %add3A, %add3A_6 : vector<1000x1xf32>
    %rsqrt3A = math.rsqrt %add3A_7 : vector<1000x1xf32>
    %eq3A = arith.constant 0 : i32
    %eq3A_8 = arith.cmpi eq, %arg0, %eq3A : i32
    %convert_element_type3A = arith.extui %eq3A_8 : i1 to i32
    %cond3A = arith.constant 0 : i32
    %cond3A_9 = arith.cmpi ne, %convert_element_type3A, %cond3A : i32
    scf.if %cond3A_9 {
      %eq3A_15 = arith.constant 0 : i32
      %eq3A_16 = arith.cmpi eq, %arg1, %eq3A_15 : i32
      %convert_element_type3A_17 = arith.extui %eq3A_16 : i1 to i32
      %cond3A_18 = arith.constant 0 : i32
      %cond3A_19 = arith.cmpi ne, %convert_element_type3A_17, %cond3A_18 : i32
      scf.if %cond3A_19 {
        %broadcast_in_dim3A_31 = arith.constant 0.000000e+00 : f32
        %broadcast_in_dim3A_32 = vector.broadcast %broadcast_in_dim3A_31 : f32 to vector<1x128xf32>
        %swap3A_33 = arith.constant 0 : index
        %swap3A_34 = arith.constant 0 : index
        %swap3A_35 = vector.load %arg11[%swap3A_33, %swap3A_34] : memref<1x128xf32, #tpu.memory_space<vmem>>, vector<1x128xf32>
        tpu.vector_store %arg11[%swap3A_33, %swap3A_34], %broadcast_in_dim3A_32 {strides = array<i32>} : memref<1x128xf32, #tpu.memory_space<vmem>>, vector<1x128xf32>,
      } else {
      }
      %get3A_20 = arith.constant 0 : index
      %get3A_21 = arith.constant 0 : index
      %get3A_22 = vector.load %arg2[%get3A_20, %get3A_21] : memref<1000x128xf32, #tpu.memory_space<vmem>>, vector<1000x128xf32>
      %mul3A = vector.broadcast %rsqrt3A : vector<1000x1xf32> to vector<1000x128xf32>
      %mul3A_23 = arith.mulf %get3A_22, %mul3A : vector<1000x128xf32>
      %get3A_24 = arith.constant 0 : index
      %get3A_25 = arith.constant 0 : index
      %get3A_26 = vector.load %arg11[%get3A_24, %get3A_25] : memref<1x128xf32, #tpu.memory_space<vmem>>, vector<1x128xf32>
      %reduce_sum3A = arith.constant dense<0.000000e+00> : vector<128xf32>
      %reduce_sum3A_27 = vector.multi_reduction <add>, %mul3A_23, %reduce_sum3A [0] : vector<1000x128xf32> to vector<128xf32>
      %broadcast_in_dim3A = vector.shape_cast %reduce_sum3A_27 : vector<128xf32> to vector<1x128xf32>
      %add3A_28 = arith.addf %get3A_26, %broadcast_in_dim3A : vector<1x128xf32>
      %swap3A = arith.constant 0 : index
      %swap3A_29 = arith.constant 0 : index
      %swap3A_30 = vector.load %arg11[%swap3A, %swap3A_29] : memref<1x128xf32, #tpu.memory_space<vmem>>, vector<1x128xf32>
      tpu.vector_store %arg11[%swap3A, %swap3A_29], %add3A_28 {strides = array<i32>} : memref<1x128xf32, #tpu.memory_space<vmem>>, vector<1x128xf32>,
    } else {
    }
    %eq3A_10 = arith.constant 1 : i32
    %eq3A_11 = arith.cmpi eq, %arg0, %eq3A_10 : i32
    %convert_element_type3A_12 = arith.extui %eq3A_11 : i1 to i32
    %cond3A_13 = arith.constant 0 : i32
    %cond3A_14 = arith.cmpi ne, %convert_element_type3A_12, %cond3A_13 : i32
    scf.if %cond3A_14 {
      %eq3A_15 = arith.constant 0 : i32
      %eq3A_16 = arith.cmpi eq, %arg1, %eq3A_15 : i32
      %convert_element_type3A_17 = arith.extui %eq3A_16 : i1 to i32
      %cond3A_18 = arith.constant 0 : i32
      %cond3A_19 = arith.cmpi ne, %convert_element_type3A_17, %cond3A_18 : i32
      scf.if %cond3A_19 {
        %get3A_55 = arith.constant 0 : index
        %get3A_56 = arith.constant 0 : index
        %get3A_57 = vector.load %arg11[%get3A_55, %get3A_56] : memref<1x128xf32, #tpu.memory_space<vmem>>, vector<1x128xf32>
        %mul3A_58 = arith.constant 9.99999974E-5 : f32
        %mul3A_59 = vector.broadcast %mul3A_58 : f32 to vector<1x128xf32>
        %mul3A_60 = arith.mulf %get3A_57, %mul3A_59 : vector<1x128xf32>
        %get3A_61 = arith.constant 0 : index
        %get3A_62 = arith.constant 0 : index
        %get3A_63 = vector.load %arg6[%get3A_61, %get3A_62] : memref<1x128xf32, #tpu.memory_space<vmem>>, vector<1x128xf32>
        %add3A_64 = arith.addf %mul3A_60, %get3A_63 : vector<1x128xf32>
        %neg3A = arith.constant 0.000000e+00 : f32
        %neg3A_65 = vector.broadcast %neg3A : f32 to vector<1x128xf32>
        %neg3A_66 = arith.subf %neg3A_65, %add3A_64 : vector<1x128xf32>
        %exp3A = math.exp %neg3A_66 : vector<1x128xf32>
        %add3A_67 = arith.constant 1.000000e+00 : f32
        %add3A_68 = vector.broadcast %add3A_67 : f32 to vector<1x128xf32>
        %add3A_69 = arith.addf %add3A_68, %exp3A : vector<1x128xf32>
        %div3A = arith.constant 1.000000e+00 : f32
        %div3A_70 = vector.broadcast %div3A : f32 to vector<1x128xf32>
        %div3A_71 = arith.divf %div3A_70, %add3A_69 : vector<1x128xf32>
        %get3A_72 = arith.constant 0 : index
        %get3A_73 = arith.constant 0 : index
        %get3A_74 = vector.load %arg7[%get3A_72, %get3A_73] : memref<128x128xf32, #tpu.memory_space<vmem>>, vector<128x128xf32>
        %dot_general3A = arith.constant dense<0.000000e+00> : vector<1x128xf32>
        %dot_general3A_75 = tpu.matmul %div3A_71, %get3A_74, %dot_general3A {dimension_numbers = #tpu.dot_dimension_numbers<[1], [1], [0], [0], [0, 0, 1, 0], [], []>, transpose_lhs_hint = false} : vector<1x128xf32>, vector<128x128xf32>, vector<1x128xf32> -> vector<1x128xf32>
        %swap3A_76 = arith.constant 0 : index
        %swap3A_77 = arith.constant 0 : index
        %swap3A_78 = vector.load %arg12[%swap3A_76, %swap3A_77] : memref<1x128xf32, #tpu.memory_space<vmem>>, vector<1x128xf32>
        tpu.vector_store %arg12[%swap3A_76, %swap3A_77], %dot_general3A_75 {strides = array<i32>} : memref<1x128xf32, #tpu.memory_space<vmem>>, vector<1x128xf32>,
        %get3A_79 = arith.constant 0 : index
        %get3A_80 = arith.constant 0 : index
        %get3A_81 = vector.load %arg6[%get3A_79, %get3A_80] : memref<1x128xf32, #tpu.memory_space<vmem>>, vector<1x128xf32>
        %mul3A_82 = arith.mulf %get3A_81, %dot_general3A_75 : vector<1x128xf32>
        %reduce_sum3A_83 = arith.constant dense<0.000000e+00> : vector<1xf32>
        %reduce_sum3A_84 = vector.multi_reduction <add>, %mul3A_82, %reduce_sum3A_83 [1] : vector<1x128xf32> to vector<1xf32>
        %broadcast_in_dim3A_85 = vector.shape_cast %reduce_sum3A_84 : vector<1xf32> to vector<1x1xf32>
        %get3A_86 = arith.constant 0 : index
        %get3A_87 = arith.constant 0 : index
        %get3A_88 = vector.load %arg8[%get3A_86, %get3A_87] : memref<1x1xf32, #tpu.memory_space<vmem>>, vector<1x1xf32>
        %add3A_89 = arith.addf %broadcast_in_dim3A_85, %get3A_88 : vector<1x1xf32>
        %swap3A_90 = arith.constant 0 : index
        %swap3A_91 = arith.constant 0 : index
        %swap3A_92 = vector.load %arg13[%swap3A_90, %swap3A_91] : memref<1x1xf32, #tpu.memory_space<vmem>>, vector<1x1xf32>
        tpu.vector_store %arg13[%swap3A_90, %swap3A_91], %add3A_89 {strides = array<i32>} : memref<1x1xf32, #tpu.memory_space<vmem>>, vector<1x1xf32>,
      } else {
      }
      %get3A_20 = arith.constant 0 : index
      %get3A_21 = arith.constant 0 : index
      %get3A_22 = vector.load %arg2[%get3A_20, %get3A_21] : memref<1000x128xf32, #tpu.memory_space<vmem>>, vector<1000x128xf32>
      %mul3A = vector.broadcast %rsqrt3A : vector<1000x1xf32> to vector<1000x128xf32>
      %mul3A_23 = arith.mulf %get3A_22, %mul3A : vector<1000x128xf32>
      %get3A_24 = arith.constant 0 : index
      %get3A_25 = arith.constant 0 : index
      %get3A_26 = vector.load %arg3[%get3A_24, %get3A_25] : memref<1000x128xf32, #tpu.memory_space<vmem>>, vector<1000x128xf32>
      %mul3A_27 = vector.broadcast %rsqrt3A : vector<1000x1xf32> to vector<1000x128xf32>
      %mul3A_28 = arith.mulf %get3A_26, %mul3A_27 : vector<1000x128xf32>
      %get3A_29 = arith.constant 0 : index
      %get3A_30 = arith.constant 0 : index
      %get3A_31 = vector.load %arg12[%get3A_29, %get3A_30] : memref<1x128xf32, #tpu.memory_space<vmem>>, vector<1x128xf32>
      %mul3A_32 = vector.broadcast %get3A_31 : vector<1x128xf32> to vector<1000x128xf32>
      %mul3A_33 = arith.mulf %mul3A_23, %mul3A_32 : vector<1000x128xf32>
      %reduce_sum3A = arith.constant dense<0.000000e+00> : vector<1000xf32>
      %reduce_sum3A_34 = vector.multi_reduction <add>, %mul3A_33, %reduce_sum3A [1] : vector<1000x128xf32> to vector<1000xf32>
      %broadcast_in_dim3A = vector.shape_cast %reduce_sum3A_34 : vector<1000xf32> to vector<1000x1xf32>
      %get3A_35 = arith.constant 0 : index
      %get3A_36 = arith.constant 0 : index
      %get3A_37 = vector.load %arg13[%get3A_35, %get3A_36] : memref<1x1xf32, #tpu.memory_space<vmem>>, vector<1x1xf32>
      %add3A_38 = vector.broadcast %get3A_37 : vector<1x1xf32> to vector<1000x1xf32>
      %add3A_39 = arith.addf %broadcast_in_dim3A, %add3A_38 : vector<1000x1xf32>
      %swap3A = arith.constant 0 : index
      %swap3A_40 = arith.constant 0 : index
      %swap3A_41 = vector.load %arg9[%swap3A, %swap3A_40] : memref<1000x1xf32, #tpu.memory_space<vmem>>, vector<1000x1xf32>
      tpu.vector_store %arg9[%swap3A, %swap3A_40], %add3A_39 {strides = array<i32>} : memref<1000x1xf32, #tpu.memory_space<vmem>>, vector<1000x1xf32>,
      %mul3A_42 = vector.broadcast %get3A_31 : vector<1x128xf32> to vector<1000x128xf32>
      %mul3A_43 = arith.mulf %mul3A_28, %mul3A_42 : vector<1000x128xf32>
      %reduce_sum3A_44 = arith.constant dense<0.000000e+00> : vector<1000xf32>
      %reduce_sum3A_45 = vector.multi_reduction <add>, %mul3A_43, %reduce_sum3A_44 [1] : vector<1000x128xf32> to vector<1000xf32>
      %broadcast_in_dim3A_46 = vector.shape_cast %reduce_sum3A_45 : vector<1000xf32> to vector<1000x1xf32>
      %get3A_47 = arith.constant 0 : index
      %get3A_48 = arith.constant 0 : index
      %get3A_49 = vector.load %arg13[%get3A_47, %get3A_48] : memref<1x1xf32, #tpu.memory_space<vmem>>, vector<1x1xf32>
      %add3A_50 = vector.broadcast %get3A_49 : vector<1x1xf32> to vector<1000x1xf32>
      %add3A_51 = arith.addf %broadcast_in_dim3A_46, %add3A_50 : vector<1000x1xf32>
      %swap3A_52 = arith.constant 0 : index
      %swap3A_53 = arith.constant 0 : index
      %swap3A_54 = vector.load %arg10[%swap3A_52, %swap3A_53] : memref<1000x1xf32, #tpu.memory_space<vmem>>, vector<1000x1xf32>
      tpu.vector_store %arg10[%swap3A_52, %swap3A_53], %add3A_51 {strides = array<i32>} : memref<1000x1xf32, #tpu.memory_space<vmem>>, vector<1000x1xf32>,
    } else {
    }
    return
  }
  func.func @transform_0(%arg0: i32, %arg1: i32) -> (i32, i32) {
    %c0_i32 = arith.constant 0 : i32
    %c0_i32_0 = arith.constant 0 : i32
    return %arg1, %c0_i32 : i32, i32
  }
  func.func @transform_1(%arg0: i32, %arg1: i32) -> (i32, i32) {
    %c0_i32 = arith.constant 0 : i32
    %c0_i32_0 = arith.constant 0 : i32
    return %arg1, %c0_i32 : i32, i32
  }
  func.func @transform_2(%arg0: i32, %arg1: i32) -> (i32, i32) {
    %c0_i32 = arith.constant 0 : i32
    %c0_i32_0 = arith.constant 0 : i32
    return %arg1, %c0_i32 : i32, i32
  }
  func.func @transform_3(%arg0: i32, %arg1: i32) -> (i32, i32) {
    %c0_i32 = arith.constant 0 : i32
    %c0_i32_0 = arith.constant 0 : i32
    return %arg1, %c0_i32 : i32, i32
  }
  func.func @transform_4(%arg0: i32, %arg1: i32) -> (i32, i32) {
    %c0_i32 = arith.constant 0 : i32
    %c0_i32_0 = arith.constant 0 : i32
    %c0_i32_1 = arith.constant 0 : i32
    return %c0_i32, %c0_i32_0 : i32, i32
  }
  func.func @transform_5(%arg0: i32, %arg1: i32) -> (i32, i32) {
    %c0_i32 = arith.constant 0 : i32
    %c0_i32_0 = arith.constant 0 : i32
    %c0_i32_1 = arith.constant 0 : i32
    return %c0_i32, %c0_i32_0 : i32, i32
  }
  func.func @transform_6(%arg0: i32, %arg1: i32) -> (i32, i32) {
    %c0_i32 = arith.constant 0 : i32
    %c0_i32_0 = arith.constant 0 : i32
    %c0_i32_1 = arith.constant 0 : i32
    return %c0_i32, %c0_i32_0 : i32, i32
  }
  func.func @transform_7(%arg0: i32, %arg1: i32) -> (i32, i32) {
    %c0_i32 = arith.constant 0 : i32
    %c0_i32_0 = arith.constant 0 : i32
    return %arg1, %c0_i32 : i32, i32
  }
  func.func @transform_8(%arg0: i32, %arg1: i32) -> (i32, i32) {
    %c0_i32 = arith.constant 0 : i32
    %c0_i32_0 = arith.constant 0 : i32
    return %arg1, %c0_i32 : i32, i32
  }
}

</mosaic_0001>

<sc_bundles>
// kernel: kernel.10.cloned.1.call-start
scs
__scs_entry_jumppad:
0x0: {  	(pc) =	sbr.rel $0x88, $3  }
0x1: {  	(tag) =	ssettag $0x0;
	lr =	simm.s32 $0x1  }
0x2: {  	[smem:$0x3F98] =	sst lr;
	_ =	strace $0xD0000000  }
0x3: {  	_ = 	snop  }
0x4: {  	_ = 	snop  }
0x5: {  	_ = 	snop  }
0x6: {  	_ = 	snop  }
0x7: {  	_ = 	snop  }
__scs_overlays_trampoline_lowered:
0x8: {  	[smem:$0x3FA7] =	sst s0  }
0x9: {  	[smem:$0x3FA8] =	sst s1  }
0xa: {  	[smem:$0x3FA9] =	sst s2  }
0xb: {  	[smem:$0x3FAA] =	sst s3  }
0xc: {  	[smem:$0x3FAB] =	sst s4  }
0xd: {  	[smem:$0x3FAC] =	sst s5  }
0xe: {  	[smem:$0x3FAD] =	sst s6  }
0xf: {  	[smem:$0x3FAE] =	sst s7  }
0x10: {  	[smem:$0x3FAF] =	sst s8  }
0x11: {  	[smem:$0x3FB0] =	sst s9;
	s0 =	simm.s32 @!p0 $0x0  }
0x12: {  	s1 =	sld [smem:$0x3F96];
	s0 =	simm.s32 @p0 $0x1  }
0x13: {  	[smem:$0x3FB1] =	sst s0;
	s0 =	simm.s32 @!p1 $0x0  }
0x14: {  	s2 =	sld [smem:$0x3F95];
	s0 =	simm.s32 @p1 $0x1  }
0x15: {  	[smem:$0x3FB2] =	sst s0;
	s0 =	simm.s32 @!p2 $0x0  }
0x16: {  	s3 =	sld [smem:$0x3FDB];
	s0 =	simm.s32 @p2 $0x1  }
0x17: {  	s4 =	simm.s32 $0x1BF5;
	[smem:$0x3FB4] =	sst s0  }
0x18: {  	s0 =	sld [smem:$0x3F97];
	_ =	swait.ge [sflag:s4], $0x0  }
0x19: {  	s7 =	sld [smem:$0x3F98]  }
0x1a: {  	s8 =	sadd.s32 $0xFFFFE003, lr  }
0x1b: {  	s9 =	sadd.s32 $0xFFFFFEF7, lr;
	s5 =	simm.s32 $0xFFFFFFFF;
	p2 =	slt.u32 s8, $0xFFFFF086  }
0x1c: {  	p1 =	slt.u32 s9, $0xF7A;
	s5 =	simm.s32 @!p2 $0x0  }
0x1d: {  	s5 =	simm.s32 @p1 $0x1;
	p0 =	seq.s32 s7, s2  }
0x1e: {  	s7 =	smul.u32 @!p0 $0xF7A, s2;
	p2 =	seq.s32 @!p0 s5, $0x0  }
0x1f: {  	s9 =	smul.u32 $0xF7A, s1;
	s8 =	simm.s32 @!p0 $0x1BF5;
	p2 =	por !p2, p0  }
0x20: {  	[sflag:s8] =	ssyncset.s32 @!p0 $0xFFFFF086;
	s6 =	sadd.s32 @!p0 s3, s7;
	s7 =	simm.s32 @!p0 $0x108  }
0x21: {  	s3 =	sadd.s32 s3, s9;
	s6 =	sadd.s32 @!p0 $0x88, s6;
	s7 =	simm.s32 @p2 $0x1082  }
0x22: {  	[simem:s7], [sflag:s8] =	dma.local @!p0 [hbm:s6], $0xF7A  }
0x23: {  	s9 =	sor.u32 $0xD0000000, s2;
	s6 =	simm.s32 $0x108;
	_ =	swait.ge @!p0 [sflag:s8], $0x0  }
0x24: {  	s3 =	sadd.s32 $0x88, s3;
	s6 =	simm.s32 @!p1 $0x1082;
	[sflag:s4] =	ssyncset.s32 $0xFFFFF086  }
0x25: {  	[simem:s6], [sflag:s4] =	dma.local [hbm:s3], $0xF7A  }
0x26: {  	[smem:$0x3F98] =	sst s1;
	(tag) =	ssettag s2;
	_ =	strace s9  }
0x27: {  	s1 =	sld [smem:$0x3FA8]  }
0x28: {  	s2 =	sld [smem:$0x3FA9]  }
0x29: {  	s4 =	sld [smem:$0x3FAB]  }
0x2a: {  	p0 =	seq.s32 s5, $0x0;
	s5 =	sld [smem:$0x3FAC]  }
0x2b: {  	s6 =	sld [smem:$0x3FAD]  }
0x2c: {  	s7 =	sld [smem:$0x3FAE]  }
0x2d: {  	s3 =	simm.s32 $0x108;
	s8 =	sld [smem:$0x3FAF]  }
0x2e: {  	s3 =	simm.s32 @!p0 $0x1082;
	s9 =	sld [smem:$0x3FB0]  }
0x2f: {  	lr =	sadd.s32 s0, s3;
	s0 =	sld [smem:$0x3FA7]  }
0x30: {  	s3 =	sld [smem:$0x3FAA]  }
0x31: {  	[smem:$0x3FB3] =	sst s10  }
0x32: {  	s10 =	sld [smem:$0x3FB1];
	_ =	sdelay $0x3  }
0x33: {  	p0 =	seq.s32 s10, $0x1;
	s10 =	sld [smem:$0x3FB3];
	_ =	sdelay $0x3  }
0x34: {  	[smem:$0x3FB3] =	sst s10  }
0x35: {  	s10 =	sld [smem:$0x3FB2];
	_ =	sdelay $0x3  }
0x36: {  	p1 =	seq.s32 s10, $0x1;
	s10 =	sld [smem:$0x3FB3];
	_ =	sdelay $0x3  }
0x37: {  	[smem:$0x3FB3] =	sst s10  }
0x38: {  	s10 =	sld [smem:$0x3FB4]  }
0x39: {  	_ = 	snop;
	(pc) =	sbr.ind lr, $3  }
0x3a: {  	_ = 	snop  }
0x3b: {  	_ = 	snop  }
0x3c: {  	p2 =	seq.s32 s10, $0x1;
	s10 =	sld [smem:$0x3FB3]  }
0x3d: {  	_ =	shalt  }
0x3e: {  	_ =	shalt  }
0x3f: {  	_ =	shalt  }
0x40: {  	_ =	shalt  }
0x41: {  	_ =	shalt  }
0x42: {  	_ =	shalt  }
0x43: {  	_ =	shalt  }
0x44: {  	_ =	shalt  }
0x45: {  	_ =	shalt  }
0x46: {  	_ =	shalt  }
0x47: {  	_ =	shalt  }
0x48: {  	_ =	shalt  }
0x49: {  	_ =	shalt  }
0x4a: {  	_ =	shalt  }
0x4b: {  	_ =	shalt  }
0x4c: {  	_ =	shalt  }
0x4d: {  	_ =	shalt  }
0x4e: {  	_ =	shalt  }
0x4f: {  	_ =	shalt  }
0x50: {  	_ =	shalt  }
0x51: {  	_ =	shalt  }
0x52: {  	_ =	shalt  }
0x53: {  	_ =	shalt  }
0x54: {  	_ =	shalt  }
0x55: {  	_ =	shalt  }
0x56: {  	_ =	shalt  }
0x57: {  	_ =	shalt  }
0x58: {  	_ =	shalt  }
0x59: {  	_ =	shalt  }
0x5a: {  	_ =	shalt  }
0x5b: {  	_ =	shalt  }
0x5c: {  	_ =	shalt  }
0x5d: {  	_ =	shalt  }
0x5e: {  	_ =	shalt  }
0x5f: {  	_ =	shalt  }
0x60: {  	_ =	shalt  }
0x61: {  	_ =	shalt  }
0x62: {  	_ =	shalt  }
0x63: {  	_ =	shalt  }
0x64: {  	_ =	shalt  }
0x65: {  	_ =	shalt  }
0x66: {  	_ =	shalt  }
0x67: {  	_ =	shalt  }
0x68: {  	_ =	shalt  }
0x69: {  	_ =	shalt  }
0x6a: {  	_ =	shalt  }
0x6b: {  	_ =	shalt  }
0x6c: {  	_ =	shalt  }
0x6d: {  	_ =	shalt  }
0x6e: {  	_ =	shalt  }
0x6f: {  	_ =	shalt  }
0x70: {  	_ =	shalt  }
0x71: {  	_ =	shalt  }
0x72: {  	_ =	shalt  }
0x73: {  	_ =	shalt  }
0x74: {  	_ =	shalt  }
0x75: {  	_ =	shalt  }
0x76: {  	_ =	shalt  }
0x77: {  	_ =	shalt  }
0x78: {  	_ =	shalt  }
0x79: {  	_ =	shalt  }
0x7a: {  	_ =	shalt  }
0x7b: {  	_ =	shalt  }
0x7c: {  	_ =	shalt  }
0x7d: {  	_ =	shalt  }
0x7e: {  	_ =	shalt  }
0x7f: {  	_ =	shalt  }
0x80: {  	_ =	shalt  }
0x81: {  	_ =	shalt  }
0x82: {  	_ =	shalt  }
0x83: {  	_ =	shalt  }
0x84: {  	_ =	shalt  }
0x85: {  	_ =	shalt  }
0x86: {  	_ =	shalt  }
0x87: {  	_ =	shalt  }
.Lfunc_end0:
.L_simem_size_0:
called_computation_lowered:
.L_overlay_start_0:
0x88: {  	s2 =	sld [smem:$0x3FD9]  }
0x89: {  	s3 =	sld [smem:$0x3FFE];
	_ =	sdelay $0x1  }
0x8a: {  	s1 =	srdreg.scid  }
0x8b: {  	s0 =	sand.u32 $0x1, s1  }
0x8c: {  	s16 =	sshll.u32 s0, $0xA;
	s2 =	sadd.s32 s3, s2  }
0x8d: {  	s2 =	sadd.s32 s2, s16  }
0x8e: {  	[smem:$0x3FBF] =	sst s2  }
0x8f: {  	_ = 	snop  }
0x90: {  	(tm) =	ssettm $0x1  }
0x91: {  	s17 =	sld [smem:$0x3FFB];
	_ =	sdelay $0x3  }
0x92: {  	_ =	strace s17  }
0x93: {  	s2 =	sld [smem:$0x3FFC];
	_ =	sdelay $0x3  }
0x94: {  	_ =	strace s2  }
0x95: {  	s2 =	sld [smem:$0x3FFD];
	_ =	sdelay $0x3  }
0x96: {  	_ =	strace s2  }
0x97: {  	_ =	strace $0x8FFFFFFF  }
0x98: {  	s18 =	sld [smem:$0x3FDB];
	_ =	sdelay $0x1  }
0x99: {  	s19 =	simm.s32 $_scs_section_size  }
0x9a: {  	s4 =	simm.s32 $_size__tile_overlayer_lowered;
	s5 =	simm.s32 $_tile_overlayer_lowered  }
0x9b: {  	s22 =	simm.s32 $0x1BFF;
	s21 =	sshll.u32 s5, $0x1;
	s2 =	sadd.s32 s19, s18  }
0x9c: {  	s6 =	simm.s32 $0x0;
	s20 =	sshll.u32 s4, $0x1;
	s4 =	sadd.s32 s21, s2  }
0x9d: {  	[timem:s6], [sflag:s22] =	dma.local [hbm:s4], s20  }
0x9e: {  	_ =	swait.ge [sflag:s22], s20  }
0x9f: {  	s3 =	ssub.s32 $0x0, s20;
	[sflag:s22] =	ssyncset.done $0x0  }
0xa0: {  	[sflag:s22] =	ssyncadd.s32 s3;
	_ =	sdelay $0x1  }
0xa1: {  	s23 =	simm.s32 $0x1B8B  }
0xa2: {  	_ =	swait.ge [sflag:s23], $0x1  }
0xa3: {  	[sflag:s23] =	ssyncset.done $0x0  }
0xa4: {  	s25 =	simm.s32 $0x1B8E;
	s24 =	sld [smem:$0x3FFE];
	[sflag:s23] =	ssyncadd.s32 $0xFFFFFFFF  }
0xa5: {  	s26 =	simm.s32 $execute0_lowered;
	[smem:$0x3FD2] =	sst s25  }
0xa6: {  	s4 =	sshll.u32 s26, $0x1;
	_ =	strace $0x80000046;
	[dreg:$0x1] =	wrdreg $0xFFFFFFFF  }
0xa7: {  	s28 =	simm.s32 $_size_execute0_lowered;
	s2 =	sadd.s32 s2, s4;
	[dreg:$0x0] =	wrdreg $0x0  }
0xa8: {  	s4 =	sshll.u32 s28, $0x1;
	[dreg:$0x2] =	wrdreg s2  }
0xa9: {  	[dreg:$0x3] =	wrdreg s4  }
0xaa: {  	[dreg:$0x4] =	wrdreg $0xC0  }
0xab: {  	_ =	task [dreg:s6], $0x5FFFF  }
0xac: {  	[dreg:$0x1] =	wrdreg $0xFFFFFFFF  }
0xad: {  	[dreg:$0x0] =	wrdreg $0x60  }
0xae: {  	[dreg:$0x2] =	wrdreg s24  }
0xaf: {  	[dreg:$0x3] =	wrdreg $0x0  }
0xb0: {  	[dreg:$0x4] =	wrdreg $0x9  }
0xb1: {  	_ =	task.clear_ibuf [dreg:s6], $0x5FFFF;
	_ =	strace $0x90000046  }
0xb2: {  	s29 =	simm.s32 $0x9;
	_ =	strace $0x80000048  }
0xb3: {  	_ =	swait.ge [sflag:s29], $0x1  }
0xb4: {  	[sflag:s29] =	ssyncadd.s32 $0xFFFFFFFF  }
0xb5: {  	_ =	strace $0x90000048  }
0xb6: {  	_ =	sfence  }
0xb7: {  	s30 =	sld [smem:$0x0];
	_ =	sdelay $0x2  }
0xb8: {  	s31 =	sshll.u32 s1, $0xD;
	s1 =	sshrl.u32 s1, $0x2  }
0xb9: {  	s3 =	sand.u32 $0x4000, s31;
	s1 =	sadd.s32 s1, s30  }
0xba: {  	s0 =	sor.u32 s3, s0;
	s1 =	sshll.u32 s1, $0x11  }
0xbb: {  	s0 =	sor.u32 s1, s0  }
0xbc: {  	s0 =	sadd.s32 $0x8F2B, s0  }
0xbd: {  	[sflag:s0] =	ssyncadd.remote.s32 $0x1  }
0xbe: {  	_ =	sfence.sel $0xFFFF  }
0xbf: {  	[dreg:$0x0] =	wrdreg $0xFFFFFFFF;
	(pc) =	sbr.abs _section_cstart, $3  }
0xc0: {  	[dreg:$0x1] =	wrdreg $0xFFFFFFFF  }
0xc1: {  	_ =	task.clear_ibuf [dreg:s6], $0x2FFFF;
	_ =	strace $0x9FFFFFFF  }
0xc2: {  	(tm) =	ssettm $0x7FFFFFFF  }
0xc3: {  	_ =	shalt  }
tec
execute0_lowered:
.L_overlay_start_1:
0x0: {  	(tag) =	ssettag $0x1  }
0x1: {  	s5 =	rddreg [dreg:$0x0];
	s0 =	srdreg.scid  }
0x2: {  	s2 =	rddreg [dreg:$0x1];
	s1 =	stileid.u32;
	s3 =	simm.s32 $0x0  }
0x3: {  	s10 =	simm.s32 $0x22200;
	s11 =	simm.s32 $0x80;
	s12 =	simm.s32 $0x2A80  }
0x4: {  	s4 =	sand.u32 $0x1, s0;
	s0 =	rddreg [dreg:$0x2];
	s7 =	smul.u32 $0x500, s1  }
0x5: {  	s15 =	simm.s32 $0x0;
	[smem:$0x7FF] =	sst s3;
	s9 =	smul.u32 $0x280, s1  }
0x6: {  	s13 =	sshll.u32 s1, $0x6;
	s6 =	smul.u32 $0x5000, s4;
	s8 =	ssub.s32 $0x2, s4  }
0x7: {  	_ =	strace $0x80000047;
	p0 =	seq.s32 s4, $0x1;
	s13 =	sor.u32 $0x1C01, s13  }
0x8: {  	s29 =	sshrl.u32 s8, $0x1;
	s10 =	simm.s32 @!p0 $0x21C00;
	s4 =	sadd.s32 s9, s2  }
0x9: {  	s30 =	sshrl.u32 s9, $0x3;
	s9 =	simm.s32 $0x1;
	s6 =	sadd.s32 s7, s6  }
0xa: {  	s7 =	ssub.s32 s8, s29;
	s31 =	sadd.s32 s10, s5;
	s8 =	simm.s32 $0x2B00  }
0xb: {  	s10 =	simm.s32 $0x280;
	s14 =	sshrl.u32 s4, $0x3;
	s6 =	sadd.s32 s6, s5  }
0xc: {  	v0 =	vimm.f32 $1.000000000e+00;
	v1 =	vimm.f32 $0.0e+00;
	s5 =	sadd.s32 $0x17C00, s6;
	s6 =	smax.u32 s7, $0x1;
	s7 =	sadd.s32 s31, s30  }
.LBB2_1:
0xd: {  	[tilespmem:$0x2A80] =	vst v0  }
0xe: {  	[tilespmem:$0x2A90] =	vst v0  }
0xf: {  	[tilespmem:$0x2AA0] =	vst v0  }
0x10: {  	[tilespmem:$0x2AB0] =	vst v0  }
0x11: {  	[tilespmem:$0x2AC0] =	vst v0  }
0x12: {  	[tilespmem:$0x2AD0] =	vst v0  }
0x13: {  	[tilespmem:$0x2AE0] =	vst v0  }
0x14: {  	[tilespmem:$0x2AF0] =	vst v0  }
0x15: {  	[tilespmem:$0x2B00] =	vst v1  }
0x16: {  	[tilespmem:$0x2B10] =	vst v1  }
0x17: {  	[tilespmem:$0x2B20] =	vst v1  }
0x18: {  	[tilespmem:$0x2B30] =	vst v1  }
0x19: {  	[tilespmem:$0x2B40] =	vst v1  }
0x1a: {  	[tilespmem:$0x2B50] =	vst v1  }
0x1b: {  	[tilespmem:$0x2B60] =	vst v1  }
0x1c: {  	[tilespmem:$0x2B70] =	vst v1  }
0x1d: {  	[tilespmem:$0x2B80] =	vst v1  }
0x1e: {  	[tilespmem:$0x2B90] =	vst v1  }
0x1f: {  	[tilespmem:$0x2BA0] =	vst v1  }
0x20: {  	[tilespmem:$0x2BB0] =	vst v1  }
0x21: {  	[tilespmem:$0x2BC0] =	vst v1  }
0x22: {  	[tilespmem:$0x2BD0] =	vst v1  }
0x23: {  	[tilespmem:$0x2BE0] =	vst v1  }
0x24: {  	[tilespmem:$0x2BF0] =	vst v1  }
0x25: {  	[tilespmem:$0x2C00] =	vst v1  }
0x26: {  	[tilespmem:$0x2C10] =	vst v1  }
0x27: {  	[tilespmem:$0x2C20] =	vst v1  }
0x28: {  	[tilespmem:$0x2C30] =	vst v1  }
0x29: {  	[tilespmem:$0x2C40] =	vst v1  }
0x2a: {  	[tilespmem:$0x2C50] =	vst v1  }
0x2b: {  	[tilespmem:$0x2C60] =	vst v1  }
0x2c: {  	[tilespmem:$0x2C70] =	vst v1  }
0x2d: {  	[tilespmem:$0x2C80] =	vst v1  }
0x2e: {  	[tilespmem:$0x2C90] =	vst v1  }
0x2f: {  	[tilespmem:$0x2CA0] =	vst v1  }
0x30: {  	[tilespmem:$0x2CB0] =	vst v1  }
0x31: {  	[tilespmem:$0x2CC0] =	vst v1  }
0x32: {  	[tilespmem:$0x2CD0] =	vst v1  }
0x33: {  	[tilespmem:$0x2CE0] =	vst v1  }
0x34: {  	[tilespmem:$0x2CF0] =	vst v1  }
0x35: {  	[tilespmem:$0x2D00] =	vst v1  }
0x36: {  	[tilespmem:$0x2D10] =	vst v1  }
0x37: {  	[tilespmem:$0x2D20] =	vst v1  }
0x38: {  	[tilespmem:$0x2D30] =	vst v1  }
0x39: {  	[tilespmem:$0x2D40] =	vst v1  }
0x3a: {  	[tilespmem:$0x2D50] =	vst v1  }
0x3b: {  	[tilespmem:$0x2D60] =	vst v1  }
0x3c: {  	[tilespmem:$0x2D70] =	vst v1  }
0x3d: {  	[spmem:s4] =	stream.linear.scatter [tilespmem:s8], [sflag:$0x1], $0x280, $0x38;
	[tilespmem:$0x2D80] =	vst v63  }
0x3e: {  	_ =	swait.ge [sflag:s9], $0x280  }
0x3f: {  	[sflag:s9] =	ssyncset.done $0x0  }
0x40: {  	[sflag:s9] =	ssyncadd.s32 $0xFFFFFD80  }
0x41: {  	[tilespmem:s10], [sflag:$0x1] =	stream.linear.gather [hbm4b:s5+s3], $0x2800, $0x38;
	[tilespmem:$0x2D80] =	vst v63  }
0x42: {  	_ =	swait.ge [sflag:s9], $0x2800  }
0x43: {  	[sflag:s9] =	ssyncset.done $0x0  }
0x44: {  	[sflag:s9] =	ssyncadd.s32 $0xFFFFD800  }
0x45: {  	s16 =	simm.s32 $0x280;
	[bflag:$0x0] =	sbarrier.arrive $0xFFFF  }
0x46: {  	[spmem:s2] =	stream.indirect.scatter.add.f32 [tilespmem:s12], [sflag:$0x1], $0x1, s16, s11, $0xb8;
	[tilespmem:$0x2D80] =	vst v63  }
0x47: {  	s16 =	simm.s32 $0x200;
	_ =	swait.ge [sflag:s9], $0x80  }
.LBB2_2:
0x48: {  	s17 =	sshra.s32 s16, $0x2;
	[sflag:s9] =	ssyncset.done $0x0;
	p0 =	sne.s32 s16, $0x9E00  }
.Ltmp0:
0x49: {  	s17 =	sadd.s32 $0x280, s17;
	[sflag:s9] =	ssyncadd.s32 $0xFFFFFF80;
	(pc) =	sbr.rel @p0 .LBB2_2-.Ltmp0, $3  }
0x4a: {  	[spmem:s2] =	stream.indirect.scatter.add.f32 [tilespmem:s12], [sflag:$0x1], $0x1, s17, s11, $0xb8;
	[tilespmem:$0x2D80] =	vst v63  }
0x4b: {  	s16 =	sadd.s32 $0x200, s16;
	_ =	sdelay $0x1  }
0x4c: {  	_ =	swait.ge [sflag:s9], $0x80  }
0x4d: {  	[sflag:s9] =	ssyncset.done $0x0;
	s15 =	sadd.s32 $0x1, s15  }
0x4e: {  	[sflag:s9] =	ssyncadd.s32 $0xFFFFFF80;
	p0 =	sne.s32 s15, s6  }
.Ltmp1:
0x4f: {  	[bflag:$0x0] =	sbarrier.arrive $0xFFFF;
	(pc) =	sbr.rel @p0 .LBB2_1-.Ltmp1, $4  }
0x50: {  	[hbm:s7], [sflag:s13] =	dma.local [spmem:s14], $0x50  }
0x51: {  	_ =	swait.ge [sflag:s9], $0x50  }
0x52: {  	[sflag:s9] =	ssyncset.done $0x0  }
0x53: {  	[sflag:s9] =	ssyncadd.s32 $0xFFFFFFB0  }
0x54: {  	_ =	sfence.sel $0x180000  }
0x55: {  	[bflag:$0x0] =	sbarrier.arrive $0xFFFF  }
0x56: {  	p0 =	sne.s32 s1, $0x0;
	_ =	strace $0x90000047  }
0x57: {  	s0 =	sadd.s32 @!p0 $0x100000, s0;
	[bflag:$0x2] =	sbarrier.arrive $0xFFFF  }
0x58: {  	[sflag:s0] =	ssyncadd.tile.s32 @!p0 $0x1;
	_ =	shalt  }
.Lfunc_end2:
_tile_overlayer_lowered:
.L_overlay_start_2:
0x59: {  	(tag) =	ssettag $0x2  }
0x5a: {  	s0 =	rddreg [dreg:$0x0];
	s2 =	stileid.u32  }
0x5b: {  	s1 =	rddreg [dreg:$0x1];
	p0 =	sne.s32 s2, $0x0  }
0x5c: {  	s3 =	rddreg [dreg:$0x2];
	[bflag:$0x3] =	sbarrier.arrive $0xFFFF;
	s2 =	simm.s32 @!p0 $0x1C01  }
0x5d: {  	[timem:s3], [sflag:s2] =	dma.local @!p0 [hbm:s0], s1  }
0x5e: {  	s0 =	simm.s32 @!p0 $0x1  }
0x5f: {  	_ =	swait.ge @!p0 [sflag:s0], s1  }
0x60: {  	s1 =	ssub.s32 @!p0 $0x0, s1;
	[sflag:s0] =	ssyncset.done @!p0 $0x0  }
0x61: {  	[sflag:s0] =	ssyncadd.s32 @!p0 s1  }
0x62: {  	[bflag:$0x3] =	sbarrier.arrive $0xFFFF  }
0x63: {  	_ =	shalt  }

// kernel: kernel.13.cloned.1.call-start
scs
__scs_entry_jumppad:
0x0: {  	(pc) =	sbr.rel $0x88, $3  }
0x1: {  	(tag) =	ssettag $0x0;
	lr =	simm.s32 $0x1  }
0x2: {  	[smem:$0x3F98] =	sst lr;
	_ =	strace $0xD0000000  }
0x3: {  	_ = 	snop  }
0x4: {  	_ = 	snop  }
0x5: {  	_ = 	snop  }
0x6: {  	_ = 	snop  }
0x7: {  	_ = 	snop  }
__scs_overlays_trampoline_lowered:
0x8: {  	[smem:$0x3FA7] =	sst s0  }
0x9: {  	[smem:$0x3FA8] =	sst s1  }
0xa: {  	[smem:$0x3FA9] =	sst s2  }
0xb: {  	[smem:$0x3FAA] =	sst s3  }
0xc: {  	[smem:$0x3FAB] =	sst s4  }
0xd: {  	[smem:$0x3FAC] =	sst s5  }
0xe: {  	[smem:$0x3FAD] =	sst s6  }
0xf: {  	[smem:$0x3FAE] =	sst s7  }
0x10: {  	[smem:$0x3FAF] =	sst s8  }
0x11: {  	[smem:$0x3FB0] =	sst s9;
	s0 =	simm.s32 @!p0 $0x0  }
0x12: {  	s1 =	sld [smem:$0x3F96];
	s0 =	simm.s32 @p0 $0x1  }
0x13: {  	[smem:$0x3FB1] =	sst s0;
	s0 =	simm.s32 @!p1 $0x0  }
0x14: {  	s2 =	sld [smem:$0x3F95];
	s0 =	simm.s32 @p1 $0x1  }
0x15: {  	[smem:$0x3FB2] =	sst s0;
	s0 =	simm.s32 @!p2 $0x0  }
0x16: {  	s3 =	sld [smem:$0x3FDB];
	s0 =	simm.s32 @p2 $0x1  }
0x17: {  	s4 =	simm.s32 $0x1BF5;
	[smem:$0x3FB4] =	sst s0  }
0x18: {  	s0 =	sld [smem:$0x3F97];
	_ =	swait.ge [sflag:s4], $0x0  }
0x19: {  	s7 =	sld [smem:$0x3F98]  }
0x1a: {  	s8 =	sadd.s32 $0xFFFFE003, lr  }
0x1b: {  	s9 =	sadd.s32 $0xFFFFFEF7, lr;
	s5 =	simm.s32 $0xFFFFFFFF;
	p2 =	slt.u32 s8, $0xFFFFF086  }
0x1c: {  	p1 =	slt.u32 s9, $0xF7A;
	s5 =	simm.s32 @!p2 $0x0  }
0x1d: {  	s5 =	simm.s32 @p1 $0x1;
	p0 =	seq.s32 s7, s2  }
0x1e: {  	s7 =	smul.u32 @!p0 $0xF7A, s2;
	p2 =	seq.s32 @!p0 s5, $0x0  }
0x1f: {  	s9 =	smul.u32 $0xF7A, s1;
	s8 =	simm.s32 @!p0 $0x1BF5;
	p2 =	por !p2, p0  }
0x20: {  	[sflag:s8] =	ssyncset.s32 @!p0 $0xFFFFF086;
	s6 =	sadd.s32 @!p0 s3, s7;
	s7 =	simm.s32 @!p0 $0x108  }
0x21: {  	s3 =	sadd.s32 s3, s9;
	s6 =	sadd.s32 @!p0 $0x88, s6;
	s7 =	simm.s32 @p2 $0x1082  }
0x22: {  	[simem:s7], [sflag:s8] =	dma.local @!p0 [hbm:s6], $0xF7A  }
0x23: {  	s9 =	sor.u32 $0xD0000000, s2;
	s6 =	simm.s32 $0x108;
	_ =	swait.ge @!p0 [sflag:s8], $0x0  }
0x24: {  	s3 =	sadd.s32 $0x88, s3;
	s6 =	simm.s32 @!p1 $0x1082;
	[sflag:s4] =	ssyncset.s32 $0xFFFFF086  }
0x25: {  	[simem:s6], [sflag:s4] =	dma.local [hbm:s3], $0xF7A  }
0x26: {  	[smem:$0x3F98] =	sst s1;
	(tag) =	ssettag s2;
	_ =	strace s9  }
0x27: {  	s1 =	sld [smem:$0x3FA8]  }
0x28: {  	s2 =	sld [smem:$0x3FA9]  }
0x29: {  	s4 =	sld [smem:$0x3FAB]  }
0x2a: {  	p0 =	seq.s32 s5, $0x0;
	s5 =	sld [smem:$0x3FAC]  }
0x2b: {  	s6 =	sld [smem:$0x3FAD]  }
0x2c: {  	s7 =	sld [smem:$0x3FAE]  }
0x2d: {  	s3 =	simm.s32 $0x108;
	s8 =	sld [smem:$0x3FAF]  }
0x2e: {  	s3 =	simm.s32 @!p0 $0x1082;
	s9 =	sld [smem:$0x3FB0]  }
0x2f: {  	lr =	sadd.s32 s0, s3;
	s0 =	sld [smem:$0x3FA7]  }
0x30: {  	s3 =	sld [smem:$0x3FAA]  }
0x31: {  	[smem:$0x3FB3] =	sst s10  }
0x32: {  	s10 =	sld [smem:$0x3FB1];
	_ =	sdelay $0x3  }
0x33: {  	p0 =	seq.s32 s10, $0x1;
	s10 =	sld [smem:$0x3FB3];
	_ =	sdelay $0x3  }
0x34: {  	[smem:$0x3FB3] =	sst s10  }
0x35: {  	s10 =	sld [smem:$0x3FB2];
	_ =	sdelay $0x3  }
0x36: {  	p1 =	seq.s32 s10, $0x1;
	s10 =	sld [smem:$0x3FB3];
	_ =	sdelay $0x3  }
0x37: {  	[smem:$0x3FB3] =	sst s10  }
0x38: {  	s10 =	sld [smem:$0x3FB4]  }
0x39: {  	_ = 	snop;
	(pc) =	sbr.ind lr, $3  }
0x3a: {  	_ = 	snop  }
0x3b: {  	_ = 	snop  }
0x3c: {  	p2 =	seq.s32 s10, $0x1;
	s10 =	sld [smem:$0x3FB3]  }
0x3d: {  	_ =	shalt  }
0x3e: {  	_ =	shalt  }
0x3f: {  	_ =	shalt  }
0x40: {  	_ =	shalt  }
0x41: {  	_ =	shalt  }
0x42: {  	_ =	shalt  }
0x43: {  	_ =	shalt  }
0x44: {  	_ =	shalt  }
0x45: {  	_ =	shalt  }
0x46: {  	_ =	shalt  }
0x47: {  	_ =	shalt  }
0x48: {  	_ =	shalt  }
0x49: {  	_ =	shalt  }
0x4a: {  	_ =	shalt  }
0x4b: {  	_ =	shalt  }
0x4c: {  	_ =	shalt  }
0x4d: {  	_ =	shalt  }
0x4e: {  	_ =	shalt  }
0x4f: {  	_ =	shalt  }
0x50: {  	_ =	shalt  }
0x51: {  	_ =	shalt  }
0x52: {  	_ =	shalt  }
0x53: {  	_ =	shalt  }
0x54: {  	_ =	shalt  }
0x55: {  	_ =	shalt  }
0x56: {  	_ =	shalt  }
0x57: {  	_ =	shalt  }
0x58: {  	_ =	shalt  }
0x59: {  	_ =	shalt  }
0x5a: {  	_ =	shalt  }
0x5b: {  	_ =	shalt  }
0x5c: {  	_ =	shalt  }
0x5d: {  	_ =	shalt  }
0x5e: {  	_ =	shalt  }
0x5f: {  	_ =	shalt  }
0x60: {  	_ =	shalt  }
0x61: {  	_ =	shalt  }
0x62: {  	_ =	shalt  }
0x63: {  	_ =	shalt  }
0x64: {  	_ =	shalt  }
0x65: {  	_ =	shalt  }
0x66: {  	_ =	shalt  }
0x67: {  	_ =	shalt  }
0x68: {  	_ =	shalt  }
0x69: {  	_ =	shalt  }
0x6a: {  	_ =	shalt  }
0x6b: {  	_ =	shalt  }
0x6c: {  	_ =	shalt  }
0x6d: {  	_ =	shalt  }
0x6e: {  	_ =	shalt  }
0x6f: {  	_ =	shalt  }
0x70: {  	_ =	shalt  }
0x71: {  	_ =	shalt  }
0x72: {  	_ =	shalt  }
0x73: {  	_ =	shalt  }
0x74: {  	_ =	shalt  }
0x75: {  	_ =	shalt  }
0x76: {  	_ =	shalt  }
0x77: {  	_ =	shalt  }
0x78: {  	_ =	shalt  }
0x79: {  	_ =	shalt  }
0x7a: {  	_ =	shalt  }
0x7b: {  	_ =	shalt  }
0x7c: {  	_ =	shalt  }
0x7d: {  	_ =	shalt  }
0x7e: {  	_ =	shalt  }
0x7f: {  	_ =	shalt  }
0x80: {  	_ =	shalt  }
0x81: {  	_ =	shalt  }
0x82: {  	_ =	shalt  }
0x83: {  	_ =	shalt  }
0x84: {  	_ =	shalt  }
0x85: {  	_ =	shalt  }
0x86: {  	_ =	shalt  }
0x87: {  	_ =	shalt  }
.Lfunc_end0:
.L_simem_size_0:
called_computation.1_lowered:
.L_overlay_start_0:
0x88: {  	s2 =	sld [smem:$0x3FD9]  }
0x89: {  	s3 =	sld [smem:$0x3FFE];
	_ =	sdelay $0x1  }
0x8a: {  	s1 =	srdreg.scid  }
0x8b: {  	s0 =	sand.u32 $0x1, s1  }
0x8c: {  	s17 =	sshll.u32 s0, $0xA;
	s2 =	sadd.s32 s3, s2  }
0x8d: {  	s2 =	sadd.s32 s2, s17  }
0x8e: {  	[smem:$0x3FBF] =	sst s2  }
0x8f: {  	_ = 	snop  }
0x90: {  	s18 =	sld [smem:$0x3FC1];
	(tm) =	ssettm $0x1  }
0x91: {  	s19 =	sld [smem:$0x3FFB];
	_ =	sdelay $0x3  }
0x92: {  	_ =	strace s19  }
0x93: {  	s2 =	sld [smem:$0x3FFC];
	_ =	sdelay $0x3  }
0x94: {  	_ =	strace s2  }
0x95: {  	s2 =	sld [smem:$0x3FFD];
	_ =	sdelay $0x3  }
0x96: {  	_ =	strace s2  }
0x97: {  	_ =	strace $0x8FFFFFFF  }
0x98: {  	s20 =	sld [smem:$0x3FDB];
	_ =	sdelay $0x1  }
0x99: {  	s4 =	simm.s32 $_scs_section_size  }
0x9a: {  	s5 =	simm.s32 $_size__tile_overlayer_lowered;
	s6 =	simm.s32 $_tile_overlayer_lowered  }
0x9b: {  	s7 =	simm.s32 $0x1BFF;
	s21 =	sshll.u32 s6, $0x1;
	s4 =	sadd.s32 s4, s20  }
0x9c: {  	s22 =	simm.s32 $0x0;
	s5 =	sshll.u32 s5, $0x1;
	s6 =	sadd.s32 s21, s4  }
0x9d: {  	[timem:s22], [sflag:s7] =	dma.local [hbm:s6], s5  }
0x9e: {  	_ =	swait.ge [sflag:s7], s5  }
0x9f: {  	s5 =	ssub.s32 $0x0, s5;
	[sflag:s7] =	ssyncset.done $0x0  }
0xa0: {  	[sflag:s7] =	ssyncadd.s32 s5;
	_ =	sdelay $0x1  }
0xa1: {  	s23 =	simm.s32 $0x1B8B  }
0xa2: {  	_ =	swait.ge [sflag:s23], $0x1  }
0xa3: {  	[sflag:s23] =	ssyncset.done $0x0  }
0xa4: {  	[sflag:s23] =	ssyncadd.s32 $0xFFFFFFFF  }
0xa5: {  	s5 =	sld [smem:$0x0]  }
0xa6: {  	s6 =	sand.u32 $0xFFFFFFFE, s1  }
0xa7: {  	p0 =	sne.s32 s1, s6  }
0xa8: {  	s6 =	sshll.u32 @p0 s6, $0xE  }
0xa9: {  	s6 =	sadd.s32 @p0 $0x11B8D, s6;
	s7 =	sshll.u32 @p0 s5, $0x11  }
0xaa: {  	s6 =	sor.u32 @p0 s7, s6  }
0xab: {  	[sflag:s6] =	ssyncadd.remote.s32 @p0 $0x1;
	_ =	sdelay $0x1  }
0xac: {  	s6 =	simm.s32 @p0 $0x1B8D  }
0xad: {  	_ =	swait.eq @p0 [sflag:s6], $0x1  }
0xae: {  	[sflag:s6] =	ssyncadd.s32 @p0 $0xFFFFFFFF  }
0xaf: {  	s7 =	sshll.u32 @!p0 s1, $0xE  }
0xb0: {  	s7 =	sor.u32 @!p0 $0x4000, s7;
	s6 =	simm.s32 @!p0 $0x1B8D  }
0xb1: {  	s5 =	sshll.u32 @!p0 s5, $0x11;
	s7 =	sadd.s32 @!p0 $0x11B8D, s7;
	_ =	swait.eq @!p0 [sflag:s6], $0x1  }
0xb2: {  	s5 =	sor.u32 @!p0 s5, s7;
	[sflag:s6] =	ssyncadd.s32 @!p0 $0xFFFFFFFF  }
0xb3: {  	s25 =	simm.s32 $0x1B8E;
	s24 =	sld [smem:$0x3FFE];
	[sflag:s5] =	ssyncadd.remote.s32 @!p0 $0x1  }
0xb4: {  	s26 =	simm.s32 $execute0_lowered;
	[smem:$0x3FD2] =	sst s25  }
0xb5: {  	s6 =	sshll.u32 s26, $0x1;
	_ =	strace $0x80000049;
	[dreg:$0x1] =	wrdreg $0xFFFFFFFF  }
0xb6: {  	s28 =	simm.s32 $_size_execute0_lowered;
	s4 =	sadd.s32 s4, s6;
	[dreg:$0x0] =	wrdreg $0x0  }
0xb7: {  	s6 =	sshll.u32 s28, $0x1;
	[dreg:$0x2] =	wrdreg s4  }
0xb8: {  	[dreg:$0x3] =	wrdreg s6  }
0xb9: {  	[dreg:$0x4] =	wrdreg $0xC0  }
0xba: {  	_ =	task [dreg:s22], $0x5FFFF  }
0xbb: {  	[dreg:$0x1] =	wrdreg $0xFFFFFFFF  }
0xbc: {  	[dreg:$0x0] =	wrdreg $0x60  }
0xbd: {  	[dreg:$0x2] =	wrdreg s24  }
0xbe: {  	[dreg:$0x3] =	wrdreg s18  }
0xbf: {  	[dreg:$0x4] =	wrdreg $0xA  }
0xc0: {  	_ =	task.clear_ibuf [dreg:s22], $0x5FFFF;
	_ =	strace $0x90000049  }
0xc1: {  	s29 =	simm.s32 $0xA;
	_ =	strace $0x8000004B  }
0xc2: {  	_ =	swait.ge [sflag:s29], $0x1  }
0xc3: {  	[sflag:s29] =	ssyncadd.s32 $0xFFFFFFFF  }
0xc4: {  	_ =	strace $0x9000004B  }
0xc5: {  	_ =	sfence  }
0xc6: {  	s30 =	sld [smem:$0x0];
	_ =	sdelay $0x2  }
0xc7: {  	s31 =	sshll.u32 s1, $0xD;
	s1 =	sshrl.u32 s1, $0x2  }
0xc8: {  	s4 =	sand.u32 $0x4000, s31;
	s1 =	sadd.s32 s1, s30  }
0xc9: {  	s0 =	sor.u32 s4, s0;
	s1 =	sshll.u32 s1, $0x11  }
0xca: {  	s0 =	sor.u32 s1, s0  }
0xcb: {  	s0 =	sadd.s32 $0x8F2B, s0  }
0xcc: {  	[sflag:s0] =	ssyncadd.remote.s32 $0x1  }
0xcd: {  	_ =	sfence.sel $0xFFFF  }
0xce: {  	[dreg:$0x0] =	wrdreg $0xFFFFFFFF;
	(pc) =	sbr.abs _section_cstart, $3  }
0xcf: {  	[dreg:$0x1] =	wrdreg $0xFFFFFFFF  }
0xd0: {  	_ =	task.clear_ibuf [dreg:s22], $0x2FFFF;
	_ =	strace $0x9FFFFFFF  }
0xd1: {  	(tm) =	ssettm $0x7FFFFFFF  }
tec
execute0_lowered:
.L_overlay_start_1:
0x0: {  	(tag) =	ssettag $0x1  }
0x1: {  	s1 =	srdreg.scid;
	s0 =	stileid.u32  }
0x2: {  	s26 =	rddreg [dreg:$0x0];
	s23 =	sand.u32 $0x1, s1;
	s3 =	sshll.u32 s0, $0x1  }
0x3: {  	s19 =	rddreg [dreg:$0x1];
	s2 =	simm.s32 $0x0;
	s18 =	sor.u32 s23, s3  }
0x4: {  	s4 =	simm.s32 $0x3;
	[smem:$0x7FF] =	sst s2;
	s3 =	sshll.u32 s18, $0x4  }
0x5: {  	s1 =	rddreg [dreg:$0x2];
	_ =	strace $0x8000004A;
	s3 =	sadd.s32 s19, s3  }
0x6: {  	[tilespmem:s2], [sflag:$0x3] =	stream.linear.gather [hbm4b:s3+s2], $0x80, $0x38;
	[tilespmem:$0x4900] =	vst v63  }
0x7: {  	_ =	swait.ge [sflag:s4], $0x80  }
0x8: {  	s6 =	simm.s32 $0x80;
	[sflag:s4] =	ssyncset.done $0x0  }
0x9: {  	s7 =	simm.s32 $0x1;
	s5 =	sadd.s32 $0x22800, s26;
	[sflag:s4] =	ssyncadd.s32 $0xFFFFFF80  }
0xa: {  	[tilespmem:s6], [sflag:$0x1] =	stream.indirect.gather [hbm4b:s5+s6], $0x80, s2, s6, $0xb8;
	[tilespmem:$0x4900] =	vst v63  }
0xb: {  	_ =	swait.ge [sflag:s7], $0x4000  }
0xc: {  	s17 =	sadd.s32 $0x49A00, s26;
	s8 =	sshll.u32 s18, $0xB;
	[sflag:s7] =	ssyncset.done $0x0  }
0xd: {  	s9 =	simm.s32 $0x2;
	s8 =	sadd.s32 s17, s8;
	[sflag:s7] =	ssyncadd.s32 $0xFFFFC000  }
0xe: {  	[hbm4b:s8+s2] =	stream.linear.scatter [tilespmem:s6], [sflag:$0x2], $0x4000, $0x38;
	[tilespmem:$0x4900] =	vst v63  }
0xf: {  	s11 =	sor.u32 $0x20, s18;
	_ =	swait.ge [sflag:s9], $0x4000  }
0x10: {  	s10 =	sshll.u32 s11, $0x4;
	[sflag:s9] =	ssyncset.done $0x0  }
0x11: {  	s10 =	sadd.s32 s19, s10;
	[sflag:s9] =	ssyncadd.s32 $0xFFFFC000  }
0x12: {  	[tilespmem:s2], [sflag:$0x3] =	stream.linear.gather [hbm4b:s10+s2], $0x80, $0x38;
	[tilespmem:$0x4900] =	vst v63  }
0x13: {  	_ =	swait.ge [sflag:s4], $0x80  }
0x14: {  	[sflag:s4] =	ssyncset.done $0x0  }
0x15: {  	[sflag:s4] =	ssyncadd.s32 $0xFFFFFF80  }
0x16: {  	[tilespmem:s6], [sflag:$0x1] =	stream.indirect.gather [hbm4b:s5+s6], $0x80, s2, s6, $0xb8;
	[tilespmem:$0x4900] =	vst v63  }
0x17: {  	_ =	swait.ge [sflag:s7], $0x4000  }
0x18: {  	s11 =	sshll.u32 s11, $0xB;
	[sflag:s7] =	ssyncset.done $0x0  }
0x19: {  	s20 =	sor.u32 $0x40, s18;
	s11 =	sadd.s32 s17, s11;
	[sflag:s7] =	ssyncadd.s32 $0xFFFFC000  }
0x1a: {  	[hbm4b:s11+s2] =	stream.linear.scatter [tilespmem:s6], [sflag:$0x2], $0x4000, $0x38;
	[tilespmem:$0x4900] =	vst v63  }
0x1b: {  	s12 =	sshll.u32 s20, $0x4;
	_ =	swait.ge [sflag:s9], $0x4000  }
0x1c: {  	p0 =	sgt.u32 s20, $0x4D;
	s12 =	sadd.s32 s19, s12;
	[sflag:s9] =	ssyncset.done $0x0  }
0x1d: {  	s13 =	simm.s32 @!p0 $0x0;
	s14 =	simm.s32 @!p0 $0x3;
	[sflag:s9] =	ssyncadd.s32 $0xFFFFC000  }
0x1e: {  	[tilespmem:s13], [sflag:$0x3] =	stream.linear.gather @!p0 [hbm4b:s12+s13], $0x80, $0x38;
	[tilespmem:$0x4900] =	vst v63  }
0x1f: {  	_ =	swait.ge @!p0 [sflag:s14], $0x80  }
0x20: {  	[sflag:s14] =	ssyncset.done @!p0 $0x0  }
0x21: {  	s15 =	simm.s32 @!p0 $0x80;
	s16 =	simm.s32 @!p0 $0x1;
	[sflag:s14] =	ssyncadd.s32 @!p0 $0xFFFFFF80  }
0x22: {  	[tilespmem:s15], [sflag:$0x1] =	stream.indirect.gather @!p0 [hbm4b:s5+s15], $0x80, s13, s15, $0xb8;
	[tilespmem:$0x4900] =	vst v63  }
0x23: {  	s28 =	ssub.s32 $0x2, s23;
	s20 =	sshll.u32 s20, $0xB;
	_ =	swait.ge @!p0 [sflag:s16], $0x4000  }
0x24: {  	s29 =	sshrl.u32 s28, $0x1;
	s17 =	sadd.s32 s17, s20;
	[sflag:s16] =	ssyncset.done @!p0 $0x0  }
0x25: {  	p1 =	sne.s32 @!p0 s18, $0x0;
	s18 =	simm.s32 @!p0 $0x2;
	[sflag:s16] =	ssyncadd.s32 @!p0 $0xFFFFC000  }
0x26: {  	[hbm4b:s17+s13] =	stream.linear.scatter @!p0 [tilespmem:s15], [sflag:$0x2], $0x4000, $0x38;
	[tilespmem:$0x4900] =	vst v63  }
0x27: {  	s28 =	ssub.s32 s28, s29;
	p1 =	por p1, p0;
	_ =	swait.ge @!p0 [sflag:s18], $0x4000  }
0x28: {  	s20 =	sadd.s32 $0x4E0, s19;
	s19 =	simm.s32 @!p1 $0x2;
	[sflag:s18] =	ssyncset.done @!p0 $0x0  }
0x29: {  	s21 =	simm.s32 @!p1 $0x0;
	s22 =	simm.s32 @!p1 $0x4080;
	[sflag:s18] =	ssyncadd.s32 @!p0 $0xFFFFC000  }
0x2a: {  	[tilespmem:s22], [sflag:$0x2] =	stream.linear.gather @!p1 [hbm4b:s20+s21], $0x10, $0x38;
	[tilespmem:$0x4900] =	vst v63  }
0x2b: {  	s28 =	smax.u32 s28, $0x1;
	_ =	swait.ge @!p1 [sflag:s19], $0x10  }
0x2c: {  	s28 =	sadd.s32 $0xFFFFFFFF, s28;
	s23 =	simm.s32 @!p1 $0x10;
	[sflag:s19] =	ssyncset.done @!p1 $0x0  }
0x2d: {  	s24 =	simm.s32 @!p1 $0x4100;
	s25 =	simm.s32 @!p1 $0x1;
	[sflag:s19] =	ssyncadd.s32 @!p1 $0xFFFFFFF0  }
0x2e: {  	[tilespmem:s24], [sflag:$0x1] =	stream.indirect.gather @!p1 [hbm4b:s5+s23], $0x80, s22, s23, $0xb8;
	[tilespmem:$0x4900] =	vst v63  }
0x2f: {  	p2 =	sne.s32 s28, $0x0;
	_ =	swait.ge @!p1 [sflag:s25], $0x800  }
.Ltmp0:
0x30: {  	[sflag:s25] =	ssyncset.done @!p1 $0x0;
	(pc) =	sbr.rel @!p2 .LBB2_2-.Ltmp0, $4  }
0x31: {  	s26 =	sadd.s32 $0x70A00, s26;
	[sflag:s25] =	ssyncadd.s32 @!p1 $0xFFFFF800  }
0x32: {  	[hbm4b:s26+s21] =	stream.linear.scatter @!p1 [tilespmem:s24], [sflag:$0x2], $0x800, $0x38;
	[tilespmem:$0x4900] =	vst v63  }
0x33: {  	_ =	swait.ge @!p1 [sflag:s19], $0x800  }
0x34: {  	[sflag:s19] =	ssyncset.done @!p1 $0x0  }
.LBB2_1:
0x35: {  	s28 =	sadd.s32 $0xFFFFFFFF, s28;
	[sflag:s19] =	ssyncadd.s32 @!p1 $0xFFFFF800  }
0x36: {  	[tilespmem:s2], [sflag:$0x3] =	stream.linear.gather [hbm4b:s3+s2], $0x80, $0x38;
	[tilespmem:$0x4900] =	vst v63  }
0x37: {  	p2 =	sne.s32 s28, $0x0;
	_ =	swait.ge [sflag:s4], $0x80  }
0x38: {  	[sflag:s4] =	ssyncset.done $0x0  }
0x39: {  	[sflag:s4] =	ssyncadd.s32 $0xFFFFFF80  }
0x3a: {  	[tilespmem:s6], [sflag:$0x1] =	stream.indirect.gather [hbm4b:s5+s6], $0x80, s2, s6, $0xb8;
	[tilespmem:$0x4900] =	vst v63  }
0x3b: {  	_ =	swait.ge [sflag:s7], $0x4000  }
0x3c: {  	[sflag:s7] =	ssyncset.done $0x0  }
0x3d: {  	[sflag:s7] =	ssyncadd.s32 $0xFFFFC000  }
0x3e: {  	[hbm4b:s8+s2] =	stream.linear.scatter [tilespmem:s6], [sflag:$0x2], $0x4000, $0x38;
	[tilespmem:$0x4900] =	vst v63  }
0x3f: {  	_ =	swait.ge [sflag:s9], $0x4000  }
0x40: {  	[sflag:s9] =	ssyncset.done $0x0  }
0x41: {  	[sflag:s9] =	ssyncadd.s32 $0xFFFFC000  }
0x42: {  	[tilespmem:s2], [sflag:$0x3] =	stream.linear.gather [hbm4b:s10+s2], $0x80, $0x38;
	[tilespmem:$0x4900] =	vst v63  }
0x43: {  	_ =	swait.ge [sflag:s4], $0x80  }
0x44: {  	[sflag:s4] =	ssyncset.done $0x0  }
0x45: {  	[sflag:s4] =	ssyncadd.s32 $0xFFFFFF80  }
0x46: {  	[tilespmem:s6], [sflag:$0x1] =	stream.indirect.gather [hbm4b:s5+s6], $0x80, s2, s6, $0xb8;
	[tilespmem:$0x4900] =	vst v63  }
0x47: {  	_ =	swait.ge [sflag:s7], $0x4000  }
0x48: {  	[sflag:s7] =	ssyncset.done $0x0  }
0x49: {  	[sflag:s7] =	ssyncadd.s32 $0xFFFFC000  }
0x4a: {  	[hbm4b:s11+s2] =	stream.linear.scatter [tilespmem:s6], [sflag:$0x2], $0x4000, $0x38;
	[tilespmem:$0x4900] =	vst v63  }
0x4b: {  	_ =	swait.ge [sflag:s9], $0x4000  }
0x4c: {  	[sflag:s9] =	ssyncset.done $0x0  }
0x4d: {  	[sflag:s9] =	ssyncadd.s32 $0xFFFFC000  }
0x4e: {  	[tilespmem:s13], [sflag:$0x3] =	stream.linear.gather @!p0 [hbm4b:s12+s13], $0x80, $0x38;
	[tilespmem:$0x4900] =	vst v63  }
0x4f: {  	_ =	swait.ge @!p0 [sflag:s14], $0x80  }
0x50: {  	[sflag:s14] =	ssyncset.done @!p0 $0x0  }
0x51: {  	[sflag:s14] =	ssyncadd.s32 @!p0 $0xFFFFFF80  }
0x52: {  	[tilespmem:s15], [sflag:$0x1] =	stream.indirect.gather @!p0 [hbm4b:s5+s15], $0x80, s13, s15, $0xb8;
	[tilespmem:$0x4900] =	vst v63  }
0x53: {  	_ =	swait.ge @!p0 [sflag:s16], $0x4000  }
0x54: {  	[sflag:s16] =	ssyncset.done @!p0 $0x0  }
0x55: {  	[sflag:s16] =	ssyncadd.s32 @!p0 $0xFFFFC000  }
0x56: {  	[hbm4b:s17+s13] =	stream.linear.scatter @!p0 [tilespmem:s15], [sflag:$0x2], $0x4000, $0x38;
	[tilespmem:$0x4900] =	vst v63  }
0x57: {  	_ =	swait.ge @!p0 [sflag:s18], $0x4000  }
0x58: {  	[sflag:s18] =	ssyncset.done @!p0 $0x0  }
0x59: {  	[sflag:s18] =	ssyncadd.s32 @!p0 $0xFFFFC000  }
0x5a: {  	[tilespmem:s22], [sflag:$0x2] =	stream.linear.gather @!p1 [hbm4b:s20+s21], $0x10, $0x38;
	[tilespmem:$0x4900] =	vst v63  }
0x5b: {  	_ =	swait.ge @!p1 [sflag:s19], $0x10  }
0x5c: {  	[sflag:s19] =	ssyncset.done @!p1 $0x0  }
0x5d: {  	[sflag:s19] =	ssyncadd.s32 @!p1 $0xFFFFFFF0  }
0x5e: {  	[tilespmem:s24], [sflag:$0x1] =	stream.indirect.gather @!p1 [hbm4b:s5+s23], $0x80, s22, s23, $0xb8;
	[tilespmem:$0x4900] =	vst v63  }
0x5f: {  	_ =	swait.ge @!p1 [sflag:s25], $0x800  }
.Ltmp1:
0x60: {  	[sflag:s25] =	ssyncset.done @!p1 $0x0;
	(pc) =	sbr.rel @p2 .LBB2_1-.Ltmp1, $4  }
0x61: {  	[sflag:s25] =	ssyncadd.s32 @!p1 $0xFFFFF800  }
0x62: {  	[hbm4b:s26+s21] =	stream.linear.scatter @!p1 [tilespmem:s24], [sflag:$0x2], $0x800, $0x38;
	[tilespmem:$0x4900] =	vst v63  }
0x63: {  	_ =	swait.ge @!p1 [sflag:s19], $0x800  }
0x64: {  	[sflag:s19] =	ssyncset.done @!p1 $0x0  }
.LBB2_2:
0x65: {  	[sflag:s19] =	ssyncadd.s32 @!p1 $0xFFFFF800  }
0x66: {  	_ =	sfence.sel $0x180000  }
0x67: {  	[bflag:$0x0] =	sbarrier.arrive $0xFFFF  }
0x68: {  	p0 =	sne.s32 s0, $0x0;
	_ =	strace $0x9000004A  }
0x69: {  	s0 =	sadd.s32 @!p0 $0x100000, s1;
	[bflag:$0x2] =	sbarrier.arrive $0xFFFF  }
0x6a: {  	[sflag:s0] =	ssyncadd.tile.s32 @!p0 $0x1;
	_ =	shalt  }
.Lfunc_end2:
_tile_overlayer_lowered:
.L_overlay_start_2:
0x6b: {  	(tag) =	ssettag $0x2  }
0x6c: {  	s0 =	rddreg [dreg:$0x0];
	s2 =	stileid.u32  }
0x6d: {  	s1 =	rddreg [dreg:$0x1];
	p0 =	sne.s32 s2, $0x0  }
0x6e: {  	s3 =	rddreg [dreg:$0x2];
	[bflag:$0x3] =	sbarrier.arrive $0xFFFF;
	s2 =	simm.s32 @!p0 $0x1C02  }
0x6f: {  	[timem:s3], [sflag:s2] =	dma.local @!p0 [hbm:s0], s1  }
0x70: {  	s0 =	simm.s32 @!p0 $0x2  }
0x71: {  	_ =	swait.ge @!p0 [sflag:s0], s1  }
0x72: {  	s1 =	ssub.s32 @!p0 $0x0, s1;
	[sflag:s0] =	ssyncset.done @!p0 $0x0  }
0x73: {  	[sflag:s0] =	ssyncadd.s32 @!p0 s1  }
0x74: {  	[bflag:$0x3] =	sbarrier.arrive $0xFFFF  }
0x75: {  	_ =	shalt  }

// kernel: kernel.16.cloned.1.call-start
scs
__scs_entry_jumppad:
0x0: {  	(pc) =	sbr.rel $0x88, $3  }
0x1: {  	(tag) =	ssettag $0x0;
	lr =	simm.s32 $0x1  }
0x2: {  	[smem:$0x3F98] =	sst lr;
	_ =	strace $0xD0000000  }
0x3: {  	_ = 	snop  }
0x4: {  	_ = 	snop  }
0x5: {  	_ = 	snop  }
0x6: {  	_ = 	snop  }
0x7: {  	_ = 	snop  }
__scs_overlays_trampoline_lowered:
0x8: {  	[smem:$0x3FA7] =	sst s0  }
0x9: {  	[smem:$0x3FA8] =	sst s1  }
0xa: {  	[smem:$0x3FA9] =	sst s2  }
0xb: {  	[smem:$0x3FAA] =	sst s3  }
0xc: {  	[smem:$0x3FAB] =	sst s4  }
0xd: {  	[smem:$0x3FAC] =	sst s5  }
0xe: {  	[smem:$0x3FAD] =	sst s6  }
0xf: {  	[smem:$0x3FAE] =	sst s7  }
0x10: {  	[smem:$0x3FAF] =	sst s8  }
0x11: {  	[smem:$0x3FB0] =	sst s9;
	s0 =	simm.s32 @!p0 $0x0  }
0x12: {  	s1 =	sld [smem:$0x3F96];
	s0 =	simm.s32 @p0 $0x1  }
0x13: {  	[smem:$0x3FB1] =	sst s0;
	s0 =	simm.s32 @!p1 $0x0  }
0x14: {  	s2 =	sld [smem:$0x3F95];
	s0 =	simm.s32 @p1 $0x1  }
0x15: {  	[smem:$0x3FB2] =	sst s0;
	s0 =	simm.s32 @!p2 $0x0  }
0x16: {  	s3 =	sld [smem:$0x3FDB];
	s0 =	simm.s32 @p2 $0x1  }
0x17: {  	s4 =	simm.s32 $0x1BF5;
	[smem:$0x3FB4] =	sst s0  }
0x18: {  	s0 =	sld [smem:$0x3F97];
	_ =	swait.ge [sflag:s4], $0x0  }
0x19: {  	s7 =	sld [smem:$0x3F98]  }
0x1a: {  	s8 =	sadd.s32 $0xFFFFE003, lr  }
0x1b: {  	s9 =	sadd.s32 $0xFFFFFEF7, lr;
	s5 =	simm.s32 $0xFFFFFFFF;
	p2 =	slt.u32 s8, $0xFFFFF086  }
0x1c: {  	p1 =	slt.u32 s9, $0xF7A;
	s5 =	simm.s32 @!p2 $0x0  }
0x1d: {  	s5 =	simm.s32 @p1 $0x1;
	p0 =	seq.s32 s7, s2  }
0x1e: {  	s7 =	smul.u32 @!p0 $0xF7A, s2;
	p2 =	seq.s32 @!p0 s5, $0x0  }
0x1f: {  	s9 =	smul.u32 $0xF7A, s1;
	s8 =	simm.s32 @!p0 $0x1BF5;
	p2 =	por !p2, p0  }
0x20: {  	[sflag:s8] =	ssyncset.s32 @!p0 $0xFFFFF086;
	s6 =	sadd.s32 @!p0 s3, s7;
	s7 =	simm.s32 @!p0 $0x108  }
0x21: {  	s3 =	sadd.s32 s3, s9;
	s6 =	sadd.s32 @!p0 $0x88, s6;
	s7 =	simm.s32 @p2 $0x1082  }
0x22: {  	[simem:s7], [sflag:s8] =	dma.local @!p0 [hbm:s6], $0xF7A  }
0x23: {  	s9 =	sor.u32 $0xD0000000, s2;
	s6 =	simm.s32 $0x108;
	_ =	swait.ge @!p0 [sflag:s8], $0x0  }
0x24: {  	s3 =	sadd.s32 $0x88, s3;
	s6 =	simm.s32 @!p1 $0x1082;
	[sflag:s4] =	ssyncset.s32 $0xFFFFF086  }
0x25: {  	[simem:s6], [sflag:s4] =	dma.local [hbm:s3], $0xF7A  }
0x26: {  	[smem:$0x3F98] =	sst s1;
	(tag) =	ssettag s2;
	_ =	strace s9  }
0x27: {  	s1 =	sld [smem:$0x3FA8]  }
0x28: {  	s2 =	sld [smem:$0x3FA9]  }
0x29: {  	s4 =	sld [smem:$0x3FAB]  }
0x2a: {  	p0 =	seq.s32 s5, $0x0;
	s5 =	sld [smem:$0x3FAC]  }
0x2b: {  	s6 =	sld [smem:$0x3FAD]  }
0x2c: {  	s7 =	sld [smem:$0x3FAE]  }
0x2d: {  	s3 =	simm.s32 $0x108;
	s8 =	sld [smem:$0x3FAF]  }
0x2e: {  	s3 =	simm.s32 @!p0 $0x1082;
	s9 =	sld [smem:$0x3FB0]  }
0x2f: {  	lr =	sadd.s32 s0, s3;
	s0 =	sld [smem:$0x3FA7]  }
0x30: {  	s3 =	sld [smem:$0x3FAA]  }
0x31: {  	[smem:$0x3FB3] =	sst s10  }
0x32: {  	s10 =	sld [smem:$0x3FB1];
	_ =	sdelay $0x3  }
0x33: {  	p0 =	seq.s32 s10, $0x1;
	s10 =	sld [smem:$0x3FB3];
	_ =	sdelay $0x3  }
0x34: {  	[smem:$0x3FB3] =	sst s10  }
0x35: {  	s10 =	sld [smem:$0x3FB2];
	_ =	sdelay $0x3  }
0x36: {  	p1 =	seq.s32 s10, $0x1;
	s10 =	sld [smem:$0x3FB3];
	_ =	sdelay $0x3  }
0x37: {  	[smem:$0x3FB3] =	sst s10  }
0x38: {  	s10 =	sld [smem:$0x3FB4]  }
0x39: {  	_ = 	snop;
	(pc) =	sbr.ind lr, $3  }
0x3a: {  	_ = 	snop  }
0x3b: {  	_ = 	snop  }
0x3c: {  	p2 =	seq.s32 s10, $0x1;
	s10 =	sld [smem:$0x3FB3]  }
0x3d: {  	_ =	shalt  }
0x3e: {  	_ =	shalt  }
0x3f: {  	_ =	shalt  }
0x40: {  	_ =	shalt  }
0x41: {  	_ =	shalt  }
0x42: {  	_ =	shalt  }
0x43: {  	_ =	shalt  }
0x44: {  	_ =	shalt  }
0x45: {  	_ =	shalt  }
0x46: {  	_ =	shalt  }
0x47: {  	_ =	shalt  }
0x48: {  	_ =	shalt  }
0x49: {  	_ =	shalt  }
0x4a: {  	_ =	shalt  }
0x4b: {  	_ =	shalt  }
0x4c: {  	_ =	shalt  }
0x4d: {  	_ =	shalt  }
0x4e: {  	_ =	shalt  }
0x4f: {  	_ =	shalt  }
0x50: {  	_ =	shalt  }
0x51: {  	_ =	shalt  }
0x52: {  	_ =	shalt  }
0x53: {  	_ =	shalt  }
0x54: {  	_ =	shalt  }
0x55: {  	_ =	shalt  }
0x56: {  	_ =	shalt  }
0x57: {  	_ =	shalt  }
0x58: {  	_ =	shalt  }
0x59: {  	_ =	shalt  }
0x5a: {  	_ =	shalt  }
0x5b: {  	_ =	shalt  }
0x5c: {  	_ =	shalt  }
0x5d: {  	_ =	shalt  }
0x5e: {  	_ =	shalt  }
0x5f: {  	_ =	shalt  }
0x60: {  	_ =	shalt  }
0x61: {  	_ =	shalt  }
0x62: {  	_ =	shalt  }
0x63: {  	_ =	shalt  }
0x64: {  	_ =	shalt  }
0x65: {  	_ =	shalt  }
0x66: {  	_ =	shalt  }
0x67: {  	_ =	shalt  }
0x68: {  	_ =	shalt  }
0x69: {  	_ =	shalt  }
0x6a: {  	_ =	shalt  }
0x6b: {  	_ =	shalt  }
0x6c: {  	_ =	shalt  }
0x6d: {  	_ =	shalt  }
0x6e: {  	_ =	shalt  }
0x6f: {  	_ =	shalt  }
0x70: {  	_ =	shalt  }
0x71: {  	_ =	shalt  }
0x72: {  	_ =	shalt  }
0x73: {  	_ =	shalt  }
0x74: {  	_ =	shalt  }
0x75: {  	_ =	shalt  }
0x76: {  	_ =	shalt  }
0x77: {  	_ =	shalt  }
0x78: {  	_ =	shalt  }
0x79: {  	_ =	shalt  }
0x7a: {  	_ =	shalt  }
0x7b: {  	_ =	shalt  }
0x7c: {  	_ =	shalt  }
0x7d: {  	_ =	shalt  }
0x7e: {  	_ =	shalt  }
0x7f: {  	_ =	shalt  }
0x80: {  	_ =	shalt  }
0x81: {  	_ =	shalt  }
0x82: {  	_ =	shalt  }
0x83: {  	_ =	shalt  }
0x84: {  	_ =	shalt  }
0x85: {  	_ =	shalt  }
0x86: {  	_ =	shalt  }
0x87: {  	_ =	shalt  }
.Lfunc_end0:
.L_simem_size_0:
called_computation.2_lowered:
.L_overlay_start_0:
0x88: {  	s2 =	sld [smem:$0x3FD9]  }
0x89: {  	s3 =	sld [smem:$0x3FFE];
	_ =	sdelay $0x1  }
0x8a: {  	s1 =	srdreg.scid  }
0x8b: {  	s0 =	sand.u32 $0x1, s1  }
0x8c: {  	s16 =	sshll.u32 s0, $0xA;
	s2 =	sadd.s32 s3, s2  }
0x8d: {  	s2 =	sadd.s32 s2, s16  }
0x8e: {  	[smem:$0x3FBF] =	sst s2  }
0x8f: {  	_ = 	snop  }
0x90: {  	(tm) =	ssettm $0x1  }
0x91: {  	s17 =	sld [smem:$0x3FFB];
	_ =	sdelay $0x3  }
0x92: {  	_ =	strace s17  }
0x93: {  	s2 =	sld [smem:$0x3FFC];
	_ =	sdelay $0x3  }
0x94: {  	_ =	strace s2  }
0x95: {  	s2 =	sld [smem:$0x3FFD];
	_ =	sdelay $0x3  }
0x96: {  	_ =	strace s2  }
0x97: {  	_ =	strace $0x8FFFFFFF  }
0x98: {  	s18 =	sld [smem:$0x3FDB];
	_ =	sdelay $0x1  }
0x99: {  	s19 =	simm.s32 $_scs_section_size  }
0x9a: {  	s4 =	simm.s32 $_size__tile_overlayer_lowered;
	s5 =	simm.s32 $_tile_overlayer_lowered  }
0x9b: {  	s22 =	simm.s32 $0x1BFF;
	s21 =	sshll.u32 s5, $0x1;
	s2 =	sadd.s32 s19, s18  }
0x9c: {  	s6 =	simm.s32 $0x0;
	s20 =	sshll.u32 s4, $0x1;
	s4 =	sadd.s32 s21, s2  }
0x9d: {  	[timem:s6], [sflag:s22] =	dma.local [hbm:s4], s20  }
0x9e: {  	_ =	swait.ge [sflag:s22], s20  }
0x9f: {  	s3 =	ssub.s32 $0x0, s20;
	[sflag:s22] =	ssyncset.done $0x0  }
0xa0: {  	[sflag:s22] =	ssyncadd.s32 s3;
	_ =	sdelay $0x1  }
0xa1: {  	s23 =	simm.s32 $0x1B8B  }
0xa2: {  	_ =	swait.ge [sflag:s23], $0x1  }
0xa3: {  	[sflag:s23] =	ssyncset.done $0x0  }
0xa4: {  	s25 =	simm.s32 $0x1B8E;
	s24 =	sld [smem:$0x3FFE];
	[sflag:s23] =	ssyncadd.s32 $0xFFFFFFFF  }
0xa5: {  	s26 =	simm.s32 $execute0_lowered;
	[smem:$0x3FD2] =	sst s25  }
0xa6: {  	s4 =	sshll.u32 s26, $0x1;
	_ =	strace $0x8000004C;
	[dreg:$0x1] =	wrdreg $0xFFFFFFFF  }
0xa7: {  	s28 =	simm.s32 $_size_execute0_lowered;
	s2 =	sadd.s32 s2, s4;
	[dreg:$0x0] =	wrdreg $0x0  }
0xa8: {  	s4 =	sshll.u32 s28, $0x1;
	[dreg:$0x2] =	wrdreg s2  }
0xa9: {  	[dreg:$0x3] =	wrdreg s4  }
0xaa: {  	[dreg:$0x4] =	wrdreg $0xC0  }
0xab: {  	_ =	task [dreg:s6], $0x5FFFF  }
0xac: {  	[dreg:$0x1] =	wrdreg $0xFFFFFFFF  }
0xad: {  	[dreg:$0x0] =	wrdreg $0x60  }
0xae: {  	[dreg:$0x2] =	wrdreg s24  }
0xaf: {  	[dreg:$0x3] =	wrdreg $0x0  }
0xb0: {  	[dreg:$0x4] =	wrdreg $0x9  }
0xb1: {  	_ =	task.clear_ibuf [dreg:s6], $0x5FFFF;
	_ =	strace $0x9000004C  }
0xb2: {  	s29 =	simm.s32 $0x9;
	_ =	strace $0x8000004E  }
0xb3: {  	_ =	swait.ge [sflag:s29], $0x1  }
0xb4: {  	[sflag:s29] =	ssyncadd.s32 $0xFFFFFFFF  }
0xb5: {  	_ =	strace $0x9000004E  }
0xb6: {  	_ =	sfence  }
0xb7: {  	s30 =	sld [smem:$0x0];
	_ =	sdelay $0x2  }
0xb8: {  	s31 =	sshll.u32 s1, $0xD;
	s1 =	sshrl.u32 s1, $0x2  }
0xb9: {  	s3 =	sand.u32 $0x4000, s31;
	s1 =	sadd.s32 s1, s30  }
0xba: {  	s0 =	sor.u32 s3, s0;
	s1 =	sshll.u32 s1, $0x11  }
0xbb: {  	s0 =	sor.u32 s1, s0  }
0xbc: {  	s0 =	sadd.s32 $0x8F2B, s0  }
0xbd: {  	[sflag:s0] =	ssyncadd.remote.s32 $0x1  }
0xbe: {  	_ =	sfence.sel $0xFFFF  }
0xbf: {  	[dreg:$0x0] =	wrdreg $0xFFFFFFFF;
	(pc) =	sbr.abs _section_cstart, $3  }
0xc0: {  	[dreg:$0x1] =	wrdreg $0xFFFFFFFF  }
0xc1: {  	_ =	task.clear_ibuf [dreg:s6], $0x2FFFF;
	_ =	strace $0x9FFFFFFF  }
0xc2: {  	(tm) =	ssettm $0x7FFFFFFF  }
0xc3: {  	_ =	shalt  }
tec
execute0_lowered:
.L_overlay_start_1:
0x0: {  	(tag) =	ssettag $0x1  }
0x1: {  	s0 =	rddreg [dreg:$0x0]  }
0x2: {  	s1 =	rddreg [dreg:$0x1];
	s2 =	simm.s32 $0x0;
	s5 =	srdreg.scid  }
0x3: {  	s15 =	stileid.u32;
	[smem:$0x7FF] =	sst s2;
	s3 =	sadd.s32 $0x17C00, s0  }
0x4: {  	s4 =	sadd.s32 $0x3EE00, s0;
	s5 =	sand.u32 $0x1, s5;
	s6 =	sadd.s32 $0x4000, s0  }
0x5: {  	s7 =	sadd.s32 $0xDE00, s0;
	s16 =	sadd.s32 $0xBF000, s0;
	s17 =	sadd.s32 $0xE6200, s0  }
0x6: {  	s10 =	sshll.u32 s15, $0x4;
	s26 =	smul.u32 $0xA000, s15;
	s11 =	sor.u32 $0x10, s15  }
0x7: {  	s31 =	sor.u32 $0x40, s15;
	s12 =	sor.u32 $0x20, s15;
	s18 =	sor.u32 $0x50, s15  }
0x8: {  	s22 =	sor.u32 $0x60, s15;
	_ =	strace $0x8000004D;
	s28 =	smul.u32 $0xA000, s11  }
0x9: {  	s8 =	ssub.s32 $0x2, s5;
	p0 =	seq.s32 s5, $0x1;
	s13 =	smul.u32 $0xA000, s12  }
0xa: {  	s25 =	sor.u32 $0x100, s10;
	s20 =	smul.u32 $0xA000, s31;
	[dreg:$0x7] =	wrdreg s18  }
0xb: {  	s21 =	smul.u32 $0xA000, s18;
	[dreg:$0x3] =	wrdreg s16;
	s9 =	sshrl.u32 s8, $0x1  }
0xc: {  	[dreg:$0x4] =	wrdreg s17;
	s5 =	sadd.s32 s7, s25;
	s24 =	ssub.s32 s8, s9  }
0xd: {  	s8 =	sadd.s32 s6, s10;
	s9 =	sadd.s32 s7, s10;
	s6 =	sadd.s32 s6, s25  }
0xe: {  	[dreg:$0x6] =	wrdreg s5;
	s7 =	smul.u32 $0x500, s11;
	s10 =	sshrl.u32 s26, $0x2  }
0xf: {  	s11 =	smul.u32 $0x500, s12;
	s12 =	sor.u32 $0x30, s15;
	s5 =	sshrl.u32 s28, $0x2  }
0x10: {  	s26 =	smul.u32 $0x500, s15;
	[dreg:$0x5] =	wrdreg s6;
	s0 =	smax.u32 s24, $0x1  }
0x11: {  	s10 =	sadd.s32 s10, s1;
	s14 =	smul.u32 $0xA000, s12;
	[dreg:$0x8] =	wrdreg s0  }
0x12: {  	s5 =	sadd.s32 s5, s1;
	s6 =	smul.u32 $0x500, s31;
	[dreg:$0x9] =	wrdreg s10  }
0x13: {  	[dreg:$0xa] =	wrdreg s5;
	s0 =	sshrl.u32 s13, $0x2;
	s5 =	smul.u32 $0x500, s12  }
0x14: {  	s10 =	sshrl.u32 s20, $0x2;
	s13 =	smul.u32 $0xA000, s22;
	s28 =	sadd.s32 s3, s26  }
0x15: {  	s12 =	smul.u32 $0x500, s22;
	s31 =	sadd.s32 s16, s26;
	[dreg:$0x12] =	wrdreg s28  }
0x16: {  	s20 =	sadd.s32 s16, s7;
	s22 =	sadd.s32 s17, s7;
	[dreg:$0x13] =	wrdreg s31  }
0x17: {  	s0 =	sadd.s32 s0, s1;
	s19 =	sshrl.u32 s14, $0x2;
	[dreg:$0x17] =	wrdreg s20  }
0x18: {  	s14 =	sor.u32 $0x70, s15;
	s10 =	sadd.s32 s10, s1;
	[dreg:$0x19] =	wrdreg s22  }
0x19: {  	s15 =	sadd.s32 s17, s26;
	s31 =	smul.u32 $0x500, s18;
	[dreg:$0xb] =	wrdreg s0  }
0x1a: {  	s18 =	sadd.s32 s4, s6;
	s0 =	sadd.s32 s19, s1;
	[dreg:$0xd] =	wrdreg s10  }
0x1b: {  	s23 =	smul.u32 $0xA000, s14;
	s24 =	sshrl.u32 s13, $0x2;
	[dreg:$0x15] =	wrdreg s15  }
0x1c: {  	p1 =	sgt.u32 s14, $0x7C;
	p2 =	slt.u32 s14, $0x7D;
	[smem:$0x7F2] =	sst s18  }
0x1d: {  	s13 =	smul.u32 $0x500, s14;
	s14 =	sadd.s32 s4, s26;
	[dreg:$0xc] =	wrdreg s0  }
0x1e: {  	s19 =	sadd.s32 s3, s7;
	[dreg:$0x14] =	wrdreg s14  }
0x1f: {  	s26 =	sadd.s32 s17, s11;
	[dreg:$0x16] =	wrdreg s19  }
0x20: {  	s28 =	sadd.s32 s3, s5;
	[dreg:$0x1d] =	wrdreg s26  }
0x21: {  	s10 =	sadd.s32 s16, s5;
	[dreg:$0x1e] =	wrdreg s28  }
0x22: {  	s15 =	sadd.s32 s16, s6;
	[dreg:$0x1f] =	wrdreg s10  }
0x23: {  	s0 =	sshrl.u32 s21, $0x2;
	s21 =	sadd.s32 s4, s7;
	[smem:$0x7F1] =	sst s15  }
0x24: {  	s14 =	sadd.s32 s3, s6;
	[dreg:$0x18] =	wrdreg s21  }
0x25: {  	s19 =	sadd.s32 s17, s6;
	[smem:$0x7F0] =	sst s14  }
0x26: {  	s20 =	sadd.s32 s3, s31;
	[smem:$0x7F3] =	sst s19  }
0x27: {  	s22 =	sadd.s32 s4, s31;
	[smem:$0x7F4] =	sst s20  }
0x28: {  	s26 =	sadd.s32 s17, s12;
	[smem:$0x7F6] =	sst s22  }
0x29: {  	[smem:$0x7FB] =	sst s26  }
0x2a: {  	s0 =	sadd.s32 s0, s1;
	[dreg:$0x11] =	wrdreg s13  }
0x2b: {  	s25 =	sshrl.u32 s23, $0x2;
	s23 =	sadd.s32 s3, s11;
	[dreg:$0xe] =	wrdreg s0  }
0x2c: {  	s21 =	sadd.s32 s16, s31;
	[dreg:$0x1a] =	wrdreg s23  }
0x2d: {  	s28 =	sadd.s32 s3, s13;
	[smem:$0x7F5] =	sst s21  }
0x2e: {  	s0 =	sadd.s32 s24, s1;
	[smem:$0x7FC] =	sst s28  }
0x2f: {  	s24 =	sadd.s32 s16, s11;
	[dreg:$0xf] =	wrdreg s0  }
0x30: {  	s23 =	sadd.s32 s3, s12;
	[dreg:$0x1b] =	wrdreg s24  }
0x31: {  	s29 =	simm.s32 $0x13A80;
	s0 =	sadd.s32 s25, s1;
	[smem:$0x7F8] =	sst s23  }
0x32: {  	s30 =	simm.s32 $0x13900;
	s25 =	sadd.s32 s4, s11;
	[dreg:$0x10] =	wrdreg s0  }
0x33: {  	s26 =	simm.s32 $0x7;
	s11 =	sadd.s32 s4, s5;
	[dreg:$0x1c] =	wrdreg s25  }
0x34: {  	s22 =	simm.s32 $0x1;
	s5 =	sadd.s32 s17, s5;
	[smem:$0x7EE] =	sst s11  }
.Ltmp0:
0x35: {  	s24 =	sadd.s32 s16, s12;
	[smem:$0x7EF] =	sst s5;
	(pc) =	sbr.rel .LBB2_1-.Ltmp0, $4  }
0x36: {  	s23 =	simm.s32 $0x13C80;
	s0 =	sadd.s32 s17, s31;
	[smem:$0x7F9] =	sst s24  }
0x37: {  	s25 =	sadd.s32 s4, s12;
	s31 =	sadd.s32 s4, s13;
	[smem:$0x7F7] =	sst s0  }
0x38: {  	s24 =	simm.s32 $0x4;
	s5 =	simm.s32 $0x8;
	[smem:$0x7FA] =	sst s25  }
0x39: {  	[smem:$0x7FD] =	sst s31;
	s0 =	simm.s32 $0x80;
	s25 =	simm.s32 $0x17C80  }
.LBB2_16:
0x3a: {  	s10 =	rddreg [dreg:$0x11]  }
0x3b: {  	s31 =	rddreg [dreg:$0x10]  }
0x3c: {  	s7 =	sadd.s32 s7, s10;
	s10 =	sshrl.u32 s31, $0x3  }
0x3d: {  	[hbm:s7], [sflag:s6] =	dma.local [spmem:s10], $0x500  }
0x3e: {  	_ =	swait.ge [sflag:s26], $0x500  }
0x3f: {  	[sflag:s26] =	ssyncset.done $0x0  }
0x40: {  	[sflag:s26] =	ssyncadd.s32 $0xFFFFFB00  }
.LBB2_17:
0x41: {  	s2 =	sadd.s32 $0x1, s2;
	s6 =	rddreg [dreg:$0x8]  }
0x42: {  	p3 =	sne.s32 s2, s6  }
.Ltmp1:
0x43: {  	_ = 	snop;
	(pc) =	sbr.rel @!p3 .LBB2_18-.Ltmp1, $1  }
0x44: {  	_ =	sdelay $0x3  }
.LBB2_1:
.Ltmp2:
0x45: {  	(pc) =	sbr.rel @!p0 .LBB2_2-.Ltmp2, $4  }
0x46: {  	_ = 	snop  }
0x47: {  	s6 =	stileid.u32;
	s7 =	rddreg [dreg:$0x9]  }
0x48: {  	s10 =	rddreg [dreg:$0x10];
	s6 =	sshll.u32 s6, $0x6  }
0x49: {  	s7 =	sshrl.u32 s7, $0x3;
	s12 =	sshrl.u32 @!p1 s10, $0x3;
	s6 =	sor.u32 $0x1C07, s6  }
0x4a: {  	s10 =	rddreg [dreg:$0x14]  }
0x4b: {  	[spmem:s7], [sflag:s6] =	dma.local [hbm:s10], $0x500  }
0x4c: {  	_ =	swait.ge [sflag:s26], $0x500  }
0x4d: {  	s16 =	rddreg [dreg:$0xa]  }
0x4e: {  	[sflag:s26] =	ssyncset.done $0x0;
	s17 =	rddreg [dreg:$0x18];
	s11 =	sshrl.u32 s16, $0x3  }
0x4f: {  	[sflag:s26] =	ssyncadd.s32 $0xFFFFFB00;
	[smem:$0x7EA] =	sst s11  }
0x50: {  	[spmem:s11], [sflag:s6] =	dma.local [hbm:s17], $0x500  }
0x51: {  	_ =	swait.ge [sflag:s26], $0x500  }
0x52: {  	s18 =	rddreg [dreg:$0xb]  }
0x53: {  	[sflag:s26] =	ssyncset.done $0x0;
	s20 =	rddreg [dreg:$0x1c];
	s19 =	sshrl.u32 s18, $0x3  }
0x54: {  	[sflag:s26] =	ssyncadd.s32 $0xFFFFFB00;
	[smem:$0x7EB] =	sst s19  }
0x55: {  	[spmem:s19], [sflag:s6] =	dma.local [hbm:s20], $0x500  }
0x56: {  	_ =	swait.ge [sflag:s26], $0x500  }
0x57: {  	s28 =	sld [smem:$0x7EE]  }
0x58: {  	[sflag:s26] =	ssyncset.done $0x0;
	s21 =	rddreg [dreg:$0xc]  }
0x59: {  	[sflag:s26] =	ssyncadd.s32 $0xFFFFFB00;
	s13 =	sshrl.u32 s21, $0x3  }
0x5a: {  	[spmem:s13], [sflag:s6] =	dma.local [hbm:s28], $0x500  }
0x5b: {  	_ =	swait.ge [sflag:s26], $0x500  }
0x5c: {  	s11 =	sld [smem:$0x7F2]  }
0x5d: {  	[sflag:s26] =	ssyncset.done $0x0;
	s31 =	rddreg [dreg:$0xd]  }
0x5e: {  	[sflag:s26] =	ssyncadd.s32 $0xFFFFFB00;
	s14 =	sshrl.u32 s31, $0x3  }
0x5f: {  	[spmem:s14], [sflag:s6] =	dma.local [hbm:s11], $0x500  }
0x60: {  	_ =	swait.ge [sflag:s26], $0x500  }
0x61: {  	s16 =	sld [smem:$0x7F6]  }
0x62: {  	[sflag:s26] =	ssyncset.done $0x0;
	s15 =	rddreg [dreg:$0xe]  }
0x63: {  	[sflag:s26] =	ssyncadd.s32 $0xFFFFFB00;
	s15 =	sshrl.u32 s15, $0x3  }
0x64: {  	[spmem:s15], [sflag:s6] =	dma.local [hbm:s16], $0x500  }
0x65: {  	_ =	swait.ge [sflag:s26], $0x500  }
0x66: {  	s18 =	sld [smem:$0x7FA]  }
0x67: {  	[sflag:s26] =	ssyncset.done $0x0;
	s17 =	rddreg [dreg:$0xf]  }
0x68: {  	[sflag:s26] =	ssyncadd.s32 $0xFFFFFB00;
	s16 =	sshrl.u32 s17, $0x3  }
0x69: {  	[spmem:s16], [sflag:s6] =	dma.local [hbm:s18], $0x500  }
0x6a: {  	_ =	swait.ge [sflag:s26], $0x500  }
0x6b: {  	s10 =	sld [smem:$0x7FD]  }
0x6c: {  	[sflag:s26] =	ssyncset.done $0x0  }
0x6d: {  	[sflag:s26] =	ssyncadd.s32 $0xFFFFFB00  }
0x6e: {  	[spmem:s12], [sflag:s6] =	dma.local @!p1 [hbm:s10], $0x500  }
0x6f: {  	s12 =	simm.s32 @!p1 $0x7  }
0x70: {  	_ =	swait.ge @!p1 [sflag:s12], $0x500  }
0x71: {  	[sflag:s12] =	ssyncset.done @!p1 $0x0  }
0x72: {  	[sflag:s12] =	ssyncadd.s32 @!p1 $0xFFFFFB00  }
0x73: {  	s19 =	simm.s32 $0x13880;
	s17 =	simm.s32 $0x0;
	[bflag:$0x0] =	sbarrier.arrive $0xFFFF  }
0x74: {  	[tilespmem:s19], [sflag:$0x3] =	stream.linear.gather [hbm4b:s8+s17], $0x80, $0x38;
	[tilespmem:$0x1BC80] =	vst v63  }
0x75: {  	_ = 	snop  }
0x76: {  	[tilespmem:s29], [sflag:$0x3] =	stream.linear.gather [hbm4b:s9+s17], $0x80, $0x38;
	[tilespmem:$0x1BC80] =	vst v63  }
0x77: {  	s20 =	rddreg [dreg:$0x5]  }
0x78: {  	[tilespmem:s30], [sflag:$0x4] =	stream.linear.gather [hbm4b:s20+s17], $0x80, $0x38;
	[tilespmem:$0x1BC80] =	vst v63  }
0x79: {  	s28 =	simm.s32 $0x13B00;
	s31 =	simm.s32 $0x3;
	s21 =	rddreg [dreg:$0x6]  }
0x7a: {  	[tilespmem:s28], [sflag:$0x4] =	stream.linear.gather [hbm4b:s21+s17], $0x80, $0x38;
	[tilespmem:$0x1BC80] =	vst v63  }
0x7b: {  	_ =	swait.ge [sflag:s31], $0x80  }
0x7c: {  	[sflag:s31] =	ssyncset.done $0x0  }
.Ltmp3:
0x7d: {  	[sflag:s31] =	ssyncadd.s32 $0xFFFFFF80;
	(pc) =	sbr.rel .LBB2_10-.Ltmp3, $4  }
0x7e: {  	_ =	swait.ge [sflag:s31], $0x80  }
0x7f: {  	[sflag:s31] =	ssyncset.done $0x0  }
0x80: {  	s12 =	rddreg [dreg:$0x7];
	[sflag:s31] =	ssyncadd.s32 $0xFFFFFF80  }
0x81: {  	[tilespmem:s23], [sflag:$0x1] =	stream.indirect.gather [hbm4b:s4+s0], $0x80, s19, s0, $0xb8;
	[tilespmem:$0x1BC80] =	vst v63  }
.LBB2_11:
0x82: {  	_ =	swait.ge [sflag:s24], $0x80  }
0x83: {  	[sflag:s24] =	ssyncset.done $0x0  }
0x84: {  	[sflag:s24] =	ssyncadd.s32 $0xFFFFFF80  }
0x85: {  	_ =	swait.ge [sflag:s24], $0x80  }
0x86: {  	[sflag:s24] =	ssyncset.done $0x0  }
0x87: {  	[sflag:s24] =	ssyncadd.s32 $0xFFFFFF80  }
0x88: {  	[tilespmem:s25], [sflag:$0x2] =	stream.indirect.gather [hbm4b:s4+s0], $0x80, s30, s0, $0xb8;
	[tilespmem:$0x1BC80] =	vst v63  }
.LBB2_13:
0x89: {  	_ =	swait.ge [sflag:s22], $0x4000  }
0x8a: {  	[sflag:s22] =	ssyncset.done $0x0  }
0x8b: {  	[sflag:s22] =	ssyncadd.s32 $0xFFFFC000  }
0x8c: {  	[spmem:s1] =	stream.indirect.scatter.add.f32 [tilespmem:s23], [sflag:$0x8], $0x80, s29, s0, $0xb8;
	[tilespmem:$0x1BC80] =	vst v63  }
0x8d: {  	_ =	swait.ge [sflag:s5], $0x4000  }
0x8e: {  	[sflag:s5] =	ssyncset.done $0x0  }
0x8f: {  	[sflag:s5] =	ssyncadd.s32 $0xFFFFC000  }
.LBB2_14:
0x90: {  	s18 =	sadd.s32 $0xFFFFFFE0, s12  }
0x91: {  	p4 =	sgt.u32 s18, $0x9C3  }
0x92: {  	s18 =	sadd.s32 @!p4 s17, s8  }
0x93: {  	s20 =	simm.s32 @!p4 $0x0;
	s21 =	simm.s32 @!p4 $0x13A00;
	s18 =	sadd.s32 @!p4 $0x300, s18  }
0x94: {  	[tilespmem:s21], [sflag:$0x6] =	stream.linear.gather @!p4 [hbm4b:s18+s20], $0x80, $0x38;
	[tilespmem:$0x1BC80] =	vst v63  }
0x95: {  	s18 =	sadd.s32 @!p4 s17, s9  }
0x96: {  	s19 =	simm.s32 @!p4 $0x13C00;
	s18 =	sadd.s32 @!p4 $0x300, s18  }
0x97: {  	[tilespmem:s19], [sflag:$0x6] =	stream.linear.gather @!p4 [hbm4b:s18+s20], $0x80, $0x38;
	[tilespmem:$0x1BC80] =	vst v63  }
0x98: {  	s18 =	simm.s32 @!p3 $0x5  }
0x99: {  	_ =	swait.ge @!p3 [sflag:s18], $0x80  }
0x9a: {  	[sflag:s18] =	ssyncset.done @!p3 $0x0  }
0x9b: {  	[sflag:s18] =	ssyncadd.s32 @!p3 $0xFFFFFF80  }
0x9c: {  	_ =	swait.ge @!p3 [sflag:s18], $0x80  }
0x9d: {  	s28 =	simm.s32 @!p3 $0x13C80;
	[sflag:s18] =	ssyncset.done @!p3 $0x0  }
0x9e: {  	s20 =	simm.s32 @!p3 $0x13980;
	[sflag:s18] =	ssyncadd.s32 @!p3 $0xFFFFFF80;
	s18 =	simm.s32 @!p3 $0x80  }
0x9f: {  	[tilespmem:s28], [sflag:$0x1] =	stream.indirect.gather @!p3 [hbm4b:s4+s18], $0x80, s20, s18, $0xb8;
	[tilespmem:$0x1BC80] =	vst v63  }
0xa0: {  	s20 =	simm.s32 @!p5 $0x2  }
0xa1: {  	_ =	swait.ge @!p5 [sflag:s20], $0x4000  }
0xa2: {  	s31 =	simm.s32 @!p5 $0x13B00;
	[sflag:s20] =	ssyncset.done @!p5 $0x0  }
0xa3: {  	s10 =	simm.s32 @!p5 $0x17C80;
	[sflag:s20] =	ssyncadd.s32 @!p5 $0xFFFFC000;
	s20 =	simm.s32 @!p5 $0x80  }
0xa4: {  	[spmem:s1] =	stream.indirect.scatter.add.f32 @!p5 [tilespmem:s10], [sflag:$0x8], $0x80, s31, s20, $0xb8;
	[tilespmem:$0x1BC80] =	vst v63  }
0xa5: {  	s10 =	simm.s32 @!p5 $0x8  }
0xa6: {  	s31 =	sadd.s32 $0xFFFFFFF0, s12;
	_ =	swait.ge @!p5 [sflag:s10], $0x4000  }
0xa7: {  	p6 =	sgt.u32 s31, $0x9C3;
	[sflag:s10] =	ssyncset.done @!p5 $0x0  }
0xa8: {  	[sflag:s10] =	ssyncadd.s32 @!p5 $0xFFFFC000;
	s10 =	sadd.s32 @!p6 s17, s8  }
0xa9: {  	s20 =	simm.s32 @!p6 $0x0;
	s31 =	simm.s32 @!p6 $0x13880;
	s10 =	sadd.s32 @!p6 $0x400, s10  }
0xaa: {  	[tilespmem:s31], [sflag:$0x3] =	stream.linear.gather @!p6 [hbm4b:s10+s20], $0x80, $0x38;
	[tilespmem:$0x1BC80] =	vst v63  }
0xab: {  	s10 =	sadd.s32 @!p6 s17, s9  }
0xac: {  	s11 =	simm.s32 @!p6 $0x13A80;
	s10 =	sadd.s32 @!p6 $0x400, s10  }
0xad: {  	[tilespmem:s11], [sflag:$0x3] =	stream.linear.gather @!p6 [hbm4b:s10+s20], $0x80, $0x38;
	[tilespmem:$0x1BC80] =	vst v63  }
0xae: {  	s10 =	simm.s32 @!p4 $0x6  }
0xaf: {  	_ =	swait.ge @!p4 [sflag:s10], $0x80  }
0xb0: {  	[sflag:s10] =	ssyncset.done @!p4 $0x0  }
0xb1: {  	[sflag:s10] =	ssyncadd.s32 @!p4 $0xFFFFFF80  }
0xb2: {  	_ =	swait.ge @!p4 [sflag:s10], $0x80  }
0xb3: {  	s11 =	simm.s32 @!p4 $0x17C80;
	[sflag:s10] =	ssyncset.done @!p4 $0x0  }
0xb4: {  	s20 =	simm.s32 @!p3 $0x1;
	[sflag:s10] =	ssyncadd.s32 @!p4 $0xFFFFFF80;
	s10 =	simm.s32 @!p4 $0x80  }
0xb5: {  	[tilespmem:s11], [sflag:$0x2] =	stream.indirect.gather @!p4 [hbm4b:s4+s10], $0x80, s21, s10, $0xb8;
	[tilespmem:$0x1BC80] =	vst v63  }
0xb6: {  	_ =	swait.ge @!p3 [sflag:s20], $0x4000  }
0xb7: {  	[sflag:s20] =	ssyncset.done @!p3 $0x0  }
0xb8: {  	[sflag:s20] =	ssyncadd.s32 @!p3 $0xFFFFC000;
	s20 =	simm.s32 @!p3 $0x13B80  }
0xb9: {  	[spmem:s1] =	stream.indirect.scatter.add.f32 @!p3 [tilespmem:s28], [sflag:$0x8], $0x80, s20, s18, $0xb8;
	[tilespmem:$0x1BC80] =	vst v63  }
0xba: {  	s18 =	simm.s32 @!p3 $0x8  }
0xbb: {  	_ =	swait.ge @!p3 [sflag:s18], $0x4000  }
0xbc: {  	p5 =	sgt.u32 s12, $0x9C3;
	[sflag:s18] =	ssyncset.done @!p3 $0x0  }
0xbd: {  	[sflag:s18] =	ssyncadd.s32 @!p3 $0xFFFFC000;
	s18 =	sadd.s32 @!p5 s17, s8  }
0xbe: {  	s21 =	simm.s32 @!p5 $0x13900;
	s20 =	simm.s32 @!p5 $0x0;
	s18 =	sadd.s32 @!p5 $0x500, s18  }
0xbf: {  	[tilespmem:s21], [sflag:$0x4] =	stream.linear.gather @!p5 [hbm4b:s18+s20], $0x80, $0x38;
	[tilespmem:$0x1BC80] =	vst v63  }
0xc0: {  	s18 =	sadd.s32 @!p5 s17, s9  }
0xc1: {  	s21 =	simm.s32 @!p5 $0x13B00;
	s18 =	sadd.s32 @!p5 $0x500, s18  }
0xc2: {  	[tilespmem:s21], [sflag:$0x4] =	stream.linear.gather @!p5 [hbm4b:s18+s20], $0x80, $0x38;
	[tilespmem:$0x1BC80] =	vst v63  }
0xc3: {  	s18 =	simm.s32 @!p6 $0x3  }
0xc4: {  	_ =	swait.ge @!p6 [sflag:s18], $0x80  }
0xc5: {  	[sflag:s18] =	ssyncset.done @!p6 $0x0  }
0xc6: {  	[sflag:s18] =	ssyncadd.s32 @!p6 $0xFFFFFF80  }
0xc7: {  	_ =	swait.ge @!p6 [sflag:s18], $0x80  }
0xc8: {  	[sflag:s18] =	ssyncset.done @!p6 $0x0  }
0xc9: {  	s20 =	simm.s32 @!p6 $0x13C80;
	[sflag:s18] =	ssyncadd.s32 @!p6 $0xFFFFFF80;
	s18 =	simm.s32 @!p6 $0x80  }
0xca: {  	[tilespmem:s20], [sflag:$0x1] =	stream.indirect.gather @!p6 [hbm4b:s4+s18], $0x80, s31, s18, $0xb8;
	[tilespmem:$0x1BC80] =	vst v63  }
0xcb: {  	s18 =	simm.s32 @!p4 $0x2  }
0xcc: {  	_ =	swait.ge @!p4 [sflag:s18], $0x4000  }
0xcd: {  	s17 =	sadd.s32 $0x400, s17;
	[sflag:s18] =	ssyncset.done @!p4 $0x0  }
0xce: {  	p3 =	sne.s32 s17, $0xA000;
	[sflag:s18] =	ssyncadd.s32 @!p4 $0xFFFFC000  }
0xcf: {  	[spmem:s1] =	stream.indirect.scatter.add.f32 @!p4 [tilespmem:s11], [sflag:$0x7], $0x80, s19, s10, $0xb8;
	[tilespmem:$0x1BC80] =	vst v63  }
.Ltmp4:
0xd0: {  	_ = 	snop;
	(pc) =	sbr.rel @!p3 .LBB2_15-.Ltmp4, $4  }
0xd1: {  	s10 =	simm.s32 @!p4 $0x7  }
0xd2: {  	_ =	swait.ge @!p4 [sflag:s10], $0x4000  }
0xd3: {  	[sflag:s10] =	ssyncset.done @!p4 $0x0  }
0xd4: {  	s12 =	sadd.s32 $0x40, s12;
	[sflag:s10] =	ssyncadd.s32 @!p4 $0xFFFFC000  }
.LBB2_10:
0xd5: {  	s18 =	sadd.s32 $0xFFFFFFD0, s12  }
0xd6: {  	p3 =	sgt.u32 s18, $0x9C3  }
0xd7: {  	s18 =	sadd.s32 @!p3 s17, s8  }
0xd8: {  	s20 =	simm.s32 @!p3 $0x0;
	s19 =	simm.s32 @!p3 $0x13980;
	s18 =	sadd.s32 @!p3 $0x200, s18  }
0xd9: {  	[tilespmem:s19], [sflag:$0x5] =	stream.linear.gather @!p3 [hbm4b:s18+s20], $0x80, $0x38;
	[tilespmem:$0x1BC80] =	vst v63  }
0xda: {  	s19 =	sadd.s32 $0xFFFFFFB0, s12  }
0xdb: {  	p5 =	sgt.u32 s19, $0x9B3  }
.Ltmp5:
0xdc: {  	_ = 	snop;
	(pc) =	sbr.rel @!p5 .LBB2_11-.Ltmp5, $4  }
0xdd: {  	_ = 	snop  }
0xde: {  	s18 =	sadd.s32 @!p3 s17, s9  }
0xdf: {  	s21 =	simm.s32 @!p3 $0x13B80;
	s18 =	sadd.s32 @!p3 $0x200, s18  }
0xe0: {  	[tilespmem:s21], [sflag:$0x5] =	stream.linear.gather @!p3 [hbm4b:s18+s20], $0x80, $0x38;
	[tilespmem:$0x1BC80] =	vst v63  }
0xe1: {  	p4 =	sgt.u32 s19, $0x9C3  }
.Ltmp6:
0xe2: {  	_ = 	snop;
	(pc) =	sbr.rel @p4 .LBB2_14-.Ltmp6, $4  }
.Ltmp7:
0xe3: {  	_ = 	snop;
	(pc) =	sbr.rel @!p4 .LBB2_13-.Ltmp7, $4  }
0xe4: {  	_ = 	snop  }
0xe5: {  	_ = 	snop  }
0xe6: {  	_ = 	snop  }
0xe7: {  	_ = 	snop  }
.LBB2_2:
0xe8: {  	s10 =	rddreg [dreg:$0x12]  }
0xe9: {  	[spmem:s7], [sflag:s6] =	dma.local [hbm:s10], $0x500  }
0xea: {  	_ =	swait.ge [sflag:s26], $0x500  }
0xeb: {  	s16 =	rddreg [dreg:$0xa]  }
0xec: {  	[sflag:s26] =	ssyncset.done $0x0;
	s17 =	rddreg [dreg:$0x16];
	s11 =	sshrl.u32 s16, $0x3  }
0xed: {  	[sflag:s26] =	ssyncadd.s32 $0xFFFFFB00;
	[smem:$0x7EC] =	sst s11  }
0xee: {  	[spmem:s11], [sflag:s6] =	dma.local [hbm:s17], $0x500  }
0xef: {  	_ =	swait.ge [sflag:s26], $0x500  }
0xf0: {  	s18 =	rddreg [dreg:$0xb]  }
0xf1: {  	[sflag:s26] =	ssyncset.done $0x0;
	s20 =	rddreg [dreg:$0x1a];
	s19 =	sshrl.u32 s18, $0x3  }
0xf2: {  	[sflag:s26] =	ssyncadd.s32 $0xFFFFFB00;
	[smem:$0x7ED] =	sst s19  }
0xf3: {  	[spmem:s19], [sflag:s6] =	dma.local [hbm:s20], $0x500  }
0xf4: {  	_ =	swait.ge [sflag:s26], $0x500  }
0xf5: {  	[sflag:s26] =	ssyncset.done $0x0;
	s21 =	rddreg [dreg:$0xc]  }
0xf6: {  	s28 =	rddreg [dreg:$0x1e];
	[sflag:s26] =	ssyncadd.s32 $0xFFFFFB00;
	s13 =	sshrl.u32 s21, $0x3  }
0xf7: {  	[spmem:s13], [sflag:s6] =	dma.local [hbm:s28], $0x500  }
0xf8: {  	_ =	swait.ge [sflag:s26], $0x500  }
0xf9: {  	s11 =	sld [smem:$0x7F0]  }
0xfa: {  	[sflag:s26] =	ssyncset.done $0x0;
	s31 =	rddreg [dreg:$0xd]  }
0xfb: {  	[sflag:s26] =	ssyncadd.s32 $0xFFFFFB00;
	s14 =	sshrl.u32 s31, $0x3  }
0xfc: {  	[spmem:s14], [sflag:s6] =	dma.local [hbm:s11], $0x500  }
0xfd: {  	_ =	swait.ge [sflag:s26], $0x500  }
0xfe: {  	s16 =	sld [smem:$0x7F4]  }
0xff: {  	[sflag:s26] =	ssyncset.done $0x0;
	s15 =	rddreg [dreg:$0xe]  }
0x100: {  	[sflag:s26] =	ssyncadd.s32 $0xFFFFFB00;
	s15 =	sshrl.u32 s15, $0x3  }
0x101: {  	[spmem:s15], [sflag:s6] =	dma.local [hbm:s16], $0x500  }
0x102: {  	_ =	swait.ge [sflag:s26], $0x500  }
0x103: {  	s18 =	sld [smem:$0x7F8]  }
0x104: {  	[sflag:s26] =	ssyncset.done $0x0;
	s17 =	rddreg [dreg:$0xf]  }
0x105: {  	[sflag:s26] =	ssyncadd.s32 $0xFFFFFB00;
	s16 =	sshrl.u32 s17, $0x3  }
0x106: {  	[spmem:s16], [sflag:s6] =	dma.local [hbm:s18], $0x500  }
0x107: {  	_ =	swait.ge [sflag:s26], $0x500  }
0x108: {  	s10 =	sld [smem:$0x7FC]  }
0x109: {  	[sflag:s26] =	ssyncset.done $0x0  }
0x10a: {  	[sflag:s26] =	ssyncadd.s32 $0xFFFFFB00  }
0x10b: {  	[spmem:s12], [sflag:s6] =	dma.local @!p1 [hbm:s10], $0x500  }
0x10c: {  	s12 =	simm.s32 @!p1 $0x7  }
0x10d: {  	_ =	swait.ge @!p1 [sflag:s12], $0x500  }
0x10e: {  	[sflag:s12] =	ssyncset.done @!p1 $0x0  }
0x10f: {  	[sflag:s12] =	ssyncadd.s32 @!p1 $0xFFFFFB00  }
0x110: {  	s19 =	simm.s32 $0x13880;
	s17 =	simm.s32 $0x0;
	[bflag:$0x0] =	sbarrier.arrive $0xFFFF  }
0x111: {  	[tilespmem:s19], [sflag:$0x3] =	stream.linear.gather [hbm4b:s8+s17], $0x80, $0x38;
	[tilespmem:$0x1BC80] =	vst v63  }
0x112: {  	_ = 	snop  }
0x113: {  	[tilespmem:s29], [sflag:$0x3] =	stream.linear.gather [hbm4b:s9+s17], $0x80, $0x38;
	[tilespmem:$0x1BC80] =	vst v63  }
0x114: {  	s20 =	rddreg [dreg:$0x5]  }
0x115: {  	[tilespmem:s30], [sflag:$0x4] =	stream.linear.gather [hbm4b:s20+s17], $0x80, $0x38;
	[tilespmem:$0x1BC80] =	vst v63  }
0x116: {  	s28 =	simm.s32 $0x13B00;
	s31 =	simm.s32 $0x3;
	s21 =	rddreg [dreg:$0x6]  }
0x117: {  	[tilespmem:s28], [sflag:$0x4] =	stream.linear.gather [hbm4b:s21+s17], $0x80, $0x38;
	[tilespmem:$0x1BC80] =	vst v63  }
0x118: {  	_ =	swait.ge [sflag:s31], $0x80  }
0x119: {  	[sflag:s31] =	ssyncset.done $0x0  }
.Ltmp8:
0x11a: {  	[sflag:s31] =	ssyncadd.s32 $0xFFFFFF80;
	(pc) =	sbr.rel .LBB2_3-.Ltmp8, $4  }
0x11b: {  	_ =	swait.ge [sflag:s31], $0x80  }
0x11c: {  	[sflag:s31] =	ssyncset.done $0x0  }
0x11d: {  	s12 =	rddreg [dreg:$0x7];
	[sflag:s31] =	ssyncadd.s32 $0xFFFFFF80  }
0x11e: {  	[tilespmem:s23], [sflag:$0x1] =	stream.indirect.gather [hbm4b:s3+s0], $0x80, s19, s0, $0xb8;
	[tilespmem:$0x1BC80] =	vst v63  }
.LBB2_4:
0x11f: {  	_ =	swait.ge [sflag:s24], $0x80  }
0x120: {  	[sflag:s24] =	ssyncset.done $0x0  }
0x121: {  	[sflag:s24] =	ssyncadd.s32 $0xFFFFFF80  }
0x122: {  	_ =	swait.ge [sflag:s24], $0x80  }
0x123: {  	[sflag:s24] =	ssyncset.done $0x0  }
0x124: {  	[sflag:s24] =	ssyncadd.s32 $0xFFFFFF80  }
0x125: {  	[tilespmem:s25], [sflag:$0x2] =	stream.indirect.gather [hbm4b:s3+s0], $0x80, s30, s0, $0xb8;
	[tilespmem:$0x1BC80] =	vst v63  }
.LBB2_6:
0x126: {  	_ =	swait.ge [sflag:s22], $0x4000  }
0x127: {  	[sflag:s22] =	ssyncset.done $0x0  }
0x128: {  	[sflag:s22] =	ssyncadd.s32 $0xFFFFC000  }
0x129: {  	[spmem:s1] =	stream.indirect.scatter.add.f32 [tilespmem:s23], [sflag:$0x8], $0x80, s29, s0, $0xb8;
	[tilespmem:$0x1BC80] =	vst v63  }
0x12a: {  	_ =	swait.ge [sflag:s5], $0x4000  }
0x12b: {  	[sflag:s5] =	ssyncset.done $0x0  }
0x12c: {  	[sflag:s5] =	ssyncadd.s32 $0xFFFFC000  }
.LBB2_7:
0x12d: {  	s18 =	sadd.s32 $0xFFFFFFE0, s12  }
0x12e: {  	p4 =	sgt.u32 s18, $0x9C3  }
0x12f: {  	s18 =	sadd.s32 @!p4 s17, s8  }
0x130: {  	s20 =	simm.s32 @!p4 $0x0;
	s28 =	simm.s32 @!p4 $0x13A00;
	s18 =	sadd.s32 @!p4 $0x300, s18  }
0x131: {  	[tilespmem:s28], [sflag:$0x6] =	stream.linear.gather @!p4 [hbm4b:s18+s20], $0x80, $0x38;
	[tilespmem:$0x1BC80] =	vst v63  }
0x132: {  	s18 =	sadd.s32 @!p4 s17, s9  }
0x133: {  	s19 =	simm.s32 @!p4 $0x13C00;
	s18 =	sadd.s32 @!p4 $0x300, s18  }
0x134: {  	[tilespmem:s19], [sflag:$0x6] =	stream.linear.gather @!p4 [hbm4b:s18+s20], $0x80, $0x38;
	[tilespmem:$0x1BC80] =	vst v63  }
0x135: {  	s18 =	simm.s32 @!p3 $0x5  }
0x136: {  	_ =	swait.ge @!p3 [sflag:s18], $0x80  }
0x137: {  	[sflag:s18] =	ssyncset.done @!p3 $0x0  }
0x138: {  	[sflag:s18] =	ssyncadd.s32 @!p3 $0xFFFFFF80  }
0x139: {  	_ =	swait.ge @!p3 [sflag:s18], $0x80  }
0x13a: {  	s21 =	simm.s32 @!p3 $0x13C80;
	[sflag:s18] =	ssyncset.done @!p3 $0x0  }
0x13b: {  	s20 =	simm.s32 @!p3 $0x13980;
	[sflag:s18] =	ssyncadd.s32 @!p3 $0xFFFFFF80;
	s18 =	simm.s32 @!p3 $0x80  }
0x13c: {  	[tilespmem:s21], [sflag:$0x1] =	stream.indirect.gather @!p3 [hbm4b:s3+s18], $0x80, s20, s18, $0xb8;
	[tilespmem:$0x1BC80] =	vst v63  }
0x13d: {  	s20 =	simm.s32 @!p5 $0x2  }
0x13e: {  	_ =	swait.ge @!p5 [sflag:s20], $0x4000  }
0x13f: {  	s31 =	simm.s32 @!p5 $0x13B00;
	[sflag:s20] =	ssyncset.done @!p5 $0x0  }
0x140: {  	s10 =	simm.s32 @!p5 $0x17C80;
	[sflag:s20] =	ssyncadd.s32 @!p5 $0xFFFFC000;
	s20 =	simm.s32 @!p5 $0x80  }
0x141: {  	[spmem:s1] =	stream.indirect.scatter.add.f32 @!p5 [tilespmem:s10], [sflag:$0x8], $0x80, s31, s20, $0xb8;
	[tilespmem:$0x1BC80] =	vst v63  }
0x142: {  	s10 =	simm.s32 @!p5 $0x8  }
0x143: {  	s31 =	sadd.s32 $0xFFFFFFF0, s12;
	_ =	swait.ge @!p5 [sflag:s10], $0x4000  }
0x144: {  	p6 =	sgt.u32 s31, $0x9C3;
	[sflag:s10] =	ssyncset.done @!p5 $0x0  }
0x145: {  	[sflag:s10] =	ssyncadd.s32 @!p5 $0xFFFFC000;
	s10 =	sadd.s32 @!p6 s17, s8  }
0x146: {  	s20 =	simm.s32 @!p6 $0x0;
	s31 =	simm.s32 @!p6 $0x13880;
	s10 =	sadd.s32 @!p6 $0x400, s10  }
0x147: {  	[tilespmem:s31], [sflag:$0x3] =	stream.linear.gather @!p6 [hbm4b:s10+s20], $0x80, $0x38;
	[tilespmem:$0x1BC80] =	vst v63  }
0x148: {  	s10 =	sadd.s32 @!p6 s17, s9  }
0x149: {  	s11 =	simm.s32 @!p6 $0x13A80;
	s10 =	sadd.s32 @!p6 $0x400, s10  }
0x14a: {  	[tilespmem:s11], [sflag:$0x3] =	stream.linear.gather @!p6 [hbm4b:s10+s20], $0x80, $0x38;
	[tilespmem:$0x1BC80] =	vst v63  }
0x14b: {  	s10 =	simm.s32 @!p4 $0x6  }
0x14c: {  	_ =	swait.ge @!p4 [sflag:s10], $0x80  }
0x14d: {  	[sflag:s10] =	ssyncset.done @!p4 $0x0  }
0x14e: {  	[sflag:s10] =	ssyncadd.s32 @!p4 $0xFFFFFF80  }
0x14f: {  	_ =	swait.ge @!p4 [sflag:s10], $0x80  }
0x150: {  	s11 =	simm.s32 @!p4 $0x17C80;
	[sflag:s10] =	ssyncset.done @!p4 $0x0  }
0x151: {  	s20 =	simm.s32 @!p3 $0x1;
	[sflag:s10] =	ssyncadd.s32 @!p4 $0xFFFFFF80;
	s10 =	simm.s32 @!p4 $0x80  }
0x152: {  	[tilespmem:s11], [sflag:$0x2] =	stream.indirect.gather @!p4 [hbm4b:s3+s10], $0x80, s28, s10, $0xb8;
	[tilespmem:$0x1BC80] =	vst v63  }
0x153: {  	_ =	swait.ge @!p3 [sflag:s20], $0x4000  }
0x154: {  	[sflag:s20] =	ssyncset.done @!p3 $0x0  }
0x155: {  	[sflag:s20] =	ssyncadd.s32 @!p3 $0xFFFFC000;
	s20 =	simm.s32 @!p3 $0x13B80  }
0x156: {  	[spmem:s1] =	stream.indirect.scatter.add.f32 @!p3 [tilespmem:s21], [sflag:$0x8], $0x80, s20, s18, $0xb8;
	[tilespmem:$0x1BC80] =	vst v63  }
0x157: {  	s18 =	simm.s32 @!p3 $0x8  }
0x158: {  	_ =	swait.ge @!p3 [sflag:s18], $0x4000  }
0x159: {  	p5 =	sgt.u32 s12, $0x9C3;
	[sflag:s18] =	ssyncset.done @!p3 $0x0  }
0x15a: {  	[sflag:s18] =	ssyncadd.s32 @!p3 $0xFFFFC000;
	s18 =	sadd.s32 @!p5 s17, s8  }
0x15b: {  	s20 =	simm.s32 @!p5 $0x0;
	s21 =	simm.s32 @!p5 $0x13900;
	s18 =	sadd.s32 @!p5 $0x500, s18  }
0x15c: {  	[tilespmem:s21], [sflag:$0x4] =	stream.linear.gather @!p5 [hbm4b:s18+s20], $0x80, $0x38;
	[tilespmem:$0x1BC80] =	vst v63  }
0x15d: {  	s18 =	sadd.s32 @!p5 s17, s9  }
0x15e: {  	s21 =	simm.s32 @!p5 $0x13B00;
	s18 =	sadd.s32 @!p5 $0x500, s18  }
0x15f: {  	[tilespmem:s21], [sflag:$0x4] =	stream.linear.gather @!p5 [hbm4b:s18+s20], $0x80, $0x38;
	[tilespmem:$0x1BC80] =	vst v63  }
0x160: {  	s18 =	simm.s32 @!p6 $0x3  }
0x161: {  	_ =	swait.ge @!p6 [sflag:s18], $0x80  }
0x162: {  	[sflag:s18] =	ssyncset.done @!p6 $0x0  }
0x163: {  	[sflag:s18] =	ssyncadd.s32 @!p6 $0xFFFFFF80  }
0x164: {  	_ =	swait.ge @!p6 [sflag:s18], $0x80  }
0x165: {  	[sflag:s18] =	ssyncset.done @!p6 $0x0  }
0x166: {  	s20 =	simm.s32 @!p6 $0x13C80;
	[sflag:s18] =	ssyncadd.s32 @!p6 $0xFFFFFF80;
	s18 =	simm.s32 @!p6 $0x80  }
0x167: {  	[tilespmem:s20], [sflag:$0x1] =	stream.indirect.gather @!p6 [hbm4b:s3+s18], $0x80, s31, s18, $0xb8;
	[tilespmem:$0x1BC80] =	vst v63  }
0x168: {  	s18 =	simm.s32 @!p4 $0x2  }
0x169: {  	_ =	swait.ge @!p4 [sflag:s18], $0x4000  }
0x16a: {  	s17 =	sadd.s32 $0x400, s17;
	[sflag:s18] =	ssyncset.done @!p4 $0x0  }
0x16b: {  	p3 =	sne.s32 s17, $0xA000;
	[sflag:s18] =	ssyncadd.s32 @!p4 $0xFFFFC000  }
0x16c: {  	[spmem:s1] =	stream.indirect.scatter.add.f32 @!p4 [tilespmem:s11], [sflag:$0x7], $0x80, s19, s10, $0xb8;
	[tilespmem:$0x1BC80] =	vst v63  }
.Ltmp9:
0x16d: {  	_ = 	snop;
	(pc) =	sbr.rel @!p3 .LBB2_8-.Ltmp9, $4  }
0x16e: {  	s10 =	simm.s32 @!p4 $0x7  }
0x16f: {  	_ =	swait.ge @!p4 [sflag:s10], $0x4000  }
0x170: {  	[sflag:s10] =	ssyncset.done @!p4 $0x0  }
0x171: {  	s12 =	sadd.s32 $0x40, s12;
	[sflag:s10] =	ssyncadd.s32 @!p4 $0xFFFFC000  }
.LBB2_3:
0x172: {  	s19 =	sadd.s32 $0xFFFFFFD0, s12  }
0x173: {  	p3 =	sgt.u32 s19, $0x9C3  }
0x174: {  	s19 =	sadd.s32 @!p3 s17, s8  }
0x175: {  	s20 =	simm.s32 @!p3 $0x0;
	s18 =	simm.s32 @!p3 $0x13980;
	s19 =	sadd.s32 @!p3 $0x200, s19  }
0x176: {  	[tilespmem:s18], [sflag:$0x5] =	stream.linear.gather @!p3 [hbm4b:s19+s20], $0x80, $0x38;
	[tilespmem:$0x1BC80] =	vst v63  }
0x177: {  	s19 =	sadd.s32 $0xFFFFFFB0, s12  }
0x178: {  	p5 =	sgt.u32 s19, $0x9B3  }
.Ltmp10:
0x179: {  	_ = 	snop;
	(pc) =	sbr.rel @!p5 .LBB2_4-.Ltmp10, $4  }
0x17a: {  	_ = 	snop  }
0x17b: {  	s18 =	sadd.s32 @!p3 s17, s9  }
0x17c: {  	s28 =	simm.s32 @!p3 $0x13B80;
	s18 =	sadd.s32 @!p3 $0x200, s18  }
0x17d: {  	[tilespmem:s28], [sflag:$0x5] =	stream.linear.gather @!p3 [hbm4b:s18+s20], $0x80, $0x38;
	[tilespmem:$0x1BC80] =	vst v63  }
0x17e: {  	p4 =	sgt.u32 s19, $0x9C3  }
.Ltmp11:
0x17f: {  	_ = 	snop;
	(pc) =	sbr.rel @p4 .LBB2_7-.Ltmp11, $4  }
.Ltmp12:
0x180: {  	_ = 	snop;
	(pc) =	sbr.rel @!p4 .LBB2_6-.Ltmp12, $4  }
0x181: {  	_ = 	snop  }
0x182: {  	_ = 	snop  }
0x183: {  	_ = 	snop  }
0x184: {  	_ = 	snop  }
.LBB2_15:
0x185: {  	[bflag:$0x0] =	sbarrier.arrive $0xFFFF  }
0x186: {  	s10 =	rddreg [dreg:$0x15]  }
0x187: {  	[hbm:s10], [sflag:s6] =	dma.local [spmem:s7], $0x500  }
0x188: {  	_ =	swait.ge [sflag:s26], $0x500  }
0x189: {  	s17 =	sld [smem:$0x7EA]  }
0x18a: {  	[sflag:s26] =	ssyncset.done $0x0  }
0x18b: {  	s12 =	rddreg [dreg:$0x19];
	[sflag:s26] =	ssyncadd.s32 $0xFFFFFB00  }
0x18c: {  	[hbm:s12], [sflag:s6] =	dma.local [spmem:s17], $0x500  }
0x18d: {  	_ =	swait.ge [sflag:s26], $0x500  }
0x18e: {  	s19 =	sld [smem:$0x7EB]  }
0x18f: {  	[sflag:s26] =	ssyncset.done $0x0  }
0x190: {  	s18 =	rddreg [dreg:$0x1d];
	[sflag:s26] =	ssyncadd.s32 $0xFFFFFB00  }
0x191: {  	[hbm:s18], [sflag:s6] =	dma.local [spmem:s19], $0x500  }
0x192: {  	_ =	swait.ge [sflag:s26], $0x500  }
0x193: {  	s20 =	sld [smem:$0x7EF]  }
0x194: {  	[sflag:s26] =	ssyncset.done $0x0  }
0x195: {  	[sflag:s26] =	ssyncadd.s32 $0xFFFFFB00  }
0x196: {  	[hbm:s20], [sflag:s6] =	dma.local [spmem:s13], $0x500  }
0x197: {  	_ =	swait.ge [sflag:s26], $0x500  }
0x198: {  	s21 =	sld [smem:$0x7F3]  }
0x199: {  	[sflag:s26] =	ssyncset.done $0x0  }
0x19a: {  	[sflag:s26] =	ssyncadd.s32 $0xFFFFFB00  }
0x19b: {  	[hbm:s21], [sflag:s6] =	dma.local [spmem:s14], $0x500  }
0x19c: {  	_ =	swait.ge [sflag:s26], $0x500  }
0x19d: {  	s28 =	sld [smem:$0x7F7]  }
0x19e: {  	[sflag:s26] =	ssyncset.done $0x0  }
0x19f: {  	[sflag:s26] =	ssyncadd.s32 $0xFFFFFB00  }
0x1a0: {  	[hbm:s28], [sflag:s6] =	dma.local [spmem:s15], $0x500  }
0x1a1: {  	_ =	swait.ge [sflag:s26], $0x500  }
0x1a2: {  	s31 =	sld [smem:$0x7FB]  }
0x1a3: {  	[sflag:s26] =	ssyncset.done $0x0  }
0x1a4: {  	[sflag:s26] =	ssyncadd.s32 $0xFFFFFB00  }
0x1a5: {  	[hbm:s31], [sflag:s6] =	dma.local [spmem:s16], $0x500  }
.Ltmp13:
0x1a6: {  	_ = 	snop;
	(pc) =	sbr.rel @p1 .LBB2_17-.Ltmp13, $4  }
.Ltmp14:
0x1a7: {  	_ = 	snop;
	(pc) =	sbr.rel @!p1 .LBB2_16-.Ltmp14, $4  }
0x1a8: {  	_ =	swait.ge [sflag:s26], $0x500  }
0x1a9: {  	[sflag:s26] =	ssyncset.done $0x0  }
0x1aa: {  	s7 =	rddreg [dreg:$0x4];
	[sflag:s26] =	ssyncadd.s32 $0xFFFFFB00  }
0x1ab: {  	_ = 	snop  }
.LBB2_8:
0x1ac: {  	[bflag:$0x0] =	sbarrier.arrive $0xFFFF  }
0x1ad: {  	s10 =	rddreg [dreg:$0x13]  }
0x1ae: {  	[hbm:s10], [sflag:s6] =	dma.local [spmem:s7], $0x500  }
0x1af: {  	_ =	swait.ge [sflag:s26], $0x500  }
0x1b0: {  	s17 =	sld [smem:$0x7EC]  }
0x1b1: {  	[sflag:s26] =	ssyncset.done $0x0  }
0x1b2: {  	s12 =	rddreg [dreg:$0x17];
	[sflag:s26] =	ssyncadd.s32 $0xFFFFFB00  }
0x1b3: {  	[hbm:s12], [sflag:s6] =	dma.local [spmem:s17], $0x500  }
0x1b4: {  	_ =	swait.ge [sflag:s26], $0x500  }
0x1b5: {  	s19 =	sld [smem:$0x7ED]  }
0x1b6: {  	[sflag:s26] =	ssyncset.done $0x0  }
0x1b7: {  	s18 =	rddreg [dreg:$0x1b];
	[sflag:s26] =	ssyncadd.s32 $0xFFFFFB00  }
0x1b8: {  	[hbm:s18], [sflag:s6] =	dma.local [spmem:s19], $0x500  }
0x1b9: {  	_ =	swait.ge [sflag:s26], $0x500  }
0x1ba: {  	[sflag:s26] =	ssyncset.done $0x0  }
0x1bb: {  	s20 =	rddreg [dreg:$0x1f];
	[sflag:s26] =	ssyncadd.s32 $0xFFFFFB00  }
0x1bc: {  	[hbm:s20], [sflag:s6] =	dma.local [spmem:s13], $0x500  }
0x1bd: {  	_ =	swait.ge [sflag:s26], $0x500  }
0x1be: {  	s21 =	sld [smem:$0x7F1]  }
0x1bf: {  	[sflag:s26] =	ssyncset.done $0x0  }
0x1c0: {  	[sflag:s26] =	ssyncadd.s32 $0xFFFFFB00  }
0x1c1: {  	[hbm:s21], [sflag:s6] =	dma.local [spmem:s14], $0x500  }
0x1c2: {  	_ =	swait.ge [sflag:s26], $0x500  }
0x1c3: {  	s28 =	sld [smem:$0x7F5]  }
0x1c4: {  	[sflag:s26] =	ssyncset.done $0x0  }
0x1c5: {  	[sflag:s26] =	ssyncadd.s32 $0xFFFFFB00  }
0x1c6: {  	[hbm:s28], [sflag:s6] =	dma.local [spmem:s15], $0x500  }
0x1c7: {  	_ =	swait.ge [sflag:s26], $0x500  }
0x1c8: {  	s31 =	sld [smem:$0x7F9]  }
0x1c9: {  	[sflag:s26] =	ssyncset.done $0x0  }
0x1ca: {  	[sflag:s26] =	ssyncadd.s32 $0xFFFFFB00  }
0x1cb: {  	[hbm:s31], [sflag:s6] =	dma.local [spmem:s16], $0x500  }
.Ltmp15:
0x1cc: {  	_ = 	snop;
	(pc) =	sbr.rel @p2 .LBB2_16-.Ltmp15, $4  }
.Ltmp16:
0x1cd: {  	_ = 	snop;
	(pc) =	sbr.rel @!p2 .LBB2_17-.Ltmp16, $4  }
0x1ce: {  	_ =	swait.ge [sflag:s26], $0x500  }
0x1cf: {  	[sflag:s26] =	ssyncset.done $0x0  }
0x1d0: {  	s7 =	rddreg [dreg:$0x3];
	[sflag:s26] =	ssyncadd.s32 $0xFFFFFB00  }
0x1d1: {  	_ = 	snop  }
.LBB2_18:
0x1d2: {  	_ =	sfence.sel $0x180000  }
0x1d3: {  	[bflag:$0x0] =	sbarrier.arrive $0xFFFF  }
0x1d4: {  	_ =	strace $0x9000004D  }
0x1d5: {  	s0 =	stileid.u32;
	[bflag:$0x2] =	sbarrier.arrive $0xFFFF  }
0x1d6: {  	p0 =	sne.s32 s0, $0x0;
	s0 =	rddreg [dreg:$0x2]  }
0x1d7: {  	s0 =	sadd.s32 @!p0 $0x100000, s0  }
0x1d8: {  	[sflag:s0] =	ssyncadd.tile.s32 @!p0 $0x1;
	_ =	shalt  }
.Lfunc_end2:
_tile_overlayer_lowered:
.L_overlay_start_2:
0x1d9: {  	(tag) =	ssettag $0x2  }
0x1da: {  	s0 =	rddreg [dreg:$0x0];
	s2 =	stileid.u32  }
0x1db: {  	s1 =	rddreg [dreg:$0x1];
	p0 =	sne.s32 s2, $0x0  }
0x1dc: {  	s3 =	rddreg [dreg:$0x2];
	[bflag:$0x3] =	sbarrier.arrive $0xFFFF;
	s2 =	simm.s32 @!p0 $0x1C07  }
0x1dd: {  	[timem:s3], [sflag:s2] =	dma.local @!p0 [hbm:s0], s1  }
0x1de: {  	s0 =	simm.s32 @!p0 $0x7  }
0x1df: {  	_ =	swait.ge @!p0 [sflag:s0], s1  }
0x1e0: {  	s1 =	ssub.s32 @!p0 $0x0, s1;
	[sflag:s0] =	ssyncset.done @!p0 $0x0  }
0x1e1: {  	[sflag:s0] =	ssyncadd.s32 @!p0 s1  }
0x1e2: {  	[bflag:$0x3] =	sbarrier.arrive $0xFFFF  }
0x1e3: {  	_ =	shalt  }

// kernel: kernel.19.cloned.1.call-start
scs
__scs_entry_jumppad:
0x0: {  	(pc) =	sbr.rel $0x88, $3  }
0x1: {  	(tag) =	ssettag $0x0;
	lr =	simm.s32 $0x1  }
0x2: {  	[smem:$0x3F98] =	sst lr;
	_ =	strace $0xD0000000  }
0x3: {  	_ = 	snop  }
0x4: {  	_ = 	snop  }
0x5: {  	_ = 	snop  }
0x6: {  	_ = 	snop  }
0x7: {  	_ = 	snop  }
__scs_overlays_trampoline_lowered:
0x8: {  	[smem:$0x3FA7] =	sst s0  }
0x9: {  	[smem:$0x3FA8] =	sst s1  }
0xa: {  	[smem:$0x3FA9] =	sst s2  }
0xb: {  	[smem:$0x3FAA] =	sst s3  }
0xc: {  	[smem:$0x3FAB] =	sst s4  }
0xd: {  	[smem:$0x3FAC] =	sst s5  }
0xe: {  	[smem:$0x3FAD] =	sst s6  }
0xf: {  	[smem:$0x3FAE] =	sst s7  }
0x10: {  	[smem:$0x3FAF] =	sst s8  }
0x11: {  	[smem:$0x3FB0] =	sst s9;
	s0 =	simm.s32 @!p0 $0x0  }
0x12: {  	s1 =	sld [smem:$0x3F96];
	s0 =	simm.s32 @p0 $0x1  }
0x13: {  	[smem:$0x3FB1] =	sst s0;
	s0 =	simm.s32 @!p1 $0x0  }
0x14: {  	s2 =	sld [smem:$0x3F95];
	s0 =	simm.s32 @p1 $0x1  }
0x15: {  	[smem:$0x3FB2] =	sst s0;
	s0 =	simm.s32 @!p2 $0x0  }
0x16: {  	s3 =	sld [smem:$0x3FDB];
	s0 =	simm.s32 @p2 $0x1  }
0x17: {  	s4 =	simm.s32 $0x1BF5;
	[smem:$0x3FB4] =	sst s0  }
0x18: {  	s0 =	sld [smem:$0x3F97];
	_ =	swait.ge [sflag:s4], $0x0  }
0x19: {  	s7 =	sld [smem:$0x3F98]  }
0x1a: {  	s8 =	sadd.s32 $0xFFFFE003, lr  }
0x1b: {  	s9 =	sadd.s32 $0xFFFFFEF7, lr;
	s5 =	simm.s32 $0xFFFFFFFF;
	p2 =	slt.u32 s8, $0xFFFFF086  }
0x1c: {  	p1 =	slt.u32 s9, $0xF7A;
	s5 =	simm.s32 @!p2 $0x0  }
0x1d: {  	s5 =	simm.s32 @p1 $0x1;
	p0 =	seq.s32 s7, s2  }
0x1e: {  	s7 =	smul.u32 @!p0 $0xF7A, s2;
	p2 =	seq.s32 @!p0 s5, $0x0  }
0x1f: {  	s9 =	smul.u32 $0xF7A, s1;
	s8 =	simm.s32 @!p0 $0x1BF5;
	p2 =	por !p2, p0  }
0x20: {  	[sflag:s8] =	ssyncset.s32 @!p0 $0xFFFFF086;
	s6 =	sadd.s32 @!p0 s3, s7;
	s7 =	simm.s32 @!p0 $0x108  }
0x21: {  	s3 =	sadd.s32 s3, s9;
	s6 =	sadd.s32 @!p0 $0x88, s6;
	s7 =	simm.s32 @p2 $0x1082  }
0x22: {  	[simem:s7], [sflag:s8] =	dma.local @!p0 [hbm:s6], $0xF7A  }
0x23: {  	s9 =	sor.u32 $0xD0000000, s2;
	s6 =	simm.s32 $0x108;
	_ =	swait.ge @!p0 [sflag:s8], $0x0  }
0x24: {  	s3 =	sadd.s32 $0x88, s3;
	s6 =	simm.s32 @!p1 $0x1082;
	[sflag:s4] =	ssyncset.s32 $0xFFFFF086  }
0x25: {  	[simem:s6], [sflag:s4] =	dma.local [hbm:s3], $0xF7A  }
0x26: {  	[smem:$0x3F98] =	sst s1;
	(tag) =	ssettag s2;
	_ =	strace s9  }
0x27: {  	s1 =	sld [smem:$0x3FA8]  }
0x28: {  	s2 =	sld [smem:$0x3FA9]  }
0x29: {  	s4 =	sld [smem:$0x3FAB]  }
0x2a: {  	p0 =	seq.s32 s5, $0x0;
	s5 =	sld [smem:$0x3FAC]  }
0x2b: {  	s6 =	sld [smem:$0x3FAD]  }
0x2c: {  	s7 =	sld [smem:$0x3FAE]  }
0x2d: {  	s3 =	simm.s32 $0x108;
	s8 =	sld [smem:$0x3FAF]  }
0x2e: {  	s3 =	simm.s32 @!p0 $0x1082;
	s9 =	sld [smem:$0x3FB0]  }
0x2f: {  	lr =	sadd.s32 s0, s3;
	s0 =	sld [smem:$0x3FA7]  }
0x30: {  	s3 =	sld [smem:$0x3FAA]  }
0x31: {  	[smem:$0x3FB3] =	sst s10  }
0x32: {  	s10 =	sld [smem:$0x3FB1];
	_ =	sdelay $0x3  }
0x33: {  	p0 =	seq.s32 s10, $0x1;
	s10 =	sld [smem:$0x3FB3];
	_ =	sdelay $0x3  }
0x34: {  	[smem:$0x3FB3] =	sst s10  }
0x35: {  	s10 =	sld [smem:$0x3FB2];
	_ =	sdelay $0x3  }
0x36: {  	p1 =	seq.s32 s10, $0x1;
	s10 =	sld [smem:$0x3FB3];
	_ =	sdelay $0x3  }
0x37: {  	[smem:$0x3FB3] =	sst s10  }
0x38: {  	s10 =	sld [smem:$0x3FB4]  }
0x39: {  	_ = 	snop;
	(pc) =	sbr.ind lr, $3  }
0x3a: {  	_ = 	snop  }
0x3b: {  	_ = 	snop  }
0x3c: {  	p2 =	seq.s32 s10, $0x1;
	s10 =	sld [smem:$0x3FB3]  }
0x3d: {  	_ =	shalt  }
0x3e: {  	_ =	shalt  }
0x3f: {  	_ =	shalt  }
0x40: {  	_ =	shalt  }
0x41: {  	_ =	shalt  }
0x42: {  	_ =	shalt  }
0x43: {  	_ =	shalt  }
0x44: {  	_ =	shalt  }
0x45: {  	_ =	shalt  }
0x46: {  	_ =	shalt  }
0x47: {  	_ =	shalt  }
0x48: {  	_ =	shalt  }
0x49: {  	_ =	shalt  }
0x4a: {  	_ =	shalt  }
0x4b: {  	_ =	shalt  }
0x4c: {  	_ =	shalt  }
0x4d: {  	_ =	shalt  }
0x4e: {  	_ =	shalt  }
0x4f: {  	_ =	shalt  }
0x50: {  	_ =	shalt  }
0x51: {  	_ =	shalt  }
0x52: {  	_ =	shalt  }
0x53: {  	_ =	shalt  }
0x54: {  	_ =	shalt  }
0x55: {  	_ =	shalt  }
0x56: {  	_ =	shalt  }
0x57: {  	_ =	shalt  }
0x58: {  	_ =	shalt  }
0x59: {  	_ =	shalt  }
0x5a: {  	_ =	shalt  }
0x5b: {  	_ =	shalt  }
0x5c: {  	_ =	shalt  }
0x5d: {  	_ =	shalt  }
0x5e: {  	_ =	shalt  }
0x5f: {  	_ =	shalt  }
0x60: {  	_ =	shalt  }
0x61: {  	_ =	shalt  }
0x62: {  	_ =	shalt  }
0x63: {  	_ =	shalt  }
0x64: {  	_ =	shalt  }
0x65: {  	_ =	shalt  }
0x66: {  	_ =	shalt  }
0x67: {  	_ =	shalt  }
0x68: {  	_ =	shalt  }
0x69: {  	_ =	shalt  }
0x6a: {  	_ =	shalt  }
0x6b: {  	_ =	shalt  }
0x6c: {  	_ =	shalt  }
0x6d: {  	_ =	shalt  }
0x6e: {  	_ =	shalt  }
0x6f: {  	_ =	shalt  }
0x70: {  	_ =	shalt  }
0x71: {  	_ =	shalt  }
0x72: {  	_ =	shalt  }
0x73: {  	_ =	shalt  }
0x74: {  	_ =	shalt  }
0x75: {  	_ =	shalt  }
0x76: {  	_ =	shalt  }
0x77: {  	_ =	shalt  }
0x78: {  	_ =	shalt  }
0x79: {  	_ =	shalt  }
0x7a: {  	_ =	shalt  }
0x7b: {  	_ =	shalt  }
0x7c: {  	_ =	shalt  }
0x7d: {  	_ =	shalt  }
0x7e: {  	_ =	shalt  }
0x7f: {  	_ =	shalt  }
0x80: {  	_ =	shalt  }
0x81: {  	_ =	shalt  }
0x82: {  	_ =	shalt  }
0x83: {  	_ =	shalt  }
0x84: {  	_ =	shalt  }
0x85: {  	_ =	shalt  }
0x86: {  	_ =	shalt  }
0x87: {  	_ =	shalt  }
.Lfunc_end0:
.L_simem_size_0:
called_computation.3_lowered:
.L_overlay_start_0:
0x88: {  	s2 =	sld [smem:$0x3FD9]  }
0x89: {  	s3 =	sld [smem:$0x3FFE];
	_ =	sdelay $0x1  }
0x8a: {  	s1 =	srdreg.scid  }
0x8b: {  	s0 =	sand.u32 $0x1, s1  }
0x8c: {  	s16 =	sshll.u32 s0, $0xA;
	s2 =	sadd.s32 s3, s2  }
0x8d: {  	s2 =	sadd.s32 s2, s16  }
0x8e: {  	[smem:$0x3FBF] =	sst s2  }
0x8f: {  	_ = 	snop  }
0x90: {  	(tm) =	ssettm $0x1  }
0x91: {  	s17 =	sld [smem:$0x3FFB];
	_ =	sdelay $0x3  }
0x92: {  	_ =	strace s17  }
0x93: {  	s2 =	sld [smem:$0x3FFC];
	_ =	sdelay $0x3  }
0x94: {  	_ =	strace s2  }
0x95: {  	s2 =	sld [smem:$0x3FFD];
	_ =	sdelay $0x3  }
0x96: {  	_ =	strace s2  }
0x97: {  	_ =	strace $0x8FFFFFFF  }
0x98: {  	s18 =	sld [smem:$0x3FDB];
	_ =	sdelay $0x1  }
0x99: {  	s19 =	simm.s32 $_scs_section_size  }
0x9a: {  	s4 =	simm.s32 $_size__tile_overlayer_lowered;
	s5 =	simm.s32 $_tile_overlayer_lowered  }
0x9b: {  	s22 =	simm.s32 $0x1BFF;
	s21 =	sshll.u32 s5, $0x1;
	s2 =	sadd.s32 s19, s18  }
0x9c: {  	s6 =	simm.s32 $0x0;
	s20 =	sshll.u32 s4, $0x1;
	s4 =	sadd.s32 s21, s2  }
0x9d: {  	[timem:s6], [sflag:s22] =	dma.local [hbm:s4], s20  }
0x9e: {  	_ =	swait.ge [sflag:s22], s20  }
0x9f: {  	s3 =	ssub.s32 $0x0, s20;
	[sflag:s22] =	ssyncset.done $0x0  }
0xa0: {  	[sflag:s22] =	ssyncadd.s32 s3;
	_ =	sdelay $0x1  }
0xa1: {  	s23 =	simm.s32 $0x1B8B  }
0xa2: {  	_ =	swait.ge [sflag:s23], $0x1  }
0xa3: {  	[sflag:s23] =	ssyncset.done $0x0  }
0xa4: {  	s25 =	simm.s32 $0x1B8E;
	s24 =	sld [smem:$0x3FFE];
	[sflag:s23] =	ssyncadd.s32 $0xFFFFFFFF  }
0xa5: {  	s26 =	simm.s32 $execute0_lowered;
	[smem:$0x3FD2] =	sst s25  }
0xa6: {  	s4 =	sshll.u32 s26, $0x1;
	_ =	strace $0x8000004F;
	[dreg:$0x1] =	wrdreg $0xFFFFFFFF  }
0xa7: {  	s28 =	simm.s32 $_size_execute0_lowered;
	s2 =	sadd.s32 s2, s4;
	[dreg:$0x0] =	wrdreg $0x0  }
0xa8: {  	s4 =	sshll.u32 s28, $0x1;
	[dreg:$0x2] =	wrdreg s2  }
0xa9: {  	[dreg:$0x3] =	wrdreg s4  }
0xaa: {  	[dreg:$0x4] =	wrdreg $0xC0  }
0xab: {  	_ =	task [dreg:s6], $0x5FFFF  }
0xac: {  	[dreg:$0x1] =	wrdreg $0xFFFFFFFF  }
0xad: {  	[dreg:$0x0] =	wrdreg $0x60  }
0xae: {  	[dreg:$0x2] =	wrdreg s24  }
0xaf: {  	[dreg:$0x3] =	wrdreg $0x0  }
0xb0: {  	[dreg:$0x4] =	wrdreg $0x9  }
0xb1: {  	_ =	task.clear_ibuf [dreg:s6], $0x5FFFF;
	_ =	strace $0x9000004F  }
0xb2: {  	s29 =	simm.s32 $0x9;
	_ =	strace $0x80000051  }
0xb3: {  	_ =	swait.ge [sflag:s29], $0x1  }
0xb4: {  	[sflag:s29] =	ssyncadd.s32 $0xFFFFFFFF  }
0xb5: {  	_ =	strace $0x90000051  }
0xb6: {  	_ =	sfence  }
0xb7: {  	s30 =	sld [smem:$0x0];
	_ =	sdelay $0x2  }
0xb8: {  	s31 =	sshll.u32 s1, $0xD;
	s1 =	sshrl.u32 s1, $0x2  }
0xb9: {  	s3 =	sand.u32 $0x4000, s31;
	s1 =	sadd.s32 s1, s30  }
0xba: {  	s0 =	sor.u32 s3, s0;
	s1 =	sshll.u32 s1, $0x11  }
0xbb: {  	s0 =	sor.u32 s1, s0  }
0xbc: {  	s0 =	sadd.s32 $0x8F2B, s0  }
0xbd: {  	[sflag:s0] =	ssyncadd.remote.s32 $0x1  }
0xbe: {  	_ =	sfence.sel $0xFFFF  }
0xbf: {  	[dreg:$0x0] =	wrdreg $0xFFFFFFFF;
	(pc) =	sbr.abs _section_cstart, $3  }
0xc0: {  	[dreg:$0x1] =	wrdreg $0xFFFFFFFF  }
0xc1: {  	_ =	task.clear_ibuf [dreg:s6], $0x2FFFF;
	_ =	strace $0x9FFFFFFF  }
0xc2: {  	(tm) =	ssettm $0x7FFFFFFF  }
0xc3: {  	_ =	shalt  }
tec
execute0_lowered:
.L_overlay_start_1:
0x0: {  	(tag) =	ssettag $0x1  }
0x1: {  	s0 =	rddreg [dreg:$0x0]  }
0x2: {  	s1 =	rddreg [dreg:$0x1];
	s2 =	simm.s32 $0x0;
	s5 =	srdreg.scid  }
0x3: {  	s15 =	stileid.u32;
	[smem:$0x7FF] =	sst s2;
	s3 =	sadd.s32 $0x17C00, s0  }
0x4: {  	s4 =	sadd.s32 $0x3EE00, s0;
	s5 =	sand.u32 $0x1, s5;
	s6 =	sadd.s32 $0x4000, s0  }
0x5: {  	s7 =	sadd.s32 $0xDE00, s0;
	s16 =	sadd.s32 $0xBF000, s0;
	s17 =	sadd.s32 $0xE6200, s0  }
0x6: {  	s10 =	sshll.u32 s15, $0x4;
	s26 =	smul.u32 $0xA000, s15;
	s11 =	sor.u32 $0x10, s15  }
0x7: {  	s31 =	sor.u32 $0x40, s15;
	s12 =	sor.u32 $0x20, s15;
	s18 =	sor.u32 $0x50, s15  }
0x8: {  	s22 =	sor.u32 $0x60, s15;
	_ =	strace $0x80000050;
	s28 =	smul.u32 $0xA000, s11  }
0x9: {  	s8 =	ssub.s32 $0x2, s5;
	p0 =	seq.s32 s5, $0x1;
	s13 =	smul.u32 $0xA000, s12  }
0xa: {  	s25 =	sor.u32 $0x100, s10;
	s20 =	smul.u32 $0xA000, s31;
	[dreg:$0x7] =	wrdreg s18  }
0xb: {  	s21 =	smul.u32 $0xA000, s18;
	[dreg:$0x3] =	wrdreg s16;
	s9 =	sshrl.u32 s8, $0x1  }
0xc: {  	[dreg:$0x4] =	wrdreg s17;
	s5 =	sadd.s32 s7, s25;
	s24 =	ssub.s32 s8, s9  }
0xd: {  	s8 =	sadd.s32 s6, s10;
	s9 =	sadd.s32 s7, s10;
	s6 =	sadd.s32 s6, s25  }
0xe: {  	[dreg:$0x6] =	wrdreg s5;
	s7 =	smul.u32 $0x500, s11;
	s10 =	sshrl.u32 s26, $0x2  }
0xf: {  	s11 =	smul.u32 $0x500, s12;
	s12 =	sor.u32 $0x30, s15;
	s5 =	sshrl.u32 s28, $0x2  }
0x10: {  	s26 =	smul.u32 $0x500, s15;
	[dreg:$0x5] =	wrdreg s6;
	s0 =	smax.u32 s24, $0x1  }
0x11: {  	s10 =	sadd.s32 s10, s1;
	s14 =	smul.u32 $0xA000, s12;
	[dreg:$0x8] =	wrdreg s0  }
0x12: {  	s5 =	sadd.s32 s5, s1;
	s6 =	smul.u32 $0x500, s31;
	[dreg:$0x9] =	wrdreg s10  }
0x13: {  	[dreg:$0xa] =	wrdreg s5;
	s0 =	sshrl.u32 s13, $0x2;
	s5 =	smul.u32 $0x500, s12  }
0x14: {  	s10 =	sshrl.u32 s20, $0x2;
	s13 =	smul.u32 $0xA000, s22;
	s28 =	sadd.s32 s3, s26  }
0x15: {  	s12 =	smul.u32 $0x500, s22;
	s31 =	sadd.s32 s16, s26;
	[dreg:$0x12] =	wrdreg s28  }
0x16: {  	s20 =	sadd.s32 s16, s7;
	s22 =	sadd.s32 s17, s7;
	[dreg:$0x13] =	wrdreg s31  }
0x17: {  	s0 =	sadd.s32 s0, s1;
	s19 =	sshrl.u32 s14, $0x2;
	[dreg:$0x17] =	wrdreg s20  }
0x18: {  	s14 =	sor.u32 $0x70, s15;
	s10 =	sadd.s32 s10, s1;
	[dreg:$0x19] =	wrdreg s22  }
0x19: {  	s15 =	sadd.s32 s17, s26;
	s31 =	smul.u32 $0x500, s18;
	[dreg:$0xb] =	wrdreg s0  }
0x1a: {  	s18 =	sadd.s32 s4, s6;
	s0 =	sadd.s32 s19, s1;
	[dreg:$0xd] =	wrdreg s10  }
0x1b: {  	s23 =	smul.u32 $0xA000, s14;
	s24 =	sshrl.u32 s13, $0x2;
	[dreg:$0x15] =	wrdreg s15  }
0x1c: {  	p1 =	sgt.u32 s14, $0x7C;
	p2 =	slt.u32 s14, $0x7D;
	[smem:$0x7F2] =	sst s18  }
0x1d: {  	s13 =	smul.u32 $0x500, s14;
	s14 =	sadd.s32 s4, s26;
	[dreg:$0xc] =	wrdreg s0  }
0x1e: {  	s19 =	sadd.s32 s3, s7;
	[dreg:$0x14] =	wrdreg s14  }
0x1f: {  	s26 =	sadd.s32 s17, s11;
	[dreg:$0x16] =	wrdreg s19  }
0x20: {  	s28 =	sadd.s32 s3, s5;
	[dreg:$0x1d] =	wrdreg s26  }
0x21: {  	s10 =	sadd.s32 s16, s5;
	[dreg:$0x1e] =	wrdreg s28  }
0x22: {  	s15 =	sadd.s32 s16, s6;
	[dreg:$0x1f] =	wrdreg s10  }
0x23: {  	s0 =	sshrl.u32 s21, $0x2;
	s21 =	sadd.s32 s4, s7;
	[smem:$0x7F1] =	sst s15  }
0x24: {  	s14 =	sadd.s32 s3, s6;
	[dreg:$0x18] =	wrdreg s21  }
0x25: {  	s19 =	sadd.s32 s17, s6;
	[smem:$0x7F0] =	sst s14  }
0x26: {  	s20 =	sadd.s32 s3, s31;
	[smem:$0x7F3] =	sst s19  }
0x27: {  	s22 =	sadd.s32 s4, s31;
	[smem:$0x7F4] =	sst s20  }
0x28: {  	s26 =	sadd.s32 s17, s12;
	[smem:$0x7F6] =	sst s22  }
0x29: {  	[smem:$0x7FB] =	sst s26  }
0x2a: {  	s0 =	sadd.s32 s0, s1;
	[dreg:$0x11] =	wrdreg s13  }
0x2b: {  	s25 =	sshrl.u32 s23, $0x2;
	s23 =	sadd.s32 s3, s11;
	[dreg:$0xe] =	wrdreg s0  }
0x2c: {  	s21 =	sadd.s32 s16, s31;
	[dreg:$0x1a] =	wrdreg s23  }
0x2d: {  	s28 =	sadd.s32 s3, s13;
	[smem:$0x7F5] =	sst s21  }
0x2e: {  	s0 =	sadd.s32 s24, s1;
	[smem:$0x7FC] =	sst s28  }
0x2f: {  	s24 =	sadd.s32 s16, s11;
	[dreg:$0xf] =	wrdreg s0  }
0x30: {  	s23 =	sadd.s32 s3, s12;
	[dreg:$0x1b] =	wrdreg s24  }
0x31: {  	s29 =	simm.s32 $0x13A80;
	s0 =	sadd.s32 s25, s1;
	[smem:$0x7F8] =	sst s23  }
0x32: {  	s30 =	simm.s32 $0x13900;
	s25 =	sadd.s32 s4, s11;
	[dreg:$0x10] =	wrdreg s0  }
0x33: {  	s26 =	simm.s32 $0x7;
	s11 =	sadd.s32 s4, s5;
	[dreg:$0x1c] =	wrdreg s25  }
0x34: {  	s22 =	simm.s32 $0x1;
	s5 =	sadd.s32 s17, s5;
	[smem:$0x7EE] =	sst s11  }
.Ltmp0:
0x35: {  	s24 =	sadd.s32 s16, s12;
	[smem:$0x7EF] =	sst s5;
	(pc) =	sbr.rel .LBB2_1-.Ltmp0, $4  }
0x36: {  	s23 =	simm.s32 $0x13C80;
	s0 =	sadd.s32 s17, s31;
	[smem:$0x7F9] =	sst s24  }
0x37: {  	s25 =	sadd.s32 s4, s12;
	s31 =	sadd.s32 s4, s13;
	[smem:$0x7F7] =	sst s0  }
0x38: {  	s24 =	simm.s32 $0x4;
	s5 =	simm.s32 $0x8;
	[smem:$0x7FA] =	sst s25  }
0x39: {  	[smem:$0x7FD] =	sst s31;
	s0 =	simm.s32 $0x80;
	s25 =	simm.s32 $0x17C80  }
.LBB2_16:
0x3a: {  	s10 =	rddreg [dreg:$0x11]  }
0x3b: {  	s31 =	rddreg [dreg:$0x10]  }
0x3c: {  	s7 =	sadd.s32 s7, s10;
	s10 =	sshrl.u32 s31, $0x3  }
0x3d: {  	[hbm:s7], [sflag:s6] =	dma.local [spmem:s10], $0x500  }
0x3e: {  	_ =	swait.ge [sflag:s26], $0x500  }
0x3f: {  	[sflag:s26] =	ssyncset.done $0x0  }
0x40: {  	[sflag:s26] =	ssyncadd.s32 $0xFFFFFB00  }
.LBB2_17:
0x41: {  	s2 =	sadd.s32 $0x1, s2;
	s6 =	rddreg [dreg:$0x8]  }
0x42: {  	p3 =	sne.s32 s2, s6  }
.Ltmp1:
0x43: {  	_ = 	snop;
	(pc) =	sbr.rel @!p3 .LBB2_18-.Ltmp1, $1  }
0x44: {  	_ =	sdelay $0x3  }
.LBB2_1:
.Ltmp2:
0x45: {  	(pc) =	sbr.rel @!p0 .LBB2_2-.Ltmp2, $4  }
0x46: {  	_ = 	snop  }
0x47: {  	s6 =	stileid.u32;
	s7 =	rddreg [dreg:$0x9]  }
0x48: {  	s10 =	rddreg [dreg:$0x10];
	s6 =	sshll.u32 s6, $0x6  }
0x49: {  	s7 =	sshrl.u32 s7, $0x3;
	s12 =	sshrl.u32 @!p1 s10, $0x3;
	s6 =	sor.u32 $0x1C07, s6  }
0x4a: {  	s10 =	rddreg [dreg:$0x14]  }
0x4b: {  	[spmem:s7], [sflag:s6] =	dma.local [hbm:s10], $0x500  }
0x4c: {  	_ =	swait.ge [sflag:s26], $0x500  }
0x4d: {  	s16 =	rddreg [dreg:$0xa]  }
0x4e: {  	[sflag:s26] =	ssyncset.done $0x0;
	s17 =	rddreg [dreg:$0x18];
	s11 =	sshrl.u32 s16, $0x3  }
0x4f: {  	[sflag:s26] =	ssyncadd.s32 $0xFFFFFB00;
	[smem:$0x7EA] =	sst s11  }
0x50: {  	[spmem:s11], [sflag:s6] =	dma.local [hbm:s17], $0x500  }
0x51: {  	_ =	swait.ge [sflag:s26], $0x500  }
0x52: {  	s18 =	rddreg [dreg:$0xb]  }
0x53: {  	[sflag:s26] =	ssyncset.done $0x0;
	s20 =	rddreg [dreg:$0x1c];
	s19 =	sshrl.u32 s18, $0x3  }
0x54: {  	[sflag:s26] =	ssyncadd.s32 $0xFFFFFB00;
	[smem:$0x7EB] =	sst s19  }
0x55: {  	[spmem:s19], [sflag:s6] =	dma.local [hbm:s20], $0x500  }
0x56: {  	_ =	swait.ge [sflag:s26], $0x500  }
0x57: {  	s28 =	sld [smem:$0x7EE]  }
0x58: {  	[sflag:s26] =	ssyncset.done $0x0;
	s21 =	rddreg [dreg:$0xc]  }
0x59: {  	[sflag:s26] =	ssyncadd.s32 $0xFFFFFB00;
	s13 =	sshrl.u32 s21, $0x3  }
0x5a: {  	[spmem:s13], [sflag:s6] =	dma.local [hbm:s28], $0x500  }
0x5b: {  	_ =	swait.ge [sflag:s26], $0x500  }
0x5c: {  	s11 =	sld [smem:$0x7F2]  }
0x5d: {  	[sflag:s26] =	ssyncset.done $0x0;
	s31 =	rddreg [dreg:$0xd]  }
0x5e: {  	[sflag:s26] =	ssyncadd.s32 $0xFFFFFB00;
	s14 =	sshrl.u32 s31, $0x3  }
0x5f: {  	[spmem:s14], [sflag:s6] =	dma.local [hbm:s11], $0x500  }
0x60: {  	_ =	swait.ge [sflag:s26], $0x500  }
0x61: {  	s16 =	sld [smem:$0x7F6]  }
0x62: {  	[sflag:s26] =	ssyncset.done $0x0;
	s15 =	rddreg [dreg:$0xe]  }
0x63: {  	[sflag:s26] =	ssyncadd.s32 $0xFFFFFB00;
	s15 =	sshrl.u32 s15, $0x3  }
0x64: {  	[spmem:s15], [sflag:s6] =	dma.local [hbm:s16], $0x500  }
0x65: {  	_ =	swait.ge [sflag:s26], $0x500  }
0x66: {  	s18 =	sld [smem:$0x7FA]  }
0x67: {  	[sflag:s26] =	ssyncset.done $0x0;
	s17 =	rddreg [dreg:$0xf]  }
0x68: {  	[sflag:s26] =	ssyncadd.s32 $0xFFFFFB00;
	s16 =	sshrl.u32 s17, $0x3  }
0x69: {  	[spmem:s16], [sflag:s6] =	dma.local [hbm:s18], $0x500  }
0x6a: {  	_ =	swait.ge [sflag:s26], $0x500  }
0x6b: {  	s10 =	sld [smem:$0x7FD]  }
0x6c: {  	[sflag:s26] =	ssyncset.done $0x0  }
0x6d: {  	[sflag:s26] =	ssyncadd.s32 $0xFFFFFB00  }
0x6e: {  	[spmem:s12], [sflag:s6] =	dma.local @!p1 [hbm:s10], $0x500  }
0x6f: {  	s12 =	simm.s32 @!p1 $0x7  }
0x70: {  	_ =	swait.ge @!p1 [sflag:s12], $0x500  }
0x71: {  	[sflag:s12] =	ssyncset.done @!p1 $0x0  }
0x72: {  	[sflag:s12] =	ssyncadd.s32 @!p1 $0xFFFFFB00  }
0x73: {  	s19 =	simm.s32 $0x13880;
	s17 =	simm.s32 $0x0;
	[bflag:$0x0] =	sbarrier.arrive $0xFFFF  }
0x74: {  	[tilespmem:s19], [sflag:$0x3] =	stream.linear.gather [hbm4b:s8+s17], $0x80, $0x38;
	[tilespmem:$0x1BC80] =	vst v63  }
0x75: {  	_ = 	snop  }
0x76: {  	[tilespmem:s29], [sflag:$0x3] =	stream.linear.gather [hbm4b:s9+s17], $0x80, $0x38;
	[tilespmem:$0x1BC80] =	vst v63  }
0x77: {  	s20 =	rddreg [dreg:$0x5]  }
0x78: {  	[tilespmem:s30], [sflag:$0x4] =	stream.linear.gather [hbm4b:s20+s17], $0x80, $0x38;
	[tilespmem:$0x1BC80] =	vst v63  }
0x79: {  	s28 =	simm.s32 $0x13B00;
	s31 =	simm.s32 $0x3;
	s21 =	rddreg [dreg:$0x6]  }
0x7a: {  	[tilespmem:s28], [sflag:$0x4] =	stream.linear.gather [hbm4b:s21+s17], $0x80, $0x38;
	[tilespmem:$0x1BC80] =	vst v63  }
0x7b: {  	_ =	swait.ge [sflag:s31], $0x80  }
0x7c: {  	[sflag:s31] =	ssyncset.done $0x0  }
.Ltmp3:
0x7d: {  	[sflag:s31] =	ssyncadd.s32 $0xFFFFFF80;
	(pc) =	sbr.rel .LBB2_10-.Ltmp3, $4  }
0x7e: {  	_ =	swait.ge [sflag:s31], $0x80  }
0x7f: {  	[sflag:s31] =	ssyncset.done $0x0  }
0x80: {  	s12 =	rddreg [dreg:$0x7];
	[sflag:s31] =	ssyncadd.s32 $0xFFFFFF80  }
0x81: {  	[tilespmem:s23], [sflag:$0x1] =	stream.indirect.gather [hbm4b:s4+s0], $0x80, s19, s0, $0xb8;
	[tilespmem:$0x1BC80] =	vst v63  }
.LBB2_11:
0x82: {  	_ =	swait.ge [sflag:s24], $0x80  }
0x83: {  	[sflag:s24] =	ssyncset.done $0x0  }
0x84: {  	[sflag:s24] =	ssyncadd.s32 $0xFFFFFF80  }
0x85: {  	_ =	swait.ge [sflag:s24], $0x80  }
0x86: {  	[sflag:s24] =	ssyncset.done $0x0  }
0x87: {  	[sflag:s24] =	ssyncadd.s32 $0xFFFFFF80  }
0x88: {  	[tilespmem:s25], [sflag:$0x2] =	stream.indirect.gather [hbm4b:s4+s0], $0x80, s30, s0, $0xb8;
	[tilespmem:$0x1BC80] =	vst v63  }
.LBB2_13:
0x89: {  	_ =	swait.ge [sflag:s22], $0x4000  }
0x8a: {  	[sflag:s22] =	ssyncset.done $0x0  }
0x8b: {  	[sflag:s22] =	ssyncadd.s32 $0xFFFFC000  }
0x8c: {  	[spmem:s1] =	stream.indirect.scatter.add.f32 [tilespmem:s23], [sflag:$0x8], $0x80, s29, s0, $0xb8;
	[tilespmem:$0x1BC80] =	vst v63  }
0x8d: {  	_ =	swait.ge [sflag:s5], $0x4000  }
0x8e: {  	[sflag:s5] =	ssyncset.done $0x0  }
0x8f: {  	[sflag:s5] =	ssyncadd.s32 $0xFFFFC000  }
.LBB2_14:
0x90: {  	s18 =	sadd.s32 $0xFFFFFFE0, s12  }
0x91: {  	p4 =	sgt.u32 s18, $0x9C3  }
0x92: {  	s18 =	sadd.s32 @!p4 s17, s8  }
0x93: {  	s20 =	simm.s32 @!p4 $0x0;
	s21 =	simm.s32 @!p4 $0x13A00;
	s18 =	sadd.s32 @!p4 $0x300, s18  }
0x94: {  	[tilespmem:s21], [sflag:$0x6] =	stream.linear.gather @!p4 [hbm4b:s18+s20], $0x80, $0x38;
	[tilespmem:$0x1BC80] =	vst v63  }
0x95: {  	s18 =	sadd.s32 @!p4 s17, s9  }
0x96: {  	s19 =	simm.s32 @!p4 $0x13C00;
	s18 =	sadd.s32 @!p4 $0x300, s18  }
0x97: {  	[tilespmem:s19], [sflag:$0x6] =	stream.linear.gather @!p4 [hbm4b:s18+s20], $0x80, $0x38;
	[tilespmem:$0x1BC80] =	vst v63  }
0x98: {  	s18 =	simm.s32 @!p3 $0x5  }
0x99: {  	_ =	swait.ge @!p3 [sflag:s18], $0x80  }
0x9a: {  	[sflag:s18] =	ssyncset.done @!p3 $0x0  }
0x9b: {  	[sflag:s18] =	ssyncadd.s32 @!p3 $0xFFFFFF80  }
0x9c: {  	_ =	swait.ge @!p3 [sflag:s18], $0x80  }
0x9d: {  	s28 =	simm.s32 @!p3 $0x13C80;
	[sflag:s18] =	ssyncset.done @!p3 $0x0  }
0x9e: {  	s20 =	simm.s32 @!p3 $0x13980;
	[sflag:s18] =	ssyncadd.s32 @!p3 $0xFFFFFF80;
	s18 =	simm.s32 @!p3 $0x80  }
0x9f: {  	[tilespmem:s28], [sflag:$0x1] =	stream.indirect.gather @!p3 [hbm4b:s4+s18], $0x80, s20, s18, $0xb8;
	[tilespmem:$0x1BC80] =	vst v63  }
0xa0: {  	s20 =	simm.s32 @!p5 $0x2  }
0xa1: {  	_ =	swait.ge @!p5 [sflag:s20], $0x4000  }
0xa2: {  	s31 =	simm.s32 @!p5 $0x13B00;
	[sflag:s20] =	ssyncset.done @!p5 $0x0  }
0xa3: {  	s10 =	simm.s32 @!p5 $0x17C80;
	[sflag:s20] =	ssyncadd.s32 @!p5 $0xFFFFC000;
	s20 =	simm.s32 @!p5 $0x80  }
0xa4: {  	[spmem:s1] =	stream.indirect.scatter.add.f32 @!p5 [tilespmem:s10], [sflag:$0x8], $0x80, s31, s20, $0xb8;
	[tilespmem:$0x1BC80] =	vst v63  }
0xa5: {  	s10 =	simm.s32 @!p5 $0x8  }
0xa6: {  	s31 =	sadd.s32 $0xFFFFFFF0, s12;
	_ =	swait.ge @!p5 [sflag:s10], $0x4000  }
0xa7: {  	p6 =	sgt.u32 s31, $0x9C3;
	[sflag:s10] =	ssyncset.done @!p5 $0x0  }
0xa8: {  	[sflag:s10] =	ssyncadd.s32 @!p5 $0xFFFFC000;
	s10 =	sadd.s32 @!p6 s17, s8  }
0xa9: {  	s20 =	simm.s32 @!p6 $0x0;
	s31 =	simm.s32 @!p6 $0x13880;
	s10 =	sadd.s32 @!p6 $0x400, s10  }
0xaa: {  	[tilespmem:s31], [sflag:$0x3] =	stream.linear.gather @!p6 [hbm4b:s10+s20], $0x80, $0x38;
	[tilespmem:$0x1BC80] =	vst v63  }
0xab: {  	s10 =	sadd.s32 @!p6 s17, s9  }
0xac: {  	s11 =	simm.s32 @!p6 $0x13A80;
	s10 =	sadd.s32 @!p6 $0x400, s10  }
0xad: {  	[tilespmem:s11], [sflag:$0x3] =	stream.linear.gather @!p6 [hbm4b:s10+s20], $0x80, $0x38;
	[tilespmem:$0x1BC80] =	vst v63  }
0xae: {  	s10 =	simm.s32 @!p4 $0x6  }
0xaf: {  	_ =	swait.ge @!p4 [sflag:s10], $0x80  }
0xb0: {  	[sflag:s10] =	ssyncset.done @!p4 $0x0  }
0xb1: {  	[sflag:s10] =	ssyncadd.s32 @!p4 $0xFFFFFF80  }
0xb2: {  	_ =	swait.ge @!p4 [sflag:s10], $0x80  }
0xb3: {  	s11 =	simm.s32 @!p4 $0x17C80;
	[sflag:s10] =	ssyncset.done @!p4 $0x0  }
0xb4: {  	s20 =	simm.s32 @!p3 $0x1;
	[sflag:s10] =	ssyncadd.s32 @!p4 $0xFFFFFF80;
	s10 =	simm.s32 @!p4 $0x80  }
0xb5: {  	[tilespmem:s11], [sflag:$0x2] =	stream.indirect.gather @!p4 [hbm4b:s4+s10], $0x80, s21, s10, $0xb8;
	[tilespmem:$0x1BC80] =	vst v63  }
0xb6: {  	_ =	swait.ge @!p3 [sflag:s20], $0x4000  }
0xb7: {  	[sflag:s20] =	ssyncset.done @!p3 $0x0  }
0xb8: {  	[sflag:s20] =	ssyncadd.s32 @!p3 $0xFFFFC000;
	s20 =	simm.s32 @!p3 $0x13B80  }
0xb9: {  	[spmem:s1] =	stream.indirect.scatter.add.f32 @!p3 [tilespmem:s28], [sflag:$0x8], $0x80, s20, s18, $0xb8;
	[tilespmem:$0x1BC80] =	vst v63  }
0xba: {  	s18 =	simm.s32 @!p3 $0x8  }
0xbb: {  	_ =	swait.ge @!p3 [sflag:s18], $0x4000  }
0xbc: {  	p5 =	sgt.u32 s12, $0x9C3;
	[sflag:s18] =	ssyncset.done @!p3 $0x0  }
0xbd: {  	[sflag:s18] =	ssyncadd.s32 @!p3 $0xFFFFC000;
	s18 =	sadd.s32 @!p5 s17, s8  }
0xbe: {  	s21 =	simm.s32 @!p5 $0x13900;
	s20 =	simm.s32 @!p5 $0x0;
	s18 =	sadd.s32 @!p5 $0x500, s18  }
0xbf: {  	[tilespmem:s21], [sflag:$0x4] =	stream.linear.gather @!p5 [hbm4b:s18+s20], $0x80, $0x38;
	[tilespmem:$0x1BC80] =	vst v63  }
0xc0: {  	s18 =	sadd.s32 @!p5 s17, s9  }
0xc1: {  	s21 =	simm.s32 @!p5 $0x13B00;
	s18 =	sadd.s32 @!p5 $0x500, s18  }
0xc2: {  	[tilespmem:s21], [sflag:$0x4] =	stream.linear.gather @!p5 [hbm4b:s18+s20], $0x80, $0x38;
	[tilespmem:$0x1BC80] =	vst v63  }
0xc3: {  	s18 =	simm.s32 @!p6 $0x3  }
0xc4: {  	_ =	swait.ge @!p6 [sflag:s18], $0x80  }
0xc5: {  	[sflag:s18] =	ssyncset.done @!p6 $0x0  }
0xc6: {  	[sflag:s18] =	ssyncadd.s32 @!p6 $0xFFFFFF80  }
0xc7: {  	_ =	swait.ge @!p6 [sflag:s18], $0x80  }
0xc8: {  	[sflag:s18] =	ssyncset.done @!p6 $0x0  }
0xc9: {  	s20 =	simm.s32 @!p6 $0x13C80;
	[sflag:s18] =	ssyncadd.s32 @!p6 $0xFFFFFF80;
	s18 =	simm.s32 @!p6 $0x80  }
0xca: {  	[tilespmem:s20], [sflag:$0x1] =	stream.indirect.gather @!p6 [hbm4b:s4+s18], $0x80, s31, s18, $0xb8;
	[tilespmem:$0x1BC80] =	vst v63  }
0xcb: {  	s18 =	simm.s32 @!p4 $0x2  }
0xcc: {  	_ =	swait.ge @!p4 [sflag:s18], $0x4000  }
0xcd: {  	s17 =	sadd.s32 $0x400, s17;
	[sflag:s18] =	ssyncset.done @!p4 $0x0  }
0xce: {  	p3 =	sne.s32 s17, $0xA000;
	[sflag:s18] =	ssyncadd.s32 @!p4 $0xFFFFC000  }
0xcf: {  	[spmem:s1] =	stream.indirect.scatter.add.f32 @!p4 [tilespmem:s11], [sflag:$0x7], $0x80, s19, s10, $0xb8;
	[tilespmem:$0x1BC80] =	vst v63  }
.Ltmp4:
0xd0: {  	_ = 	snop;
	(pc) =	sbr.rel @!p3 .LBB2_15-.Ltmp4, $4  }
0xd1: {  	s10 =	simm.s32 @!p4 $0x7  }
0xd2: {  	_ =	swait.ge @!p4 [sflag:s10], $0x4000  }
0xd3: {  	[sflag:s10] =	ssyncset.done @!p4 $0x0  }
0xd4: {  	s12 =	sadd.s32 $0x40, s12;
	[sflag:s10] =	ssyncadd.s32 @!p4 $0xFFFFC000  }
.LBB2_10:
0xd5: {  	s18 =	sadd.s32 $0xFFFFFFD0, s12  }
0xd6: {  	p3 =	sgt.u32 s18, $0x9C3  }
0xd7: {  	s18 =	sadd.s32 @!p3 s17, s8  }
0xd8: {  	s20 =	simm.s32 @!p3 $0x0;
	s19 =	simm.s32 @!p3 $0x13980;
	s18 =	sadd.s32 @!p3 $0x200, s18  }
0xd9: {  	[tilespmem:s19], [sflag:$0x5] =	stream.linear.gather @!p3 [hbm4b:s18+s20], $0x80, $0x38;
	[tilespmem:$0x1BC80] =	vst v63  }
0xda: {  	s19 =	sadd.s32 $0xFFFFFFB0, s12  }
0xdb: {  	p5 =	sgt.u32 s19, $0x9B3  }
.Ltmp5:
0xdc: {  	_ = 	snop;
	(pc) =	sbr.rel @!p5 .LBB2_11-.Ltmp5, $4  }
0xdd: {  	_ = 	snop  }
0xde: {  	s18 =	sadd.s32 @!p3 s17, s9  }
0xdf: {  	s21 =	simm.s32 @!p3 $0x13B80;
	s18 =	sadd.s32 @!p3 $0x200, s18  }
0xe0: {  	[tilespmem:s21], [sflag:$0x5] =	stream.linear.gather @!p3 [hbm4b:s18+s20], $0x80, $0x38;
	[tilespmem:$0x1BC80] =	vst v63  }
0xe1: {  	p4 =	sgt.u32 s19, $0x9C3  }
.Ltmp6:
0xe2: {  	_ = 	snop;
	(pc) =	sbr.rel @p4 .LBB2_14-.Ltmp6, $4  }
.Ltmp7:
0xe3: {  	_ = 	snop;
	(pc) =	sbr.rel @!p4 .LBB2_13-.Ltmp7, $4  }
0xe4: {  	_ = 	snop  }
0xe5: {  	_ = 	snop  }
0xe6: {  	_ = 	snop  }
0xe7: {  	_ = 	snop  }
.LBB2_2:
0xe8: {  	s10 =	rddreg [dreg:$0x12]  }
0xe9: {  	[spmem:s7], [sflag:s6] =	dma.local [hbm:s10], $0x500  }
0xea: {  	_ =	swait.ge [sflag:s26], $0x500  }
0xeb: {  	s16 =	rddreg [dreg:$0xa]  }
0xec: {  	[sflag:s26] =	ssyncset.done $0x0;
	s17 =	rddreg [dreg:$0x16];
	s11 =	sshrl.u32 s16, $0x3  }
0xed: {  	[sflag:s26] =	ssyncadd.s32 $0xFFFFFB00;
	[smem:$0x7EC] =	sst s11  }
0xee: {  	[spmem:s11], [sflag:s6] =	dma.local [hbm:s17], $0x500  }
0xef: {  	_ =	swait.ge [sflag:s26], $0x500  }
0xf0: {  	s18 =	rddreg [dreg:$0xb]  }
0xf1: {  	[sflag:s26] =	ssyncset.done $0x0;
	s20 =	rddreg [dreg:$0x1a];
	s19 =	sshrl.u32 s18, $0x3  }
0xf2: {  	[sflag:s26] =	ssyncadd.s32 $0xFFFFFB00;
	[smem:$0x7ED] =	sst s19  }
0xf3: {  	[spmem:s19], [sflag:s6] =	dma.local [hbm:s20], $0x500  }
0xf4: {  	_ =	swait.ge [sflag:s26], $0x500  }
0xf5: {  	[sflag:s26] =	ssyncset.done $0x0;
	s21 =	rddreg [dreg:$0xc]  }
0xf6: {  	s28 =	rddreg [dreg:$0x1e];
	[sflag:s26] =	ssyncadd.s32 $0xFFFFFB00;
	s13 =	sshrl.u32 s21, $0x3  }
0xf7: {  	[spmem:s13], [sflag:s6] =	dma.local [hbm:s28], $0x500  }
0xf8: {  	_ =	swait.ge [sflag:s26], $0x500  }
0xf9: {  	s11 =	sld [smem:$0x7F0]  }
0xfa: {  	[sflag:s26] =	ssyncset.done $0x0;
	s31 =	rddreg [dreg:$0xd]  }
0xfb: {  	[sflag:s26] =	ssyncadd.s32 $0xFFFFFB00;
	s14 =	sshrl.u32 s31, $0x3  }
0xfc: {  	[spmem:s14], [sflag:s6] =	dma.local [hbm:s11], $0x500  }
0xfd: {  	_ =	swait.ge [sflag:s26], $0x500  }
0xfe: {  	s16 =	sld [smem:$0x7F4]  }
0xff: {  	[sflag:s26] =	ssyncset.done $0x0;
	s15 =	rddreg [dreg:$0xe]  }
0x100: {  	[sflag:s26] =	ssyncadd.s32 $0xFFFFFB00;
	s15 =	sshrl.u32 s15, $0x3  }
0x101: {  	[spmem:s15], [sflag:s6] =	dma.local [hbm:s16], $0x500  }
0x102: {  	_ =	swait.ge [sflag:s26], $0x500  }
0x103: {  	s18 =	sld [smem:$0x7F8]  }
0x104: {  	[sflag:s26] =	ssyncset.done $0x0;
	s17 =	rddreg [dreg:$0xf]  }
0x105: {  	[sflag:s26] =	ssyncadd.s32 $0xFFFFFB00;
	s16 =	sshrl.u32 s17, $0x3  }
0x106: {  	[spmem:s16], [sflag:s6] =	dma.local [hbm:s18], $0x500  }
0x107: {  	_ =	swait.ge [sflag:s26], $0x500  }
0x108: {  	s10 =	sld [smem:$0x7FC]  }
0x109: {  	[sflag:s26] =	ssyncset.done $0x0  }
0x10a: {  	[sflag:s26] =	ssyncadd.s32 $0xFFFFFB00  }
0x10b: {  	[spmem:s12], [sflag:s6] =	dma.local @!p1 [hbm:s10], $0x500  }
0x10c: {  	s12 =	simm.s32 @!p1 $0x7  }
0x10d: {  	_ =	swait.ge @!p1 [sflag:s12], $0x500  }
0x10e: {  	[sflag:s12] =	ssyncset.done @!p1 $0x0  }
0x10f: {  	[sflag:s12] =	ssyncadd.s32 @!p1 $0xFFFFFB00  }
0x110: {  	s19 =	simm.s32 $0x13880;
	s17 =	simm.s32 $0x0;
	[bflag:$0x0] =	sbarrier.arrive $0xFFFF  }
0x111: {  	[tilespmem:s19], [sflag:$0x3] =	stream.linear.gather [hbm4b:s8+s17], $0x80, $0x38;
	[tilespmem:$0x1BC80] =	vst v63  }
0x112: {  	_ = 	snop  }
0x113: {  	[tilespmem:s29], [sflag:$0x3] =	stream.linear.gather [hbm4b:s9+s17], $0x80, $0x38;
	[tilespmem:$0x1BC80] =	vst v63  }
0x114: {  	s20 =	rddreg [dreg:$0x5]  }
0x115: {  	[tilespmem:s30], [sflag:$0x4] =	stream.linear.gather [hbm4b:s20+s17], $0x80, $0x38;
	[tilespmem:$0x1BC80] =	vst v63  }
0x116: {  	s28 =	simm.s32 $0x13B00;
	s31 =	simm.s32 $0x3;
	s21 =	rddreg [dreg:$0x6]  }
0x117: {  	[tilespmem:s28], [sflag:$0x4] =	stream.linear.gather [hbm4b:s21+s17], $0x80, $0x38;
	[tilespmem:$0x1BC80] =	vst v63  }
0x118: {  	_ =	swait.ge [sflag:s31], $0x80  }
0x119: {  	[sflag:s31] =	ssyncset.done $0x0  }
.Ltmp8:
0x11a: {  	[sflag:s31] =	ssyncadd.s32 $0xFFFFFF80;
	(pc) =	sbr.rel .LBB2_3-.Ltmp8, $4  }
0x11b: {  	_ =	swait.ge [sflag:s31], $0x80  }
0x11c: {  	[sflag:s31] =	ssyncset.done $0x0  }
0x11d: {  	s12 =	rddreg [dreg:$0x7];
	[sflag:s31] =	ssyncadd.s32 $0xFFFFFF80  }
0x11e: {  	[tilespmem:s23], [sflag:$0x1] =	stream.indirect.gather [hbm4b:s3+s0], $0x80, s19, s0, $0xb8;
	[tilespmem:$0x1BC80] =	vst v63  }
.LBB2_4:
0x11f: {  	_ =	swait.ge [sflag:s24], $0x80  }
0x120: {  	[sflag:s24] =	ssyncset.done $0x0  }
0x121: {  	[sflag:s24] =	ssyncadd.s32 $0xFFFFFF80  }
0x122: {  	_ =	swait.ge [sflag:s24], $0x80  }
0x123: {  	[sflag:s24] =	ssyncset.done $0x0  }
0x124: {  	[sflag:s24] =	ssyncadd.s32 $0xFFFFFF80  }
0x125: {  	[tilespmem:s25], [sflag:$0x2] =	stream.indirect.gather [hbm4b:s3+s0], $0x80, s30, s0, $0xb8;
	[tilespmem:$0x1BC80] =	vst v63  }
.LBB2_6:
0x126: {  	_ =	swait.ge [sflag:s22], $0x4000  }
0x127: {  	[sflag:s22] =	ssyncset.done $0x0  }
0x128: {  	[sflag:s22] =	ssyncadd.s32 $0xFFFFC000  }
0x129: {  	[spmem:s1] =	stream.indirect.scatter.add.f32 [tilespmem:s23], [sflag:$0x8], $0x80, s29, s0, $0xb8;
	[tilespmem:$0x1BC80] =	vst v63  }
0x12a: {  	_ =	swait.ge [sflag:s5], $0x4000  }
0x12b: {  	[sflag:s5] =	ssyncset.done $0x0  }
0x12c: {  	[sflag:s5] =	ssyncadd.s32 $0xFFFFC000  }
.LBB2_7:
0x12d: {  	s18 =	sadd.s32 $0xFFFFFFE0, s12  }
0x12e: {  	p4 =	sgt.u32 s18, $0x9C3  }
0x12f: {  	s18 =	sadd.s32 @!p4 s17, s8  }
0x130: {  	s20 =	simm.s32 @!p4 $0x0;
	s28 =	simm.s32 @!p4 $0x13A00;
	s18 =	sadd.s32 @!p4 $0x300, s18  }
0x131: {  	[tilespmem:s28], [sflag:$0x6] =	stream.linear.gather @!p4 [hbm4b:s18+s20], $0x80, $0x38;
	[tilespmem:$0x1BC80] =	vst v63  }
0x132: {  	s18 =	sadd.s32 @!p4 s17, s9  }
0x133: {  	s19 =	simm.s32 @!p4 $0x13C00;
	s18 =	sadd.s32 @!p4 $0x300, s18  }
0x134: {  	[tilespmem:s19], [sflag:$0x6] =	stream.linear.gather @!p4 [hbm4b:s18+s20], $0x80, $0x38;
	[tilespmem:$0x1BC80] =	vst v63  }
0x135: {  	s18 =	simm.s32 @!p3 $0x5  }
0x136: {  	_ =	swait.ge @!p3 [sflag:s18], $0x80  }
0x137: {  	[sflag:s18] =	ssyncset.done @!p3 $0x0  }
0x138: {  	[sflag:s18] =	ssyncadd.s32 @!p3 $0xFFFFFF80  }
0x139: {  	_ =	swait.ge @!p3 [sflag:s18], $0x80  }
0x13a: {  	s21 =	simm.s32 @!p3 $0x13C80;
	[sflag:s18] =	ssyncset.done @!p3 $0x0  }
0x13b: {  	s20 =	simm.s32 @!p3 $0x13980;
	[sflag:s18] =	ssyncadd.s32 @!p3 $0xFFFFFF80;
	s18 =	simm.s32 @!p3 $0x80  }
0x13c: {  	[tilespmem:s21], [sflag:$0x1] =	stream.indirect.gather @!p3 [hbm4b:s3+s18], $0x80, s20, s18, $0xb8;
	[tilespmem:$0x1BC80] =	vst v63  }
0x13d: {  	s20 =	simm.s32 @!p5 $0x2  }
0x13e: {  	_ =	swait.ge @!p5 [sflag:s20], $0x4000  }
0x13f: {  	s31 =	simm.s32 @!p5 $0x13B00;
	[sflag:s20] =	ssyncset.done @!p5 $0x0  }
0x140: {  	s10 =	simm.s32 @!p5 $0x17C80;
	[sflag:s20] =	ssyncadd.s32 @!p5 $0xFFFFC000;
	s20 =	simm.s32 @!p5 $0x80  }
0x141: {  	[spmem:s1] =	stream.indirect.scatter.add.f32 @!p5 [tilespmem:s10], [sflag:$0x8], $0x80, s31, s20, $0xb8;
	[tilespmem:$0x1BC80] =	vst v63  }
0x142: {  	s10 =	simm.s32 @!p5 $0x8  }
0x143: {  	s31 =	sadd.s32 $0xFFFFFFF0, s12;
	_ =	swait.ge @!p5 [sflag:s10], $0x4000  }
0x144: {  	p6 =	sgt.u32 s31, $0x9C3;
	[sflag:s10] =	ssyncset.done @!p5 $0x0  }
0x145: {  	[sflag:s10] =	ssyncadd.s32 @!p5 $0xFFFFC000;
	s10 =	sadd.s32 @!p6 s17, s8  }
0x146: {  	s20 =	simm.s32 @!p6 $0x0;
	s31 =	simm.s32 @!p6 $0x13880;
	s10 =	sadd.s32 @!p6 $0x400, s10  }
0x147: {  	[tilespmem:s31], [sflag:$0x3] =	stream.linear.gather @!p6 [hbm4b:s10+s20], $0x80, $0x38;
	[tilespmem:$0x1BC80] =	vst v63  }
0x148: {  	s10 =	sadd.s32 @!p6 s17, s9  }
0x149: {  	s11 =	simm.s32 @!p6 $0x13A80;
	s10 =	sadd.s32 @!p6 $0x400, s10  }
0x14a: {  	[tilespmem:s11], [sflag:$0x3] =	stream.linear.gather @!p6 [hbm4b:s10+s20], $0x80, $0x38;
	[tilespmem:$0x1BC80] =	vst v63  }
0x14b: {  	s10 =	simm.s32 @!p4 $0x6  }
0x14c: {  	_ =	swait.ge @!p4 [sflag:s10], $0x80  }
0x14d: {  	[sflag:s10] =	ssyncset.done @!p4 $0x0  }
0x14e: {  	[sflag:s10] =	ssyncadd.s32 @!p4 $0xFFFFFF80  }
0x14f: {  	_ =	swait.ge @!p4 [sflag:s10], $0x80  }
0x150: {  	s11 =	simm.s32 @!p4 $0x17C80;
	[sflag:s10] =	ssyncset.done @!p4 $0x0  }
0x151: {  	s20 =	simm.s32 @!p3 $0x1;
	[sflag:s10] =	ssyncadd.s32 @!p4 $0xFFFFFF80;
	s10 =	simm.s32 @!p4 $0x80  }
0x152: {  	[tilespmem:s11], [sflag:$0x2] =	stream.indirect.gather @!p4 [hbm4b:s3+s10], $0x80, s28, s10, $0xb8;
	[tilespmem:$0x1BC80] =	vst v63  }
0x153: {  	_ =	swait.ge @!p3 [sflag:s20], $0x4000  }
0x154: {  	[sflag:s20] =	ssyncset.done @!p3 $0x0  }
0x155: {  	[sflag:s20] =	ssyncadd.s32 @!p3 $0xFFFFC000;
	s20 =	simm.s32 @!p3 $0x13B80  }
0x156: {  	[spmem:s1] =	stream.indirect.scatter.add.f32 @!p3 [tilespmem:s21], [sflag:$0x8], $0x80, s20, s18, $0xb8;
	[tilespmem:$0x1BC80] =	vst v63  }
0x157: {  	s18 =	simm.s32 @!p3 $0x8  }
0x158: {  	_ =	swait.ge @!p3 [sflag:s18], $0x4000  }
0x159: {  	p5 =	sgt.u32 s12, $0x9C3;
	[sflag:s18] =	ssyncset.done @!p3 $0x0  }
0x15a: {  	[sflag:s18] =	ssyncadd.s32 @!p3 $0xFFFFC000;
	s18 =	sadd.s32 @!p5 s17, s8  }
0x15b: {  	s20 =	simm.s32 @!p5 $0x0;
	s21 =	simm.s32 @!p5 $0x13900;
	s18 =	sadd.s32 @!p5 $0x500, s18  }
0x15c: {  	[tilespmem:s21], [sflag:$0x4] =	stream.linear.gather @!p5 [hbm4b:s18+s20], $0x80, $0x38;
	[tilespmem:$0x1BC80] =	vst v63  }
0x15d: {  	s18 =	sadd.s32 @!p5 s17, s9  }
0x15e: {  	s21 =	simm.s32 @!p5 $0x13B00;
	s18 =	sadd.s32 @!p5 $0x500, s18  }
0x15f: {  	[tilespmem:s21], [sflag:$0x4] =	stream.linear.gather @!p5 [hbm4b:s18+s20], $0x80, $0x38;
	[tilespmem:$0x1BC80] =	vst v63  }
0x160: {  	s18 =	simm.s32 @!p6 $0x3  }
0x161: {  	_ =	swait.ge @!p6 [sflag:s18], $0x80  }
0x162: {  	[sflag:s18] =	ssyncset.done @!p6 $0x0  }
0x163: {  	[sflag:s18] =	ssyncadd.s32 @!p6 $0xFFFFFF80  }
0x164: {  	_ =	swait.ge @!p6 [sflag:s18], $0x80  }
0x165: {  	[sflag:s18] =	ssyncset.done @!p6 $0x0  }
0x166: {  	s20 =	simm.s32 @!p6 $0x13C80;
	[sflag:s18] =	ssyncadd.s32 @!p6 $0xFFFFFF80;
	s18 =	simm.s32 @!p6 $0x80  }
0x167: {  	[tilespmem:s20], [sflag:$0x1] =	stream.indirect.gather @!p6 [hbm4b:s3+s18], $0x80, s31, s18, $0xb8;
	[tilespmem:$0x1BC80] =	vst v63  }
0x168: {  	s18 =	simm.s32 @!p4 $0x2  }
0x169: {  	_ =	swait.ge @!p4 [sflag:s18], $0x4000  }
0x16a: {  	s17 =	sadd.s32 $0x400, s17;
	[sflag:s18] =	ssyncset.done @!p4 $0x0  }
0x16b: {  	p3 =	sne.s32 s17, $0xA000;
	[sflag:s18] =	ssyncadd.s32 @!p4 $0xFFFFC000  }
0x16c: {  	[spmem:s1] =	stream.indirect.scatter.add.f32 @!p4 [tilespmem:s11], [sflag:$0x7], $0x80, s19, s10, $0xb8;
	[tilespmem:$0x1BC80] =	vst v63  }
.Ltmp9:
0x16d: {  	_ = 	snop;
	(pc) =	sbr.rel @!p3 .LBB2_8-.Ltmp9, $4  }
0x16e: {  	s10 =	simm.s32 @!p4 $0x7  }
0x16f: {  	_ =	swait.ge @!p4 [sflag:s10], $0x4000  }
0x170: {  	[sflag:s10] =	ssyncset.done @!p4 $0x0  }
0x171: {  	s12 =	sadd.s32 $0x40, s12;
	[sflag:s10] =	ssyncadd.s32 @!p4 $0xFFFFC000  }
.LBB2_3:
0x172: {  	s19 =	sadd.s32 $0xFFFFFFD0, s12  }
0x173: {  	p3 =	sgt.u32 s19, $0x9C3  }
0x174: {  	s19 =	sadd.s32 @!p3 s17, s8  }
0x175: {  	s20 =	simm.s32 @!p3 $0x0;
	s18 =	simm.s32 @!p3 $0x13980;
	s19 =	sadd.s32 @!p3 $0x200, s19  }
0x176: {  	[tilespmem:s18], [sflag:$0x5] =	stream.linear.gather @!p3 [hbm4b:s19+s20], $0x80, $0x38;
	[tilespmem:$0x1BC80] =	vst v63  }
0x177: {  	s19 =	sadd.s32 $0xFFFFFFB0, s12  }
0x178: {  	p5 =	sgt.u32 s19, $0x9B3  }
.Ltmp10:
0x179: {  	_ = 	snop;
	(pc) =	sbr.rel @!p5 .LBB2_4-.Ltmp10, $4  }
0x17a: {  	_ = 	snop  }
0x17b: {  	s18 =	sadd.s32 @!p3 s17, s9  }
0x17c: {  	s28 =	simm.s32 @!p3 $0x13B80;
	s18 =	sadd.s32 @!p3 $0x200, s18  }
0x17d: {  	[tilespmem:s28], [sflag:$0x5] =	stream.linear.gather @!p3 [hbm4b:s18+s20], $0x80, $0x38;
	[tilespmem:$0x1BC80] =	vst v63  }
0x17e: {  	p4 =	sgt.u32 s19, $0x9C3  }
.Ltmp11:
0x17f: {  	_ = 	snop;
	(pc) =	sbr.rel @p4 .LBB2_7-.Ltmp11, $4  }
.Ltmp12:
0x180: {  	_ = 	snop;
	(pc) =	sbr.rel @!p4 .LBB2_6-.Ltmp12, $4  }
0x181: {  	_ = 	snop  }
0x182: {  	_ = 	snop  }
0x183: {  	_ = 	snop  }
0x184: {  	_ = 	snop  }
.LBB2_15:
0x185: {  	[bflag:$0x0] =	sbarrier.arrive $0xFFFF  }
0x186: {  	s10 =	rddreg [dreg:$0x15]  }
0x187: {  	[hbm:s10], [sflag:s6] =	dma.local [spmem:s7], $0x500  }
0x188: {  	_ =	swait.ge [sflag:s26], $0x500  }
0x189: {  	s17 =	sld [smem:$0x7EA]  }
0x18a: {  	[sflag:s26] =	ssyncset.done $0x0  }
0x18b: {  	s12 =	rddreg [dreg:$0x19];
	[sflag:s26] =	ssyncadd.s32 $0xFFFFFB00  }
0x18c: {  	[hbm:s12], [sflag:s6] =	dma.local [spmem:s17], $0x500  }
0x18d: {  	_ =	swait.ge [sflag:s26], $0x500  }
0x18e: {  	s19 =	sld [smem:$0x7EB]  }
0x18f: {  	[sflag:s26] =	ssyncset.done $0x0  }
0x190: {  	s18 =	rddreg [dreg:$0x1d];
	[sflag:s26] =	ssyncadd.s32 $0xFFFFFB00  }
0x191: {  	[hbm:s18], [sflag:s6] =	dma.local [spmem:s19], $0x500  }
0x192: {  	_ =	swait.ge [sflag:s26], $0x500  }
0x193: {  	s20 =	sld [smem:$0x7EF]  }
0x194: {  	[sflag:s26] =	ssyncset.done $0x0  }
0x195: {  	[sflag:s26] =	ssyncadd.s32 $0xFFFFFB00  }
0x196: {  	[hbm:s20], [sflag:s6] =	dma.local [spmem:s13], $0x500  }
0x197: {  	_ =	swait.ge [sflag:s26], $0x500  }
0x198: {  	s21 =	sld [smem:$0x7F3]  }
0x199: {  	[sflag:s26] =	ssyncset.done $0x0  }
0x19a: {  	[sflag:s26] =	ssyncadd.s32 $0xFFFFFB00  }
0x19b: {  	[hbm:s21], [sflag:s6] =	dma.local [spmem:s14], $0x500  }
0x19c: {  	_ =	swait.ge [sflag:s26], $0x500  }
0x19d: {  	s28 =	sld [smem:$0x7F7]  }
0x19e: {  	[sflag:s26] =	ssyncset.done $0x0  }
0x19f: {  	[sflag:s26] =	ssyncadd.s32 $0xFFFFFB00  }
0x1a0: {  	[hbm:s28], [sflag:s6] =	dma.local [spmem:s15], $0x500  }
0x1a1: {  	_ =	swait.ge [sflag:s26], $0x500  }
0x1a2: {  	s31 =	sld [smem:$0x7FB]  }
0x1a3: {  	[sflag:s26] =	ssyncset.done $0x0  }
0x1a4: {  	[sflag:s26] =	ssyncadd.s32 $0xFFFFFB00  }
0x1a5: {  	[hbm:s31], [sflag:s6] =	dma.local [spmem:s16], $0x500  }
.Ltmp13:
0x1a6: {  	_ = 	snop;
	(pc) =	sbr.rel @p1 .LBB2_17-.Ltmp13, $4  }
.Ltmp14:
0x1a7: {  	_ = 	snop;
	(pc) =	sbr.rel @!p1 .LBB2_16-.Ltmp14, $4  }
0x1a8: {  	_ =	swait.ge [sflag:s26], $0x500  }
0x1a9: {  	[sflag:s26] =	ssyncset.done $0x0  }
0x1aa: {  	s7 =	rddreg [dreg:$0x4];
	[sflag:s26] =	ssyncadd.s32 $0xFFFFFB00  }
0x1ab: {  	_ = 	snop  }
.LBB2_8:
0x1ac: {  	[bflag:$0x0] =	sbarrier.arrive $0xFFFF  }
0x1ad: {  	s10 =	rddreg [dreg:$0x13]  }
0x1ae: {  	[hbm:s10], [sflag:s6] =	dma.local [spmem:s7], $0x500  }
0x1af: {  	_ =	swait.ge [sflag:s26], $0x500  }
0x1b0: {  	s17 =	sld [smem:$0x7EC]  }
0x1b1: {  	[sflag:s26] =	ssyncset.done $0x0  }
0x1b2: {  	s12 =	rddreg [dreg:$0x17];
	[sflag:s26] =	ssyncadd.s32 $0xFFFFFB00  }
0x1b3: {  	[hbm:s12], [sflag:s6] =	dma.local [spmem:s17], $0x500  }
0x1b4: {  	_ =	swait.ge [sflag:s26], $0x500  }
0x1b5: {  	s19 =	sld [smem:$0x7ED]  }
0x1b6: {  	[sflag:s26] =	ssyncset.done $0x0  }
0x1b7: {  	s18 =	rddreg [dreg:$0x1b];
	[sflag:s26] =	ssyncadd.s32 $0xFFFFFB00  }
0x1b8: {  	[hbm:s18], [sflag:s6] =	dma.local [spmem:s19], $0x500  }
0x1b9: {  	_ =	swait.ge [sflag:s26], $0x500  }
0x1ba: {  	[sflag:s26] =	ssyncset.done $0x0  }
0x1bb: {  	s20 =	rddreg [dreg:$0x1f];
	[sflag:s26] =	ssyncadd.s32 $0xFFFFFB00  }
0x1bc: {  	[hbm:s20], [sflag:s6] =	dma.local [spmem:s13], $0x500  }
0x1bd: {  	_ =	swait.ge [sflag:s26], $0x500  }
0x1be: {  	s21 =	sld [smem:$0x7F1]  }
0x1bf: {  	[sflag:s26] =	ssyncset.done $0x0  }
0x1c0: {  	[sflag:s26] =	ssyncadd.s32 $0xFFFFFB00  }
0x1c1: {  	[hbm:s21], [sflag:s6] =	dma.local [spmem:s14], $0x500  }
0x1c2: {  	_ =	swait.ge [sflag:s26], $0x500  }
0x1c3: {  	s28 =	sld [smem:$0x7F5]  }
0x1c4: {  	[sflag:s26] =	ssyncset.done $0x0  }
0x1c5: {  	[sflag:s26] =	ssyncadd.s32 $0xFFFFFB00  }
0x1c6: {  	[hbm:s28], [sflag:s6] =	dma.local [spmem:s15], $0x500  }
0x1c7: {  	_ =	swait.ge [sflag:s26], $0x500  }
0x1c8: {  	s31 =	sld [smem:$0x7F9]  }
0x1c9: {  	[sflag:s26] =	ssyncset.done $0x0  }
0x1ca: {  	[sflag:s26] =	ssyncadd.s32 $0xFFFFFB00  }
0x1cb: {  	[hbm:s31], [sflag:s6] =	dma.local [spmem:s16], $0x500  }
.Ltmp15:
0x1cc: {  	_ = 	snop;
	(pc) =	sbr.rel @p2 .LBB2_16-.Ltmp15, $4  }
.Ltmp16:
0x1cd: {  	_ = 	snop;
	(pc) =	sbr.rel @!p2 .LBB2_17-.Ltmp16, $4  }
0x1ce: {  	_ =	swait.ge [sflag:s26], $0x500  }
0x1cf: {  	[sflag:s26] =	ssyncset.done $0x0  }
0x1d0: {  	s7 =	rddreg [dreg:$0x3];
	[sflag:s26] =	ssyncadd.s32 $0xFFFFFB00  }
0x1d1: {  	_ = 	snop  }
.LBB2_18:
0x1d2: {  	_ =	sfence.sel $0x180000  }
0x1d3: {  	[bflag:$0x0] =	sbarrier.arrive $0xFFFF  }
0x1d4: {  	_ =	strace $0x90000050  }
0x1d5: {  	s0 =	stileid.u32;
	[bflag:$0x2] =	sbarrier.arrive $0xFFFF  }
0x1d6: {  	p0 =	sne.s32 s0, $0x0;
	s0 =	rddreg [dreg:$0x2]  }
0x1d7: {  	s0 =	sadd.s32 @!p0 $0x100000, s0  }
0x1d8: {  	[sflag:s0] =	ssyncadd.tile.s32 @!p0 $0x1;
	_ =	shalt  }
.Lfunc_end2:
_tile_overlayer_lowered:
.L_overlay_start_2:
0x1d9: {  	(tag) =	ssettag $0x2  }
0x1da: {  	s0 =	rddreg [dreg:$0x0];
	s2 =	stileid.u32  }
0x1db: {  	s1 =	rddreg [dreg:$0x1];
	p0 =	sne.s32 s2, $0x0  }
0x1dc: {  	s3 =	rddreg [dreg:$0x2];
	[bflag:$0x3] =	sbarrier.arrive $0xFFFF;
	s2 =	simm.s32 @!p0 $0x1C07  }
0x1dd: {  	[timem:s3], [sflag:s2] =	dma.local @!p0 [hbm:s0], s1  }
0x1de: {  	s0 =	simm.s32 @!p0 $0x7  }
0x1df: {  	_ =	swait.ge @!p0 [sflag:s0], s1  }
0x1e0: {  	s1 =	ssub.s32 @!p0 $0x0, s1;
	[sflag:s0] =	ssyncset.done @!p0 $0x0  }
0x1e1: {  	[sflag:s0] =	ssyncadd.s32 @!p0 s1  }
0x1e2: {  	[bflag:$0x3] =	sbarrier.arrive $0xFFFF  }
0x1e3: {  	_ =	shalt  }

</sc_bundles>
